<compile_context>
chip_gen: v7x
topology: tpu7x:2x2x1
jax: 0.10.2.dev20260603
libtpu: 0.0.44.dev20260713+nightly
codegen_flags: <defaults>
</compile_context>

<pallas_src>
import functools

import jax
import jax.numpy as jnp
from jax import lax
from jax.experimental import pallas as pl
from jax.experimental.pallas import tpu as pltpu
from jax.experimental.pallas import tpu_sc as plsc

F = 128
NC, NS = 2, 16
NW = NC * NS
C = 80


def _silu(x):
    return x * jax.nn.sigmoid(x)


def _dot(x, w):
    return lax.dot_general(x.astype(jnp.bfloat16), w.astype(jnp.bfloat16),
                           (((1,), (0,)), ((), ())),
                           preferred_element_type=jnp.float32)


def _node_tables(h, We1a, We1b, be1):
    N = h.shape[0]
    BN = 2000

    def body(h_ref, wa_ref, wb_ref, b_ref, hs_ref, ht_ref):
        x = h_ref[...]
        hs_ref[...] = _dot(x, wa_ref[...]) + b_ref[...]
        ht_ref[...] = _dot(x, wb_ref[...])

    return pl.pallas_call(
        body,
        grid=(N // BN,),
        in_specs=[
            pl.BlockSpec((BN, F), lambda i: (i, 0)),
            pl.BlockSpec((F, F), lambda i: (0, 0)),
            pl.BlockSpec((F, F), lambda i: (0, 0)),
            pl.BlockSpec((1, F), lambda i: (0, 0)),
        ],
        out_specs=[
            pl.BlockSpec((BN, F), lambda i: (i, 0)),
            pl.BlockSpec((BN, F), lambda i: (i, 0)),
        ],
        out_shape=[
            jax.ShapeDtypeStruct((N, F), jnp.float32),
            jax.ShapeDtypeStruct((N, F), jnp.float32),
        ],
    )(h, We1a, We1b, be1)


def _two_slot_ring(nchunk, issue, wait, process):
    work, drain = process
    issue(0, 0)
    wait(0, 0)
    if nchunk == 1:
        work(0, 0)
        drain(0, 0)
        return
    issue(1, 1)
    work(0, 0)

    if nchunk % 2 == 1:
        @pl.loop(1, nchunk - 2, step=2)
        def _(j):
            wait(j, 1)
            drain(j - 1, 0)
            issue(j + 1, 0)
            work(j, 1)
            wait(j + 1, 0)
            drain(j, 1)
            issue(j + 2, 1)
            work(j + 1, 0)

        j = nchunk - 2
        wait(j, 1)
        drain(j - 1, 0)
        issue(j + 1, 0)
        work(j, 1)
        wait(j + 1, 0)
        drain(j, 1)
        work(j + 1, 0)
        drain(j + 1, 0)
    else:
        @pl.loop(1, nchunk - 1, step=2)
        def _(j):
            wait(j, 1)
            drain(j - 1, 0)
            issue(j + 1, 0)
            work(j, 1)
            wait(j + 1, 0)
            drain(j, 1)
            issue(j + 2, 1)
            work(j + 1, 0)

        j = nchunk - 1
        wait(j, 1)
        drain(j - 1, 0)
        work(j, 1)
        drain(j, 1)


def _gather_add(hs, ht, row, col, C=C):
    E = row.shape[0]
    epw = E // NW
    nchunk = epw // C
    assert nchunk * C == epw and nchunk >= 4
    mesh = plsc.VectorSubcoreMesh(core_axis_name="c", subcore_axis_name="s")

    @functools.partial(
        pl.kernel,
        mesh=mesh,
        out_type=jax.ShapeDtypeStruct((E, F), jnp.float32),
        scratch_types=(
            [pltpu.VMEM((epw,), jnp.int32)] * 2
            + [pltpu.VMEM((C, F), jnp.float32)] * 6
            + [pltpu.SemaphoreType.DMA] * 9
        ),
    )
    def k(hs_hbm, ht_hbm, row_hbm, col_hbm, g_hbm,
          idxr, idxc, bufa0, bufb0, bufa1, bufb1, bufa2, bufb2,
          semga0, semgb0, semga1, semgb1, semga2, semgb2,
          semw0, semw1, semw2):
        wid = lax.axis_index("s") * NC + lax.axis_index("c")
        base = wid * epw
        pltpu.sync_copy(row_hbm.at[pl.ds(base, epw)], idxr)
        pltpu.sync_copy(col_hbm.at[pl.ds(base, epw)], idxc)

        bufa = (bufa0, bufa1, bufa2)
        bufb = (bufb0, bufb1, bufb2)
        semga = (semga0, semga1, semga2)
        semgb = (semgb0, semgb1, semgb2)
        semw = (semw0, semw1, semw2)

        def gather_descs(j, s):
            da = pltpu.make_async_copy(
                hs_hbm.at[idxr.at[pl.ds(j * C, C)]], bufa[s], semga[s])
            db = pltpu.make_async_copy(
                ht_hbm.at[idxc.at[pl.ds(j * C, C)]], bufb[s], semgb[s])
            return da, db

        def issue(j, s):
            da, db = gather_descs(j, s)
            da.start()
            db.start()

        def wait(j, s):
            da, db = gather_descs(j, s)
            da.wait()
            db.wait()

        def write_desc(j, s):
            return pltpu.make_async_copy(
                bufa[s], g_hbm.at[pl.ds(base + j * C, C)], semw[s])

        def add_write(j, s):
            a, b = bufa[s], bufb[s]

            @pl.loop(0, C)
            def _(r):
                for t in range(F // 16):
                    sl = pl.ds(t * 16, 16)
                    plsc.addupdate(a.at[r, sl], b[r, sl])

            write_desc(j, s).start()

        def steady(j, s):
            s1 = (s + 1) % 3
            wait(j, s)
            write_desc(j - 2, s1).wait()
            issue(j + 1, s1)
            add_write(j, s)

        issue(0, 0)
        wait(0, 0)
        issue(1, 1)
        add_write(0, 0)
        wait(1, 1)
        issue(2, 2)
        add_write(1, 1)

        n_steady = nchunk - 3
        k3 = n_steady // 3
        rem = n_steady % 3

        @pl.loop(2, 2 + 3 * k3, step=3)
        def _(j):
            steady(j, 2)
            steady(j + 1, 0)
            steady(j + 2, 1)

        for r in range(rem):
            steady(2 + 3 * k3 + r, (2 + r) % 3)

        jf = nchunk - 1
        wait(jf, jf % 3)
        add_write(jf, jf % 3)
        write_desc(jf - 2, (jf - 2) % 3).wait()
        write_desc(jf - 1, (jf - 1) % 3).wait()
        write_desc(jf, jf % 3).wait()

    return k(hs, ht, row, col)


def _edge_mlp(g, dist, wd, We2, be2):
    E = g.shape[0]
    BE = 2560
    assert E % BE == 0

    def body(g_ref, d_ref, wd_ref, w2_ref, b2_ref, m_ref):
        x = _silu(g_ref[...].astype(jnp.float32) + d_ref[...] * wd_ref[...])
        m_ref[...] = _silu(_dot(x, w2_ref[...]) + b2_ref[...])

    return pl.pallas_call(
        body,
        grid=(E // BE,),
        in_specs=[
            pl.BlockSpec((BE, F), lambda i: (i, 0)),
            pl.BlockSpec((BE, 1), lambda i: (i, 0)),
            pl.BlockSpec((1, F), lambda i: (0, 0)),
            pl.BlockSpec((F, F), lambda i: (0, 0)),
            pl.BlockSpec((1, F), lambda i: (0, 0)),
        ],
        out_specs=pl.BlockSpec((BE, F), lambda i: (i, 0)),
        out_shape=jax.ShapeDtypeStruct((E, F), jnp.float32),
    )(g, dist, wd, We2, be2)


def _segment_sum(m, row2d, N):
    NWq, nchunk, Cq = row2d.shape
    E = NWq * nchunk * Cq
    epw = E // NW
    sl_rows = 624
    tail_extra = N - NS * sl_rows
    mesh = plsc.VectorSubcoreMesh(core_axis_name="c", subcore_axis_name="s")

    @functools.partial(
        pl.kernel,
        mesh=mesh,
        out_type=jax.ShapeDtypeStruct((NC * N, F), jnp.float32),
        scratch_types=[
            pltpu.VMEM((nchunk, Cq), jnp.int32),
            pltpu.VMEM((Cq, F), jnp.float32),
            pltpu.VMEM((Cq, F), jnp.float32),
            pltpu.VMEM_SHARED((N, F), jnp.float32),
            pltpu.SemaphoreType.DMA,
            pltpu.SemaphoreType.DMA,
            pltpu.SemaphoreType.DMA,
            pltpu.SemaphoreType.DMA,
        ],
    )
    def k(m_hbm, row_hbm, z_hbm, out_hbm, idx2d, mbuf0, mbuf1,
          agg_sh, seml0, seml1, sema0, sema1):
        c = lax.axis_index("c")
        s = lax.axis_index("s")
        wid = s * NC + c
        base = wid * epw

        pltpu.sync_copy(row_hbm.at[wid], idx2d)

        pltpu.sync_copy(z_hbm.at[pl.ds(s * sl_rows, sl_rows)],
                        agg_sh.at[pl.ds(s * sl_rows, sl_rows)])

        @pl.when(s == NS - 1)
        def _():
            pltpu.sync_copy(
                z_hbm.at[pl.ds(NS * sl_rows, tail_extra)],
                agg_sh.at[pl.ds(NS * sl_rows, tail_extra)])

        plsc.subcore_barrier()

        mbuf = (mbuf0, mbuf1)
        seml = (seml0, seml1)
        sema = (sema0, sema1)

        def load_desc(j, sl):
            return pltpu.make_async_copy(
                m_hbm.at[pl.ds(base + j * Cq, Cq)], mbuf[sl], seml[sl])

        def add_desc(j, sl):
            return pltpu.make_async_copy(
                mbuf[sl], agg_sh.at[idx2d.at[j]], sema[sl])

        def issue(j, sl):
            load_desc(j, sl).start()

        def wait(j, sl):
            load_desc(j, sl).wait()

        def work(j, sl):
            pltpu.async_copy(mbuf[sl], agg_sh.at[idx2d.at[j]], sema[sl],
                             add=True)

        def drain(j, sl):
            add_desc(j, sl).wait()

        _two_slot_ring(nchunk, issue, wait, (work, drain))

        plsc.subcore_barrier()

        pltpu.sync_copy(agg_sh.at[pl.ds(s * sl_rows, sl_rows)],
                        out_hbm.at[pl.ds(c * N + s * sl_rows, sl_rows)])

        @pl.when(s == NS - 1)
        def _():
            pltpu.sync_copy(
                agg_sh.at[pl.ds(NS * sl_rows, tail_extra)],
                out_hbm.at[pl.ds(c * N + NS * sl_rows, tail_extra)])

    return k(m, row2d, jnp.zeros((N, F), jnp.float32))


def _node_mlp(h, parts_a, parts_b, Wn1a, Wn1b, bn1, Wn2, bn2):
    N = h.shape[0]
    BN = 2000
    nb = N // BN

    def body(h_ref, a0_ref, a1_ref, b0_ref, b1_ref, w1a_ref, w1b_ref,
             b1w_ref, w2_ref, b2_ref, o_ref):
        agg = (a0_ref[...] + a1_ref[...]) + (b0_ref[...] + b1_ref[...])
        x = _silu(_dot(h_ref[...], w1a_ref[...]) + _dot(agg, w1b_ref[...])
                  + b1w_ref[...])
        o_ref[...] = _dot(x, w2_ref[...]) + b2_ref[...]

    return pl.pallas_call(
        body,
        grid=(nb,),
        in_specs=[
            pl.BlockSpec((BN, F), lambda i: (i, 0)),
            pl.BlockSpec((BN, F), lambda i: (i, 0)),
            pl.BlockSpec((BN, F), lambda i: (i + nb, 0)),
            pl.BlockSpec((BN, F), lambda i: (i, 0)),
            pl.BlockSpec((BN, F), lambda i: (i + nb, 0)),
            pl.BlockSpec((F, F), lambda i: (0, 0)),
            pl.BlockSpec((F, F), lambda i: (0, 0)),
            pl.BlockSpec((1, F), lambda i: (0, 0)),
            pl.BlockSpec((F, F), lambda i: (0, 0)),
            pl.BlockSpec((1, F), lambda i: (0, 0)),
        ],
        out_specs=pl.BlockSpec((BN, F), lambda i: (i, 0)),
        out_shape=jax.ShapeDtypeStruct((N, F), jnp.float32),
    )(h, parts_a, parts_a, parts_b, parts_b, Wn1a, Wn1b, bn1, Wn2, bn2)


def kernel(h, row, col, dist, W_e1, b_e1, W_e2, b_e2, W_n1, b_n1, W_n2, b_n2):
    N = h.shape[0]
    E = row.shape[0]
    row = row.astype(jnp.int32)
    col = col.astype(jnp.int32)
    We1a = W_e1[:F]
    We1b = W_e1[F:2 * F]
    wd = W_e1[2 * F:2 * F + 1]
    be1 = b_e1.reshape(1, F)
    be2 = b_e2.reshape(1, F)
    Wn1a = W_n1[:F]
    Wn1b = W_n1[F:]
    bn1 = b_n1.reshape(1, F)
    bn2 = b_n2.reshape(1, F)

    nca = 64
    EA = NW * nca * C
    ra, rb = row[:EA], row[EA:]
    ca_, cb_ = col[:EA], col[EA:]
    da_, db_ = dist[:EA], dist[EA:]
    ra2d = ra.reshape(NW, nca, C)
    rb2d = rb.reshape(NW, (E - EA) // (NW * C), C)

    hs, ht = _node_tables(h, We1a, We1b, be1)

    g_a = _gather_add(hs, ht, ra, ca_, C=128)
    g_b = _gather_add(hs, ht, rb, cb_)
    m_a = _edge_mlp(g_a, da_, wd, W_e2, be2)
    m_b = _edge_mlp(g_b, db_, wd, W_e2, be2)
    parts_a = _segment_sum(m_a, ra2d, N)
    parts_b = _segment_sum(m_b, rb2d, N)
    return _node_mlp(h, parts_a, parts_b, Wn1a, Wn1b, bn1, W_n2, bn2)

# --- scband reference (transcript-rebuilt; emitter-appended) ---
"""Pipeline reference for scband-egcl-16217796509989 (READ-ONLY COPY).

The authoritative reference and input builder live on the scoring server;
editing this copy changes nothing except your own understanding.
"""

import jax, jax.numpy as jnp
import numpy as np


def silu(x):
    return x * jax.nn.sigmoid(x)


def setup_inputs(seed: int = 0) -> dict:
    key = jax.random.key(seed)
    ks = jax.random.split(key, 12)
    N, E = 10000, 320000
    node_nf, hidden_nf = 128, 128
    h = jax.random.normal(ks[0], (N, node_nf), dtype=jnp.float32)
    row = jax.random.randint(ks[1], (E,), 0, N, dtype=jnp.int64) if jax.config.jax_enable_x64 else jax.random.randint(ks[1], (E,), 0, N).astype(jnp.int32)
    col = jax.random.randint(ks[2], (E,), 0, N).astype(row.dtype)
    dist = jax.random.uniform(ks[3], (E, 1), dtype=jnp.float32)
    # edge_nn: Linear(2*node_nf+1 -> hidden) SiLU Linear(hidden -> hidden) SiLU
    in_e = 2 * node_nf + 1
    s1 = 1.0 / np.sqrt(in_e)
    W_e1 = jax.random.uniform(ks[4], (in_e, hidden_nf), minval=-s1, maxval=s1, dtype=jnp.float32)
    b_e1 = jax.random.uniform(ks[5], (hidden_nf,), minval=-s1, maxval=s1, dtype=jnp.float32)
    s2 = 1.0 / np.sqrt(hidden_nf)
    W_e2 = jax.random.uniform(ks[6], (hidden_nf, hidden_nf), minval=-s2, maxval=s2, dtype=jnp.float32)
    b_e2 = jax.random.uniform(ks[7], (hidden_nf,), minval=-s2, maxval=s2, dtype=jnp.float32)
    # node_nn: Linear(hidden+node_nf -> hidden) SiLU Linear(hidden -> node_nf)
    in_n = hidden_nf + node_nf
    s3 = 1.0 / np.sqrt(in_n)
    W_n1 = jax.random.uniform(ks[8], (in_n, hidden_nf), minval=-s3, maxval=s3, dtype=jnp.float32)
    b_n1 = jax.random.uniform(ks[9], (hidden_nf,), minval=-s3, maxval=s3, dtype=jnp.float32)
    W_n2 = jax.random.uniform(ks[10], (hidden_nf, node_nf), minval=-s2, maxval=s2, dtype=jnp.float32)
    b_n2 = jax.random.uniform(ks[11], (node_nf,), minval=-s2, maxval=s2, dtype=jnp.float32)
    return {"h": h, "row": row, "col": col, "dist": dist,
            "W_e1": W_e1, "b_e1": b_e1, "W_e2": W_e2, "b_e2": b_e2,
            "W_n1": W_n1, "b_n1": b_n1, "W_n2": W_n2, "b_n2": b_n2}


def reference(h, row, col, dist, W_e1, b_e1, W_e2, b_e2, W_n1, b_n1, W_n2, b_n2):
    N = h.shape[0]
    # edge_model: gather source/target node features, concat with radial (dist)
    source = jnp.take(h, row, axis=0)
    target = jnp.take(h, col, axis=0)
    e_in = jnp.concatenate([source, target, dist], axis=1)
    m = silu(e_in @ W_e1 + b_e1)
    m = silu(m @ W_e2 + b_e2)
    # node_model: unsorted_segment_sum over destination nodes (row)
    agg = jax.ops.segment_sum(m, row, num_segments=N)
    n_in = jnp.concatenate([h, agg], axis=1)
    out = silu(n_in @ W_n1 + b_n1) @ W_n2 + b_n2
    return out

if __name__ == "__main__":
    import jax
    _d = setup_inputs()
    print(jax.jit(kernel)(*tuple(_d.values())))

</pallas_src>

<mosaic_0001>
#map = affine_map<(d0, d1) -> (0, 0)>
#map1 = affine_map<(d0, d1) -> (0)>
module attributes {stable_mosaic.version = 14 : i64} {
  func.func @k(%arg0: i32, %arg1: i32, %arg2: memref<10000x128xf32, #tpu.memory_space<hbm>>, %arg3: memref<10000x128xf32, #tpu.memory_space<hbm>>, %arg4: memref<163840xi32, #tpu.memory_space<hbm>>, %arg5: memref<163840xi32, #tpu.memory_space<hbm>>, %arg6: memref<163840x128xf32, #tpu.memory_space<hbm>>, %arg7: memref<5120xi32, #tpu.memory_space<vmem>>, %arg8: memref<5120xi32, #tpu.memory_space<vmem>>, %arg9: memref<128x128xf32, #tpu.memory_space<vmem>>, %arg10: memref<128x128xf32, #tpu.memory_space<vmem>>, %arg11: memref<128x128xf32, #tpu.memory_space<vmem>>, %arg12: memref<128x128xf32, #tpu.memory_space<vmem>>, %arg13: memref<128x128xf32, #tpu.memory_space<vmem>>, %arg14: memref<128x128xf32, #tpu.memory_space<vmem>>, %arg15: memref<!tpu.dma_semaphore, #tpu.memory_space<semaphore_mem>>, %arg16: memref<!tpu.dma_semaphore, #tpu.memory_space<semaphore_mem>>, %arg17: memref<!tpu.dma_semaphore, #tpu.memory_space<semaphore_mem>>, %arg18: memref<!tpu.dma_semaphore, #tpu.memory_space<semaphore_mem>>, %arg19: memref<!tpu.dma_semaphore, #tpu.memory_space<semaphore_mem>>, %arg20: memref<!tpu.dma_semaphore, #tpu.memory_space<semaphore_mem>>, %arg21: memref<!tpu.dma_semaphore, #tpu.memory_space<semaphore_mem>>, %arg22: memref<!tpu.dma_semaphore, #tpu.memory_space<semaphore_mem>>, %arg23: memref<!tpu.dma_semaphore, #tpu.memory_space<semaphore_mem>>) attributes {dimension_semantics = [#tpu.dimension_semantics<core_parallel>, #tpu.dimension_semantics<subcore_parallel>], iteration_bounds = array<i64: 2, 16>, scalar_prefetch = 0 : i64, scratch_operands = 17 : i64, tpu.core_type = #tpu.core_type<sc_vector_subcore>, window_params = [{transform_indices = #map}, {transform_indices = #map}, {transform_indices = #map1}, {transform_indices = #map1}, {transform_indices = #map}]} {
    %mul3A = arith.constant 2 : i32
    %mul3A_0 = arith.muli %arg1, %mul3A : i32
    %add3A = arith.addi %mul3A_0, %arg0 : i32
    %mul3A_1 = arith.constant 5120 : i32
    %mul3A_2 = arith.muli %add3A, %mul3A_1 : i32
    "tpu.region"() ({
      %run_scoped3A = tpu.sem_alloc : memref<!tpu.dma_semaphore, #tpu.memory_space<semaphore_mem>>
      %dma_start3A_153 = tpu.memref_slice %arg4[%mul3A_2] : memref<163840xi32, #tpu.memory_space<hbm>> -> memref<5120xi32, #tpu.memory_space<hbm>>
      %dma_start3A_154 = tpu.memref_slice %arg4[%mul3A_2] : memref<163840xi32, #tpu.memory_space<hbm>> -> memref<5120xi32, #tpu.memory_space<hbm>>
      tpu.enqueue_dma source(%dma_start3A_154 : memref<5120xi32, #tpu.memory_space<hbm>>) target(%arg7 : memref<5120xi32, #tpu.memory_space<vmem>>) target_semaphore(%run_scoped3A : memref<!tpu.dma_semaphore, #tpu.memory_space<semaphore_mem>>)
      %dma_wait3A_155 = tpu.memref_slice %arg4[%mul3A_2] : memref<163840xi32, #tpu.memory_space<hbm>> -> memref<5120xi32, #tpu.memory_space<hbm>>
      %dma_wait3A_156 = tpu.memref_slice %arg4[%mul3A_2] : memref<163840xi32, #tpu.memory_space<hbm>> -> memref<5120xi32, #tpu.memory_space<hbm>>
      tpu.wait_dma2 semaphore(%run_scoped3A : memref<!tpu.dma_semaphore, #tpu.memory_space<semaphore_mem>>) src(%dma_wait3A_156 : memref<5120xi32, #tpu.memory_space<hbm>>) dst(%arg7 : memref<5120xi32, #tpu.memory_space<vmem>>)
      tpu.yield
    }) : () -> ()
    "tpu.region"() ({
      %run_scoped3A = tpu.sem_alloc : memref<!tpu.dma_semaphore, #tpu.memory_space<semaphore_mem>>
      %dma_start3A_153 = tpu.memref_slice %arg5[%mul3A_2] : memref<163840xi32, #tpu.memory_space<hbm>> -> memref<5120xi32, #tpu.memory_space<hbm>>
      %dma_start3A_154 = tpu.memref_slice %arg5[%mul3A_2] : memref<163840xi32, #tpu.memory_space<hbm>> -> memref<5120xi32, #tpu.memory_space<hbm>>
      tpu.enqueue_dma source(%dma_start3A_154 : memref<5120xi32, #tpu.memory_space<hbm>>) target(%arg8 : memref<5120xi32, #tpu.memory_space<vmem>>) target_semaphore(%run_scoped3A : memref<!tpu.dma_semaphore, #tpu.memory_space<semaphore_mem>>)
      %dma_wait3A_155 = tpu.memref_slice %arg5[%mul3A_2] : memref<163840xi32, #tpu.memory_space<hbm>> -> memref<5120xi32, #tpu.memory_space<hbm>>
      %dma_wait3A_156 = tpu.memref_slice %arg5[%mul3A_2] : memref<163840xi32, #tpu.memory_space<hbm>> -> memref<5120xi32, #tpu.memory_space<hbm>>
      tpu.wait_dma2 semaphore(%run_scoped3A : memref<!tpu.dma_semaphore, #tpu.memory_space<semaphore_mem>>) src(%dma_wait3A_156 : memref<5120xi32, #tpu.memory_space<hbm>>) dst(%arg8 : memref<5120xi32, #tpu.memory_space<vmem>>)
      tpu.yield
    }) : () -> ()
    %dma_start3A = arith.constant 0 : i32
    %dma_start3A_3 = tpu.memref_slice %arg7[%dma_start3A] : memref<5120xi32, #tpu.memory_space<vmem>> -> memref<128xi32, #tpu.memory_space<vmem>>
    %dma_start3A_4 = arith.constant 0 : i32
    %dma_start3A_5 = arith.constant 0 : i32
    %dma_start3A_6 = tpu.memref_slice %arg2[%dma_start3A_4, %dma_start3A_5] : memref<10000x128xf32, #tpu.memory_space<hbm>> -> memref<10000x128xf32, #tpu.memory_space<hbm>>
    tpu.enqueue_indirect_dma source(%dma_start3A_6 : memref<10000x128xf32, #tpu.memory_space<hbm>>) target(%arg9 : memref<128x128xf32, #tpu.memory_space<vmem>>) offsets(%dma_start3A_3 : memref<128xi32, #tpu.memory_space<vmem>>) semaphore(%arg15 : memref<!tpu.dma_semaphore, #tpu.memory_space<semaphore_mem>>)
    %dma_start3A_7 = arith.constant 0 : i32
    %dma_start3A_8 = tpu.memref_slice %arg8[%dma_start3A_7] : memref<5120xi32, #tpu.memory_space<vmem>> -> memref<128xi32, #tpu.memory_space<vmem>>
    %dma_start3A_9 = arith.constant 0 : i32
    %dma_start3A_10 = arith.constant 0 : i32
    %dma_start3A_11 = tpu.memref_slice %arg3[%dma_start3A_9, %dma_start3A_10] : memref<10000x128xf32, #tpu.memory_space<hbm>> -> memref<10000x128xf32, #tpu.memory_space<hbm>>
    tpu.enqueue_indirect_dma source(%dma_start3A_11 : memref<10000x128xf32, #tpu.memory_space<hbm>>) target(%arg10 : memref<128x128xf32, #tpu.memory_space<vmem>>) offsets(%dma_start3A_8 : memref<128xi32, #tpu.memory_space<vmem>>) semaphore(%arg16 : memref<!tpu.dma_semaphore, #tpu.memory_space<semaphore_mem>>)
    %dma_wait3A = arith.constant 0 : i32
    %dma_wait3A_12 = tpu.memref_slice %arg7[%dma_wait3A] : memref<5120xi32, #tpu.memory_space<vmem>> -> memref<128xi32, #tpu.memory_space<vmem>>
    %dma_wait3A_13 = arith.constant 0 : i32
    %dma_wait3A_14 = arith.constant 0 : i32
    %dma_wait3A_15 = tpu.memref_slice %arg2[%dma_wait3A_13, %dma_wait3A_14] : memref<10000x128xf32, #tpu.memory_space<hbm>> -> memref<10000x128xf32, #tpu.memory_space<hbm>>
    tpu.wait_indirect_dma semaphore(%arg15 : memref<!tpu.dma_semaphore, #tpu.memory_space<semaphore_mem>>) src(%dma_wait3A_15 : memref<10000x128xf32, #tpu.memory_space<hbm>>) dst(%arg9 : memref<128x128xf32, #tpu.memory_space<vmem>>)
    %dma_wait3A_16 = arith.constant 0 : i32
    %dma_wait3A_17 = tpu.memref_slice %arg8[%dma_wait3A_16] : memref<5120xi32, #tpu.memory_space<vmem>> -> memref<128xi32, #tpu.memory_space<vmem>>
    %dma_wait3A_18 = arith.constant 0 : i32
    %dma_wait3A_19 = arith.constant 0 : i32
    %dma_wait3A_20 = tpu.memref_slice %arg3[%dma_wait3A_18, %dma_wait3A_19] : memref<10000x128xf32, #tpu.memory_space<hbm>> -> memref<10000x128xf32, #tpu.memory_space<hbm>>
    tpu.wait_indirect_dma semaphore(%arg16 : memref<!tpu.dma_semaphore, #tpu.memory_space<semaphore_mem>>) src(%dma_wait3A_20 : memref<10000x128xf32, #tpu.memory_space<hbm>>) dst(%arg10 : memref<128x128xf32, #tpu.memory_space<vmem>>)
    %dma_start3A_21 = arith.constant 128 : i32
    %dma_start3A_22 = tpu.memref_slice %arg7[%dma_start3A_21] : memref<5120xi32, #tpu.memory_space<vmem>> -> memref<128xi32, #tpu.memory_space<vmem>>
    %dma_start3A_23 = arith.constant 0 : i32
    %dma_start3A_24 = arith.constant 0 : i32
    %dma_start3A_25 = tpu.memref_slice %arg2[%dma_start3A_23, %dma_start3A_24] : memref<10000x128xf32, #tpu.memory_space<hbm>> -> memref<10000x128xf32, #tpu.memory_space<hbm>>
    tpu.enqueue_indirect_dma source(%dma_start3A_25 : memref<10000x128xf32, #tpu.memory_space<hbm>>) target(%arg11 : memref<128x128xf32, #tpu.memory_space<vmem>>) offsets(%dma_start3A_22 : memref<128xi32, #tpu.memory_space<vmem>>) semaphore(%arg17 : memref<!tpu.dma_semaphore, #tpu.memory_space<semaphore_mem>>)
    %dma_start3A_26 = arith.constant 128 : i32
    %dma_start3A_27 = tpu.memref_slice %arg8[%dma_start3A_26] : memref<5120xi32, #tpu.memory_space<vmem>> -> memref<128xi32, #tpu.memory_space<vmem>>
    %dma_start3A_28 = arith.constant 0 : i32
    %dma_start3A_29 = arith.constant 0 : i32
    %dma_start3A_30 = tpu.memref_slice %arg3[%dma_start3A_28, %dma_start3A_29] : memref<10000x128xf32, #tpu.memory_space<hbm>> -> memref<10000x128xf32, #tpu.memory_space<hbm>>
    tpu.enqueue_indirect_dma source(%dma_start3A_30 : memref<10000x128xf32, #tpu.memory_space<hbm>>) target(%arg12 : memref<128x128xf32, #tpu.memory_space<vmem>>) offsets(%dma_start3A_27 : memref<128xi32, #tpu.memory_space<vmem>>) semaphore(%arg18 : memref<!tpu.dma_semaphore, #tpu.memory_space<semaphore_mem>>)
    %scan3A = arith.constant 0 : i32
    %scan3A_31 = arith.constant 128 : i32
    %scan3A_32 = arith.addi %scan3A, %scan3A_31 : i32
    %scan3A_33 = arith.constant 1 : i32
    scf.for %scan3A_153 = %scan3A to %scan3A_32 step %scan3A_33  : i32 {
      %mul3A_154 = arith.constant 1 : i32
      %mul3A_155 = arith.muli %scan3A_153, %mul3A_154 : i32
      %add3A_156 = arith.constant 0 : i32
      %add3A_157 = arith.addi %add3A_156, %mul3A_155 : i32
      %get3A = arith.index_cast %add3A_157 : i32 to index
      %get3A_158 = arith.constant 0 : index
      %get3A_159 = tpu.vector_load %arg10[%get3A, %get3A_158] {strides = array<i32>} : memref<128x128xf32, #tpu.memory_space<vmem>>, vector<1x16xf32>,
      %get3A_160 = vector.shape_cast %get3A_159 : vector<1x16xf32> to vector<16xf32>
      %swap3A = arith.index_cast %add3A_157 : i32 to index
      %swap3A_161 = arith.constant 0 : index
      %swap3A_162 = tpu.vector_load %arg9[%swap3A, %swap3A_161] {strides = array<i32>} : memref<128x128xf32, #tpu.memory_space<vmem>>, vector<1x16xf32>,
      %swap3A_163 = vector.shape_cast %swap3A_162 : vector<1x16xf32> to vector<16xf32>
      %swap3A_164 = vector.shape_cast %get3A_160 : vector<16xf32> to vector<1x16xf32>
      tpu.vector_store %arg9[%swap3A, %swap3A_161], %swap3A_164 {add = true, strides = array<i32>} : memref<128x128xf32, #tpu.memory_space<vmem>>, vector<1x16xf32>,
      %get3A_165 = arith.index_cast %add3A_157 : i32 to index
      %get3A_166 = arith.constant 16 : index
      %get3A_167 = tpu.vector_load %arg10[%get3A_165, %get3A_166] {strides = array<i32>} : memref<128x128xf32, #tpu.memory_space<vmem>>, vector<1x16xf32>,
      %get3A_168 = vector.shape_cast %get3A_167 : vector<1x16xf32> to vector<16xf32>
      %swap3A_169 = arith.index_cast %add3A_157 : i32 to index
      %swap3A_170 = arith.constant 16 : index
      %swap3A_171 = tpu.vector_load %arg9[%swap3A_169, %swap3A_170] {strides = array<i32>} : memref<128x128xf32, #tpu.memory_space<vmem>>, vector<1x16xf32>,
      %swap3A_172 = vector.shape_cast %swap3A_171 : vector<1x16xf32> to vector<16xf32>
      %swap3A_173 = vector.shape_cast %get3A_168 : vector<16xf32> to vector<1x16xf32>
      tpu.vector_store %arg9[%swap3A_169, %swap3A_170], %swap3A_173 {add = true, strides = array<i32>} : memref<128x128xf32, #tpu.memory_space<vmem>>, vector<1x16xf32>,
      %get3A_174 = arith.index_cast %add3A_157 : i32 to index
      %get3A_175 = arith.constant 32 : index
      %get3A_176 = tpu.vector_load %arg10[%get3A_174, %get3A_175] {strides = array<i32>} : memref<128x128xf32, #tpu.memory_space<vmem>>, vector<1x16xf32>,
      %get3A_177 = vector.shape_cast %get3A_176 : vector<1x16xf32> to vector<16xf32>
      %swap3A_178 = arith.index_cast %add3A_157 : i32 to index
      %swap3A_179 = arith.constant 32 : index
      %swap3A_180 = tpu.vector_load %arg9[%swap3A_178, %swap3A_179] {strides = array<i32>} : memref<128x128xf32, #tpu.memory_space<vmem>>, vector<1x16xf32>,
      %swap3A_181 = vector.shape_cast %swap3A_180 : vector<1x16xf32> to vector<16xf32>
      %swap3A_182 = vector.shape_cast %get3A_177 : vector<16xf32> to vector<1x16xf32>
      tpu.vector_store %arg9[%swap3A_178, %swap3A_179], %swap3A_182 {add = true, strides = array<i32>} : memref<128x128xf32, #tpu.memory_space<vmem>>, vector<1x16xf32>,
      %get3A_183 = arith.index_cast %add3A_157 : i32 to index
      %get3A_184 = arith.constant 48 : index
      %get3A_185 = tpu.vector_load %arg10[%get3A_183, %get3A_184] {strides = array<i32>} : memref<128x128xf32, #tpu.memory_space<vmem>>, vector<1x16xf32>,
      %get3A_186 = vector.shape_cast %get3A_185 : vector<1x16xf32> to vector<16xf32>
      %swap3A_187 = arith.index_cast %add3A_157 : i32 to index
      %swap3A_188 = arith.constant 48 : index
      %swap3A_189 = tpu.vector_load %arg9[%swap3A_187, %swap3A_188] {strides = array<i32>} : memref<128x128xf32, #tpu.memory_space<vmem>>, vector<1x16xf32>,
      %swap3A_190 = vector.shape_cast %swap3A_189 : vector<1x16xf32> to vector<16xf32>
      %swap3A_191 = vector.shape_cast %get3A_186 : vector<16xf32> to vector<1x16xf32>
      tpu.vector_store %arg9[%swap3A_187, %swap3A_188], %swap3A_191 {add = true, strides = array<i32>} : memref<128x128xf32, #tpu.memory_space<vmem>>, vector<1x16xf32>,
      %get3A_192 = arith.index_cast %add3A_157 : i32 to index
      %get3A_193 = arith.constant 64 : index
      %get3A_194 = tpu.vector_load %arg10[%get3A_192, %get3A_193] {strides = array<i32>} : memref<128x128xf32, #tpu.memory_space<vmem>>, vector<1x16xf32>,
      %get3A_195 = vector.shape_cast %get3A_194 : vector<1x16xf32> to vector<16xf32>
      %swap3A_196 = arith.index_cast %add3A_157 : i32 to index
      %swap3A_197 = arith.constant 64 : index
      %swap3A_198 = tpu.vector_load %arg9[%swap3A_196, %swap3A_197] {strides = array<i32>} : memref<128x128xf32, #tpu.memory_space<vmem>>, vector<1x16xf32>,
      %swap3A_199 = vector.shape_cast %swap3A_198 : vector<1x16xf32> to vector<16xf32>
      %swap3A_200 = vector.shape_cast %get3A_195 : vector<16xf32> to vector<1x16xf32>
      tpu.vector_store %arg9[%swap3A_196, %swap3A_197], %swap3A_200 {add = true, strides = array<i32>} : memref<128x128xf32, #tpu.memory_space<vmem>>, vector<1x16xf32>,
      %get3A_201 = arith.index_cast %add3A_157 : i32 to index
      %get3A_202 = arith.constant 80 : index
      %get3A_203 = tpu.vector_load %arg10[%get3A_201, %get3A_202] {strides = array<i32>} : memref<128x128xf32, #tpu.memory_space<vmem>>, vector<1x16xf32>,
      %get3A_204 = vector.shape_cast %get3A_203 : vector<1x16xf32> to vector<16xf32>
      %swap3A_205 = arith.index_cast %add3A_157 : i32 to index
      %swap3A_206 = arith.constant 80 : index
      %swap3A_207 = tpu.vector_load %arg9[%swap3A_205, %swap3A_206] {strides = array<i32>} : memref<128x128xf32, #tpu.memory_space<vmem>>, vector<1x16xf32>,
      %swap3A_208 = vector.shape_cast %swap3A_207 : vector<1x16xf32> to vector<16xf32>
      %swap3A_209 = vector.shape_cast %get3A_204 : vector<16xf32> to vector<1x16xf32>
      tpu.vector_store %arg9[%swap3A_205, %swap3A_206], %swap3A_209 {add = true, strides = array<i32>} : memref<128x128xf32, #tpu.memory_space<vmem>>, vector<1x16xf32>,
      %get3A_210 = arith.index_cast %add3A_157 : i32 to index
      %get3A_211 = arith.constant 96 : index
      %get3A_212 = tpu.vector_load %arg10[%get3A_210, %get3A_211] {strides = array<i32>} : memref<128x128xf32, #tpu.memory_space<vmem>>, vector<1x16xf32>,
      %get3A_213 = vector.shape_cast %get3A_212 : vector<1x16xf32> to vector<16xf32>
      %swap3A_214 = arith.index_cast %add3A_157 : i32 to index
      %swap3A_215 = arith.constant 96 : index
      %swap3A_216 = tpu.vector_load %arg9[%swap3A_214, %swap3A_215] {strides = array<i32>} : memref<128x128xf32, #tpu.memory_space<vmem>>, vector<1x16xf32>,
      %swap3A_217 = vector.shape_cast %swap3A_216 : vector<1x16xf32> to vector<16xf32>
      %swap3A_218 = vector.shape_cast %get3A_213 : vector<16xf32> to vector<1x16xf32>
      tpu.vector_store %arg9[%swap3A_214, %swap3A_215], %swap3A_218 {add = true, strides = array<i32>} : memref<128x128xf32, #tpu.memory_space<vmem>>, vector<1x16xf32>,
      %get3A_219 = arith.index_cast %add3A_157 : i32 to index
      %get3A_220 = arith.constant 112 : index
      %get3A_221 = tpu.vector_load %arg10[%get3A_219, %get3A_220] {strides = array<i32>} : memref<128x128xf32, #tpu.memory_space<vmem>>, vector<1x16xf32>,
      %get3A_222 = vector.shape_cast %get3A_221 : vector<1x16xf32> to vector<16xf32>
      %swap3A_223 = arith.index_cast %add3A_157 : i32 to index
      %swap3A_224 = arith.constant 112 : index
      %swap3A_225 = tpu.vector_load %arg9[%swap3A_223, %swap3A_224] {strides = array<i32>} : memref<128x128xf32, #tpu.memory_space<vmem>>, vector<1x16xf32>,
      %swap3A_226 = vector.shape_cast %swap3A_225 : vector<1x16xf32> to vector<16xf32>
      %swap3A_227 = vector.shape_cast %get3A_222 : vector<16xf32> to vector<1x16xf32>
      tpu.vector_store %arg9[%swap3A_223, %swap3A_224], %swap3A_227 {add = true, strides = array<i32>} : memref<128x128xf32, #tpu.memory_space<vmem>>, vector<1x16xf32>,
    }
    %scan3A_34 = arith.constant 128 : i32
    %add3A_35 = arith.constant 0 : i32
    %add3A_36 = arith.addi %mul3A_2, %add3A_35 : i32
    %dma_start3A_37 = arith.constant 0 : i32
    %dma_start3A_38 = tpu.memref_slice %arg6[%add3A_36, %dma_start3A_37] : memref<163840x128xf32, #tpu.memory_space<hbm>> -> memref<128x128xf32, #tpu.memory_space<hbm>>
    %dma_start3A_39 = arith.constant 0 : i32
    %dma_start3A_40 = tpu.memref_slice %arg6[%add3A_36, %dma_start3A_39] : memref<163840x128xf32, #tpu.memory_space<hbm>> -> memref<128x128xf32, #tpu.memory_space<hbm>>
    tpu.enqueue_dma source(%arg9 : memref<128x128xf32, #tpu.memory_space<vmem>>) target(%dma_start3A_40 : memref<128x128xf32, #tpu.memory_space<hbm>>) target_semaphore(%arg21 : memref<!tpu.dma_semaphore, #tpu.memory_space<semaphore_mem>>)
    %dma_wait3A_41 = arith.constant 128 : i32
    %dma_wait3A_42 = tpu.memref_slice %arg7[%dma_wait3A_41] : memref<5120xi32, #tpu.memory_space<vmem>> -> memref<128xi32, #tpu.memory_space<vmem>>
    %dma_wait3A_43 = arith.constant 0 : i32
    %dma_wait3A_44 = arith.constant 0 : i32
    %dma_wait3A_45 = tpu.memref_slice %arg2[%dma_wait3A_43, %dma_wait3A_44] : memref<10000x128xf32, #tpu.memory_space<hbm>> -> memref<10000x128xf32, #tpu.memory_space<hbm>>
    tpu.wait_indirect_dma semaphore(%arg17 : memref<!tpu.dma_semaphore, #tpu.memory_space<semaphore_mem>>) src(%dma_wait3A_45 : memref<10000x128xf32, #tpu.memory_space<hbm>>) dst(%arg11 : memref<128x128xf32, #tpu.memory_space<vmem>>)
    %dma_wait3A_46 = arith.constant 128 : i32
    %dma_wait3A_47 = tpu.memref_slice %arg8[%dma_wait3A_46] : memref<5120xi32, #tpu.memory_space<vmem>> -> memref<128xi32, #tpu.memory_space<vmem>>
    %dma_wait3A_48 = arith.constant 0 : i32
    %dma_wait3A_49 = arith.constant 0 : i32
    %dma_wait3A_50 = tpu.memref_slice %arg3[%dma_wait3A_48, %dma_wait3A_49] : memref<10000x128xf32, #tpu.memory_space<hbm>> -> memref<10000x128xf32, #tpu.memory_space<hbm>>
    tpu.wait_indirect_dma semaphore(%arg18 : memref<!tpu.dma_semaphore, #tpu.memory_space<semaphore_mem>>) src(%dma_wait3A_50 : memref<10000x128xf32, #tpu.memory_space<hbm>>) dst(%arg12 : memref<128x128xf32, #tpu.memory_space<vmem>>)
    %dma_start3A_51 = arith.constant 256 : i32
    %dma_start3A_52 = tpu.memref_slice %arg7[%dma_start3A_51] : memref<5120xi32, #tpu.memory_space<vmem>> -> memref<128xi32, #tpu.memory_space<vmem>>
    %dma_start3A_53 = arith.constant 0 : i32
    %dma_start3A_54 = arith.constant 0 : i32
    %dma_start3A_55 = tpu.memref_slice %arg2[%dma_start3A_53, %dma_start3A_54] : memref<10000x128xf32, #tpu.memory_space<hbm>> -> memref<10000x128xf32, #tpu.memory_space<hbm>>
    tpu.enqueue_indirect_dma source(%dma_start3A_55 : memref<10000x128xf32, #tpu.memory_space<hbm>>) target(%arg13 : memref<128x128xf32, #tpu.memory_space<vmem>>) offsets(%dma_start3A_52 : memref<128xi32, #tpu.memory_space<vmem>>) semaphore(%arg19 : memref<!tpu.dma_semaphore, #tpu.memory_space<semaphore_mem>>)
    %dma_start3A_56 = arith.constant 256 : i32
    %dma_start3A_57 = tpu.memref_slice %arg8[%dma_start3A_56] : memref<5120xi32, #tpu.memory_space<vmem>> -> memref<128xi32, #tpu.memory_space<vmem>>
    %dma_start3A_58 = arith.constant 0 : i32
    %dma_start3A_59 = arith.constant 0 : i32
    %dma_start3A_60 = tpu.memref_slice %arg3[%dma_start3A_58, %dma_start3A_59] : memref<10000x128xf32, #tpu.memory_space<hbm>> -> memref<10000x128xf32, #tpu.memory_space<hbm>>
    tpu.enqueue_indirect_dma source(%dma_start3A_60 : memref<10000x128xf32, #tpu.memory_space<hbm>>) target(%arg14 : memref<128x128xf32, #tpu.memory_space<vmem>>) offsets(%dma_start3A_57 : memref<128xi32, #tpu.memory_space<vmem>>) semaphore(%arg20 : memref<!tpu.dma_semaphore, #tpu.memory_space<semaphore_mem>>)
    %scan3A_61 = arith.constant 0 : i32
    %scan3A_62 = arith.constant 128 : i32
    %scan3A_63 = arith.addi %scan3A_61, %scan3A_62 : i32
    %scan3A_64 = arith.constant 1 : i32
    scf.for %scan3A_153 = %scan3A_61 to %scan3A_63 step %scan3A_64  : i32 {
      %mul3A_154 = arith.constant 1 : i32
      %mul3A_155 = arith.muli %scan3A_153, %mul3A_154 : i32
      %add3A_156 = arith.constant 0 : i32
      %add3A_157 = arith.addi %add3A_156, %mul3A_155 : i32
      %get3A = arith.index_cast %add3A_157 : i32 to index
      %get3A_158 = arith.constant 0 : index
      %get3A_159 = tpu.vector_load %arg12[%get3A, %get3A_158] {strides = array<i32>} : memref<128x128xf32, #tpu.memory_space<vmem>>, vector<1x16xf32>,
      %get3A_160 = vector.shape_cast %get3A_159 : vector<1x16xf32> to vector<16xf32>
      %swap3A = arith.index_cast %add3A_157 : i32 to index
      %swap3A_161 = arith.constant 0 : index
      %swap3A_162 = tpu.vector_load %arg11[%swap3A, %swap3A_161] {strides = array<i32>} : memref<128x128xf32, #tpu.memory_space<vmem>>, vector<1x16xf32>,
      %swap3A_163 = vector.shape_cast %swap3A_162 : vector<1x16xf32> to vector<16xf32>
      %swap3A_164 = vector.shape_cast %get3A_160 : vector<16xf32> to vector<1x16xf32>
      tpu.vector_store %arg11[%swap3A, %swap3A_161], %swap3A_164 {add = true, strides = array<i32>} : memref<128x128xf32, #tpu.memory_space<vmem>>, vector<1x16xf32>,
      %get3A_165 = arith.index_cast %add3A_157 : i32 to index
      %get3A_166 = arith.constant 16 : index
      %get3A_167 = tpu.vector_load %arg12[%get3A_165, %get3A_166] {strides = array<i32>} : memref<128x128xf32, #tpu.memory_space<vmem>>, vector<1x16xf32>,
      %get3A_168 = vector.shape_cast %get3A_167 : vector<1x16xf32> to vector<16xf32>
      %swap3A_169 = arith.index_cast %add3A_157 : i32 to index
      %swap3A_170 = arith.constant 16 : index
      %swap3A_171 = tpu.vector_load %arg11[%swap3A_169, %swap3A_170] {strides = array<i32>} : memref<128x128xf32, #tpu.memory_space<vmem>>, vector<1x16xf32>,
      %swap3A_172 = vector.shape_cast %swap3A_171 : vector<1x16xf32> to vector<16xf32>
      %swap3A_173 = vector.shape_cast %get3A_168 : vector<16xf32> to vector<1x16xf32>
      tpu.vector_store %arg11[%swap3A_169, %swap3A_170], %swap3A_173 {add = true, strides = array<i32>} : memref<128x128xf32, #tpu.memory_space<vmem>>, vector<1x16xf32>,
      %get3A_174 = arith.index_cast %add3A_157 : i32 to index
      %get3A_175 = arith.constant 32 : index
      %get3A_176 = tpu.vector_load %arg12[%get3A_174, %get3A_175] {strides = array<i32>} : memref<128x128xf32, #tpu.memory_space<vmem>>, vector<1x16xf32>,
      %get3A_177 = vector.shape_cast %get3A_176 : vector<1x16xf32> to vector<16xf32>
      %swap3A_178 = arith.index_cast %add3A_157 : i32 to index
      %swap3A_179 = arith.constant 32 : index
      %swap3A_180 = tpu.vector_load %arg11[%swap3A_178, %swap3A_179] {strides = array<i32>} : memref<128x128xf32, #tpu.memory_space<vmem>>, vector<1x16xf32>,
      %swap3A_181 = vector.shape_cast %swap3A_180 : vector<1x16xf32> to vector<16xf32>
      %swap3A_182 = vector.shape_cast %get3A_177 : vector<16xf32> to vector<1x16xf32>
      tpu.vector_store %arg11[%swap3A_178, %swap3A_179], %swap3A_182 {add = true, strides = array<i32>} : memref<128x128xf32, #tpu.memory_space<vmem>>, vector<1x16xf32>,
      %get3A_183 = arith.index_cast %add3A_157 : i32 to index
      %get3A_184 = arith.constant 48 : index
      %get3A_185 = tpu.vector_load %arg12[%get3A_183, %get3A_184] {strides = array<i32>} : memref<128x128xf32, #tpu.memory_space<vmem>>, vector<1x16xf32>,
      %get3A_186 = vector.shape_cast %get3A_185 : vector<1x16xf32> to vector<16xf32>
      %swap3A_187 = arith.index_cast %add3A_157 : i32 to index
      %swap3A_188 = arith.constant 48 : index
      %swap3A_189 = tpu.vector_load %arg11[%swap3A_187, %swap3A_188] {strides = array<i32>} : memref<128x128xf32, #tpu.memory_space<vmem>>, vector<1x16xf32>,
      %swap3A_190 = vector.shape_cast %swap3A_189 : vector<1x16xf32> to vector<16xf32>
      %swap3A_191 = vector.shape_cast %get3A_186 : vector<16xf32> to vector<1x16xf32>
      tpu.vector_store %arg11[%swap3A_187, %swap3A_188], %swap3A_191 {add = true, strides = array<i32>} : memref<128x128xf32, #tpu.memory_space<vmem>>, vector<1x16xf32>,
      %get3A_192 = arith.index_cast %add3A_157 : i32 to index
      %get3A_193 = arith.constant 64 : index
      %get3A_194 = tpu.vector_load %arg12[%get3A_192, %get3A_193] {strides = array<i32>} : memref<128x128xf32, #tpu.memory_space<vmem>>, vector<1x16xf32>,
      %get3A_195 = vector.shape_cast %get3A_194 : vector<1x16xf32> to vector<16xf32>
      %swap3A_196 = arith.index_cast %add3A_157 : i32 to index
      %swap3A_197 = arith.constant 64 : index
      %swap3A_198 = tpu.vector_load %arg11[%swap3A_196, %swap3A_197] {strides = array<i32>} : memref<128x128xf32, #tpu.memory_space<vmem>>, vector<1x16xf32>,
      %swap3A_199 = vector.shape_cast %swap3A_198 : vector<1x16xf32> to vector<16xf32>
      %swap3A_200 = vector.shape_cast %get3A_195 : vector<16xf32> to vector<1x16xf32>
      tpu.vector_store %arg11[%swap3A_196, %swap3A_197], %swap3A_200 {add = true, strides = array<i32>} : memref<128x128xf32, #tpu.memory_space<vmem>>, vector<1x16xf32>,
      %get3A_201 = arith.index_cast %add3A_157 : i32 to index
      %get3A_202 = arith.constant 80 : index
      %get3A_203 = tpu.vector_load %arg12[%get3A_201, %get3A_202] {strides = array<i32>} : memref<128x128xf32, #tpu.memory_space<vmem>>, vector<1x16xf32>,
      %get3A_204 = vector.shape_cast %get3A_203 : vector<1x16xf32> to vector<16xf32>
      %swap3A_205 = arith.index_cast %add3A_157 : i32 to index
      %swap3A_206 = arith.constant 80 : index
      %swap3A_207 = tpu.vector_load %arg11[%swap3A_205, %swap3A_206] {strides = array<i32>} : memref<128x128xf32, #tpu.memory_space<vmem>>, vector<1x16xf32>,
      %swap3A_208 = vector.shape_cast %swap3A_207 : vector<1x16xf32> to vector<16xf32>
      %swap3A_209 = vector.shape_cast %get3A_204 : vector<16xf32> to vector<1x16xf32>
      tpu.vector_store %arg11[%swap3A_205, %swap3A_206], %swap3A_209 {add = true, strides = array<i32>} : memref<128x128xf32, #tpu.memory_space<vmem>>, vector<1x16xf32>,
      %get3A_210 = arith.index_cast %add3A_157 : i32 to index
      %get3A_211 = arith.constant 96 : index
      %get3A_212 = tpu.vector_load %arg12[%get3A_210, %get3A_211] {strides = array<i32>} : memref<128x128xf32, #tpu.memory_space<vmem>>, vector<1x16xf32>,
      %get3A_213 = vector.shape_cast %get3A_212 : vector<1x16xf32> to vector<16xf32>
      %swap3A_214 = arith.index_cast %add3A_157 : i32 to index
      %swap3A_215 = arith.constant 96 : index
      %swap3A_216 = tpu.vector_load %arg11[%swap3A_214, %swap3A_215] {strides = array<i32>} : memref<128x128xf32, #tpu.memory_space<vmem>>, vector<1x16xf32>,
      %swap3A_217 = vector.shape_cast %swap3A_216 : vector<1x16xf32> to vector<16xf32>
      %swap3A_218 = vector.shape_cast %get3A_213 : vector<16xf32> to vector<1x16xf32>
      tpu.vector_store %arg11[%swap3A_214, %swap3A_215], %swap3A_218 {add = true, strides = array<i32>} : memref<128x128xf32, #tpu.memory_space<vmem>>, vector<1x16xf32>,
      %get3A_219 = arith.index_cast %add3A_157 : i32 to index
      %get3A_220 = arith.constant 112 : index
      %get3A_221 = tpu.vector_load %arg12[%get3A_219, %get3A_220] {strides = array<i32>} : memref<128x128xf32, #tpu.memory_space<vmem>>, vector<1x16xf32>,
      %get3A_222 = vector.shape_cast %get3A_221 : vector<1x16xf32> to vector<16xf32>
      %swap3A_223 = arith.index_cast %add3A_157 : i32 to index
      %swap3A_224 = arith.constant 112 : index
      %swap3A_225 = tpu.vector_load %arg11[%swap3A_223, %swap3A_224] {strides = array<i32>} : memref<128x128xf32, #tpu.memory_space<vmem>>, vector<1x16xf32>,
      %swap3A_226 = vector.shape_cast %swap3A_225 : vector<1x16xf32> to vector<16xf32>
      %swap3A_227 = vector.shape_cast %get3A_222 : vector<16xf32> to vector<1x16xf32>
      tpu.vector_store %arg11[%swap3A_223, %swap3A_224], %swap3A_227 {add = true, strides = array<i32>} : memref<128x128xf32, #tpu.memory_space<vmem>>, vector<1x16xf32>,
    }
    %scan3A_65 = arith.constant 128 : i32
    %add3A_66 = arith.constant 128 : i32
    %add3A_67 = arith.addi %mul3A_2, %add3A_66 : i32
    %dma_start3A_68 = arith.constant 0 : i32
    %dma_start3A_69 = tpu.memref_slice %arg6[%add3A_67, %dma_start3A_68] : memref<163840x128xf32, #tpu.memory_space<hbm>> -> memref<128x128xf32, #tpu.memory_space<hbm>>
    %dma_start3A_70 = arith.constant 0 : i32
    %dma_start3A_71 = tpu.memref_slice %arg6[%add3A_67, %dma_start3A_70] : memref<163840x128xf32, #tpu.memory_space<hbm>> -> memref<128x128xf32, #tpu.memory_space<hbm>>
    tpu.enqueue_dma source(%arg11 : memref<128x128xf32, #tpu.memory_space<vmem>>) target(%dma_start3A_71 : memref<128x128xf32, #tpu.memory_space<hbm>>) target_semaphore(%arg22 : memref<!tpu.dma_semaphore, #tpu.memory_space<semaphore_mem>>)
    %scan3A_72 = arith.constant 0 : i32
    %scan3A_73 = arith.constant 12 : i32
    %scan3A_74 = arith.addi %scan3A_72, %scan3A_73 : i32
    %scan3A_75 = arith.constant 1 : i32
    scf.for %scan3A_153 = %scan3A_72 to %scan3A_74 step %scan3A_75  : i32 {
      %mul3A_154 = arith.constant 3 : i32
      %mul3A_155 = arith.muli %scan3A_153, %mul3A_154 : i32
      %add3A_156 = arith.constant 2 : i32
      %add3A_157 = arith.addi %add3A_156, %mul3A_155 : i32
      %mul3A_158 = arith.constant 128 : i32
      %mul3A_159 = arith.muli %add3A_157, %mul3A_158 : i32
      %mul3A_160 = arith.constant 128 : i32
      %mul3A_161 = arith.muli %add3A_157, %mul3A_160 : i32
      %dma_wait3A_162 = tpu.memref_slice %arg7[%mul3A_159] : memref<5120xi32, #tpu.memory_space<vmem>> -> memref<128xi32, #tpu.memory_space<vmem>>
      %dma_wait3A_163 = arith.constant 0 : i32
      %dma_wait3A_164 = arith.constant 0 : i32
      %dma_wait3A_165 = tpu.memref_slice %arg2[%dma_wait3A_163, %dma_wait3A_164] : memref<10000x128xf32, #tpu.memory_space<hbm>> -> memref<10000x128xf32, #tpu.memory_space<hbm>>
      tpu.wait_indirect_dma semaphore(%arg19 : memref<!tpu.dma_semaphore, #tpu.memory_space<semaphore_mem>>) src(%dma_wait3A_165 : memref<10000x128xf32, #tpu.memory_space<hbm>>) dst(%arg13 : memref<128x128xf32, #tpu.memory_space<vmem>>)
      %dma_wait3A_166 = tpu.memref_slice %arg8[%mul3A_161] : memref<5120xi32, #tpu.memory_space<vmem>> -> memref<128xi32, #tpu.memory_space<vmem>>
      %dma_wait3A_167 = arith.constant 0 : i32
      %dma_wait3A_168 = arith.constant 0 : i32
      %dma_wait3A_169 = tpu.memref_slice %arg3[%dma_wait3A_167, %dma_wait3A_168] : memref<10000x128xf32, #tpu.memory_space<hbm>> -> memref<10000x128xf32, #tpu.memory_space<hbm>>
      tpu.wait_indirect_dma semaphore(%arg20 : memref<!tpu.dma_semaphore, #tpu.memory_space<semaphore_mem>>) src(%dma_wait3A_169 : memref<10000x128xf32, #tpu.memory_space<hbm>>) dst(%arg14 : memref<128x128xf32, #tpu.memory_space<vmem>>)
      %sub3A = arith.constant 2 : i32
      %sub3A_170 = arith.subi %add3A_157, %sub3A : i32
      %mul3A_171 = arith.constant 128 : i32
      %mul3A_172 = arith.muli %sub3A_170, %mul3A_171 : i32
      %add3A_173 = arith.addi %mul3A_2, %mul3A_172 : i32
      %dma_wait3A_174 = arith.constant 0 : i32
      %dma_wait3A_175 = tpu.memref_slice %arg6[%add3A_173, %dma_wait3A_174] : memref<163840x128xf32, #tpu.memory_space<hbm>> -> memref<128x128xf32, #tpu.memory_space<hbm>>
      %dma_wait3A_176 = arith.constant 0 : i32
      %dma_wait3A_177 = tpu.memref_slice %arg6[%add3A_173, %dma_wait3A_176] : memref<163840x128xf32, #tpu.memory_space<hbm>> -> memref<128x128xf32, #tpu.memory_space<hbm>>
      tpu.wait_dma2 semaphore(%arg21 : memref<!tpu.dma_semaphore, #tpu.memory_space<semaphore_mem>>) src(%arg9 : memref<128x128xf32, #tpu.memory_space<vmem>>) dst(%dma_wait3A_177 : memref<128x128xf32, #tpu.memory_space<hbm>>)
      %add3A_178 = arith.constant 1 : i32
      %add3A_179 = arith.addi %add3A_157, %add3A_178 : i32
      %mul3A_180 = arith.constant 128 : i32
      %mul3A_181 = arith.muli %add3A_179, %mul3A_180 : i32
      %mul3A_182 = arith.constant 128 : i32
      %mul3A_183 = arith.muli %add3A_179, %mul3A_182 : i32
      %dma_start3A_184 = tpu.memref_slice %arg7[%mul3A_181] : memref<5120xi32, #tpu.memory_space<vmem>> -> memref<128xi32, #tpu.memory_space<vmem>>
      %dma_start3A_185 = arith.constant 0 : i32
      %dma_start3A_186 = arith.constant 0 : i32
      %dma_start3A_187 = tpu.memref_slice %arg2[%dma_start3A_185, %dma_start3A_186] : memref<10000x128xf32, #tpu.memory_space<hbm>> -> memref<10000x128xf32, #tpu.memory_space<hbm>>
      tpu.enqueue_indirect_dma source(%dma_start3A_187 : memref<10000x128xf32, #tpu.memory_space<hbm>>) target(%arg9 : memref<128x128xf32, #tpu.memory_space<vmem>>) offsets(%dma_start3A_184 : memref<128xi32, #tpu.memory_space<vmem>>) semaphore(%arg15 : memref<!tpu.dma_semaphore, #tpu.memory_space<semaphore_mem>>)
      %dma_start3A_188 = tpu.memref_slice %arg8[%mul3A_183] : memref<5120xi32, #tpu.memory_space<vmem>> -> memref<128xi32, #tpu.memory_space<vmem>>
      %dma_start3A_189 = arith.constant 0 : i32
      %dma_start3A_190 = arith.constant 0 : i32
      %dma_start3A_191 = tpu.memref_slice %arg3[%dma_start3A_189, %dma_start3A_190] : memref<10000x128xf32, #tpu.memory_space<hbm>> -> memref<10000x128xf32, #tpu.memory_space<hbm>>
      tpu.enqueue_indirect_dma source(%dma_start3A_191 : memref<10000x128xf32, #tpu.memory_space<hbm>>) target(%arg10 : memref<128x128xf32, #tpu.memory_space<vmem>>) offsets(%dma_start3A_188 : memref<128xi32, #tpu.memory_space<vmem>>) semaphore(%arg16 : memref<!tpu.dma_semaphore, #tpu.memory_space<semaphore_mem>>)
      %scan3A_192 = arith.constant 0 : i32
      %scan3A_193 = arith.constant 128 : i32
      %scan3A_194 = arith.addi %scan3A_192, %scan3A_193 : i32
      %scan3A_195 = arith.constant 1 : i32
      scf.for %scan3A_302 = %scan3A_192 to %scan3A_194 step %scan3A_195  : i32 {
        %mul3A_303 = arith.constant 1 : i32
        %mul3A_304 = arith.muli %scan3A_302, %mul3A_303 : i32
        %add3A_305 = arith.constant 0 : i32
        %add3A_306 = arith.addi %add3A_305, %mul3A_304 : i32
        %get3A = arith.index_cast %add3A_306 : i32 to index
        %get3A_307 = arith.constant 0 : index
        %get3A_308 = tpu.vector_load %arg14[%get3A, %get3A_307] {strides = array<i32>} : memref<128x128xf32, #tpu.memory_space<vmem>>, vector<1x16xf32>,
        %get3A_309 = vector.shape_cast %get3A_308 : vector<1x16xf32> to vector<16xf32>
        %swap3A = arith.index_cast %add3A_306 : i32 to index
        %swap3A_310 = arith.constant 0 : index
        %swap3A_311 = tpu.vector_load %arg13[%swap3A, %swap3A_310] {strides = array<i32>} : memref<128x128xf32, #tpu.memory_space<vmem>>, vector<1x16xf32>,
        %swap3A_312 = vector.shape_cast %swap3A_311 : vector<1x16xf32> to vector<16xf32>
        %swap3A_313 = vector.shape_cast %get3A_309 : vector<16xf32> to vector<1x16xf32>
        tpu.vector_store %arg13[%swap3A, %swap3A_310], %swap3A_313 {add = true, strides = array<i32>} : memref<128x128xf32, #tpu.memory_space<vmem>>, vector<1x16xf32>,
        %get3A_314 = arith.index_cast %add3A_306 : i32 to index
        %get3A_315 = arith.constant 16 : index
        %get3A_316 = tpu.vector_load %arg14[%get3A_314, %get3A_315] {strides = array<i32>} : memref<128x128xf32, #tpu.memory_space<vmem>>, vector<1x16xf32>,
        %get3A_317 = vector.shape_cast %get3A_316 : vector<1x16xf32> to vector<16xf32>
        %swap3A_318 = arith.index_cast %add3A_306 : i32 to index
        %swap3A_319 = arith.constant 16 : index
        %swap3A_320 = tpu.vector_load %arg13[%swap3A_318, %swap3A_319] {strides = array<i32>} : memref<128x128xf32, #tpu.memory_space<vmem>>, vector<1x16xf32>,
        %swap3A_321 = vector.shape_cast %swap3A_320 : vector<1x16xf32> to vector<16xf32>
        %swap3A_322 = vector.shape_cast %get3A_317 : vector<16xf32> to vector<1x16xf32>
        tpu.vector_store %arg13[%swap3A_318, %swap3A_319], %swap3A_322 {add = true, strides = array<i32>} : memref<128x128xf32, #tpu.memory_space<vmem>>, vector<1x16xf32>,
        %get3A_323 = arith.index_cast %add3A_306 : i32 to index
        %get3A_324 = arith.constant 32 : index
        %get3A_325 = tpu.vector_load %arg14[%get3A_323, %get3A_324] {strides = array<i32>} : memref<128x128xf32, #tpu.memory_space<vmem>>, vector<1x16xf32>,
        %get3A_326 = vector.shape_cast %get3A_325 : vector<1x16xf32> to vector<16xf32>
        %swap3A_327 = arith.index_cast %add3A_306 : i32 to index
        %swap3A_328 = arith.constant 32 : index
        %swap3A_329 = tpu.vector_load %arg13[%swap3A_327, %swap3A_328] {strides = array<i32>} : memref<128x128xf32, #tpu.memory_space<vmem>>, vector<1x16xf32>,
        %swap3A_330 = vector.shape_cast %swap3A_329 : vector<1x16xf32> to vector<16xf32>
        %swap3A_331 = vector.shape_cast %get3A_326 : vector<16xf32> to vector<1x16xf32>
        tpu.vector_store %arg13[%swap3A_327, %swap3A_328], %swap3A_331 {add = true, strides = array<i32>} : memref<128x128xf32, #tpu.memory_space<vmem>>, vector<1x16xf32>,
        %get3A_332 = arith.index_cast %add3A_306 : i32 to index
        %get3A_333 = arith.constant 48 : index
        %get3A_334 = tpu.vector_load %arg14[%get3A_332, %get3A_333] {strides = array<i32>} : memref<128x128xf32, #tpu.memory_space<vmem>>, vector<1x16xf32>,
        %get3A_335 = vector.shape_cast %get3A_334 : vector<1x16xf32> to vector<16xf32>
        %swap3A_336 = arith.index_cast %add3A_306 : i32 to index
        %swap3A_337 = arith.constant 48 : index
        %swap3A_338 = tpu.vector_load %arg13[%swap3A_336, %swap3A_337] {strides = array<i32>} : memref<128x128xf32, #tpu.memory_space<vmem>>, vector<1x16xf32>,
        %swap3A_339 = vector.shape_cast %swap3A_338 : vector<1x16xf32> to vector<16xf32>
        %swap3A_340 = vector.shape_cast %get3A_335 : vector<16xf32> to vector<1x16xf32>
        tpu.vector_store %arg13[%swap3A_336, %swap3A_337], %swap3A_340 {add = true, strides = array<i32>} : memref<128x128xf32, #tpu.memory_space<vmem>>, vector<1x16xf32>,
        %get3A_341 = arith.index_cast %add3A_306 : i32 to index
        %get3A_342 = arith.constant 64 : index
        %get3A_343 = tpu.vector_load %arg14[%get3A_341, %get3A_342] {strides = array<i32>} : memref<128x128xf32, #tpu.memory_space<vmem>>, vector<1x16xf32>,
        %get3A_344 = vector.shape_cast %get3A_343 : vector<1x16xf32> to vector<16xf32>
        %swap3A_345 = arith.index_cast %add3A_306 : i32 to index
        %swap3A_346 = arith.constant 64 : index
        %swap3A_347 = tpu.vector_load %arg13[%swap3A_345, %swap3A_346] {strides = array<i32>} : memref<128x128xf32, #tpu.memory_space<vmem>>, vector<1x16xf32>,
        %swap3A_348 = vector.shape_cast %swap3A_347 : vector<1x16xf32> to vector<16xf32>
        %swap3A_349 = vector.shape_cast %get3A_344 : vector<16xf32> to vector<1x16xf32>
        tpu.vector_store %arg13[%swap3A_345, %swap3A_346], %swap3A_349 {add = true, strides = array<i32>} : memref<128x128xf32, #tpu.memory_space<vmem>>, vector<1x16xf32>,
        %get3A_350 = arith.index_cast %add3A_306 : i32 to index
        %get3A_351 = arith.constant 80 : index
        %get3A_352 = tpu.vector_load %arg14[%get3A_350, %get3A_351] {strides = array<i32>} : memref<128x128xf32, #tpu.memory_space<vmem>>, vector<1x16xf32>,
        %get3A_353 = vector.shape_cast %get3A_352 : vector<1x16xf32> to vector<16xf32>
        %swap3A_354 = arith.index_cast %add3A_306 : i32 to index
        %swap3A_355 = arith.constant 80 : index
        %swap3A_356 = tpu.vector_load %arg13[%swap3A_354, %swap3A_355] {strides = array<i32>} : memref<128x128xf32, #tpu.memory_space<vmem>>, vector<1x16xf32>,
        %swap3A_357 = vector.shape_cast %swap3A_356 : vector<1x16xf32> to vector<16xf32>
        %swap3A_358 = vector.shape_cast %get3A_353 : vector<16xf32> to vector<1x16xf32>
        tpu.vector_store %arg13[%swap3A_354, %swap3A_355], %swap3A_358 {add = true, strides = array<i32>} : memref<128x128xf32, #tpu.memory_space<vmem>>, vector<1x16xf32>,
        %get3A_359 = arith.index_cast %add3A_306 : i32 to index
        %get3A_360 = arith.constant 96 : index
        %get3A_361 = tpu.vector_load %arg14[%get3A_359, %get3A_360] {strides = array<i32>} : memref<128x128xf32, #tpu.memory_space<vmem>>, vector<1x16xf32>,
        %get3A_362 = vector.shape_cast %get3A_361 : vector<1x16xf32> to vector<16xf32>
        %swap3A_363 = arith.index_cast %add3A_306 : i32 to index
        %swap3A_364 = arith.constant 96 : index
        %swap3A_365 = tpu.vector_load %arg13[%swap3A_363, %swap3A_364] {strides = array<i32>} : memref<128x128xf32, #tpu.memory_space<vmem>>, vector<1x16xf32>,
        %swap3A_366 = vector.shape_cast %swap3A_365 : vector<1x16xf32> to vector<16xf32>
        %swap3A_367 = vector.shape_cast %get3A_362 : vector<16xf32> to vector<1x16xf32>
        tpu.vector_store %arg13[%swap3A_363, %swap3A_364], %swap3A_367 {add = true, strides = array<i32>} : memref<128x128xf32, #tpu.memory_space<vmem>>, vector<1x16xf32>,
        %get3A_368 = arith.index_cast %add3A_306 : i32 to index
        %get3A_369 = arith.constant 112 : index
        %get3A_370 = tpu.vector_load %arg14[%get3A_368, %get3A_369] {strides = array<i32>} : memref<128x128xf32, #tpu.memory_space<vmem>>, vector<1x16xf32>,
        %get3A_371 = vector.shape_cast %get3A_370 : vector<1x16xf32> to vector<16xf32>
        %swap3A_372 = arith.index_cast %add3A_306 : i32 to index
        %swap3A_373 = arith.constant 112 : index
        %swap3A_374 = tpu.vector_load %arg13[%swap3A_372, %swap3A_373] {strides = array<i32>} : memref<128x128xf32, #tpu.memory_space<vmem>>, vector<1x16xf32>,
        %swap3A_375 = vector.shape_cast %swap3A_374 : vector<1x16xf32> to vector<16xf32>
        %swap3A_376 = vector.shape_cast %get3A_371 : vector<16xf32> to vector<1x16xf32>
        tpu.vector_store %arg13[%swap3A_372, %swap3A_373], %swap3A_376 {add = true, strides = array<i32>} : memref<128x128xf32, #tpu.memory_space<vmem>>, vector<1x16xf32>,
      }
      %scan3A_196 = arith.constant 128 : i32
      %mul3A_197 = arith.constant 128 : i32
      %mul3A_198 = arith.muli %add3A_157, %mul3A_197 : i32
      %add3A_199 = arith.addi %mul3A_2, %mul3A_198 : i32
      %dma_start3A_200 = arith.constant 0 : i32
      %dma_start3A_201 = tpu.memref_slice %arg6[%add3A_199, %dma_start3A_200] : memref<163840x128xf32, #tpu.memory_space<hbm>> -> memref<128x128xf32, #tpu.memory_space<hbm>>
      %dma_start3A_202 = arith.constant 0 : i32
      %dma_start3A_203 = tpu.memref_slice %arg6[%add3A_199, %dma_start3A_202] : memref<163840x128xf32, #tpu.memory_space<hbm>> -> memref<128x128xf32, #tpu.memory_space<hbm>>
      tpu.enqueue_dma source(%arg13 : memref<128x128xf32, #tpu.memory_space<vmem>>) target(%dma_start3A_203 : memref<128x128xf32, #tpu.memory_space<hbm>>) target_semaphore(%arg23 : memref<!tpu.dma_semaphore, #tpu.memory_space<semaphore_mem>>)
      %add3A_204 = arith.constant 1 : i32
      %add3A_205 = arith.addi %add3A_157, %add3A_204 : i32
      %mul3A_206 = arith.constant 128 : i32
      %mul3A_207 = arith.muli %add3A_205, %mul3A_206 : i32
      %mul3A_208 = arith.constant 128 : i32
      %mul3A_209 = arith.muli %add3A_205, %mul3A_208 : i32
      %dma_wait3A_210 = tpu.memref_slice %arg7[%mul3A_207] : memref<5120xi32, #tpu.memory_space<vmem>> -> memref<128xi32, #tpu.memory_space<vmem>>
      %dma_wait3A_211 = arith.constant 0 : i32
      %dma_wait3A_212 = arith.constant 0 : i32
      %dma_wait3A_213 = tpu.memref_slice %arg2[%dma_wait3A_211, %dma_wait3A_212] : memref<10000x128xf32, #tpu.memory_space<hbm>> -> memref<10000x128xf32, #tpu.memory_space<hbm>>
      tpu.wait_indirect_dma semaphore(%arg15 : memref<!tpu.dma_semaphore, #tpu.memory_space<semaphore_mem>>) src(%dma_wait3A_213 : memref<10000x128xf32, #tpu.memory_space<hbm>>) dst(%arg9 : memref<128x128xf32, #tpu.memory_space<vmem>>)
      %dma_wait3A_214 = tpu.memref_slice %arg8[%mul3A_209] : memref<5120xi32, #tpu.memory_space<vmem>> -> memref<128xi32, #tpu.memory_space<vmem>>
      %dma_wait3A_215 = arith.constant 0 : i32
      %dma_wait3A_216 = arith.constant 0 : i32
      %dma_wait3A_217 = tpu.memref_slice %arg3[%dma_wait3A_215, %dma_wait3A_216] : memref<10000x128xf32, #tpu.memory_space<hbm>> -> memref<10000x128xf32, #tpu.memory_space<hbm>>
      tpu.wait_indirect_dma semaphore(%arg16 : memref<!tpu.dma_semaphore, #tpu.memory_space<semaphore_mem>>) src(%dma_wait3A_217 : memref<10000x128xf32, #tpu.memory_space<hbm>>) dst(%arg10 : memref<128x128xf32, #tpu.memory_space<vmem>>)
      %sub3A_218 = arith.constant 2 : i32
      %sub3A_219 = arith.subi %add3A_205, %sub3A_218 : i32
      %mul3A_220 = arith.constant 128 : i32
      %mul3A_221 = arith.muli %sub3A_219, %mul3A_220 : i32
      %add3A_222 = arith.addi %mul3A_2, %mul3A_221 : i32
      %dma_wait3A_223 = arith.constant 0 : i32
      %dma_wait3A_224 = tpu.memref_slice %arg6[%add3A_222, %dma_wait3A_223] : memref<163840x128xf32, #tpu.memory_space<hbm>> -> memref<128x128xf32, #tpu.memory_space<hbm>>
      %dma_wait3A_225 = arith.constant 0 : i32
      %dma_wait3A_226 = tpu.memref_slice %arg6[%add3A_222, %dma_wait3A_225] : memref<163840x128xf32, #tpu.memory_space<hbm>> -> memref<128x128xf32, #tpu.memory_space<hbm>>
      tpu.wait_dma2 semaphore(%arg22 : memref<!tpu.dma_semaphore, #tpu.memory_space<semaphore_mem>>) src(%arg11 : memref<128x128xf32, #tpu.memory_space<vmem>>) dst(%dma_wait3A_226 : memref<128x128xf32, #tpu.memory_space<hbm>>)
      %add3A_227 = arith.constant 1 : i32
      %add3A_228 = arith.addi %add3A_205, %add3A_227 : i32
      %mul3A_229 = arith.constant 128 : i32
      %mul3A_230 = arith.muli %add3A_228, %mul3A_229 : i32
      %mul3A_231 = arith.constant 128 : i32
      %mul3A_232 = arith.muli %add3A_228, %mul3A_231 : i32
      %dma_start3A_233 = tpu.memref_slice %arg7[%mul3A_230] : memref<5120xi32, #tpu.memory_space<vmem>> -> memref<128xi32, #tpu.memory_space<vmem>>
      %dma_start3A_234 = arith.constant 0 : i32
      %dma_start3A_235 = arith.constant 0 : i32
      %dma_start3A_236 = tpu.memref_slice %arg2[%dma_start3A_234, %dma_start3A_235] : memref<10000x128xf32, #tpu.memory_space<hbm>> -> memref<10000x128xf32, #tpu.memory_space<hbm>>
      tpu.enqueue_indirect_dma source(%dma_start3A_236 : memref<10000x128xf32, #tpu.memory_space<hbm>>) target(%arg11 : memref<128x128xf32, #tpu.memory_space<vmem>>) offsets(%dma_start3A_233 : memref<128xi32, #tpu.memory_space<vmem>>) semaphore(%arg17 : memref<!tpu.dma_semaphore, #tpu.memory_space<semaphore_mem>>)
      %dma_start3A_237 = tpu.memref_slice %arg8[%mul3A_232] : memref<5120xi32, #tpu.memory_space<vmem>> -> memref<128xi32, #tpu.memory_space<vmem>>
      %dma_start3A_238 = arith.constant 0 : i32
      %dma_start3A_239 = arith.constant 0 : i32
      %dma_start3A_240 = tpu.memref_slice %arg3[%dma_start3A_238, %dma_start3A_239] : memref<10000x128xf32, #tpu.memory_space<hbm>> -> memref<10000x128xf32, #tpu.memory_space<hbm>>
      tpu.enqueue_indirect_dma source(%dma_start3A_240 : memref<10000x128xf32, #tpu.memory_space<hbm>>) target(%arg12 : memref<128x128xf32, #tpu.memory_space<vmem>>) offsets(%dma_start3A_237 : memref<128xi32, #tpu.memory_space<vmem>>) semaphore(%arg18 : memref<!tpu.dma_semaphore, #tpu.memory_space<semaphore_mem>>)
      %scan3A_241 = arith.constant 0 : i32
      %scan3A_242 = arith.constant 128 : i32
      %scan3A_243 = arith.addi %scan3A_241, %scan3A_242 : i32
      %scan3A_244 = arith.constant 1 : i32
      scf.for %scan3A_302 = %scan3A_241 to %scan3A_243 step %scan3A_244  : i32 {
        %mul3A_303 = arith.constant 1 : i32
        %mul3A_304 = arith.muli %scan3A_302, %mul3A_303 : i32
        %add3A_305 = arith.constant 0 : i32
        %add3A_306 = arith.addi %add3A_305, %mul3A_304 : i32
        %get3A = arith.index_cast %add3A_306 : i32 to index
        %get3A_307 = arith.constant 0 : index
        %get3A_308 = tpu.vector_load %arg10[%get3A, %get3A_307] {strides = array<i32>} : memref<128x128xf32, #tpu.memory_space<vmem>>, vector<1x16xf32>,
        %get3A_309 = vector.shape_cast %get3A_308 : vector<1x16xf32> to vector<16xf32>
        %swap3A = arith.index_cast %add3A_306 : i32 to index
        %swap3A_310 = arith.constant 0 : index
        %swap3A_311 = tpu.vector_load %arg9[%swap3A, %swap3A_310] {strides = array<i32>} : memref<128x128xf32, #tpu.memory_space<vmem>>, vector<1x16xf32>,
        %swap3A_312 = vector.shape_cast %swap3A_311 : vector<1x16xf32> to vector<16xf32>
        %swap3A_313 = vector.shape_cast %get3A_309 : vector<16xf32> to vector<1x16xf32>
        tpu.vector_store %arg9[%swap3A, %swap3A_310], %swap3A_313 {add = true, strides = array<i32>} : memref<128x128xf32, #tpu.memory_space<vmem>>, vector<1x16xf32>,
        %get3A_314 = arith.index_cast %add3A_306 : i32 to index
        %get3A_315 = arith.constant 16 : index
        %get3A_316 = tpu.vector_load %arg10[%get3A_314, %get3A_315] {strides = array<i32>} : memref<128x128xf32, #tpu.memory_space<vmem>>, vector<1x16xf32>,
        %get3A_317 = vector.shape_cast %get3A_316 : vector<1x16xf32> to vector<16xf32>
        %swap3A_318 = arith.index_cast %add3A_306 : i32 to index
        %swap3A_319 = arith.constant 16 : index
        %swap3A_320 = tpu.vector_load %arg9[%swap3A_318, %swap3A_319] {strides = array<i32>} : memref<128x128xf32, #tpu.memory_space<vmem>>, vector<1x16xf32>,
        %swap3A_321 = vector.shape_cast %swap3A_320 : vector<1x16xf32> to vector<16xf32>
        %swap3A_322 = vector.shape_cast %get3A_317 : vector<16xf32> to vector<1x16xf32>
        tpu.vector_store %arg9[%swap3A_318, %swap3A_319], %swap3A_322 {add = true, strides = array<i32>} : memref<128x128xf32, #tpu.memory_space<vmem>>, vector<1x16xf32>,
        %get3A_323 = arith.index_cast %add3A_306 : i32 to index
        %get3A_324 = arith.constant 32 : index
        %get3A_325 = tpu.vector_load %arg10[%get3A_323, %get3A_324] {strides = array<i32>} : memref<128x128xf32, #tpu.memory_space<vmem>>, vector<1x16xf32>,
        %get3A_326 = vector.shape_cast %get3A_325 : vector<1x16xf32> to vector<16xf32>
        %swap3A_327 = arith.index_cast %add3A_306 : i32 to index
        %swap3A_328 = arith.constant 32 : index
        %swap3A_329 = tpu.vector_load %arg9[%swap3A_327, %swap3A_328] {strides = array<i32>} : memref<128x128xf32, #tpu.memory_space<vmem>>, vector<1x16xf32>,
        %swap3A_330 = vector.shape_cast %swap3A_329 : vector<1x16xf32> to vector<16xf32>
        %swap3A_331 = vector.shape_cast %get3A_326 : vector<16xf32> to vector<1x16xf32>
        tpu.vector_store %arg9[%swap3A_327, %swap3A_328], %swap3A_331 {add = true, strides = array<i32>} : memref<128x128xf32, #tpu.memory_space<vmem>>, vector<1x16xf32>,
        %get3A_332 = arith.index_cast %add3A_306 : i32 to index
        %get3A_333 = arith.constant 48 : index
        %get3A_334 = tpu.vector_load %arg10[%get3A_332, %get3A_333] {strides = array<i32>} : memref<128x128xf32, #tpu.memory_space<vmem>>, vector<1x16xf32>,
        %get3A_335 = vector.shape_cast %get3A_334 : vector<1x16xf32> to vector<16xf32>
        %swap3A_336 = arith.index_cast %add3A_306 : i32 to index
        %swap3A_337 = arith.constant 48 : index
        %swap3A_338 = tpu.vector_load %arg9[%swap3A_336, %swap3A_337] {strides = array<i32>} : memref<128x128xf32, #tpu.memory_space<vmem>>, vector<1x16xf32>,
        %swap3A_339 = vector.shape_cast %swap3A_338 : vector<1x16xf32> to vector<16xf32>
        %swap3A_340 = vector.shape_cast %get3A_335 : vector<16xf32> to vector<1x16xf32>
        tpu.vector_store %arg9[%swap3A_336, %swap3A_337], %swap3A_340 {add = true, strides = array<i32>} : memref<128x128xf32, #tpu.memory_space<vmem>>, vector<1x16xf32>,
        %get3A_341 = arith.index_cast %add3A_306 : i32 to index
        %get3A_342 = arith.constant 64 : index
        %get3A_343 = tpu.vector_load %arg10[%get3A_341, %get3A_342] {strides = array<i32>} : memref<128x128xf32, #tpu.memory_space<vmem>>, vector<1x16xf32>,
        %get3A_344 = vector.shape_cast %get3A_343 : vector<1x16xf32> to vector<16xf32>
        %swap3A_345 = arith.index_cast %add3A_306 : i32 to index
        %swap3A_346 = arith.constant 64 : index
        %swap3A_347 = tpu.vector_load %arg9[%swap3A_345, %swap3A_346] {strides = array<i32>} : memref<128x128xf32, #tpu.memory_space<vmem>>, vector<1x16xf32>,
        %swap3A_348 = vector.shape_cast %swap3A_347 : vector<1x16xf32> to vector<16xf32>
        %swap3A_349 = vector.shape_cast %get3A_344 : vector<16xf32> to vector<1x16xf32>
        tpu.vector_store %arg9[%swap3A_345, %swap3A_346], %swap3A_349 {add = true, strides = array<i32>} : memref<128x128xf32, #tpu.memory_space<vmem>>, vector<1x16xf32>,
        %get3A_350 = arith.index_cast %add3A_306 : i32 to index
        %get3A_351 = arith.constant 80 : index
        %get3A_352 = tpu.vector_load %arg10[%get3A_350, %get3A_351] {strides = array<i32>} : memref<128x128xf32, #tpu.memory_space<vmem>>, vector<1x16xf32>,
        %get3A_353 = vector.shape_cast %get3A_352 : vector<1x16xf32> to vector<16xf32>
        %swap3A_354 = arith.index_cast %add3A_306 : i32 to index
        %swap3A_355 = arith.constant 80 : index
        %swap3A_356 = tpu.vector_load %arg9[%swap3A_354, %swap3A_355] {strides = array<i32>} : memref<128x128xf32, #tpu.memory_space<vmem>>, vector<1x16xf32>,
        %swap3A_357 = vector.shape_cast %swap3A_356 : vector<1x16xf32> to vector<16xf32>
        %swap3A_358 = vector.shape_cast %get3A_353 : vector<16xf32> to vector<1x16xf32>
        tpu.vector_store %arg9[%swap3A_354, %swap3A_355], %swap3A_358 {add = true, strides = array<i32>} : memref<128x128xf32, #tpu.memory_space<vmem>>, vector<1x16xf32>,
        %get3A_359 = arith.index_cast %add3A_306 : i32 to index
        %get3A_360 = arith.constant 96 : index
        %get3A_361 = tpu.vector_load %arg10[%get3A_359, %get3A_360] {strides = array<i32>} : memref<128x128xf32, #tpu.memory_space<vmem>>, vector<1x16xf32>,
        %get3A_362 = vector.shape_cast %get3A_361 : vector<1x16xf32> to vector<16xf32>
        %swap3A_363 = arith.index_cast %add3A_306 : i32 to index
        %swap3A_364 = arith.constant 96 : index
        %swap3A_365 = tpu.vector_load %arg9[%swap3A_363, %swap3A_364] {strides = array<i32>} : memref<128x128xf32, #tpu.memory_space<vmem>>, vector<1x16xf32>,
        %swap3A_366 = vector.shape_cast %swap3A_365 : vector<1x16xf32> to vector<16xf32>
        %swap3A_367 = vector.shape_cast %get3A_362 : vector<16xf32> to vector<1x16xf32>
        tpu.vector_store %arg9[%swap3A_363, %swap3A_364], %swap3A_367 {add = true, strides = array<i32>} : memref<128x128xf32, #tpu.memory_space<vmem>>, vector<1x16xf32>,
        %get3A_368 = arith.index_cast %add3A_306 : i32 to index
        %get3A_369 = arith.constant 112 : index
        %get3A_370 = tpu.vector_load %arg10[%get3A_368, %get3A_369] {strides = array<i32>} : memref<128x128xf32, #tpu.memory_space<vmem>>, vector<1x16xf32>,
        %get3A_371 = vector.shape_cast %get3A_370 : vector<1x16xf32> to vector<16xf32>
        %swap3A_372 = arith.index_cast %add3A_306 : i32 to index
        %swap3A_373 = arith.constant 112 : index
        %swap3A_374 = tpu.vector_load %arg9[%swap3A_372, %swap3A_373] {strides = array<i32>} : memref<128x128xf32, #tpu.memory_space<vmem>>, vector<1x16xf32>,
        %swap3A_375 = vector.shape_cast %swap3A_374 : vector<1x16xf32> to vector<16xf32>
        %swap3A_376 = vector.shape_cast %get3A_371 : vector<16xf32> to vector<1x16xf32>
        tpu.vector_store %arg9[%swap3A_372, %swap3A_373], %swap3A_376 {add = true, strides = array<i32>} : memref<128x128xf32, #tpu.memory_space<vmem>>, vector<1x16xf32>,
      }
      %scan3A_245 = arith.constant 128 : i32
      %mul3A_246 = arith.constant 128 : i32
      %mul3A_247 = arith.muli %add3A_205, %mul3A_246 : i32
      %add3A_248 = arith.addi %mul3A_2, %mul3A_247 : i32
      %dma_start3A_249 = arith.constant 0 : i32
      %dma_start3A_250 = tpu.memref_slice %arg6[%add3A_248, %dma_start3A_249] : memref<163840x128xf32, #tpu.memory_space<hbm>> -> memref<128x128xf32, #tpu.memory_space<hbm>>
      %dma_start3A_251 = arith.constant 0 : i32
      %dma_start3A_252 = tpu.memref_slice %arg6[%add3A_248, %dma_start3A_251] : memref<163840x128xf32, #tpu.memory_space<hbm>> -> memref<128x128xf32, #tpu.memory_space<hbm>>
      tpu.enqueue_dma source(%arg9 : memref<128x128xf32, #tpu.memory_space<vmem>>) target(%dma_start3A_252 : memref<128x128xf32, #tpu.memory_space<hbm>>) target_semaphore(%arg21 : memref<!tpu.dma_semaphore, #tpu.memory_space<semaphore_mem>>)
      %add3A_253 = arith.constant 2 : i32
      %add3A_254 = arith.addi %add3A_157, %add3A_253 : i32
      %mul3A_255 = arith.constant 128 : i32
      %mul3A_256 = arith.muli %add3A_254, %mul3A_255 : i32
      %mul3A_257 = arith.constant 128 : i32
      %mul3A_258 = arith.muli %add3A_254, %mul3A_257 : i32
      %dma_wait3A_259 = tpu.memref_slice %arg7[%mul3A_256] : memref<5120xi32, #tpu.memory_space<vmem>> -> memref<128xi32, #tpu.memory_space<vmem>>
      %dma_wait3A_260 = arith.constant 0 : i32
      %dma_wait3A_261 = arith.constant 0 : i32
      %dma_wait3A_262 = tpu.memref_slice %arg2[%dma_wait3A_260, %dma_wait3A_261] : memref<10000x128xf32, #tpu.memory_space<hbm>> -> memref<10000x128xf32, #tpu.memory_space<hbm>>
      tpu.wait_indirect_dma semaphore(%arg17 : memref<!tpu.dma_semaphore, #tpu.memory_space<semaphore_mem>>) src(%dma_wait3A_262 : memref<10000x128xf32, #tpu.memory_space<hbm>>) dst(%arg11 : memref<128x128xf32, #tpu.memory_space<vmem>>)
      %dma_wait3A_263 = tpu.memref_slice %arg8[%mul3A_258] : memref<5120xi32, #tpu.memory_space<vmem>> -> memref<128xi32, #tpu.memory_space<vmem>>
      %dma_wait3A_264 = arith.constant 0 : i32
      %dma_wait3A_265 = arith.constant 0 : i32
      %dma_wait3A_266 = tpu.memref_slice %arg3[%dma_wait3A_264, %dma_wait3A_265] : memref<10000x128xf32, #tpu.memory_space<hbm>> -> memref<10000x128xf32, #tpu.memory_space<hbm>>
      tpu.wait_indirect_dma semaphore(%arg18 : memref<!tpu.dma_semaphore, #tpu.memory_space<semaphore_mem>>) src(%dma_wait3A_266 : memref<10000x128xf32, #tpu.memory_space<hbm>>) dst(%arg12 : memref<128x128xf32, #tpu.memory_space<vmem>>)
      %sub3A_267 = arith.constant 2 : i32
      %sub3A_268 = arith.subi %add3A_254, %sub3A_267 : i32
      %mul3A_269 = arith.constant 128 : i32
      %mul3A_270 = arith.muli %sub3A_268, %mul3A_269 : i32
      %add3A_271 = arith.addi %mul3A_2, %mul3A_270 : i32
      %dma_wait3A_272 = arith.constant 0 : i32
      %dma_wait3A_273 = tpu.memref_slice %arg6[%add3A_271, %dma_wait3A_272] : memref<163840x128xf32, #tpu.memory_space<hbm>> -> memref<128x128xf32, #tpu.memory_space<hbm>>
      %dma_wait3A_274 = arith.constant 0 : i32
      %dma_wait3A_275 = tpu.memref_slice %arg6[%add3A_271, %dma_wait3A_274] : memref<163840x128xf32, #tpu.memory_space<hbm>> -> memref<128x128xf32, #tpu.memory_space<hbm>>
      tpu.wait_dma2 semaphore(%arg23 : memref<!tpu.dma_semaphore, #tpu.memory_space<semaphore_mem>>) src(%arg13 : memref<128x128xf32, #tpu.memory_space<vmem>>) dst(%dma_wait3A_275 : memref<128x128xf32, #tpu.memory_space<hbm>>)
      %add3A_276 = arith.constant 1 : i32
      %add3A_277 = arith.addi %add3A_254, %add3A_276 : i32
      %mul3A_278 = arith.constant 128 : i32
      %mul3A_279 = arith.muli %add3A_277, %mul3A_278 : i32
      %mul3A_280 = arith.constant 128 : i32
      %mul3A_281 = arith.muli %add3A_277, %mul3A_280 : i32
      %dma_start3A_282 = tpu.memref_slice %arg7[%mul3A_279] : memref<5120xi32, #tpu.memory_space<vmem>> -> memref<128xi32, #tpu.memory_space<vmem>>
      %dma_start3A_283 = arith.constant 0 : i32
      %dma_start3A_284 = arith.constant 0 : i32
      %dma_start3A_285 = tpu.memref_slice %arg2[%dma_start3A_283, %dma_start3A_284] : memref<10000x128xf32, #tpu.memory_space<hbm>> -> memref<10000x128xf32, #tpu.memory_space<hbm>>
      tpu.enqueue_indirect_dma source(%dma_start3A_285 : memref<10000x128xf32, #tpu.memory_space<hbm>>) target(%arg13 : memref<128x128xf32, #tpu.memory_space<vmem>>) offsets(%dma_start3A_282 : memref<128xi32, #tpu.memory_space<vmem>>) semaphore(%arg19 : memref<!tpu.dma_semaphore, #tpu.memory_space<semaphore_mem>>)
      %dma_start3A_286 = tpu.memref_slice %arg8[%mul3A_281] : memref<5120xi32, #tpu.memory_space<vmem>> -> memref<128xi32, #tpu.memory_space<vmem>>
      %dma_start3A_287 = arith.constant 0 : i32
      %dma_start3A_288 = arith.constant 0 : i32
      %dma_start3A_289 = tpu.memref_slice %arg3[%dma_start3A_287, %dma_start3A_288] : memref<10000x128xf32, #tpu.memory_space<hbm>> -> memref<10000x128xf32, #tpu.memory_space<hbm>>
      tpu.enqueue_indirect_dma source(%dma_start3A_289 : memref<10000x128xf32, #tpu.memory_space<hbm>>) target(%arg14 : memref<128x128xf32, #tpu.memory_space<vmem>>) offsets(%dma_start3A_286 : memref<128xi32, #tpu.memory_space<vmem>>) semaphore(%arg20 : memref<!tpu.dma_semaphore, #tpu.memory_space<semaphore_mem>>)
      %scan3A_290 = arith.constant 0 : i32
      %scan3A_291 = arith.constant 128 : i32
      %scan3A_292 = arith.addi %scan3A_290, %scan3A_291 : i32
      %scan3A_293 = arith.constant 1 : i32
      scf.for %scan3A_302 = %scan3A_290 to %scan3A_292 step %scan3A_293  : i32 {
        %mul3A_303 = arith.constant 1 : i32
        %mul3A_304 = arith.muli %scan3A_302, %mul3A_303 : i32
        %add3A_305 = arith.constant 0 : i32
        %add3A_306 = arith.addi %add3A_305, %mul3A_304 : i32
        %get3A = arith.index_cast %add3A_306 : i32 to index
        %get3A_307 = arith.constant 0 : index
        %get3A_308 = tpu.vector_load %arg12[%get3A, %get3A_307] {strides = array<i32>} : memref<128x128xf32, #tpu.memory_space<vmem>>, vector<1x16xf32>,
        %get3A_309 = vector.shape_cast %get3A_308 : vector<1x16xf32> to vector<16xf32>
        %swap3A = arith.index_cast %add3A_306 : i32 to index
        %swap3A_310 = arith.constant 0 : index
        %swap3A_311 = tpu.vector_load %arg11[%swap3A, %swap3A_310] {strides = array<i32>} : memref<128x128xf32, #tpu.memory_space<vmem>>, vector<1x16xf32>,
        %swap3A_312 = vector.shape_cast %swap3A_311 : vector<1x16xf32> to vector<16xf32>
        %swap3A_313 = vector.shape_cast %get3A_309 : vector<16xf32> to vector<1x16xf32>
        tpu.vector_store %arg11[%swap3A, %swap3A_310], %swap3A_313 {add = true, strides = array<i32>} : memref<128x128xf32, #tpu.memory_space<vmem>>, vector<1x16xf32>,
        %get3A_314 = arith.index_cast %add3A_306 : i32 to index
        %get3A_315 = arith.constant 16 : index
        %get3A_316 = tpu.vector_load %arg12[%get3A_314, %get3A_315] {strides = array<i32>} : memref<128x128xf32, #tpu.memory_space<vmem>>, vector<1x16xf32>,
        %get3A_317 = vector.shape_cast %get3A_316 : vector<1x16xf32> to vector<16xf32>
        %swap3A_318 = arith.index_cast %add3A_306 : i32 to index
        %swap3A_319 = arith.constant 16 : index
        %swap3A_320 = tpu.vector_load %arg11[%swap3A_318, %swap3A_319] {strides = array<i32>} : memref<128x128xf32, #tpu.memory_space<vmem>>, vector<1x16xf32>,
        %swap3A_321 = vector.shape_cast %swap3A_320 : vector<1x16xf32> to vector<16xf32>
        %swap3A_322 = vector.shape_cast %get3A_317 : vector<16xf32> to vector<1x16xf32>
        tpu.vector_store %arg11[%swap3A_318, %swap3A_319], %swap3A_322 {add = true, strides = array<i32>} : memref<128x128xf32, #tpu.memory_space<vmem>>, vector<1x16xf32>,
        %get3A_323 = arith.index_cast %add3A_306 : i32 to index
        %get3A_324 = arith.constant 32 : index
        %get3A_325 = tpu.vector_load %arg12[%get3A_323, %get3A_324] {strides = array<i32>} : memref<128x128xf32, #tpu.memory_space<vmem>>, vector<1x16xf32>,
        %get3A_326 = vector.shape_cast %get3A_325 : vector<1x16xf32> to vector<16xf32>
        %swap3A_327 = arith.index_cast %add3A_306 : i32 to index
        %swap3A_328 = arith.constant 32 : index
        %swap3A_329 = tpu.vector_load %arg11[%swap3A_327, %swap3A_328] {strides = array<i32>} : memref<128x128xf32, #tpu.memory_space<vmem>>, vector<1x16xf32>,
        %swap3A_330 = vector.shape_cast %swap3A_329 : vector<1x16xf32> to vector<16xf32>
        %swap3A_331 = vector.shape_cast %get3A_326 : vector<16xf32> to vector<1x16xf32>
        tpu.vector_store %arg11[%swap3A_327, %swap3A_328], %swap3A_331 {add = true, strides = array<i32>} : memref<128x128xf32, #tpu.memory_space<vmem>>, vector<1x16xf32>,
        %get3A_332 = arith.index_cast %add3A_306 : i32 to index
        %get3A_333 = arith.constant 48 : index
        %get3A_334 = tpu.vector_load %arg12[%get3A_332, %get3A_333] {strides = array<i32>} : memref<128x128xf32, #tpu.memory_space<vmem>>, vector<1x16xf32>,
        %get3A_335 = vector.shape_cast %get3A_334 : vector<1x16xf32> to vector<16xf32>
        %swap3A_336 = arith.index_cast %add3A_306 : i32 to index
        %swap3A_337 = arith.constant 48 : index
        %swap3A_338 = tpu.vector_load %arg11[%swap3A_336, %swap3A_337] {strides = array<i32>} : memref<128x128xf32, #tpu.memory_space<vmem>>, vector<1x16xf32>,
        %swap3A_339 = vector.shape_cast %swap3A_338 : vector<1x16xf32> to vector<16xf32>
        %swap3A_340 = vector.shape_cast %get3A_335 : vector<16xf32> to vector<1x16xf32>
        tpu.vector_store %arg11[%swap3A_336, %swap3A_337], %swap3A_340 {add = true, strides = array<i32>} : memref<128x128xf32, #tpu.memory_space<vmem>>, vector<1x16xf32>,
        %get3A_341 = arith.index_cast %add3A_306 : i32 to index
        %get3A_342 = arith.constant 64 : index
        %get3A_343 = tpu.vector_load %arg12[%get3A_341, %get3A_342] {strides = array<i32>} : memref<128x128xf32, #tpu.memory_space<vmem>>, vector<1x16xf32>,
        %get3A_344 = vector.shape_cast %get3A_343 : vector<1x16xf32> to vector<16xf32>
        %swap3A_345 = arith.index_cast %add3A_306 : i32 to index
        %swap3A_346 = arith.constant 64 : index
        %swap3A_347 = tpu.vector_load %arg11[%swap3A_345, %swap3A_346] {strides = array<i32>} : memref<128x128xf32, #tpu.memory_space<vmem>>, vector<1x16xf32>,
        %swap3A_348 = vector.shape_cast %swap3A_347 : vector<1x16xf32> to vector<16xf32>
        %swap3A_349 = vector.shape_cast %get3A_344 : vector<16xf32> to vector<1x16xf32>
        tpu.vector_store %arg11[%swap3A_345, %swap3A_346], %swap3A_349 {add = true, strides = array<i32>} : memref<128x128xf32, #tpu.memory_space<vmem>>, vector<1x16xf32>,
        %get3A_350 = arith.index_cast %add3A_306 : i32 to index
        %get3A_351 = arith.constant 80 : index
        %get3A_352 = tpu.vector_load %arg12[%get3A_350, %get3A_351] {strides = array<i32>} : memref<128x128xf32, #tpu.memory_space<vmem>>, vector<1x16xf32>,
        %get3A_353 = vector.shape_cast %get3A_352 : vector<1x16xf32> to vector<16xf32>
        %swap3A_354 = arith.index_cast %add3A_306 : i32 to index
        %swap3A_355 = arith.constant 80 : index
        %swap3A_356 = tpu.vector_load %arg11[%swap3A_354, %swap3A_355] {strides = array<i32>} : memref<128x128xf32, #tpu.memory_space<vmem>>, vector<1x16xf32>,
        %swap3A_357 = vector.shape_cast %swap3A_356 : vector<1x16xf32> to vector<16xf32>
        %swap3A_358 = vector.shape_cast %get3A_353 : vector<16xf32> to vector<1x16xf32>
        tpu.vector_store %arg11[%swap3A_354, %swap3A_355], %swap3A_358 {add = true, strides = array<i32>} : memref<128x128xf32, #tpu.memory_space<vmem>>, vector<1x16xf32>,
        %get3A_359 = arith.index_cast %add3A_306 : i32 to index
        %get3A_360 = arith.constant 96 : index
        %get3A_361 = tpu.vector_load %arg12[%get3A_359, %get3A_360] {strides = array<i32>} : memref<128x128xf32, #tpu.memory_space<vmem>>, vector<1x16xf32>,
        %get3A_362 = vector.shape_cast %get3A_361 : vector<1x16xf32> to vector<16xf32>
        %swap3A_363 = arith.index_cast %add3A_306 : i32 to index
        %swap3A_364 = arith.constant 96 : index
        %swap3A_365 = tpu.vector_load %arg11[%swap3A_363, %swap3A_364] {strides = array<i32>} : memref<128x128xf32, #tpu.memory_space<vmem>>, vector<1x16xf32>,
        %swap3A_366 = vector.shape_cast %swap3A_365 : vector<1x16xf32> to vector<16xf32>
        %swap3A_367 = vector.shape_cast %get3A_362 : vector<16xf32> to vector<1x16xf32>
        tpu.vector_store %arg11[%swap3A_363, %swap3A_364], %swap3A_367 {add = true, strides = array<i32>} : memref<128x128xf32, #tpu.memory_space<vmem>>, vector<1x16xf32>,
        %get3A_368 = arith.index_cast %add3A_306 : i32 to index
        %get3A_369 = arith.constant 112 : index
        %get3A_370 = tpu.vector_load %arg12[%get3A_368, %get3A_369] {strides = array<i32>} : memref<128x128xf32, #tpu.memory_space<vmem>>, vector<1x16xf32>,
        %get3A_371 = vector.shape_cast %get3A_370 : vector<1x16xf32> to vector<16xf32>
        %swap3A_372 = arith.index_cast %add3A_306 : i32 to index
        %swap3A_373 = arith.constant 112 : index
        %swap3A_374 = tpu.vector_load %arg11[%swap3A_372, %swap3A_373] {strides = array<i32>} : memref<128x128xf32, #tpu.memory_space<vmem>>, vector<1x16xf32>,
        %swap3A_375 = vector.shape_cast %swap3A_374 : vector<1x16xf32> to vector<16xf32>
        %swap3A_376 = vector.shape_cast %get3A_371 : vector<16xf32> to vector<1x16xf32>
        tpu.vector_store %arg11[%swap3A_372, %swap3A_373], %swap3A_376 {add = true, strides = array<i32>} : memref<128x128xf32, #tpu.memory_space<vmem>>, vector<1x16xf32>,
      }
      %scan3A_294 = arith.constant 128 : i32
      %mul3A_295 = arith.constant 128 : i32
      %mul3A_296 = arith.muli %add3A_254, %mul3A_295 : i32
      %add3A_297 = arith.addi %mul3A_2, %mul3A_296 : i32
      %dma_start3A_298 = arith.constant 0 : i32
      %dma_start3A_299 = tpu.memref_slice %arg6[%add3A_297, %dma_start3A_298] : memref<163840x128xf32, #tpu.memory_space<hbm>> -> memref<128x128xf32, #tpu.memory_space<hbm>>
      %dma_start3A_300 = arith.constant 0 : i32
      %dma_start3A_301 = tpu.memref_slice %arg6[%add3A_297, %dma_start3A_300] : memref<163840x128xf32, #tpu.memory_space<hbm>> -> memref<128x128xf32, #tpu.memory_space<hbm>>
      tpu.enqueue_dma source(%arg11 : memref<128x128xf32, #tpu.memory_space<vmem>>) target(%dma_start3A_301 : memref<128x128xf32, #tpu.memory_space<hbm>>) target_semaphore(%arg22 : memref<!tpu.dma_semaphore, #tpu.memory_space<semaphore_mem>>)
    }
    %scan3A_76 = arith.constant 12 : i32
    %dma_wait3A_77 = arith.constant 4864 : i32
    %dma_wait3A_78 = tpu.memref_slice %arg7[%dma_wait3A_77] : memref<5120xi32, #tpu.memory_space<vmem>> -> memref<128xi32, #tpu.memory_space<vmem>>
    %dma_wait3A_79 = arith.constant 0 : i32
    %dma_wait3A_80 = arith.constant 0 : i32
    %dma_wait3A_81 = tpu.memref_slice %arg2[%dma_wait3A_79, %dma_wait3A_80] : memref<10000x128xf32, #tpu.memory_space<hbm>> -> memref<10000x128xf32, #tpu.memory_space<hbm>>
    tpu.wait_indirect_dma semaphore(%arg19 : memref<!tpu.dma_semaphore, #tpu.memory_space<semaphore_mem>>) src(%dma_wait3A_81 : memref<10000x128xf32, #tpu.memory_space<hbm>>) dst(%arg13 : memref<128x128xf32, #tpu.memory_space<vmem>>)
    %dma_wait3A_82 = arith.constant 4864 : i32
    %dma_wait3A_83 = tpu.memref_slice %arg8[%dma_wait3A_82] : memref<5120xi32, #tpu.memory_space<vmem>> -> memref<128xi32, #tpu.memory_space<vmem>>
    %dma_wait3A_84 = arith.constant 0 : i32
    %dma_wait3A_85 = arith.constant 0 : i32
    %dma_wait3A_86 = tpu.memref_slice %arg3[%dma_wait3A_84, %dma_wait3A_85] : memref<10000x128xf32, #tpu.memory_space<hbm>> -> memref<10000x128xf32, #tpu.memory_space<hbm>>
    tpu.wait_indirect_dma semaphore(%arg20 : memref<!tpu.dma_semaphore, #tpu.memory_space<semaphore_mem>>) src(%dma_wait3A_86 : memref<10000x128xf32, #tpu.memory_space<hbm>>) dst(%arg14 : memref<128x128xf32, #tpu.memory_space<vmem>>)
    %add3A_87 = arith.constant 4608 : i32
    %add3A_88 = arith.addi %mul3A_2, %add3A_87 : i32
    %dma_wait3A_89 = arith.constant 0 : i32
    %dma_wait3A_90 = tpu.memref_slice %arg6[%add3A_88, %dma_wait3A_89] : memref<163840x128xf32, #tpu.memory_space<hbm>> -> memref<128x128xf32, #tpu.memory_space<hbm>>
    %dma_wait3A_91 = arith.constant 0 : i32
    %dma_wait3A_92 = tpu.memref_slice %arg6[%add3A_88, %dma_wait3A_91] : memref<163840x128xf32, #tpu.memory_space<hbm>> -> memref<128x128xf32, #tpu.memory_space<hbm>>
    tpu.wait_dma2 semaphore(%arg21 : memref<!tpu.dma_semaphore, #tpu.memory_space<semaphore_mem>>) src(%arg9 : memref<128x128xf32, #tpu.memory_space<vmem>>) dst(%dma_wait3A_92 : memref<128x128xf32, #tpu.memory_space<hbm>>)
    %dma_start3A_93 = arith.constant 4992 : i32
    %dma_start3A_94 = tpu.memref_slice %arg7[%dma_start3A_93] : memref<5120xi32, #tpu.memory_space<vmem>> -> memref<128xi32, #tpu.memory_space<vmem>>
    %dma_start3A_95 = arith.constant 0 : i32
    %dma_start3A_96 = arith.constant 0 : i32
    %dma_start3A_97 = tpu.memref_slice %arg2[%dma_start3A_95, %dma_start3A_96] : memref<10000x128xf32, #tpu.memory_space<hbm>> -> memref<10000x128xf32, #tpu.memory_space<hbm>>
    tpu.enqueue_indirect_dma source(%dma_start3A_97 : memref<10000x128xf32, #tpu.memory_space<hbm>>) target(%arg9 : memref<128x128xf32, #tpu.memory_space<vmem>>) offsets(%dma_start3A_94 : memref<128xi32, #tpu.memory_space<vmem>>) semaphore(%arg15 : memref<!tpu.dma_semaphore, #tpu.memory_space<semaphore_mem>>)
    %dma_start3A_98 = arith.constant 4992 : i32
    %dma_start3A_99 = tpu.memref_slice %arg8[%dma_start3A_98] : memref<5120xi32, #tpu.memory_space<vmem>> -> memref<128xi32, #tpu.memory_space<vmem>>
    %dma_start3A_100 = arith.constant 0 : i32
    %dma_start3A_101 = arith.constant 0 : i32
    %dma_start3A_102 = tpu.memref_slice %arg3[%dma_start3A_100, %dma_start3A_101] : memref<10000x128xf32, #tpu.memory_space<hbm>> -> memref<10000x128xf32, #tpu.memory_space<hbm>>
    tpu.enqueue_indirect_dma source(%dma_start3A_102 : memref<10000x128xf32, #tpu.memory_space<hbm>>) target(%arg10 : memref<128x128xf32, #tpu.memory_space<vmem>>) offsets(%dma_start3A_99 : memref<128xi32, #tpu.memory_space<vmem>>) semaphore(%arg16 : memref<!tpu.dma_semaphore, #tpu.memory_space<semaphore_mem>>)
    %scan3A_103 = arith.constant 0 : i32
    %scan3A_104 = arith.constant 128 : i32
    %scan3A_105 = arith.addi %scan3A_103, %scan3A_104 : i32
    %scan3A_106 = arith.constant 1 : i32
    scf.for %scan3A_153 = %scan3A_103 to %scan3A_105 step %scan3A_106  : i32 {
      %mul3A_154 = arith.constant 1 : i32
      %mul3A_155 = arith.muli %scan3A_153, %mul3A_154 : i32
      %add3A_156 = arith.constant 0 : i32
      %add3A_157 = arith.addi %add3A_156, %mul3A_155 : i32
      %get3A = arith.index_cast %add3A_157 : i32 to index
      %get3A_158 = arith.constant 0 : index
      %get3A_159 = tpu.vector_load %arg14[%get3A, %get3A_158] {strides = array<i32>} : memref<128x128xf32, #tpu.memory_space<vmem>>, vector<1x16xf32>,
      %get3A_160 = vector.shape_cast %get3A_159 : vector<1x16xf32> to vector<16xf32>
      %swap3A = arith.index_cast %add3A_157 : i32 to index
      %swap3A_161 = arith.constant 0 : index
      %swap3A_162 = tpu.vector_load %arg13[%swap3A, %swap3A_161] {strides = array<i32>} : memref<128x128xf32, #tpu.memory_space<vmem>>, vector<1x16xf32>,
      %swap3A_163 = vector.shape_cast %swap3A_162 : vector<1x16xf32> to vector<16xf32>
      %swap3A_164 = vector.shape_cast %get3A_160 : vector<16xf32> to vector<1x16xf32>
      tpu.vector_store %arg13[%swap3A, %swap3A_161], %swap3A_164 {add = true, strides = array<i32>} : memref<128x128xf32, #tpu.memory_space<vmem>>, vector<1x16xf32>,
      %get3A_165 = arith.index_cast %add3A_157 : i32 to index
      %get3A_166 = arith.constant 16 : index
      %get3A_167 = tpu.vector_load %arg14[%get3A_165, %get3A_166] {strides = array<i32>} : memref<128x128xf32, #tpu.memory_space<vmem>>, vector<1x16xf32>,
      %get3A_168 = vector.shape_cast %get3A_167 : vector<1x16xf32> to vector<16xf32>
      %swap3A_169 = arith.index_cast %add3A_157 : i32 to index
      %swap3A_170 = arith.constant 16 : index
      %swap3A_171 = tpu.vector_load %arg13[%swap3A_169, %swap3A_170] {strides = array<i32>} : memref<128x128xf32, #tpu.memory_space<vmem>>, vector<1x16xf32>,
      %swap3A_172 = vector.shape_cast %swap3A_171 : vector<1x16xf32> to vector<16xf32>
      %swap3A_173 = vector.shape_cast %get3A_168 : vector<16xf32> to vector<1x16xf32>
      tpu.vector_store %arg13[%swap3A_169, %swap3A_170], %swap3A_173 {add = true, strides = array<i32>} : memref<128x128xf32, #tpu.memory_space<vmem>>, vector<1x16xf32>,
      %get3A_174 = arith.index_cast %add3A_157 : i32 to index
      %get3A_175 = arith.constant 32 : index
      %get3A_176 = tpu.vector_load %arg14[%get3A_174, %get3A_175] {strides = array<i32>} : memref<128x128xf32, #tpu.memory_space<vmem>>, vector<1x16xf32>,
      %get3A_177 = vector.shape_cast %get3A_176 : vector<1x16xf32> to vector<16xf32>
      %swap3A_178 = arith.index_cast %add3A_157 : i32 to index
      %swap3A_179 = arith.constant 32 : index
      %swap3A_180 = tpu.vector_load %arg13[%swap3A_178, %swap3A_179] {strides = array<i32>} : memref<128x128xf32, #tpu.memory_space<vmem>>, vector<1x16xf32>,
      %swap3A_181 = vector.shape_cast %swap3A_180 : vector<1x16xf32> to vector<16xf32>
      %swap3A_182 = vector.shape_cast %get3A_177 : vector<16xf32> to vector<1x16xf32>
      tpu.vector_store %arg13[%swap3A_178, %swap3A_179], %swap3A_182 {add = true, strides = array<i32>} : memref<128x128xf32, #tpu.memory_space<vmem>>, vector<1x16xf32>,
      %get3A_183 = arith.index_cast %add3A_157 : i32 to index
      %get3A_184 = arith.constant 48 : index
      %get3A_185 = tpu.vector_load %arg14[%get3A_183, %get3A_184] {strides = array<i32>} : memref<128x128xf32, #tpu.memory_space<vmem>>, vector<1x16xf32>,
      %get3A_186 = vector.shape_cast %get3A_185 : vector<1x16xf32> to vector<16xf32>
      %swap3A_187 = arith.index_cast %add3A_157 : i32 to index
      %swap3A_188 = arith.constant 48 : index
      %swap3A_189 = tpu.vector_load %arg13[%swap3A_187, %swap3A_188] {strides = array<i32>} : memref<128x128xf32, #tpu.memory_space<vmem>>, vector<1x16xf32>,
      %swap3A_190 = vector.shape_cast %swap3A_189 : vector<1x16xf32> to vector<16xf32>
      %swap3A_191 = vector.shape_cast %get3A_186 : vector<16xf32> to vector<1x16xf32>
      tpu.vector_store %arg13[%swap3A_187, %swap3A_188], %swap3A_191 {add = true, strides = array<i32>} : memref<128x128xf32, #tpu.memory_space<vmem>>, vector<1x16xf32>,
      %get3A_192 = arith.index_cast %add3A_157 : i32 to index
      %get3A_193 = arith.constant 64 : index
      %get3A_194 = tpu.vector_load %arg14[%get3A_192, %get3A_193] {strides = array<i32>} : memref<128x128xf32, #tpu.memory_space<vmem>>, vector<1x16xf32>,
      %get3A_195 = vector.shape_cast %get3A_194 : vector<1x16xf32> to vector<16xf32>
      %swap3A_196 = arith.index_cast %add3A_157 : i32 to index
      %swap3A_197 = arith.constant 64 : index
      %swap3A_198 = tpu.vector_load %arg13[%swap3A_196, %swap3A_197] {strides = array<i32>} : memref<128x128xf32, #tpu.memory_space<vmem>>, vector<1x16xf32>,
      %swap3A_199 = vector.shape_cast %swap3A_198 : vector<1x16xf32> to vector<16xf32>
      %swap3A_200 = vector.shape_cast %get3A_195 : vector<16xf32> to vector<1x16xf32>
      tpu.vector_store %arg13[%swap3A_196, %swap3A_197], %swap3A_200 {add = true, strides = array<i32>} : memref<128x128xf32, #tpu.memory_space<vmem>>, vector<1x16xf32>,
      %get3A_201 = arith.index_cast %add3A_157 : i32 to index
      %get3A_202 = arith.constant 80 : index
      %get3A_203 = tpu.vector_load %arg14[%get3A_201, %get3A_202] {strides = array<i32>} : memref<128x128xf32, #tpu.memory_space<vmem>>, vector<1x16xf32>,
      %get3A_204 = vector.shape_cast %get3A_203 : vector<1x16xf32> to vector<16xf32>
      %swap3A_205 = arith.index_cast %add3A_157 : i32 to index
      %swap3A_206 = arith.constant 80 : index
      %swap3A_207 = tpu.vector_load %arg13[%swap3A_205, %swap3A_206] {strides = array<i32>} : memref<128x128xf32, #tpu.memory_space<vmem>>, vector<1x16xf32>,
      %swap3A_208 = vector.shape_cast %swap3A_207 : vector<1x16xf32> to vector<16xf32>
      %swap3A_209 = vector.shape_cast %get3A_204 : vector<16xf32> to vector<1x16xf32>
      tpu.vector_store %arg13[%swap3A_205, %swap3A_206], %swap3A_209 {add = true, strides = array<i32>} : memref<128x128xf32, #tpu.memory_space<vmem>>, vector<1x16xf32>,
      %get3A_210 = arith.index_cast %add3A_157 : i32 to index
      %get3A_211 = arith.constant 96 : index
      %get3A_212 = tpu.vector_load %arg14[%get3A_210, %get3A_211] {strides = array<i32>} : memref<128x128xf32, #tpu.memory_space<vmem>>, vector<1x16xf32>,
      %get3A_213 = vector.shape_cast %get3A_212 : vector<1x16xf32> to vector<16xf32>
      %swap3A_214 = arith.index_cast %add3A_157 : i32 to index
      %swap3A_215 = arith.constant 96 : index
      %swap3A_216 = tpu.vector_load %arg13[%swap3A_214, %swap3A_215] {strides = array<i32>} : memref<128x128xf32, #tpu.memory_space<vmem>>, vector<1x16xf32>,
      %swap3A_217 = vector.shape_cast %swap3A_216 : vector<1x16xf32> to vector<16xf32>
      %swap3A_218 = vector.shape_cast %get3A_213 : vector<16xf32> to vector<1x16xf32>
      tpu.vector_store %arg13[%swap3A_214, %swap3A_215], %swap3A_218 {add = true, strides = array<i32>} : memref<128x128xf32, #tpu.memory_space<vmem>>, vector<1x16xf32>,
      %get3A_219 = arith.index_cast %add3A_157 : i32 to index
      %get3A_220 = arith.constant 112 : index
      %get3A_221 = tpu.vector_load %arg14[%get3A_219, %get3A_220] {strides = array<i32>} : memref<128x128xf32, #tpu.memory_space<vmem>>, vector<1x16xf32>,
      %get3A_222 = vector.shape_cast %get3A_221 : vector<1x16xf32> to vector<16xf32>
      %swap3A_223 = arith.index_cast %add3A_157 : i32 to index
      %swap3A_224 = arith.constant 112 : index
      %swap3A_225 = tpu.vector_load %arg13[%swap3A_223, %swap3A_224] {strides = array<i32>} : memref<128x128xf32, #tpu.memory_space<vmem>>, vector<1x16xf32>,
      %swap3A_226 = vector.shape_cast %swap3A_225 : vector<1x16xf32> to vector<16xf32>
      %swap3A_227 = vector.shape_cast %get3A_222 : vector<16xf32> to vector<1x16xf32>
      tpu.vector_store %arg13[%swap3A_223, %swap3A_224], %swap3A_227 {add = true, strides = array<i32>} : memref<128x128xf32, #tpu.memory_space<vmem>>, vector<1x16xf32>,
    }
    %scan3A_107 = arith.constant 128 : i32
    %add3A_108 = arith.constant 4864 : i32
    %add3A_109 = arith.addi %mul3A_2, %add3A_108 : i32
    %dma_start3A_110 = arith.constant 0 : i32
    %dma_start3A_111 = tpu.memref_slice %arg6[%add3A_109, %dma_start3A_110] : memref<163840x128xf32, #tpu.memory_space<hbm>> -> memref<128x128xf32, #tpu.memory_space<hbm>>
    %dma_start3A_112 = arith.constant 0 : i32
    %dma_start3A_113 = tpu.memref_slice %arg6[%add3A_109, %dma_start3A_112] : memref<163840x128xf32, #tpu.memory_space<hbm>> -> memref<128x128xf32, #tpu.memory_space<hbm>>
    tpu.enqueue_dma source(%arg13 : memref<128x128xf32, #tpu.memory_space<vmem>>) target(%dma_start3A_113 : memref<128x128xf32, #tpu.memory_space<hbm>>) target_semaphore(%arg23 : memref<!tpu.dma_semaphore, #tpu.memory_space<semaphore_mem>>)
    %dma_wait3A_114 = arith.constant 4992 : i32
    %dma_wait3A_115 = tpu.memref_slice %arg7[%dma_wait3A_114] : memref<5120xi32, #tpu.memory_space<vmem>> -> memref<128xi32, #tpu.memory_space<vmem>>
    %dma_wait3A_116 = arith.constant 0 : i32
    %dma_wait3A_117 = arith.constant 0 : i32
    %dma_wait3A_118 = tpu.memref_slice %arg2[%dma_wait3A_116, %dma_wait3A_117] : memref<10000x128xf32, #tpu.memory_space<hbm>> -> memref<10000x128xf32, #tpu.memory_space<hbm>>
    tpu.wait_indirect_dma semaphore(%arg15 : memref<!tpu.dma_semaphore, #tpu.memory_space<semaphore_mem>>) src(%dma_wait3A_118 : memref<10000x128xf32, #tpu.memory_space<hbm>>) dst(%arg9 : memref<128x128xf32, #tpu.memory_space<vmem>>)
    %dma_wait3A_119 = arith.constant 4992 : i32
    %dma_wait3A_120 = tpu.memref_slice %arg8[%dma_wait3A_119] : memref<5120xi32, #tpu.memory_space<vmem>> -> memref<128xi32, #tpu.memory_space<vmem>>
    %dma_wait3A_121 = arith.constant 0 : i32
    %dma_wait3A_122 = arith.constant 0 : i32
    %dma_wait3A_123 = tpu.memref_slice %arg3[%dma_wait3A_121, %dma_wait3A_122] : memref<10000x128xf32, #tpu.memory_space<hbm>> -> memref<10000x128xf32, #tpu.memory_space<hbm>>
    tpu.wait_indirect_dma semaphore(%arg16 : memref<!tpu.dma_semaphore, #tpu.memory_space<semaphore_mem>>) src(%dma_wait3A_123 : memref<10000x128xf32, #tpu.memory_space<hbm>>) dst(%arg10 : memref<128x128xf32, #tpu.memory_space<vmem>>)
    %scan3A_124 = arith.constant 0 : i32
    %scan3A_125 = arith.constant 128 : i32
    %scan3A_126 = arith.addi %scan3A_124, %scan3A_125 : i32
    %scan3A_127 = arith.constant 1 : i32
    scf.for %scan3A_153 = %scan3A_124 to %scan3A_126 step %scan3A_127  : i32 {
      %mul3A_154 = arith.constant 1 : i32
      %mul3A_155 = arith.muli %scan3A_153, %mul3A_154 : i32
      %add3A_156 = arith.constant 0 : i32
      %add3A_157 = arith.addi %add3A_156, %mul3A_155 : i32
      %get3A = arith.index_cast %add3A_157 : i32 to index
      %get3A_158 = arith.constant 0 : index
      %get3A_159 = tpu.vector_load %arg10[%get3A, %get3A_158] {strides = array<i32>} : memref<128x128xf32, #tpu.memory_space<vmem>>, vector<1x16xf32>,
      %get3A_160 = vector.shape_cast %get3A_159 : vector<1x16xf32> to vector<16xf32>
      %swap3A = arith.index_cast %add3A_157 : i32 to index
      %swap3A_161 = arith.constant 0 : index
      %swap3A_162 = tpu.vector_load %arg9[%swap3A, %swap3A_161] {strides = array<i32>} : memref<128x128xf32, #tpu.memory_space<vmem>>, vector<1x16xf32>,
      %swap3A_163 = vector.shape_cast %swap3A_162 : vector<1x16xf32> to vector<16xf32>
      %swap3A_164 = vector.shape_cast %get3A_160 : vector<16xf32> to vector<1x16xf32>
      tpu.vector_store %arg9[%swap3A, %swap3A_161], %swap3A_164 {add = true, strides = array<i32>} : memref<128x128xf32, #tpu.memory_space<vmem>>, vector<1x16xf32>,
      %get3A_165 = arith.index_cast %add3A_157 : i32 to index
      %get3A_166 = arith.constant 16 : index
      %get3A_167 = tpu.vector_load %arg10[%get3A_165, %get3A_166] {strides = array<i32>} : memref<128x128xf32, #tpu.memory_space<vmem>>, vector<1x16xf32>,
      %get3A_168 = vector.shape_cast %get3A_167 : vector<1x16xf32> to vector<16xf32>
      %swap3A_169 = arith.index_cast %add3A_157 : i32 to index
      %swap3A_170 = arith.constant 16 : index
      %swap3A_171 = tpu.vector_load %arg9[%swap3A_169, %swap3A_170] {strides = array<i32>} : memref<128x128xf32, #tpu.memory_space<vmem>>, vector<1x16xf32>,
      %swap3A_172 = vector.shape_cast %swap3A_171 : vector<1x16xf32> to vector<16xf32>
      %swap3A_173 = vector.shape_cast %get3A_168 : vector<16xf32> to vector<1x16xf32>
      tpu.vector_store %arg9[%swap3A_169, %swap3A_170], %swap3A_173 {add = true, strides = array<i32>} : memref<128x128xf32, #tpu.memory_space<vmem>>, vector<1x16xf32>,
      %get3A_174 = arith.index_cast %add3A_157 : i32 to index
      %get3A_175 = arith.constant 32 : index
      %get3A_176 = tpu.vector_load %arg10[%get3A_174, %get3A_175] {strides = array<i32>} : memref<128x128xf32, #tpu.memory_space<vmem>>, vector<1x16xf32>,
      %get3A_177 = vector.shape_cast %get3A_176 : vector<1x16xf32> to vector<16xf32>
      %swap3A_178 = arith.index_cast %add3A_157 : i32 to index
      %swap3A_179 = arith.constant 32 : index
      %swap3A_180 = tpu.vector_load %arg9[%swap3A_178, %swap3A_179] {strides = array<i32>} : memref<128x128xf32, #tpu.memory_space<vmem>>, vector<1x16xf32>,
      %swap3A_181 = vector.shape_cast %swap3A_180 : vector<1x16xf32> to vector<16xf32>
      %swap3A_182 = vector.shape_cast %get3A_177 : vector<16xf32> to vector<1x16xf32>
      tpu.vector_store %arg9[%swap3A_178, %swap3A_179], %swap3A_182 {add = true, strides = array<i32>} : memref<128x128xf32, #tpu.memory_space<vmem>>, vector<1x16xf32>,
      %get3A_183 = arith.index_cast %add3A_157 : i32 to index
      %get3A_184 = arith.constant 48 : index
      %get3A_185 = tpu.vector_load %arg10[%get3A_183, %get3A_184] {strides = array<i32>} : memref<128x128xf32, #tpu.memory_space<vmem>>, vector<1x16xf32>,
      %get3A_186 = vector.shape_cast %get3A_185 : vector<1x16xf32> to vector<16xf32>
      %swap3A_187 = arith.index_cast %add3A_157 : i32 to index
      %swap3A_188 = arith.constant 48 : index
      %swap3A_189 = tpu.vector_load %arg9[%swap3A_187, %swap3A_188] {strides = array<i32>} : memref<128x128xf32, #tpu.memory_space<vmem>>, vector<1x16xf32>,
      %swap3A_190 = vector.shape_cast %swap3A_189 : vector<1x16xf32> to vector<16xf32>
      %swap3A_191 = vector.shape_cast %get3A_186 : vector<16xf32> to vector<1x16xf32>
      tpu.vector_store %arg9[%swap3A_187, %swap3A_188], %swap3A_191 {add = true, strides = array<i32>} : memref<128x128xf32, #tpu.memory_space<vmem>>, vector<1x16xf32>,
      %get3A_192 = arith.index_cast %add3A_157 : i32 to index
      %get3A_193 = arith.constant 64 : index
      %get3A_194 = tpu.vector_load %arg10[%get3A_192, %get3A_193] {strides = array<i32>} : memref<128x128xf32, #tpu.memory_space<vmem>>, vector<1x16xf32>,
      %get3A_195 = vector.shape_cast %get3A_194 : vector<1x16xf32> to vector<16xf32>
      %swap3A_196 = arith.index_cast %add3A_157 : i32 to index
      %swap3A_197 = arith.constant 64 : index
      %swap3A_198 = tpu.vector_load %arg9[%swap3A_196, %swap3A_197] {strides = array<i32>} : memref<128x128xf32, #tpu.memory_space<vmem>>, vector<1x16xf32>,
      %swap3A_199 = vector.shape_cast %swap3A_198 : vector<1x16xf32> to vector<16xf32>
      %swap3A_200 = vector.shape_cast %get3A_195 : vector<16xf32> to vector<1x16xf32>
      tpu.vector_store %arg9[%swap3A_196, %swap3A_197], %swap3A_200 {add = true, strides = array<i32>} : memref<128x128xf32, #tpu.memory_space<vmem>>, vector<1x16xf32>,
      %get3A_201 = arith.index_cast %add3A_157 : i32 to index
      %get3A_202 = arith.constant 80 : index
      %get3A_203 = tpu.vector_load %arg10[%get3A_201, %get3A_202] {strides = array<i32>} : memref<128x128xf32, #tpu.memory_space<vmem>>, vector<1x16xf32>,
      %get3A_204 = vector.shape_cast %get3A_203 : vector<1x16xf32> to vector<16xf32>
      %swap3A_205 = arith.index_cast %add3A_157 : i32 to index
      %swap3A_206 = arith.constant 80 : index
      %swap3A_207 = tpu.vector_load %arg9[%swap3A_205, %swap3A_206] {strides = array<i32>} : memref<128x128xf32, #tpu.memory_space<vmem>>, vector<1x16xf32>,
      %swap3A_208 = vector.shape_cast %swap3A_207 : vector<1x16xf32> to vector<16xf32>
      %swap3A_209 = vector.shape_cast %get3A_204 : vector<16xf32> to vector<1x16xf32>
      tpu.vector_store %arg9[%swap3A_205, %swap3A_206], %swap3A_209 {add = true, strides = array<i32>} : memref<128x128xf32, #tpu.memory_space<vmem>>, vector<1x16xf32>,
      %get3A_210 = arith.index_cast %add3A_157 : i32 to index
      %get3A_211 = arith.constant 96 : index
      %get3A_212 = tpu.vector_load %arg10[%get3A_210, %get3A_211] {strides = array<i32>} : memref<128x128xf32, #tpu.memory_space<vmem>>, vector<1x16xf32>,
      %get3A_213 = vector.shape_cast %get3A_212 : vector<1x16xf32> to vector<16xf32>
      %swap3A_214 = arith.index_cast %add3A_157 : i32 to index
      %swap3A_215 = arith.constant 96 : index
      %swap3A_216 = tpu.vector_load %arg9[%swap3A_214, %swap3A_215] {strides = array<i32>} : memref<128x128xf32, #tpu.memory_space<vmem>>, vector<1x16xf32>,
      %swap3A_217 = vector.shape_cast %swap3A_216 : vector<1x16xf32> to vector<16xf32>
      %swap3A_218 = vector.shape_cast %get3A_213 : vector<16xf32> to vector<1x16xf32>
      tpu.vector_store %arg9[%swap3A_214, %swap3A_215], %swap3A_218 {add = true, strides = array<i32>} : memref<128x128xf32, #tpu.memory_space<vmem>>, vector<1x16xf32>,
      %get3A_219 = arith.index_cast %add3A_157 : i32 to index
      %get3A_220 = arith.constant 112 : index
      %get3A_221 = tpu.vector_load %arg10[%get3A_219, %get3A_220] {strides = array<i32>} : memref<128x128xf32, #tpu.memory_space<vmem>>, vector<1x16xf32>,
      %get3A_222 = vector.shape_cast %get3A_221 : vector<1x16xf32> to vector<16xf32>
      %swap3A_223 = arith.index_cast %add3A_157 : i32 to index
      %swap3A_224 = arith.constant 112 : index
      %swap3A_225 = tpu.vector_load %arg9[%swap3A_223, %swap3A_224] {strides = array<i32>} : memref<128x128xf32, #tpu.memory_space<vmem>>, vector<1x16xf32>,
      %swap3A_226 = vector.shape_cast %swap3A_225 : vector<1x16xf32> to vector<16xf32>
      %swap3A_227 = vector.shape_cast %get3A_222 : vector<16xf32> to vector<1x16xf32>
      tpu.vector_store %arg9[%swap3A_223, %swap3A_224], %swap3A_227 {add = true, strides = array<i32>} : memref<128x128xf32, #tpu.memory_space<vmem>>, vector<1x16xf32>,
    }
    %scan3A_128 = arith.constant 128 : i32
    %add3A_129 = arith.constant 4992 : i32
    %add3A_130 = arith.addi %mul3A_2, %add3A_129 : i32
    %dma_start3A_131 = arith.constant 0 : i32
    %dma_start3A_132 = tpu.memref_slice %arg6[%add3A_130, %dma_start3A_131] : memref<163840x128xf32, #tpu.memory_space<hbm>> -> memref<128x128xf32, #tpu.memory_space<hbm>>
    %dma_start3A_133 = arith.constant 0 : i32
    %dma_start3A_134 = tpu.memref_slice %arg6[%add3A_130, %dma_start3A_133] : memref<163840x128xf32, #tpu.memory_space<hbm>> -> memref<128x128xf32, #tpu.memory_space<hbm>>
    tpu.enqueue_dma source(%arg9 : memref<128x128xf32, #tpu.memory_space<vmem>>) target(%dma_start3A_134 : memref<128x128xf32, #tpu.memory_space<hbm>>) target_semaphore(%arg21 : memref<!tpu.dma_semaphore, #tpu.memory_space<semaphore_mem>>)
    %add3A_135 = arith.constant 4736 : i32
    %add3A_136 = arith.addi %mul3A_2, %add3A_135 : i32
    %dma_wait3A_137 = arith.constant 0 : i32
    %dma_wait3A_138 = tpu.memref_slice %arg6[%add3A_136, %dma_wait3A_137] : memref<163840x128xf32, #tpu.memory_space<hbm>> -> memref<128x128xf32, #tpu.memory_space<hbm>>
    %dma_wait3A_139 = arith.constant 0 : i32
    %dma_wait3A_140 = tpu.memref_slice %arg6[%add3A_136, %dma_wait3A_139] : memref<163840x128xf32, #tpu.memory_space<hbm>> -> memref<128x128xf32, #tpu.memory_space<hbm>>
    tpu.wait_dma2 semaphore(%arg22 : memref<!tpu.dma_semaphore, #tpu.memory_space<semaphore_mem>>) src(%arg11 : memref<128x128xf32, #tpu.memory_space<vmem>>) dst(%dma_wait3A_140 : memref<128x128xf32, #tpu.memory_space<hbm>>)
    %add3A_141 = arith.constant 4864 : i32
    %add3A_142 = arith.addi %mul3A_2, %add3A_141 : i32
    %dma_wait3A_143 = arith.constant 0 : i32
    %dma_wait3A_144 = tpu.memref_slice %arg6[%add3A_142, %dma_wait3A_143] : memref<163840x128xf32, #tpu.memory_space<hbm>> -> memref<128x128xf32, #tpu.memory_space<hbm>>
    %dma_wait3A_145 = arith.constant 0 : i32
    %dma_wait3A_146 = tpu.memref_slice %arg6[%add3A_142, %dma_wait3A_145] : memref<163840x128xf32, #tpu.memory_space<hbm>> -> memref<128x128xf32, #tpu.memory_space<hbm>>
    tpu.wait_dma2 semaphore(%arg23 : memref<!tpu.dma_semaphore, #tpu.memory_space<semaphore_mem>>) src(%arg13 : memref<128x128xf32, #tpu.memory_space<vmem>>) dst(%dma_wait3A_146 : memref<128x128xf32, #tpu.memory_space<hbm>>)
    %add3A_147 = arith.constant 4992 : i32
    %add3A_148 = arith.addi %mul3A_2, %add3A_147 : i32
    %dma_wait3A_149 = arith.constant 0 : i32
    %dma_wait3A_150 = tpu.memref_slice %arg6[%add3A_148, %dma_wait3A_149] : memref<163840x128xf32, #tpu.memory_space<hbm>> -> memref<128x128xf32, #tpu.memory_space<hbm>>
    %dma_wait3A_151 = arith.constant 0 : i32
    %dma_wait3A_152 = tpu.memref_slice %arg6[%add3A_148, %dma_wait3A_151] : memref<163840x128xf32, #tpu.memory_space<hbm>> -> memref<128x128xf32, #tpu.memory_space<hbm>>
    tpu.wait_dma2 semaphore(%arg21 : memref<!tpu.dma_semaphore, #tpu.memory_space<semaphore_mem>>) src(%arg9 : memref<128x128xf32, #tpu.memory_space<vmem>>) dst(%dma_wait3A_152 : memref<128x128xf32, #tpu.memory_space<hbm>>)
    return
  }
}

#map = affine_map<(d0, d1) -> (0, 0)>
#map1 = affine_map<(d0, d1) -> (0, 0, 0)>
module attributes {stable_mosaic.version = 14 : i64} {
  func.func @k(%arg0: i32, %arg1: i32, %arg2: memref<156160x128xf32, #tpu.memory_space<hbm>>, %arg3: memref<32x61x80xi32, #tpu.memory_space<hbm>>, %arg4: memref<10000x128xf32, #tpu.memory_space<hbm>>, %arg5: memref<20000x128xf32, #tpu.memory_space<hbm>>, %arg6: memref<61x80xi32, #tpu.memory_space<vmem>>, %arg7: memref<80x128xf32, #tpu.memory_space<vmem>>, %arg8: memref<80x128xf32, #tpu.memory_space<vmem>>, %arg9: memref<10000x128xf32, #tpu.memory_space<vmem_shared>>, %arg10: memref<!tpu.dma_semaphore, #tpu.memory_space<semaphore_mem>>, %arg11: memref<!tpu.dma_semaphore, #tpu.memory_space<semaphore_mem>>, %arg12: memref<!tpu.dma_semaphore, #tpu.memory_space<semaphore_mem>>, %arg13: memref<!tpu.dma_semaphore, #tpu.memory_space<semaphore_mem>>) attributes {dimension_semantics = [#tpu.dimension_semantics<core_parallel>, #tpu.dimension_semantics<subcore_parallel>], iteration_bounds = array<i64: 2, 16>, scalar_prefetch = 0 : i64, scratch_operands = 8 : i64, tpu.core_type = #tpu.core_type<sc_vector_subcore>, window_params = [{transform_indices = #map}, {transform_indices = #map1}, {transform_indices = #map}, {transform_indices = #map}]} {
    %mul3A = arith.constant 2 : i32
    %mul3A_0 = arith.muli %arg1, %mul3A : i32
    %add3A = arith.addi %mul3A_0, %arg0 : i32
    %mul3A_1 = arith.constant 4880 : i32
    %mul3A_2 = arith.muli %add3A, %mul3A_1 : i32
    "tpu.region"() ({
      %run_scoped3A = tpu.sem_alloc : memref<!tpu.dma_semaphore, #tpu.memory_space<semaphore_mem>>
      %dma_start3A_102 = arith.constant 0 : i32
      %dma_start3A_103 = arith.constant 0 : i32
      %dma_start3A_104 = tpu.memref_slice %arg3[%add3A, %dma_start3A_102, %dma_start3A_103] : memref<32x61x80xi32, #tpu.memory_space<hbm>> -> memref<1x61x80xi32, #tpu.memory_space<hbm>>
      %dma_start3A_105 = tpu.memref_squeeze %dma_start3A_104 : memref<1x61x80xi32, #tpu.memory_space<hbm>> -> memref<61x80xi32, #tpu.memory_space<hbm>>
      %dma_start3A_106 = arith.constant 0 : i32
      %dma_start3A_107 = arith.constant 0 : i32
      %dma_start3A_108 = tpu.memref_slice %arg3[%add3A, %dma_start3A_106, %dma_start3A_107] : memref<32x61x80xi32, #tpu.memory_space<hbm>> -> memref<1x61x80xi32, #tpu.memory_space<hbm>>
      %dma_start3A_109 = tpu.memref_squeeze %dma_start3A_108 : memref<1x61x80xi32, #tpu.memory_space<hbm>> -> memref<61x80xi32, #tpu.memory_space<hbm>>
      tpu.enqueue_dma source(%dma_start3A_109 : memref<61x80xi32, #tpu.memory_space<hbm>>) target(%arg6 : memref<61x80xi32, #tpu.memory_space<vmem>>) target_semaphore(%run_scoped3A : memref<!tpu.dma_semaphore, #tpu.memory_space<semaphore_mem>>)
      %dma_wait3A_110 = arith.constant 0 : i32
      %dma_wait3A_111 = arith.constant 0 : i32
      %dma_wait3A_112 = tpu.memref_slice %arg3[%add3A, %dma_wait3A_110, %dma_wait3A_111] : memref<32x61x80xi32, #tpu.memory_space<hbm>> -> memref<1x61x80xi32, #tpu.memory_space<hbm>>
      %dma_wait3A_113 = tpu.memref_squeeze %dma_wait3A_112 : memref<1x61x80xi32, #tpu.memory_space<hbm>> -> memref<61x80xi32, #tpu.memory_space<hbm>>
      %dma_wait3A_114 = arith.constant 0 : i32
      %dma_wait3A_115 = arith.constant 0 : i32
      %dma_wait3A_116 = tpu.memref_slice %arg3[%add3A, %dma_wait3A_114, %dma_wait3A_115] : memref<32x61x80xi32, #tpu.memory_space<hbm>> -> memref<1x61x80xi32, #tpu.memory_space<hbm>>
      %dma_wait3A_117 = tpu.memref_squeeze %dma_wait3A_116 : memref<1x61x80xi32, #tpu.memory_space<hbm>> -> memref<61x80xi32, #tpu.memory_space<hbm>>
      tpu.wait_dma2 semaphore(%run_scoped3A : memref<!tpu.dma_semaphore, #tpu.memory_space<semaphore_mem>>) src(%dma_wait3A_117 : memref<61x80xi32, #tpu.memory_space<hbm>>) dst(%arg6 : memref<61x80xi32, #tpu.memory_space<vmem>>)
      tpu.yield
    }) : () -> ()
    %mul3A_3 = arith.constant 624 : i32
    %mul3A_4 = arith.muli %arg1, %mul3A_3 : i32
    %mul3A_5 = arith.constant 624 : i32
    %mul3A_6 = arith.muli %arg1, %mul3A_5 : i32
    "tpu.region"() ({
      %run_scoped3A = tpu.sem_alloc : memref<!tpu.dma_semaphore, #tpu.memory_space<semaphore_mem>>
      %dma_start3A_102 = arith.constant 0 : i32
      %dma_start3A_103 = tpu.memref_slice %arg9[%mul3A_6, %dma_start3A_102] : memref<10000x128xf32, #tpu.memory_space<vmem_shared>> -> memref<624x128xf32, #tpu.memory_space<vmem_shared>>
      %dma_start3A_104 = arith.constant 0 : i32
      %dma_start3A_105 = tpu.memref_slice %arg4[%mul3A_4, %dma_start3A_104] : memref<10000x128xf32, #tpu.memory_space<hbm>> -> memref<624x128xf32, #tpu.memory_space<hbm>>
      tpu.enqueue_dma source(%dma_start3A_105 : memref<624x128xf32, #tpu.memory_space<hbm>>) target(%dma_start3A_103 : memref<624x128xf32, #tpu.memory_space<vmem_shared>>) target_semaphore(%run_scoped3A : memref<!tpu.dma_semaphore, #tpu.memory_space<semaphore_mem>>)
      %dma_wait3A_106 = arith.constant 0 : i32
      %dma_wait3A_107 = tpu.memref_slice %arg9[%mul3A_6, %dma_wait3A_106] : memref<10000x128xf32, #tpu.memory_space<vmem_shared>> -> memref<624x128xf32, #tpu.memory_space<vmem_shared>>
      %dma_wait3A_108 = arith.constant 0 : i32
      %dma_wait3A_109 = tpu.memref_slice %arg4[%mul3A_4, %dma_wait3A_108] : memref<10000x128xf32, #tpu.memory_space<hbm>> -> memref<624x128xf32, #tpu.memory_space<hbm>>
      tpu.wait_dma2 semaphore(%run_scoped3A : memref<!tpu.dma_semaphore, #tpu.memory_space<semaphore_mem>>) src(%dma_wait3A_109 : memref<624x128xf32, #tpu.memory_space<hbm>>) dst(%dma_wait3A_107 : memref<624x128xf32, #tpu.memory_space<vmem_shared>>)
      tpu.yield
    }) : () -> ()
    %eq3A = arith.constant 15 : i32
    %eq3A_7 = arith.cmpi eq, %arg1, %eq3A : i32
    %convert_element_type3A = arith.extui %eq3A_7 : i1 to i32
    %cond3A = arith.constant 0 : i32
    %cond3A_8 = arith.cmpi ne, %convert_element_type3A, %cond3A : i32
    scf.if %cond3A_8 {
      "tpu.region"() ({
        %run_scoped3A = tpu.sem_alloc : memref<!tpu.dma_semaphore, #tpu.memory_space<semaphore_mem>>
        %dma_start3A_102 = arith.constant 9984 : i32
        %dma_start3A_103 = arith.constant 0 : i32
        %dma_start3A_104 = tpu.memref_slice %arg9[%dma_start3A_102, %dma_start3A_103] : memref<10000x128xf32, #tpu.memory_space<vmem_shared>> -> memref<16x128xf32, #tpu.memory_space<vmem_shared>>
        %dma_start3A_105 = arith.constant 9984 : i32
        %dma_start3A_106 = arith.constant 0 : i32
        %dma_start3A_107 = tpu.memref_slice %arg4[%dma_start3A_105, %dma_start3A_106] : memref<10000x128xf32, #tpu.memory_space<hbm>> -> memref<16x128xf32, #tpu.memory_space<hbm>>
        tpu.enqueue_dma source(%dma_start3A_107 : memref<16x128xf32, #tpu.memory_space<hbm>>) target(%dma_start3A_104 : memref<16x128xf32, #tpu.memory_space<vmem_shared>>) target_semaphore(%run_scoped3A : memref<!tpu.dma_semaphore, #tpu.memory_space<semaphore_mem>>)
        %dma_wait3A_108 = arith.constant 9984 : i32
        %dma_wait3A_109 = arith.constant 0 : i32
        %dma_wait3A_110 = tpu.memref_slice %arg9[%dma_wait3A_108, %dma_wait3A_109] : memref<10000x128xf32, #tpu.memory_space<vmem_shared>> -> memref<16x128xf32, #tpu.memory_space<vmem_shared>>
        %dma_wait3A_111 = arith.constant 9984 : i32
        %dma_wait3A_112 = arith.constant 0 : i32
        %dma_wait3A_113 = tpu.memref_slice %arg4[%dma_wait3A_111, %dma_wait3A_112] : memref<10000x128xf32, #tpu.memory_space<hbm>> -> memref<16x128xf32, #tpu.memory_space<hbm>>
        tpu.wait_dma2 semaphore(%run_scoped3A : memref<!tpu.dma_semaphore, #tpu.memory_space<semaphore_mem>>) src(%dma_wait3A_113 : memref<16x128xf32, #tpu.memory_space<hbm>>) dst(%dma_wait3A_110 : memref<16x128xf32, #tpu.memory_space<vmem_shared>>)
        tpu.yield
      }) : () -> ()
    } else {
    }
    %barrier3A = arith.constant 0 : index
    tpu.barrier barrier_id(%barrier3A)
    %add3A_9 = arith.constant 0 : i32
    %add3A_10 = arith.addi %mul3A_2, %add3A_9 : i32
    %dma_start3A = arith.constant 0 : i32
    %dma_start3A_11 = tpu.memref_slice %arg2[%add3A_10, %dma_start3A] : memref<156160x128xf32, #tpu.memory_space<hbm>> -> memref<80x128xf32, #tpu.memory_space<hbm>>
    %dma_start3A_12 = arith.constant 0 : i32
    %dma_start3A_13 = tpu.memref_slice %arg2[%add3A_10, %dma_start3A_12] : memref<156160x128xf32, #tpu.memory_space<hbm>> -> memref<80x128xf32, #tpu.memory_space<hbm>>
    tpu.enqueue_dma source(%dma_start3A_13 : memref<80x128xf32, #tpu.memory_space<hbm>>) target(%arg7 : memref<80x128xf32, #tpu.memory_space<vmem>>) target_semaphore(%arg10 : memref<!tpu.dma_semaphore, #tpu.memory_space<semaphore_mem>>)
    %add3A_14 = arith.constant 0 : i32
    %add3A_15 = arith.addi %mul3A_2, %add3A_14 : i32
    %dma_wait3A = arith.constant 0 : i32
    %dma_wait3A_16 = tpu.memref_slice %arg2[%add3A_15, %dma_wait3A] : memref<156160x128xf32, #tpu.memory_space<hbm>> -> memref<80x128xf32, #tpu.memory_space<hbm>>
    %dma_wait3A_17 = arith.constant 0 : i32
    %dma_wait3A_18 = tpu.memref_slice %arg2[%add3A_15, %dma_wait3A_17] : memref<156160x128xf32, #tpu.memory_space<hbm>> -> memref<80x128xf32, #tpu.memory_space<hbm>>
    tpu.wait_dma2 semaphore(%arg10 : memref<!tpu.dma_semaphore, #tpu.memory_space<semaphore_mem>>) src(%dma_wait3A_18 : memref<80x128xf32, #tpu.memory_space<hbm>>) dst(%arg7 : memref<80x128xf32, #tpu.memory_space<vmem>>)
    %add3A_19 = arith.constant 80 : i32
    %add3A_20 = arith.addi %mul3A_2, %add3A_19 : i32
    %dma_start3A_21 = arith.constant 0 : i32
    %dma_start3A_22 = tpu.memref_slice %arg2[%add3A_20, %dma_start3A_21] : memref<156160x128xf32, #tpu.memory_space<hbm>> -> memref<80x128xf32, #tpu.memory_space<hbm>>
    %dma_start3A_23 = arith.constant 0 : i32
    %dma_start3A_24 = tpu.memref_slice %arg2[%add3A_20, %dma_start3A_23] : memref<156160x128xf32, #tpu.memory_space<hbm>> -> memref<80x128xf32, #tpu.memory_space<hbm>>
    tpu.enqueue_dma source(%dma_start3A_24 : memref<80x128xf32, #tpu.memory_space<hbm>>) target(%arg8 : memref<80x128xf32, #tpu.memory_space<vmem>>) target_semaphore(%arg11 : memref<!tpu.dma_semaphore, #tpu.memory_space<semaphore_mem>>)
    %dma_start3A_25 = arith.constant 0 : i32
    %dma_start3A_26 = arith.constant 0 : i32
    %dma_start3A_27 = tpu.memref_slice %arg6[%dma_start3A_25, %dma_start3A_26] : memref<61x80xi32, #tpu.memory_space<vmem>> -> memref<1x80xi32, #tpu.memory_space<vmem>>
    %dma_start3A_28 = tpu.memref_squeeze %dma_start3A_27 : memref<1x80xi32, #tpu.memory_space<vmem>> -> memref<80xi32, #tpu.memory_space<vmem>>
    %dma_start3A_29 = arith.constant 0 : i32
    %dma_start3A_30 = arith.constant 0 : i32
    %dma_start3A_31 = tpu.memref_slice %arg9[%dma_start3A_29, %dma_start3A_30] : memref<10000x128xf32, #tpu.memory_space<vmem_shared>> -> memref<10000x128xf32, #tpu.memory_space<vmem_shared>>
    tpu.enqueue_indirect_dma source(%arg7 : memref<80x128xf32, #tpu.memory_space<vmem>>) target(%dma_start3A_31 : memref<10000x128xf32, #tpu.memory_space<vmem_shared>>) offsets(%dma_start3A_28 : memref<80xi32, #tpu.memory_space<vmem>>) semaphore(%arg12 : memref<!tpu.dma_semaphore, #tpu.memory_space<semaphore_mem>>) {add = true}
    %scan3A = arith.constant 0 : i32
    %scan3A_32 = arith.constant 29 : i32
    %scan3A_33 = arith.addi %scan3A, %scan3A_32 : i32
    %scan3A_34 = arith.constant 1 : i32
    scf.for %scan3A_102 = %scan3A to %scan3A_33 step %scan3A_34  : i32 {
      %mul3A_103 = arith.constant 2 : i32
      %mul3A_104 = arith.muli %scan3A_102, %mul3A_103 : i32
      %add3A_105 = arith.constant 1 : i32
      %add3A_106 = arith.addi %add3A_105, %mul3A_104 : i32
      %mul3A_107 = arith.constant 80 : i32
      %mul3A_108 = arith.muli %add3A_106, %mul3A_107 : i32
      %add3A_109 = arith.addi %mul3A_2, %mul3A_108 : i32
      %dma_wait3A_110 = arith.constant 0 : i32
      %dma_wait3A_111 = tpu.memref_slice %arg2[%add3A_109, %dma_wait3A_110] : memref<156160x128xf32, #tpu.memory_space<hbm>> -> memref<80x128xf32, #tpu.memory_space<hbm>>
      %dma_wait3A_112 = arith.constant 0 : i32
      %dma_wait3A_113 = tpu.memref_slice %arg2[%add3A_109, %dma_wait3A_112] : memref<156160x128xf32, #tpu.memory_space<hbm>> -> memref<80x128xf32, #tpu.memory_space<hbm>>
      tpu.wait_dma2 semaphore(%arg11 : memref<!tpu.dma_semaphore, #tpu.memory_space<semaphore_mem>>) src(%dma_wait3A_113 : memref<80x128xf32, #tpu.memory_space<hbm>>) dst(%arg8 : memref<80x128xf32, #tpu.memory_space<vmem>>)
      %sub3A = arith.constant 1 : i32
      %sub3A_114 = arith.subi %add3A_106, %sub3A : i32
      %dma_wait3A_115 = arith.constant 0 : i32
      %dma_wait3A_116 = tpu.memref_slice %arg6[%sub3A_114, %dma_wait3A_115] : memref<61x80xi32, #tpu.memory_space<vmem>> -> memref<1x80xi32, #tpu.memory_space<vmem>>
      %dma_wait3A_117 = tpu.memref_squeeze %dma_wait3A_116 : memref<1x80xi32, #tpu.memory_space<vmem>> -> memref<80xi32, #tpu.memory_space<vmem>>
      %dma_wait3A_118 = arith.constant 0 : i32
      %dma_wait3A_119 = arith.constant 0 : i32
      %dma_wait3A_120 = tpu.memref_slice %arg9[%dma_wait3A_118, %dma_wait3A_119] : memref<10000x128xf32, #tpu.memory_space<vmem_shared>> -> memref<10000x128xf32, #tpu.memory_space<vmem_shared>>
      tpu.wait_indirect_dma semaphore(%arg12 : memref<!tpu.dma_semaphore, #tpu.memory_space<semaphore_mem>>) src(%arg7 : memref<80x128xf32, #tpu.memory_space<vmem>>) dst(%dma_wait3A_120 : memref<10000x128xf32, #tpu.memory_space<vmem_shared>>)
      %add3A_121 = arith.constant 1 : i32
      %add3A_122 = arith.addi %add3A_106, %add3A_121 : i32
      %mul3A_123 = arith.constant 80 : i32
      %mul3A_124 = arith.muli %add3A_122, %mul3A_123 : i32
      %add3A_125 = arith.addi %mul3A_2, %mul3A_124 : i32
      %dma_start3A_126 = arith.constant 0 : i32
      %dma_start3A_127 = tpu.memref_slice %arg2[%add3A_125, %dma_start3A_126] : memref<156160x128xf32, #tpu.memory_space<hbm>> -> memref<80x128xf32, #tpu.memory_space<hbm>>
      %dma_start3A_128 = arith.constant 0 : i32
      %dma_start3A_129 = tpu.memref_slice %arg2[%add3A_125, %dma_start3A_128] : memref<156160x128xf32, #tpu.memory_space<hbm>> -> memref<80x128xf32, #tpu.memory_space<hbm>>
      tpu.enqueue_dma source(%dma_start3A_129 : memref<80x128xf32, #tpu.memory_space<hbm>>) target(%arg7 : memref<80x128xf32, #tpu.memory_space<vmem>>) target_semaphore(%arg10 : memref<!tpu.dma_semaphore, #tpu.memory_space<semaphore_mem>>)
      %dma_start3A_130 = arith.constant 0 : i32
      %dma_start3A_131 = tpu.memref_slice %arg6[%add3A_106, %dma_start3A_130] : memref<61x80xi32, #tpu.memory_space<vmem>> -> memref<1x80xi32, #tpu.memory_space<vmem>>
      %dma_start3A_132 = tpu.memref_squeeze %dma_start3A_131 : memref<1x80xi32, #tpu.memory_space<vmem>> -> memref<80xi32, #tpu.memory_space<vmem>>
      %dma_start3A_133 = arith.constant 0 : i32
      %dma_start3A_134 = arith.constant 0 : i32
      %dma_start3A_135 = tpu.memref_slice %arg9[%dma_start3A_133, %dma_start3A_134] : memref<10000x128xf32, #tpu.memory_space<vmem_shared>> -> memref<10000x128xf32, #tpu.memory_space<vmem_shared>>
      tpu.enqueue_indirect_dma source(%arg8 : memref<80x128xf32, #tpu.memory_space<vmem>>) target(%dma_start3A_135 : memref<10000x128xf32, #tpu.memory_space<vmem_shared>>) offsets(%dma_start3A_132 : memref<80xi32, #tpu.memory_space<vmem>>) semaphore(%arg13 : memref<!tpu.dma_semaphore, #tpu.memory_space<semaphore_mem>>) {add = true}
      %add3A_136 = arith.constant 1 : i32
      %add3A_137 = arith.addi %add3A_106, %add3A_136 : i32
      %mul3A_138 = arith.constant 80 : i32
      %mul3A_139 = arith.muli %add3A_137, %mul3A_138 : i32
      %add3A_140 = arith.addi %mul3A_2, %mul3A_139 : i32
      %dma_wait3A_141 = arith.constant 0 : i32
      %dma_wait3A_142 = tpu.memref_slice %arg2[%add3A_140, %dma_wait3A_141] : memref<156160x128xf32, #tpu.memory_space<hbm>> -> memref<80x128xf32, #tpu.memory_space<hbm>>
      %dma_wait3A_143 = arith.constant 0 : i32
      %dma_wait3A_144 = tpu.memref_slice %arg2[%add3A_140, %dma_wait3A_143] : memref<156160x128xf32, #tpu.memory_space<hbm>> -> memref<80x128xf32, #tpu.memory_space<hbm>>
      tpu.wait_dma2 semaphore(%arg10 : memref<!tpu.dma_semaphore, #tpu.memory_space<semaphore_mem>>) src(%dma_wait3A_144 : memref<80x128xf32, #tpu.memory_space<hbm>>) dst(%arg7 : memref<80x128xf32, #tpu.memory_space<vmem>>)
      %dma_wait3A_145 = arith.constant 0 : i32
      %dma_wait3A_146 = tpu.memref_slice %arg6[%add3A_106, %dma_wait3A_145] : memref<61x80xi32, #tpu.memory_space<vmem>> -> memref<1x80xi32, #tpu.memory_space<vmem>>
      %dma_wait3A_147 = tpu.memref_squeeze %dma_wait3A_146 : memref<1x80xi32, #tpu.memory_space<vmem>> -> memref<80xi32, #tpu.memory_space<vmem>>
      %dma_wait3A_148 = arith.constant 0 : i32
      %dma_wait3A_149 = arith.constant 0 : i32
      %dma_wait3A_150 = tpu.memref_slice %arg9[%dma_wait3A_148, %dma_wait3A_149] : memref<10000x128xf32, #tpu.memory_space<vmem_shared>> -> memref<10000x128xf32, #tpu.memory_space<vmem_shared>>
      tpu.wait_indirect_dma semaphore(%arg13 : memref<!tpu.dma_semaphore, #tpu.memory_space<semaphore_mem>>) src(%arg8 : memref<80x128xf32, #tpu.memory_space<vmem>>) dst(%dma_wait3A_150 : memref<10000x128xf32, #tpu.memory_space<vmem_shared>>)
      %add3A_151 = arith.constant 2 : i32
      %add3A_152 = arith.addi %add3A_106, %add3A_151 : i32
      %mul3A_153 = arith.constant 80 : i32
      %mul3A_154 = arith.muli %add3A_152, %mul3A_153 : i32
      %add3A_155 = arith.addi %mul3A_2, %mul3A_154 : i32
      %dma_start3A_156 = arith.constant 0 : i32
      %dma_start3A_157 = tpu.memref_slice %arg2[%add3A_155, %dma_start3A_156] : memref<156160x128xf32, #tpu.memory_space<hbm>> -> memref<80x128xf32, #tpu.memory_space<hbm>>
      %dma_start3A_158 = arith.constant 0 : i32
      %dma_start3A_159 = tpu.memref_slice %arg2[%add3A_155, %dma_start3A_158] : memref<156160x128xf32, #tpu.memory_space<hbm>> -> memref<80x128xf32, #tpu.memory_space<hbm>>
      tpu.enqueue_dma source(%dma_start3A_159 : memref<80x128xf32, #tpu.memory_space<hbm>>) target(%arg8 : memref<80x128xf32, #tpu.memory_space<vmem>>) target_semaphore(%arg11 : memref<!tpu.dma_semaphore, #tpu.memory_space<semaphore_mem>>)
      %add3A_160 = arith.constant 1 : i32
      %add3A_161 = arith.addi %add3A_106, %add3A_160 : i32
      %dma_start3A_162 = arith.constant 0 : i32
      %dma_start3A_163 = tpu.memref_slice %arg6[%add3A_161, %dma_start3A_162] : memref<61x80xi32, #tpu.memory_space<vmem>> -> memref<1x80xi32, #tpu.memory_space<vmem>>
      %dma_start3A_164 = tpu.memref_squeeze %dma_start3A_163 : memref<1x80xi32, #tpu.memory_space<vmem>> -> memref<80xi32, #tpu.memory_space<vmem>>
      %dma_start3A_165 = arith.constant 0 : i32
      %dma_start3A_166 = arith.constant 0 : i32
      %dma_start3A_167 = tpu.memref_slice %arg9[%dma_start3A_165, %dma_start3A_166] : memref<10000x128xf32, #tpu.memory_space<vmem_shared>> -> memref<10000x128xf32, #tpu.memory_space<vmem_shared>>
      tpu.enqueue_indirect_dma source(%arg7 : memref<80x128xf32, #tpu.memory_space<vmem>>) target(%dma_start3A_167 : memref<10000x128xf32, #tpu.memory_space<vmem_shared>>) offsets(%dma_start3A_164 : memref<80xi32, #tpu.memory_space<vmem>>) semaphore(%arg12 : memref<!tpu.dma_semaphore, #tpu.memory_space<semaphore_mem>>) {add = true}
    }
    %scan3A_35 = arith.constant 29 : i32
    %add3A_36 = arith.constant 4720 : i32
    %add3A_37 = arith.addi %mul3A_2, %add3A_36 : i32
    %dma_wait3A_38 = arith.constant 0 : i32
    %dma_wait3A_39 = tpu.memref_slice %arg2[%add3A_37, %dma_wait3A_38] : memref<156160x128xf32, #tpu.memory_space<hbm>> -> memref<80x128xf32, #tpu.memory_space<hbm>>
    %dma_wait3A_40 = arith.constant 0 : i32
    %dma_wait3A_41 = tpu.memref_slice %arg2[%add3A_37, %dma_wait3A_40] : memref<156160x128xf32, #tpu.memory_space<hbm>> -> memref<80x128xf32, #tpu.memory_space<hbm>>
    tpu.wait_dma2 semaphore(%arg11 : memref<!tpu.dma_semaphore, #tpu.memory_space<semaphore_mem>>) src(%dma_wait3A_41 : memref<80x128xf32, #tpu.memory_space<hbm>>) dst(%arg8 : memref<80x128xf32, #tpu.memory_space<vmem>>)
    %dma_wait3A_42 = arith.constant 58 : i32
    %dma_wait3A_43 = arith.constant 0 : i32
    %dma_wait3A_44 = tpu.memref_slice %arg6[%dma_wait3A_42, %dma_wait3A_43] : memref<61x80xi32, #tpu.memory_space<vmem>> -> memref<1x80xi32, #tpu.memory_space<vmem>>
    %dma_wait3A_45 = tpu.memref_squeeze %dma_wait3A_44 : memref<1x80xi32, #tpu.memory_space<vmem>> -> memref<80xi32, #tpu.memory_space<vmem>>
    %dma_wait3A_46 = arith.constant 0 : i32
    %dma_wait3A_47 = arith.constant 0 : i32
    %dma_wait3A_48 = tpu.memref_slice %arg9[%dma_wait3A_46, %dma_wait3A_47] : memref<10000x128xf32, #tpu.memory_space<vmem_shared>> -> memref<10000x128xf32, #tpu.memory_space<vmem_shared>>
    tpu.wait_indirect_dma semaphore(%arg12 : memref<!tpu.dma_semaphore, #tpu.memory_space<semaphore_mem>>) src(%arg7 : memref<80x128xf32, #tpu.memory_space<vmem>>) dst(%dma_wait3A_48 : memref<10000x128xf32, #tpu.memory_space<vmem_shared>>)
    %add3A_49 = arith.constant 4800 : i32
    %add3A_50 = arith.addi %mul3A_2, %add3A_49 : i32
    %dma_start3A_51 = arith.constant 0 : i32
    %dma_start3A_52 = tpu.memref_slice %arg2[%add3A_50, %dma_start3A_51] : memref<156160x128xf32, #tpu.memory_space<hbm>> -> memref<80x128xf32, #tpu.memory_space<hbm>>
    %dma_start3A_53 = arith.constant 0 : i32
    %dma_start3A_54 = tpu.memref_slice %arg2[%add3A_50, %dma_start3A_53] : memref<156160x128xf32, #tpu.memory_space<hbm>> -> memref<80x128xf32, #tpu.memory_space<hbm>>
    tpu.enqueue_dma source(%dma_start3A_54 : memref<80x128xf32, #tpu.memory_space<hbm>>) target(%arg7 : memref<80x128xf32, #tpu.memory_space<vmem>>) target_semaphore(%arg10 : memref<!tpu.dma_semaphore, #tpu.memory_space<semaphore_mem>>)
    %dma_start3A_55 = arith.constant 59 : i32
    %dma_start3A_56 = arith.constant 0 : i32
    %dma_start3A_57 = tpu.memref_slice %arg6[%dma_start3A_55, %dma_start3A_56] : memref<61x80xi32, #tpu.memory_space<vmem>> -> memref<1x80xi32, #tpu.memory_space<vmem>>
    %dma_start3A_58 = tpu.memref_squeeze %dma_start3A_57 : memref<1x80xi32, #tpu.memory_space<vmem>> -> memref<80xi32, #tpu.memory_space<vmem>>
    %dma_start3A_59 = arith.constant 0 : i32
    %dma_start3A_60 = arith.constant 0 : i32
    %dma_start3A_61 = tpu.memref_slice %arg9[%dma_start3A_59, %dma_start3A_60] : memref<10000x128xf32, #tpu.memory_space<vmem_shared>> -> memref<10000x128xf32, #tpu.memory_space<vmem_shared>>
    tpu.enqueue_indirect_dma source(%arg8 : memref<80x128xf32, #tpu.memory_space<vmem>>) target(%dma_start3A_61 : memref<10000x128xf32, #tpu.memory_space<vmem_shared>>) offsets(%dma_start3A_58 : memref<80xi32, #tpu.memory_space<vmem>>) semaphore(%arg13 : memref<!tpu.dma_semaphore, #tpu.memory_space<semaphore_mem>>) {add = true}
    %add3A_62 = arith.constant 4800 : i32
    %add3A_63 = arith.addi %mul3A_2, %add3A_62 : i32
    %dma_wait3A_64 = arith.constant 0 : i32
    %dma_wait3A_65 = tpu.memref_slice %arg2[%add3A_63, %dma_wait3A_64] : memref<156160x128xf32, #tpu.memory_space<hbm>> -> memref<80x128xf32, #tpu.memory_space<hbm>>
    %dma_wait3A_66 = arith.constant 0 : i32
    %dma_wait3A_67 = tpu.memref_slice %arg2[%add3A_63, %dma_wait3A_66] : memref<156160x128xf32, #tpu.memory_space<hbm>> -> memref<80x128xf32, #tpu.memory_space<hbm>>
    tpu.wait_dma2 semaphore(%arg10 : memref<!tpu.dma_semaphore, #tpu.memory_space<semaphore_mem>>) src(%dma_wait3A_67 : memref<80x128xf32, #tpu.memory_space<hbm>>) dst(%arg7 : memref<80x128xf32, #tpu.memory_space<vmem>>)
    %dma_wait3A_68 = arith.constant 59 : i32
    %dma_wait3A_69 = arith.constant 0 : i32
    %dma_wait3A_70 = tpu.memref_slice %arg6[%dma_wait3A_68, %dma_wait3A_69] : memref<61x80xi32, #tpu.memory_space<vmem>> -> memref<1x80xi32, #tpu.memory_space<vmem>>
    %dma_wait3A_71 = tpu.memref_squeeze %dma_wait3A_70 : memref<1x80xi32, #tpu.memory_space<vmem>> -> memref<80xi32, #tpu.memory_space<vmem>>
    %dma_wait3A_72 = arith.constant 0 : i32
    %dma_wait3A_73 = arith.constant 0 : i32
    %dma_wait3A_74 = tpu.memref_slice %arg9[%dma_wait3A_72, %dma_wait3A_73] : memref<10000x128xf32, #tpu.memory_space<vmem_shared>> -> memref<10000x128xf32, #tpu.memory_space<vmem_shared>>
    tpu.wait_indirect_dma semaphore(%arg13 : memref<!tpu.dma_semaphore, #tpu.memory_space<semaphore_mem>>) src(%arg8 : memref<80x128xf32, #tpu.memory_space<vmem>>) dst(%dma_wait3A_74 : memref<10000x128xf32, #tpu.memory_space<vmem_shared>>)
    %dma_start3A_75 = arith.constant 60 : i32
    %dma_start3A_76 = arith.constant 0 : i32
    %dma_start3A_77 = tpu.memref_slice %arg6[%dma_start3A_75, %dma_start3A_76] : memref<61x80xi32, #tpu.memory_space<vmem>> -> memref<1x80xi32, #tpu.memory_space<vmem>>
    %dma_start3A_78 = tpu.memref_squeeze %dma_start3A_77 : memref<1x80xi32, #tpu.memory_space<vmem>> -> memref<80xi32, #tpu.memory_space<vmem>>
    %dma_start3A_79 = arith.constant 0 : i32
    %dma_start3A_80 = arith.constant 0 : i32
    %dma_start3A_81 = tpu.memref_slice %arg9[%dma_start3A_79, %dma_start3A_80] : memref<10000x128xf32, #tpu.memory_space<vmem_shared>> -> memref<10000x128xf32, #tpu.memory_space<vmem_shared>>
    tpu.enqueue_indirect_dma source(%arg7 : memref<80x128xf32, #tpu.memory_space<vmem>>) target(%dma_start3A_81 : memref<10000x128xf32, #tpu.memory_space<vmem_shared>>) offsets(%dma_start3A_78 : memref<80xi32, #tpu.memory_space<vmem>>) semaphore(%arg12 : memref<!tpu.dma_semaphore, #tpu.memory_space<semaphore_mem>>) {add = true}
    %dma_wait3A_82 = arith.constant 60 : i32
    %dma_wait3A_83 = arith.constant 0 : i32
    %dma_wait3A_84 = tpu.memref_slice %arg6[%dma_wait3A_82, %dma_wait3A_83] : memref<61x80xi32, #tpu.memory_space<vmem>> -> memref<1x80xi32, #tpu.memory_space<vmem>>
    %dma_wait3A_85 = tpu.memref_squeeze %dma_wait3A_84 : memref<1x80xi32, #tpu.memory_space<vmem>> -> memref<80xi32, #tpu.memory_space<vmem>>
    %dma_wait3A_86 = arith.constant 0 : i32
    %dma_wait3A_87 = arith.constant 0 : i32
    %dma_wait3A_88 = tpu.memref_slice %arg9[%dma_wait3A_86, %dma_wait3A_87] : memref<10000x128xf32, #tpu.memory_space<vmem_shared>> -> memref<10000x128xf32, #tpu.memory_space<vmem_shared>>
    tpu.wait_indirect_dma semaphore(%arg12 : memref<!tpu.dma_semaphore, #tpu.memory_space<semaphore_mem>>) src(%arg7 : memref<80x128xf32, #tpu.memory_space<vmem>>) dst(%dma_wait3A_88 : memref<10000x128xf32, #tpu.memory_space<vmem_shared>>)
    %barrier3A_89 = arith.constant 0 : index
    tpu.barrier barrier_id(%barrier3A_89)
    %mul3A_90 = arith.constant 624 : i32
    %mul3A_91 = arith.muli %arg1, %mul3A_90 : i32
    %mul3A_92 = arith.constant 10000 : i32
    %mul3A_93 = arith.muli %arg0, %mul3A_92 : i32
    %mul3A_94 = arith.constant 624 : i32
    %mul3A_95 = arith.muli %arg1, %mul3A_94 : i32
    %add3A_96 = arith.addi %mul3A_93, %mul3A_95 : i32
    "tpu.region"() ({
      %run_scoped3A = tpu.sem_alloc : memref<!tpu.dma_semaphore, #tpu.memory_space<semaphore_mem>>
      %dma_start3A_102 = arith.constant 0 : i32
      %dma_start3A_103 = tpu.memref_slice %arg5[%add3A_96, %dma_start3A_102] : memref<20000x128xf32, #tpu.memory_space<hbm>> -> memref<624x128xf32, #tpu.memory_space<hbm>>
      %dma_start3A_104 = arith.constant 0 : i32
      %dma_start3A_105 = tpu.memref_slice %arg9[%mul3A_91, %dma_start3A_104] : memref<10000x128xf32, #tpu.memory_space<vmem_shared>> -> memref<624x128xf32, #tpu.memory_space<vmem_shared>>
      tpu.enqueue_dma source(%dma_start3A_105 : memref<624x128xf32, #tpu.memory_space<vmem_shared>>) target(%dma_start3A_103 : memref<624x128xf32, #tpu.memory_space<hbm>>) target_semaphore(%run_scoped3A : memref<!tpu.dma_semaphore, #tpu.memory_space<semaphore_mem>>)
      %dma_wait3A_106 = arith.constant 0 : i32
      %dma_wait3A_107 = tpu.memref_slice %arg5[%add3A_96, %dma_wait3A_106] : memref<20000x128xf32, #tpu.memory_space<hbm>> -> memref<624x128xf32, #tpu.memory_space<hbm>>
      %dma_wait3A_108 = arith.constant 0 : i32
      %dma_wait3A_109 = tpu.memref_slice %arg9[%mul3A_91, %dma_wait3A_108] : memref<10000x128xf32, #tpu.memory_space<vmem_shared>> -> memref<624x128xf32, #tpu.memory_space<vmem_shared>>
      tpu.wait_dma2 semaphore(%run_scoped3A : memref<!tpu.dma_semaphore, #tpu.memory_space<semaphore_mem>>) src(%dma_wait3A_109 : memref<624x128xf32, #tpu.memory_space<vmem_shared>>) dst(%dma_wait3A_107 : memref<624x128xf32, #tpu.memory_space<hbm>>)
      tpu.yield
    }) : () -> ()
    %eq3A_97 = arith.constant 15 : i32
    %eq3A_98 = arith.cmpi eq, %arg1, %eq3A_97 : i32
    %convert_element_type3A_99 = arith.extui %eq3A_98 : i1 to i32
    %cond3A_100 = arith.constant 0 : i32
    %cond3A_101 = arith.cmpi ne, %convert_element_type3A_99, %cond3A_100 : i32
    scf.if %cond3A_101 {
      %mul3A_102 = arith.constant 10000 : i32
      %mul3A_103 = arith.muli %arg0, %mul3A_102 : i32
      %add3A_104 = arith.constant 9984 : i32
      %add3A_105 = arith.addi %mul3A_103, %add3A_104 : i32
      "tpu.region"() ({
        %run_scoped3A = tpu.sem_alloc : memref<!tpu.dma_semaphore, #tpu.memory_space<semaphore_mem>>
        %dma_start3A_106 = arith.constant 0 : i32
        %dma_start3A_107 = tpu.memref_slice %arg5[%add3A_105, %dma_start3A_106] : memref<20000x128xf32, #tpu.memory_space<hbm>> -> memref<16x128xf32, #tpu.memory_space<hbm>>
        %dma_start3A_108 = arith.constant 9984 : i32
        %dma_start3A_109 = arith.constant 0 : i32
        %dma_start3A_110 = tpu.memref_slice %arg9[%dma_start3A_108, %dma_start3A_109] : memref<10000x128xf32, #tpu.memory_space<vmem_shared>> -> memref<16x128xf32, #tpu.memory_space<vmem_shared>>
        tpu.enqueue_dma source(%dma_start3A_110 : memref<16x128xf32, #tpu.memory_space<vmem_shared>>) target(%dma_start3A_107 : memref<16x128xf32, #tpu.memory_space<hbm>>) target_semaphore(%run_scoped3A : memref<!tpu.dma_semaphore, #tpu.memory_space<semaphore_mem>>)
        %dma_wait3A_111 = arith.constant 0 : i32
        %dma_wait3A_112 = tpu.memref_slice %arg5[%add3A_105, %dma_wait3A_111] : memref<20000x128xf32, #tpu.memory_space<hbm>> -> memref<16x128xf32, #tpu.memory_space<hbm>>
        %dma_wait3A_113 = arith.constant 9984 : i32
        %dma_wait3A_114 = arith.constant 0 : i32
        %dma_wait3A_115 = tpu.memref_slice %arg9[%dma_wait3A_113, %dma_wait3A_114] : memref<10000x128xf32, #tpu.memory_space<vmem_shared>> -> memref<16x128xf32, #tpu.memory_space<vmem_shared>>
        tpu.wait_dma2 semaphore(%run_scoped3A : memref<!tpu.dma_semaphore, #tpu.memory_space<semaphore_mem>>) src(%dma_wait3A_115 : memref<16x128xf32, #tpu.memory_space<vmem_shared>>) dst(%dma_wait3A_112 : memref<16x128xf32, #tpu.memory_space<hbm>>)
        tpu.yield
      }) : () -> ()
    } else {
    }
    return
  }
}

#map = affine_map<(d0, d1) -> (0, 0)>
#map1 = affine_map<(d0, d1) -> (0, 0, 0)>
module attributes {stable_mosaic.version = 14 : i64} {
  func.func @k(%arg0: i32, %arg1: i32, %arg2: memref<163840x128xf32, #tpu.memory_space<hbm>>, %arg3: memref<32x64x80xi32, #tpu.memory_space<hbm>>, %arg4: memref<10000x128xf32, #tpu.memory_space<hbm>>, %arg5: memref<20000x128xf32, #tpu.memory_space<hbm>>, %arg6: memref<64x80xi32, #tpu.memory_space<vmem>>, %arg7: memref<80x128xf32, #tpu.memory_space<vmem>>, %arg8: memref<80x128xf32, #tpu.memory_space<vmem>>, %arg9: memref<10000x128xf32, #tpu.memory_space<vmem_shared>>, %arg10: memref<!tpu.dma_semaphore, #tpu.memory_space<semaphore_mem>>, %arg11: memref<!tpu.dma_semaphore, #tpu.memory_space<semaphore_mem>>, %arg12: memref<!tpu.dma_semaphore, #tpu.memory_space<semaphore_mem>>, %arg13: memref<!tpu.dma_semaphore, #tpu.memory_space<semaphore_mem>>) attributes {dimension_semantics = [#tpu.dimension_semantics<core_parallel>, #tpu.dimension_semantics<subcore_parallel>], iteration_bounds = array<i64: 2, 16>, scalar_prefetch = 0 : i64, scratch_operands = 8 : i64, tpu.core_type = #tpu.core_type<sc_vector_subcore>, window_params = [{transform_indices = #map}, {transform_indices = #map1}, {transform_indices = #map}, {transform_indices = #map}]} {
    %mul3A = arith.constant 2 : i32
    %mul3A_0 = arith.muli %arg1, %mul3A : i32
    %add3A = arith.addi %mul3A_0, %arg0 : i32
    %mul3A_1 = arith.constant 5120 : i32
    %mul3A_2 = arith.muli %add3A, %mul3A_1 : i32
    "tpu.region"() ({
      %run_scoped3A = tpu.sem_alloc : memref<!tpu.dma_semaphore, #tpu.memory_space<semaphore_mem>>
      %dma_start3A_76 = arith.constant 0 : i32
      %dma_start3A_77 = arith.constant 0 : i32
      %dma_start3A_78 = tpu.memref_slice %arg3[%add3A, %dma_start3A_76, %dma_start3A_77] : memref<32x64x80xi32, #tpu.memory_space<hbm>> -> memref<1x64x80xi32, #tpu.memory_space<hbm>>
      %dma_start3A_79 = tpu.memref_squeeze %dma_start3A_78 : memref<1x64x80xi32, #tpu.memory_space<hbm>> -> memref<64x80xi32, #tpu.memory_space<hbm>>
      %dma_start3A_80 = arith.constant 0 : i32
      %dma_start3A_81 = arith.constant 0 : i32
      %dma_start3A_82 = tpu.memref_slice %arg3[%add3A, %dma_start3A_80, %dma_start3A_81] : memref<32x64x80xi32, #tpu.memory_space<hbm>> -> memref<1x64x80xi32, #tpu.memory_space<hbm>>
      %dma_start3A_83 = tpu.memref_squeeze %dma_start3A_82 : memref<1x64x80xi32, #tpu.memory_space<hbm>> -> memref<64x80xi32, #tpu.memory_space<hbm>>
      tpu.enqueue_dma source(%dma_start3A_83 : memref<64x80xi32, #tpu.memory_space<hbm>>) target(%arg6 : memref<64x80xi32, #tpu.memory_space<vmem>>) target_semaphore(%run_scoped3A : memref<!tpu.dma_semaphore, #tpu.memory_space<semaphore_mem>>)
      %dma_wait3A_84 = arith.constant 0 : i32
      %dma_wait3A_85 = arith.constant 0 : i32
      %dma_wait3A_86 = tpu.memref_slice %arg3[%add3A, %dma_wait3A_84, %dma_wait3A_85] : memref<32x64x80xi32, #tpu.memory_space<hbm>> -> memref<1x64x80xi32, #tpu.memory_space<hbm>>
      %dma_wait3A_87 = tpu.memref_squeeze %dma_wait3A_86 : memref<1x64x80xi32, #tpu.memory_space<hbm>> -> memref<64x80xi32, #tpu.memory_space<hbm>>
      %dma_wait3A_88 = arith.constant 0 : i32
      %dma_wait3A_89 = arith.constant 0 : i32
      %dma_wait3A_90 = tpu.memref_slice %arg3[%add3A, %dma_wait3A_88, %dma_wait3A_89] : memref<32x64x80xi32, #tpu.memory_space<hbm>> -> memref<1x64x80xi32, #tpu.memory_space<hbm>>
      %dma_wait3A_91 = tpu.memref_squeeze %dma_wait3A_90 : memref<1x64x80xi32, #tpu.memory_space<hbm>> -> memref<64x80xi32, #tpu.memory_space<hbm>>
      tpu.wait_dma2 semaphore(%run_scoped3A : memref<!tpu.dma_semaphore, #tpu.memory_space<semaphore_mem>>) src(%dma_wait3A_91 : memref<64x80xi32, #tpu.memory_space<hbm>>) dst(%arg6 : memref<64x80xi32, #tpu.memory_space<vmem>>)
      tpu.yield
    }) : () -> ()
    %mul3A_3 = arith.constant 624 : i32
    %mul3A_4 = arith.muli %arg1, %mul3A_3 : i32
    %mul3A_5 = arith.constant 624 : i32
    %mul3A_6 = arith.muli %arg1, %mul3A_5 : i32
    "tpu.region"() ({
      %run_scoped3A = tpu.sem_alloc : memref<!tpu.dma_semaphore, #tpu.memory_space<semaphore_mem>>
      %dma_start3A_76 = arith.constant 0 : i32
      %dma_start3A_77 = tpu.memref_slice %arg9[%mul3A_6, %dma_start3A_76] : memref<10000x128xf32, #tpu.memory_space<vmem_shared>> -> memref<624x128xf32, #tpu.memory_space<vmem_shared>>
      %dma_start3A_78 = arith.constant 0 : i32
      %dma_start3A_79 = tpu.memref_slice %arg4[%mul3A_4, %dma_start3A_78] : memref<10000x128xf32, #tpu.memory_space<hbm>> -> memref<624x128xf32, #tpu.memory_space<hbm>>
      tpu.enqueue_dma source(%dma_start3A_79 : memref<624x128xf32, #tpu.memory_space<hbm>>) target(%dma_start3A_77 : memref<624x128xf32, #tpu.memory_space<vmem_shared>>) target_semaphore(%run_scoped3A : memref<!tpu.dma_semaphore, #tpu.memory_space<semaphore_mem>>)
      %dma_wait3A_80 = arith.constant 0 : i32
      %dma_wait3A_81 = tpu.memref_slice %arg9[%mul3A_6, %dma_wait3A_80] : memref<10000x128xf32, #tpu.memory_space<vmem_shared>> -> memref<624x128xf32, #tpu.memory_space<vmem_shared>>
      %dma_wait3A_82 = arith.constant 0 : i32
      %dma_wait3A_83 = tpu.memref_slice %arg4[%mul3A_4, %dma_wait3A_82] : memref<10000x128xf32, #tpu.memory_space<hbm>> -> memref<624x128xf32, #tpu.memory_space<hbm>>
      tpu.wait_dma2 semaphore(%run_scoped3A : memref<!tpu.dma_semaphore, #tpu.memory_space<semaphore_mem>>) src(%dma_wait3A_83 : memref<624x128xf32, #tpu.memory_space<hbm>>) dst(%dma_wait3A_81 : memref<624x128xf32, #tpu.memory_space<vmem_shared>>)
      tpu.yield
    }) : () -> ()
    %eq3A = arith.constant 15 : i32
    %eq3A_7 = arith.cmpi eq, %arg1, %eq3A : i32
    %convert_element_type3A = arith.extui %eq3A_7 : i1 to i32
    %cond3A = arith.constant 0 : i32
    %cond3A_8 = arith.cmpi ne, %convert_element_type3A, %cond3A : i32
    scf.if %cond3A_8 {
      "tpu.region"() ({
        %run_scoped3A = tpu.sem_alloc : memref<!tpu.dma_semaphore, #tpu.memory_space<semaphore_mem>>
        %dma_start3A_76 = arith.constant 9984 : i32
        %dma_start3A_77 = arith.constant 0 : i32
        %dma_start3A_78 = tpu.memref_slice %arg9[%dma_start3A_76, %dma_start3A_77] : memref<10000x128xf32, #tpu.memory_space<vmem_shared>> -> memref<16x128xf32, #tpu.memory_space<vmem_shared>>
        %dma_start3A_79 = arith.constant 9984 : i32
        %dma_start3A_80 = arith.constant 0 : i32
        %dma_start3A_81 = tpu.memref_slice %arg4[%dma_start3A_79, %dma_start3A_80] : memref<10000x128xf32, #tpu.memory_space<hbm>> -> memref<16x128xf32, #tpu.memory_space<hbm>>
        tpu.enqueue_dma source(%dma_start3A_81 : memref<16x128xf32, #tpu.memory_space<hbm>>) target(%dma_start3A_78 : memref<16x128xf32, #tpu.memory_space<vmem_shared>>) target_semaphore(%run_scoped3A : memref<!tpu.dma_semaphore, #tpu.memory_space<semaphore_mem>>)
        %dma_wait3A_82 = arith.constant 9984 : i32
        %dma_wait3A_83 = arith.constant 0 : i32
        %dma_wait3A_84 = tpu.memref_slice %arg9[%dma_wait3A_82, %dma_wait3A_83] : memref<10000x128xf32, #tpu.memory_space<vmem_shared>> -> memref<16x128xf32, #tpu.memory_space<vmem_shared>>
        %dma_wait3A_85 = arith.constant 9984 : i32
        %dma_wait3A_86 = arith.constant 0 : i32
        %dma_wait3A_87 = tpu.memref_slice %arg4[%dma_wait3A_85, %dma_wait3A_86] : memref<10000x128xf32, #tpu.memory_space<hbm>> -> memref<16x128xf32, #tpu.memory_space<hbm>>
        tpu.wait_dma2 semaphore(%run_scoped3A : memref<!tpu.dma_semaphore, #tpu.memory_space<semaphore_mem>>) src(%dma_wait3A_87 : memref<16x128xf32, #tpu.memory_space<hbm>>) dst(%dma_wait3A_84 : memref<16x128xf32, #tpu.memory_space<vmem_shared>>)
        tpu.yield
      }) : () -> ()
    } else {
    }
    %barrier3A = arith.constant 0 : index
    tpu.barrier barrier_id(%barrier3A)
    %add3A_9 = arith.constant 0 : i32
    %add3A_10 = arith.addi %mul3A_2, %add3A_9 : i32
    %dma_start3A = arith.constant 0 : i32
    %dma_start3A_11 = tpu.memref_slice %arg2[%add3A_10, %dma_start3A] : memref<163840x128xf32, #tpu.memory_space<hbm>> -> memref<80x128xf32, #tpu.memory_space<hbm>>
    %dma_start3A_12 = arith.constant 0 : i32
    %dma_start3A_13 = tpu.memref_slice %arg2[%add3A_10, %dma_start3A_12] : memref<163840x128xf32, #tpu.memory_space<hbm>> -> memref<80x128xf32, #tpu.memory_space<hbm>>
    tpu.enqueue_dma source(%dma_start3A_13 : memref<80x128xf32, #tpu.memory_space<hbm>>) target(%arg7 : memref<80x128xf32, #tpu.memory_space<vmem>>) target_semaphore(%arg10 : memref<!tpu.dma_semaphore, #tpu.memory_space<semaphore_mem>>)
    %add3A_14 = arith.constant 0 : i32
    %add3A_15 = arith.addi %mul3A_2, %add3A_14 : i32
    %dma_wait3A = arith.constant 0 : i32
    %dma_wait3A_16 = tpu.memref_slice %arg2[%add3A_15, %dma_wait3A] : memref<163840x128xf32, #tpu.memory_space<hbm>> -> memref<80x128xf32, #tpu.memory_space<hbm>>
    %dma_wait3A_17 = arith.constant 0 : i32
    %dma_wait3A_18 = tpu.memref_slice %arg2[%add3A_15, %dma_wait3A_17] : memref<163840x128xf32, #tpu.memory_space<hbm>> -> memref<80x128xf32, #tpu.memory_space<hbm>>
    tpu.wait_dma2 semaphore(%arg10 : memref<!tpu.dma_semaphore, #tpu.memory_space<semaphore_mem>>) src(%dma_wait3A_18 : memref<80x128xf32, #tpu.memory_space<hbm>>) dst(%arg7 : memref<80x128xf32, #tpu.memory_space<vmem>>)
    %add3A_19 = arith.constant 80 : i32
    %add3A_20 = arith.addi %mul3A_2, %add3A_19 : i32
    %dma_start3A_21 = arith.constant 0 : i32
    %dma_start3A_22 = tpu.memref_slice %arg2[%add3A_20, %dma_start3A_21] : memref<163840x128xf32, #tpu.memory_space<hbm>> -> memref<80x128xf32, #tpu.memory_space<hbm>>
    %dma_start3A_23 = arith.constant 0 : i32
    %dma_start3A_24 = tpu.memref_slice %arg2[%add3A_20, %dma_start3A_23] : memref<163840x128xf32, #tpu.memory_space<hbm>> -> memref<80x128xf32, #tpu.memory_space<hbm>>
    tpu.enqueue_dma source(%dma_start3A_24 : memref<80x128xf32, #tpu.memory_space<hbm>>) target(%arg8 : memref<80x128xf32, #tpu.memory_space<vmem>>) target_semaphore(%arg11 : memref<!tpu.dma_semaphore, #tpu.memory_space<semaphore_mem>>)
    %dma_start3A_25 = arith.constant 0 : i32
    %dma_start3A_26 = arith.constant 0 : i32
    %dma_start3A_27 = tpu.memref_slice %arg6[%dma_start3A_25, %dma_start3A_26] : memref<64x80xi32, #tpu.memory_space<vmem>> -> memref<1x80xi32, #tpu.memory_space<vmem>>
    %dma_start3A_28 = tpu.memref_squeeze %dma_start3A_27 : memref<1x80xi32, #tpu.memory_space<vmem>> -> memref<80xi32, #tpu.memory_space<vmem>>
    %dma_start3A_29 = arith.constant 0 : i32
    %dma_start3A_30 = arith.constant 0 : i32
    %dma_start3A_31 = tpu.memref_slice %arg9[%dma_start3A_29, %dma_start3A_30] : memref<10000x128xf32, #tpu.memory_space<vmem_shared>> -> memref<10000x128xf32, #tpu.memory_space<vmem_shared>>
    tpu.enqueue_indirect_dma source(%arg7 : memref<80x128xf32, #tpu.memory_space<vmem>>) target(%dma_start3A_31 : memref<10000x128xf32, #tpu.memory_space<vmem_shared>>) offsets(%dma_start3A_28 : memref<80xi32, #tpu.memory_space<vmem>>) semaphore(%arg12 : memref<!tpu.dma_semaphore, #tpu.memory_space<semaphore_mem>>) {add = true}
    %scan3A = arith.constant 0 : i32
    %scan3A_32 = arith.constant 31 : i32
    %scan3A_33 = arith.addi %scan3A, %scan3A_32 : i32
    %scan3A_34 = arith.constant 1 : i32
    scf.for %scan3A_76 = %scan3A to %scan3A_33 step %scan3A_34  : i32 {
      %mul3A_77 = arith.constant 2 : i32
      %mul3A_78 = arith.muli %scan3A_76, %mul3A_77 : i32
      %add3A_79 = arith.constant 1 : i32
      %add3A_80 = arith.addi %add3A_79, %mul3A_78 : i32
      %mul3A_81 = arith.constant 80 : i32
      %mul3A_82 = arith.muli %add3A_80, %mul3A_81 : i32
      %add3A_83 = arith.addi %mul3A_2, %mul3A_82 : i32
      %dma_wait3A_84 = arith.constant 0 : i32
      %dma_wait3A_85 = tpu.memref_slice %arg2[%add3A_83, %dma_wait3A_84] : memref<163840x128xf32, #tpu.memory_space<hbm>> -> memref<80x128xf32, #tpu.memory_space<hbm>>
      %dma_wait3A_86 = arith.constant 0 : i32
      %dma_wait3A_87 = tpu.memref_slice %arg2[%add3A_83, %dma_wait3A_86] : memref<163840x128xf32, #tpu.memory_space<hbm>> -> memref<80x128xf32, #tpu.memory_space<hbm>>
      tpu.wait_dma2 semaphore(%arg11 : memref<!tpu.dma_semaphore, #tpu.memory_space<semaphore_mem>>) src(%dma_wait3A_87 : memref<80x128xf32, #tpu.memory_space<hbm>>) dst(%arg8 : memref<80x128xf32, #tpu.memory_space<vmem>>)
      %sub3A = arith.constant 1 : i32
      %sub3A_88 = arith.subi %add3A_80, %sub3A : i32
      %dma_wait3A_89 = arith.constant 0 : i32
      %dma_wait3A_90 = tpu.memref_slice %arg6[%sub3A_88, %dma_wait3A_89] : memref<64x80xi32, #tpu.memory_space<vmem>> -> memref<1x80xi32, #tpu.memory_space<vmem>>
      %dma_wait3A_91 = tpu.memref_squeeze %dma_wait3A_90 : memref<1x80xi32, #tpu.memory_space<vmem>> -> memref<80xi32, #tpu.memory_space<vmem>>
      %dma_wait3A_92 = arith.constant 0 : i32
      %dma_wait3A_93 = arith.constant 0 : i32
      %dma_wait3A_94 = tpu.memref_slice %arg9[%dma_wait3A_92, %dma_wait3A_93] : memref<10000x128xf32, #tpu.memory_space<vmem_shared>> -> memref<10000x128xf32, #tpu.memory_space<vmem_shared>>
      tpu.wait_indirect_dma semaphore(%arg12 : memref<!tpu.dma_semaphore, #tpu.memory_space<semaphore_mem>>) src(%arg7 : memref<80x128xf32, #tpu.memory_space<vmem>>) dst(%dma_wait3A_94 : memref<10000x128xf32, #tpu.memory_space<vmem_shared>>)
      %add3A_95 = arith.constant 1 : i32
      %add3A_96 = arith.addi %add3A_80, %add3A_95 : i32
      %mul3A_97 = arith.constant 80 : i32
      %mul3A_98 = arith.muli %add3A_96, %mul3A_97 : i32
      %add3A_99 = arith.addi %mul3A_2, %mul3A_98 : i32
      %dma_start3A_100 = arith.constant 0 : i32
      %dma_start3A_101 = tpu.memref_slice %arg2[%add3A_99, %dma_start3A_100] : memref<163840x128xf32, #tpu.memory_space<hbm>> -> memref<80x128xf32, #tpu.memory_space<hbm>>
      %dma_start3A_102 = arith.constant 0 : i32
      %dma_start3A_103 = tpu.memref_slice %arg2[%add3A_99, %dma_start3A_102] : memref<163840x128xf32, #tpu.memory_space<hbm>> -> memref<80x128xf32, #tpu.memory_space<hbm>>
      tpu.enqueue_dma source(%dma_start3A_103 : memref<80x128xf32, #tpu.memory_space<hbm>>) target(%arg7 : memref<80x128xf32, #tpu.memory_space<vmem>>) target_semaphore(%arg10 : memref<!tpu.dma_semaphore, #tpu.memory_space<semaphore_mem>>)
      %dma_start3A_104 = arith.constant 0 : i32
      %dma_start3A_105 = tpu.memref_slice %arg6[%add3A_80, %dma_start3A_104] : memref<64x80xi32, #tpu.memory_space<vmem>> -> memref<1x80xi32, #tpu.memory_space<vmem>>
      %dma_start3A_106 = tpu.memref_squeeze %dma_start3A_105 : memref<1x80xi32, #tpu.memory_space<vmem>> -> memref<80xi32, #tpu.memory_space<vmem>>
      %dma_start3A_107 = arith.constant 0 : i32
      %dma_start3A_108 = arith.constant 0 : i32
      %dma_start3A_109 = tpu.memref_slice %arg9[%dma_start3A_107, %dma_start3A_108] : memref<10000x128xf32, #tpu.memory_space<vmem_shared>> -> memref<10000x128xf32, #tpu.memory_space<vmem_shared>>
      tpu.enqueue_indirect_dma source(%arg8 : memref<80x128xf32, #tpu.memory_space<vmem>>) target(%dma_start3A_109 : memref<10000x128xf32, #tpu.memory_space<vmem_shared>>) offsets(%dma_start3A_106 : memref<80xi32, #tpu.memory_space<vmem>>) semaphore(%arg13 : memref<!tpu.dma_semaphore, #tpu.memory_space<semaphore_mem>>) {add = true}
      %add3A_110 = arith.constant 1 : i32
      %add3A_111 = arith.addi %add3A_80, %add3A_110 : i32
      %mul3A_112 = arith.constant 80 : i32
      %mul3A_113 = arith.muli %add3A_111, %mul3A_112 : i32
      %add3A_114 = arith.addi %mul3A_2, %mul3A_113 : i32
      %dma_wait3A_115 = arith.constant 0 : i32
      %dma_wait3A_116 = tpu.memref_slice %arg2[%add3A_114, %dma_wait3A_115] : memref<163840x128xf32, #tpu.memory_space<hbm>> -> memref<80x128xf32, #tpu.memory_space<hbm>>
      %dma_wait3A_117 = arith.constant 0 : i32
      %dma_wait3A_118 = tpu.memref_slice %arg2[%add3A_114, %dma_wait3A_117] : memref<163840x128xf32, #tpu.memory_space<hbm>> -> memref<80x128xf32, #tpu.memory_space<hbm>>
      tpu.wait_dma2 semaphore(%arg10 : memref<!tpu.dma_semaphore, #tpu.memory_space<semaphore_mem>>) src(%dma_wait3A_118 : memref<80x128xf32, #tpu.memory_space<hbm>>) dst(%arg7 : memref<80x128xf32, #tpu.memory_space<vmem>>)
      %dma_wait3A_119 = arith.constant 0 : i32
      %dma_wait3A_120 = tpu.memref_slice %arg6[%add3A_80, %dma_wait3A_119] : memref<64x80xi32, #tpu.memory_space<vmem>> -> memref<1x80xi32, #tpu.memory_space<vmem>>
      %dma_wait3A_121 = tpu.memref_squeeze %dma_wait3A_120 : memref<1x80xi32, #tpu.memory_space<vmem>> -> memref<80xi32, #tpu.memory_space<vmem>>
      %dma_wait3A_122 = arith.constant 0 : i32
      %dma_wait3A_123 = arith.constant 0 : i32
      %dma_wait3A_124 = tpu.memref_slice %arg9[%dma_wait3A_122, %dma_wait3A_123] : memref<10000x128xf32, #tpu.memory_space<vmem_shared>> -> memref<10000x128xf32, #tpu.memory_space<vmem_shared>>
      tpu.wait_indirect_dma semaphore(%arg13 : memref<!tpu.dma_semaphore, #tpu.memory_space<semaphore_mem>>) src(%arg8 : memref<80x128xf32, #tpu.memory_space<vmem>>) dst(%dma_wait3A_124 : memref<10000x128xf32, #tpu.memory_space<vmem_shared>>)
      %add3A_125 = arith.constant 2 : i32
      %add3A_126 = arith.addi %add3A_80, %add3A_125 : i32
      %mul3A_127 = arith.constant 80 : i32
      %mul3A_128 = arith.muli %add3A_126, %mul3A_127 : i32
      %add3A_129 = arith.addi %mul3A_2, %mul3A_128 : i32
      %dma_start3A_130 = arith.constant 0 : i32
      %dma_start3A_131 = tpu.memref_slice %arg2[%add3A_129, %dma_start3A_130] : memref<163840x128xf32, #tpu.memory_space<hbm>> -> memref<80x128xf32, #tpu.memory_space<hbm>>
      %dma_start3A_132 = arith.constant 0 : i32
      %dma_start3A_133 = tpu.memref_slice %arg2[%add3A_129, %dma_start3A_132] : memref<163840x128xf32, #tpu.memory_space<hbm>> -> memref<80x128xf32, #tpu.memory_space<hbm>>
      tpu.enqueue_dma source(%dma_start3A_133 : memref<80x128xf32, #tpu.memory_space<hbm>>) target(%arg8 : memref<80x128xf32, #tpu.memory_space<vmem>>) target_semaphore(%arg11 : memref<!tpu.dma_semaphore, #tpu.memory_space<semaphore_mem>>)
      %add3A_134 = arith.constant 1 : i32
      %add3A_135 = arith.addi %add3A_80, %add3A_134 : i32
      %dma_start3A_136 = arith.constant 0 : i32
      %dma_start3A_137 = tpu.memref_slice %arg6[%add3A_135, %dma_start3A_136] : memref<64x80xi32, #tpu.memory_space<vmem>> -> memref<1x80xi32, #tpu.memory_space<vmem>>
      %dma_start3A_138 = tpu.memref_squeeze %dma_start3A_137 : memref<1x80xi32, #tpu.memory_space<vmem>> -> memref<80xi32, #tpu.memory_space<vmem>>
      %dma_start3A_139 = arith.constant 0 : i32
      %dma_start3A_140 = arith.constant 0 : i32
      %dma_start3A_141 = tpu.memref_slice %arg9[%dma_start3A_139, %dma_start3A_140] : memref<10000x128xf32, #tpu.memory_space<vmem_shared>> -> memref<10000x128xf32, #tpu.memory_space<vmem_shared>>
      tpu.enqueue_indirect_dma source(%arg7 : memref<80x128xf32, #tpu.memory_space<vmem>>) target(%dma_start3A_141 : memref<10000x128xf32, #tpu.memory_space<vmem_shared>>) offsets(%dma_start3A_138 : memref<80xi32, #tpu.memory_space<vmem>>) semaphore(%arg12 : memref<!tpu.dma_semaphore, #tpu.memory_space<semaphore_mem>>) {add = true}
    }
    %scan3A_35 = arith.constant 31 : i32
    %add3A_36 = arith.constant 5040 : i32
    %add3A_37 = arith.addi %mul3A_2, %add3A_36 : i32
    %dma_wait3A_38 = arith.constant 0 : i32
    %dma_wait3A_39 = tpu.memref_slice %arg2[%add3A_37, %dma_wait3A_38] : memref<163840x128xf32, #tpu.memory_space<hbm>> -> memref<80x128xf32, #tpu.memory_space<hbm>>
    %dma_wait3A_40 = arith.constant 0 : i32
    %dma_wait3A_41 = tpu.memref_slice %arg2[%add3A_37, %dma_wait3A_40] : memref<163840x128xf32, #tpu.memory_space<hbm>> -> memref<80x128xf32, #tpu.memory_space<hbm>>
    tpu.wait_dma2 semaphore(%arg11 : memref<!tpu.dma_semaphore, #tpu.memory_space<semaphore_mem>>) src(%dma_wait3A_41 : memref<80x128xf32, #tpu.memory_space<hbm>>) dst(%arg8 : memref<80x128xf32, #tpu.memory_space<vmem>>)
    %dma_wait3A_42 = arith.constant 62 : i32
    %dma_wait3A_43 = arith.constant 0 : i32
    %dma_wait3A_44 = tpu.memref_slice %arg6[%dma_wait3A_42, %dma_wait3A_43] : memref<64x80xi32, #tpu.memory_space<vmem>> -> memref<1x80xi32, #tpu.memory_space<vmem>>
    %dma_wait3A_45 = tpu.memref_squeeze %dma_wait3A_44 : memref<1x80xi32, #tpu.memory_space<vmem>> -> memref<80xi32, #tpu.memory_space<vmem>>
    %dma_wait3A_46 = arith.constant 0 : i32
    %dma_wait3A_47 = arith.constant 0 : i32
    %dma_wait3A_48 = tpu.memref_slice %arg9[%dma_wait3A_46, %dma_wait3A_47] : memref<10000x128xf32, #tpu.memory_space<vmem_shared>> -> memref<10000x128xf32, #tpu.memory_space<vmem_shared>>
    tpu.wait_indirect_dma semaphore(%arg12 : memref<!tpu.dma_semaphore, #tpu.memory_space<semaphore_mem>>) src(%arg7 : memref<80x128xf32, #tpu.memory_space<vmem>>) dst(%dma_wait3A_48 : memref<10000x128xf32, #tpu.memory_space<vmem_shared>>)
    %dma_start3A_49 = arith.constant 63 : i32
    %dma_start3A_50 = arith.constant 0 : i32
    %dma_start3A_51 = tpu.memref_slice %arg6[%dma_start3A_49, %dma_start3A_50] : memref<64x80xi32, #tpu.memory_space<vmem>> -> memref<1x80xi32, #tpu.memory_space<vmem>>
    %dma_start3A_52 = tpu.memref_squeeze %dma_start3A_51 : memref<1x80xi32, #tpu.memory_space<vmem>> -> memref<80xi32, #tpu.memory_space<vmem>>
    %dma_start3A_53 = arith.constant 0 : i32
    %dma_start3A_54 = arith.constant 0 : i32
    %dma_start3A_55 = tpu.memref_slice %arg9[%dma_start3A_53, %dma_start3A_54] : memref<10000x128xf32, #tpu.memory_space<vmem_shared>> -> memref<10000x128xf32, #tpu.memory_space<vmem_shared>>
    tpu.enqueue_indirect_dma source(%arg8 : memref<80x128xf32, #tpu.memory_space<vmem>>) target(%dma_start3A_55 : memref<10000x128xf32, #tpu.memory_space<vmem_shared>>) offsets(%dma_start3A_52 : memref<80xi32, #tpu.memory_space<vmem>>) semaphore(%arg13 : memref<!tpu.dma_semaphore, #tpu.memory_space<semaphore_mem>>) {add = true}
    %dma_wait3A_56 = arith.constant 63 : i32
    %dma_wait3A_57 = arith.constant 0 : i32
    %dma_wait3A_58 = tpu.memref_slice %arg6[%dma_wait3A_56, %dma_wait3A_57] : memref<64x80xi32, #tpu.memory_space<vmem>> -> memref<1x80xi32, #tpu.memory_space<vmem>>
    %dma_wait3A_59 = tpu.memref_squeeze %dma_wait3A_58 : memref<1x80xi32, #tpu.memory_space<vmem>> -> memref<80xi32, #tpu.memory_space<vmem>>
    %dma_wait3A_60 = arith.constant 0 : i32
    %dma_wait3A_61 = arith.constant 0 : i32
    %dma_wait3A_62 = tpu.memref_slice %arg9[%dma_wait3A_60, %dma_wait3A_61] : memref<10000x128xf32, #tpu.memory_space<vmem_shared>> -> memref<10000x128xf32, #tpu.memory_space<vmem_shared>>
    tpu.wait_indirect_dma semaphore(%arg13 : memref<!tpu.dma_semaphore, #tpu.memory_space<semaphore_mem>>) src(%arg8 : memref<80x128xf32, #tpu.memory_space<vmem>>) dst(%dma_wait3A_62 : memref<10000x128xf32, #tpu.memory_space<vmem_shared>>)
    %barrier3A_63 = arith.constant 0 : index
    tpu.barrier barrier_id(%barrier3A_63)
    %mul3A_64 = arith.constant 624 : i32
    %mul3A_65 = arith.muli %arg1, %mul3A_64 : i32
    %mul3A_66 = arith.constant 10000 : i32
    %mul3A_67 = arith.muli %arg0, %mul3A_66 : i32
    %mul3A_68 = arith.constant 624 : i32
    %mul3A_69 = arith.muli %arg1, %mul3A_68 : i32
    %add3A_70 = arith.addi %mul3A_67, %mul3A_69 : i32
    "tpu.region"() ({
      %run_scoped3A = tpu.sem_alloc : memref<!tpu.dma_semaphore, #tpu.memory_space<semaphore_mem>>
      %dma_start3A_76 = arith.constant 0 : i32
      %dma_start3A_77 = tpu.memref_slice %arg5[%add3A_70, %dma_start3A_76] : memref<20000x128xf32, #tpu.memory_space<hbm>> -> memref<624x128xf32, #tpu.memory_space<hbm>>
      %dma_start3A_78 = arith.constant 0 : i32
      %dma_start3A_79 = tpu.memref_slice %arg9[%mul3A_65, %dma_start3A_78] : memref<10000x128xf32, #tpu.memory_space<vmem_shared>> -> memref<624x128xf32, #tpu.memory_space<vmem_shared>>
      tpu.enqueue_dma source(%dma_start3A_79 : memref<624x128xf32, #tpu.memory_space<vmem_shared>>) target(%dma_start3A_77 : memref<624x128xf32, #tpu.memory_space<hbm>>) target_semaphore(%run_scoped3A : memref<!tpu.dma_semaphore, #tpu.memory_space<semaphore_mem>>)
      %dma_wait3A_80 = arith.constant 0 : i32
      %dma_wait3A_81 = tpu.memref_slice %arg5[%add3A_70, %dma_wait3A_80] : memref<20000x128xf32, #tpu.memory_space<hbm>> -> memref<624x128xf32, #tpu.memory_space<hbm>>
      %dma_wait3A_82 = arith.constant 0 : i32
      %dma_wait3A_83 = tpu.memref_slice %arg9[%mul3A_65, %dma_wait3A_82] : memref<10000x128xf32, #tpu.memory_space<vmem_shared>> -> memref<624x128xf32, #tpu.memory_space<vmem_shared>>
      tpu.wait_dma2 semaphore(%run_scoped3A : memref<!tpu.dma_semaphore, #tpu.memory_space<semaphore_mem>>) src(%dma_wait3A_83 : memref<624x128xf32, #tpu.memory_space<vmem_shared>>) dst(%dma_wait3A_81 : memref<624x128xf32, #tpu.memory_space<hbm>>)
      tpu.yield
    }) : () -> ()
    %eq3A_71 = arith.constant 15 : i32
    %eq3A_72 = arith.cmpi eq, %arg1, %eq3A_71 : i32
    %convert_element_type3A_73 = arith.extui %eq3A_72 : i1 to i32
    %cond3A_74 = arith.constant 0 : i32
    %cond3A_75 = arith.cmpi ne, %convert_element_type3A_73, %cond3A_74 : i32
    scf.if %cond3A_75 {
      %mul3A_76 = arith.constant 10000 : i32
      %mul3A_77 = arith.muli %arg0, %mul3A_76 : i32
      %add3A_78 = arith.constant 9984 : i32
      %add3A_79 = arith.addi %mul3A_77, %add3A_78 : i32
      "tpu.region"() ({
        %run_scoped3A = tpu.sem_alloc : memref<!tpu.dma_semaphore, #tpu.memory_space<semaphore_mem>>
        %dma_start3A_80 = arith.constant 0 : i32
        %dma_start3A_81 = tpu.memref_slice %arg5[%add3A_79, %dma_start3A_80] : memref<20000x128xf32, #tpu.memory_space<hbm>> -> memref<16x128xf32, #tpu.memory_space<hbm>>
        %dma_start3A_82 = arith.constant 9984 : i32
        %dma_start3A_83 = arith.constant 0 : i32
        %dma_start3A_84 = tpu.memref_slice %arg9[%dma_start3A_82, %dma_start3A_83] : memref<10000x128xf32, #tpu.memory_space<vmem_shared>> -> memref<16x128xf32, #tpu.memory_space<vmem_shared>>
        tpu.enqueue_dma source(%dma_start3A_84 : memref<16x128xf32, #tpu.memory_space<vmem_shared>>) target(%dma_start3A_81 : memref<16x128xf32, #tpu.memory_space<hbm>>) target_semaphore(%run_scoped3A : memref<!tpu.dma_semaphore, #tpu.memory_space<semaphore_mem>>)
        %dma_wait3A_85 = arith.constant 0 : i32
        %dma_wait3A_86 = tpu.memref_slice %arg5[%add3A_79, %dma_wait3A_85] : memref<20000x128xf32, #tpu.memory_space<hbm>> -> memref<16x128xf32, #tpu.memory_space<hbm>>
        %dma_wait3A_87 = arith.constant 9984 : i32
        %dma_wait3A_88 = arith.constant 0 : i32
        %dma_wait3A_89 = tpu.memref_slice %arg9[%dma_wait3A_87, %dma_wait3A_88] : memref<10000x128xf32, #tpu.memory_space<vmem_shared>> -> memref<16x128xf32, #tpu.memory_space<vmem_shared>>
        tpu.wait_dma2 semaphore(%run_scoped3A : memref<!tpu.dma_semaphore, #tpu.memory_space<semaphore_mem>>) src(%dma_wait3A_89 : memref<16x128xf32, #tpu.memory_space<vmem_shared>>) dst(%dma_wait3A_86 : memref<16x128xf32, #tpu.memory_space<hbm>>)
        tpu.yield
      }) : () -> ()
    } else {
    }
    return
  }
}

#map = affine_map<(d0, d1) -> (0, 0)>
#map1 = affine_map<(d0, d1) -> (0)>
module attributes {stable_mosaic.version = 14 : i64} {
  func.func @k(%arg0: i32, %arg1: i32, %arg2: memref<10000x128xf32, #tpu.memory_space<hbm>>, %arg3: memref<10000x128xf32, #tpu.memory_space<hbm>>, %arg4: memref<156160xi32, #tpu.memory_space<hbm>>, %arg5: memref<156160xi32, #tpu.memory_space<hbm>>, %arg6: memref<156160x128xf32, #tpu.memory_space<hbm>>, %arg7: memref<4880xi32, #tpu.memory_space<vmem>>, %arg8: memref<4880xi32, #tpu.memory_space<vmem>>, %arg9: memref<80x128xf32, #tpu.memory_space<vmem>>, %arg10: memref<80x128xf32, #tpu.memory_space<vmem>>, %arg11: memref<80x128xf32, #tpu.memory_space<vmem>>, %arg12: memref<80x128xf32, #tpu.memory_space<vmem>>, %arg13: memref<80x128xf32, #tpu.memory_space<vmem>>, %arg14: memref<80x128xf32, #tpu.memory_space<vmem>>, %arg15: memref<!tpu.dma_semaphore, #tpu.memory_space<semaphore_mem>>, %arg16: memref<!tpu.dma_semaphore, #tpu.memory_space<semaphore_mem>>, %arg17: memref<!tpu.dma_semaphore, #tpu.memory_space<semaphore_mem>>, %arg18: memref<!tpu.dma_semaphore, #tpu.memory_space<semaphore_mem>>, %arg19: memref<!tpu.dma_semaphore, #tpu.memory_space<semaphore_mem>>, %arg20: memref<!tpu.dma_semaphore, #tpu.memory_space<semaphore_mem>>, %arg21: memref<!tpu.dma_semaphore, #tpu.memory_space<semaphore_mem>>, %arg22: memref<!tpu.dma_semaphore, #tpu.memory_space<semaphore_mem>>, %arg23: memref<!tpu.dma_semaphore, #tpu.memory_space<semaphore_mem>>) attributes {dimension_semantics = [#tpu.dimension_semantics<core_parallel>, #tpu.dimension_semantics<subcore_parallel>], iteration_bounds = array<i64: 2, 16>, scalar_prefetch = 0 : i64, scratch_operands = 17 : i64, tpu.core_type = #tpu.core_type<sc_vector_subcore>, window_params = [{transform_indices = #map}, {transform_indices = #map}, {transform_indices = #map1}, {transform_indices = #map1}, {transform_indices = #map}]} {
    %mul3A = arith.constant 2 : i32
    %mul3A_0 = arith.muli %arg1, %mul3A : i32
    %add3A = arith.addi %mul3A_0, %arg0 : i32
    %mul3A_1 = arith.constant 4880 : i32
    %mul3A_2 = arith.muli %add3A, %mul3A_1 : i32
    "tpu.region"() ({
      %run_scoped3A = tpu.sem_alloc : memref<!tpu.dma_semaphore, #tpu.memory_space<semaphore_mem>>
      %dma_start3A_153 = tpu.memref_slice %arg4[%mul3A_2] : memref<156160xi32, #tpu.memory_space<hbm>> -> memref<4880xi32, #tpu.memory_space<hbm>>
      %dma_start3A_154 = tpu.memref_slice %arg4[%mul3A_2] : memref<156160xi32, #tpu.memory_space<hbm>> -> memref<4880xi32, #tpu.memory_space<hbm>>
      tpu.enqueue_dma source(%dma_start3A_154 : memref<4880xi32, #tpu.memory_space<hbm>>) target(%arg7 : memref<4880xi32, #tpu.memory_space<vmem>>) target_semaphore(%run_scoped3A : memref<!tpu.dma_semaphore, #tpu.memory_space<semaphore_mem>>)
      %dma_wait3A_155 = tpu.memref_slice %arg4[%mul3A_2] : memref<156160xi32, #tpu.memory_space<hbm>> -> memref<4880xi32, #tpu.memory_space<hbm>>
      %dma_wait3A_156 = tpu.memref_slice %arg4[%mul3A_2] : memref<156160xi32, #tpu.memory_space<hbm>> -> memref<4880xi32, #tpu.memory_space<hbm>>
      tpu.wait_dma2 semaphore(%run_scoped3A : memref<!tpu.dma_semaphore, #tpu.memory_space<semaphore_mem>>) src(%dma_wait3A_156 : memref<4880xi32, #tpu.memory_space<hbm>>) dst(%arg7 : memref<4880xi32, #tpu.memory_space<vmem>>)
      tpu.yield
    }) : () -> ()
    "tpu.region"() ({
      %run_scoped3A = tpu.sem_alloc : memref<!tpu.dma_semaphore, #tpu.memory_space<semaphore_mem>>
      %dma_start3A_153 = tpu.memref_slice %arg5[%mul3A_2] : memref<156160xi32, #tpu.memory_space<hbm>> -> memref<4880xi32, #tpu.memory_space<hbm>>
      %dma_start3A_154 = tpu.memref_slice %arg5[%mul3A_2] : memref<156160xi32, #tpu.memory_space<hbm>> -> memref<4880xi32, #tpu.memory_space<hbm>>
      tpu.enqueue_dma source(%dma_start3A_154 : memref<4880xi32, #tpu.memory_space<hbm>>) target(%arg8 : memref<4880xi32, #tpu.memory_space<vmem>>) target_semaphore(%run_scoped3A : memref<!tpu.dma_semaphore, #tpu.memory_space<semaphore_mem>>)
      %dma_wait3A_155 = tpu.memref_slice %arg5[%mul3A_2] : memref<156160xi32, #tpu.memory_space<hbm>> -> memref<4880xi32, #tpu.memory_space<hbm>>
      %dma_wait3A_156 = tpu.memref_slice %arg5[%mul3A_2] : memref<156160xi32, #tpu.memory_space<hbm>> -> memref<4880xi32, #tpu.memory_space<hbm>>
      tpu.wait_dma2 semaphore(%run_scoped3A : memref<!tpu.dma_semaphore, #tpu.memory_space<semaphore_mem>>) src(%dma_wait3A_156 : memref<4880xi32, #tpu.memory_space<hbm>>) dst(%arg8 : memref<4880xi32, #tpu.memory_space<vmem>>)
      tpu.yield
    }) : () -> ()
    %dma_start3A = arith.constant 0 : i32
    %dma_start3A_3 = tpu.memref_slice %arg7[%dma_start3A] : memref<4880xi32, #tpu.memory_space<vmem>> -> memref<80xi32, #tpu.memory_space<vmem>>
    %dma_start3A_4 = arith.constant 0 : i32
    %dma_start3A_5 = arith.constant 0 : i32
    %dma_start3A_6 = tpu.memref_slice %arg2[%dma_start3A_4, %dma_start3A_5] : memref<10000x128xf32, #tpu.memory_space<hbm>> -> memref<10000x128xf32, #tpu.memory_space<hbm>>
    tpu.enqueue_indirect_dma source(%dma_start3A_6 : memref<10000x128xf32, #tpu.memory_space<hbm>>) target(%arg9 : memref<80x128xf32, #tpu.memory_space<vmem>>) offsets(%dma_start3A_3 : memref<80xi32, #tpu.memory_space<vmem>>) semaphore(%arg15 : memref<!tpu.dma_semaphore, #tpu.memory_space<semaphore_mem>>)
    %dma_start3A_7 = arith.constant 0 : i32
    %dma_start3A_8 = tpu.memref_slice %arg8[%dma_start3A_7] : memref<4880xi32, #tpu.memory_space<vmem>> -> memref<80xi32, #tpu.memory_space<vmem>>
    %dma_start3A_9 = arith.constant 0 : i32
    %dma_start3A_10 = arith.constant 0 : i32
    %dma_start3A_11 = tpu.memref_slice %arg3[%dma_start3A_9, %dma_start3A_10] : memref<10000x128xf32, #tpu.memory_space<hbm>> -> memref<10000x128xf32, #tpu.memory_space<hbm>>
    tpu.enqueue_indirect_dma source(%dma_start3A_11 : memref<10000x128xf32, #tpu.memory_space<hbm>>) target(%arg10 : memref<80x128xf32, #tpu.memory_space<vmem>>) offsets(%dma_start3A_8 : memref<80xi32, #tpu.memory_space<vmem>>) semaphore(%arg16 : memref<!tpu.dma_semaphore, #tpu.memory_space<semaphore_mem>>)
    %dma_wait3A = arith.constant 0 : i32
    %dma_wait3A_12 = tpu.memref_slice %arg7[%dma_wait3A] : memref<4880xi32, #tpu.memory_space<vmem>> -> memref<80xi32, #tpu.memory_space<vmem>>
    %dma_wait3A_13 = arith.constant 0 : i32
    %dma_wait3A_14 = arith.constant 0 : i32
    %dma_wait3A_15 = tpu.memref_slice %arg2[%dma_wait3A_13, %dma_wait3A_14] : memref<10000x128xf32, #tpu.memory_space<hbm>> -> memref<10000x128xf32, #tpu.memory_space<hbm>>
    tpu.wait_indirect_dma semaphore(%arg15 : memref<!tpu.dma_semaphore, #tpu.memory_space<semaphore_mem>>) src(%dma_wait3A_15 : memref<10000x128xf32, #tpu.memory_space<hbm>>) dst(%arg9 : memref<80x128xf32, #tpu.memory_space<vmem>>)
    %dma_wait3A_16 = arith.constant 0 : i32
    %dma_wait3A_17 = tpu.memref_slice %arg8[%dma_wait3A_16] : memref<4880xi32, #tpu.memory_space<vmem>> -> memref<80xi32, #tpu.memory_space<vmem>>
    %dma_wait3A_18 = arith.constant 0 : i32
    %dma_wait3A_19 = arith.constant 0 : i32
    %dma_wait3A_20 = tpu.memref_slice %arg3[%dma_wait3A_18, %dma_wait3A_19] : memref<10000x128xf32, #tpu.memory_space<hbm>> -> memref<10000x128xf32, #tpu.memory_space<hbm>>
    tpu.wait_indirect_dma semaphore(%arg16 : memref<!tpu.dma_semaphore, #tpu.memory_space<semaphore_mem>>) src(%dma_wait3A_20 : memref<10000x128xf32, #tpu.memory_space<hbm>>) dst(%arg10 : memref<80x128xf32, #tpu.memory_space<vmem>>)
    %dma_start3A_21 = arith.constant 80 : i32
    %dma_start3A_22 = tpu.memref_slice %arg7[%dma_start3A_21] : memref<4880xi32, #tpu.memory_space<vmem>> -> memref<80xi32, #tpu.memory_space<vmem>>
    %dma_start3A_23 = arith.constant 0 : i32
    %dma_start3A_24 = arith.constant 0 : i32
    %dma_start3A_25 = tpu.memref_slice %arg2[%dma_start3A_23, %dma_start3A_24] : memref<10000x128xf32, #tpu.memory_space<hbm>> -> memref<10000x128xf32, #tpu.memory_space<hbm>>
    tpu.enqueue_indirect_dma source(%dma_start3A_25 : memref<10000x128xf32, #tpu.memory_space<hbm>>) target(%arg11 : memref<80x128xf32, #tpu.memory_space<vmem>>) offsets(%dma_start3A_22 : memref<80xi32, #tpu.memory_space<vmem>>) semaphore(%arg17 : memref<!tpu.dma_semaphore, #tpu.memory_space<semaphore_mem>>)
    %dma_start3A_26 = arith.constant 80 : i32
    %dma_start3A_27 = tpu.memref_slice %arg8[%dma_start3A_26] : memref<4880xi32, #tpu.memory_space<vmem>> -> memref<80xi32, #tpu.memory_space<vmem>>
    %dma_start3A_28 = arith.constant 0 : i32
    %dma_start3A_29 = arith.constant 0 : i32
    %dma_start3A_30 = tpu.memref_slice %arg3[%dma_start3A_28, %dma_start3A_29] : memref<10000x128xf32, #tpu.memory_space<hbm>> -> memref<10000x128xf32, #tpu.memory_space<hbm>>
    tpu.enqueue_indirect_dma source(%dma_start3A_30 : memref<10000x128xf32, #tpu.memory_space<hbm>>) target(%arg12 : memref<80x128xf32, #tpu.memory_space<vmem>>) offsets(%dma_start3A_27 : memref<80xi32, #tpu.memory_space<vmem>>) semaphore(%arg18 : memref<!tpu.dma_semaphore, #tpu.memory_space<semaphore_mem>>)
    %scan3A = arith.constant 0 : i32
    %scan3A_31 = arith.constant 80 : i32
    %scan3A_32 = arith.addi %scan3A, %scan3A_31 : i32
    %scan3A_33 = arith.constant 1 : i32
    scf.for %scan3A_153 = %scan3A to %scan3A_32 step %scan3A_33  : i32 {
      %mul3A_154 = arith.constant 1 : i32
      %mul3A_155 = arith.muli %scan3A_153, %mul3A_154 : i32
      %add3A_156 = arith.constant 0 : i32
      %add3A_157 = arith.addi %add3A_156, %mul3A_155 : i32
      %get3A = arith.index_cast %add3A_157 : i32 to index
      %get3A_158 = arith.constant 0 : index
      %get3A_159 = tpu.vector_load %arg10[%get3A, %get3A_158] {strides = array<i32>} : memref<80x128xf32, #tpu.memory_space<vmem>>, vector<1x16xf32>,
      %get3A_160 = vector.shape_cast %get3A_159 : vector<1x16xf32> to vector<16xf32>
      %swap3A = arith.index_cast %add3A_157 : i32 to index
      %swap3A_161 = arith.constant 0 : index
      %swap3A_162 = tpu.vector_load %arg9[%swap3A, %swap3A_161] {strides = array<i32>} : memref<80x128xf32, #tpu.memory_space<vmem>>, vector<1x16xf32>,
      %swap3A_163 = vector.shape_cast %swap3A_162 : vector<1x16xf32> to vector<16xf32>
      %swap3A_164 = vector.shape_cast %get3A_160 : vector<16xf32> to vector<1x16xf32>
      tpu.vector_store %arg9[%swap3A, %swap3A_161], %swap3A_164 {add = true, strides = array<i32>} : memref<80x128xf32, #tpu.memory_space<vmem>>, vector<1x16xf32>,
      %get3A_165 = arith.index_cast %add3A_157 : i32 to index
      %get3A_166 = arith.constant 16 : index
      %get3A_167 = tpu.vector_load %arg10[%get3A_165, %get3A_166] {strides = array<i32>} : memref<80x128xf32, #tpu.memory_space<vmem>>, vector<1x16xf32>,
      %get3A_168 = vector.shape_cast %get3A_167 : vector<1x16xf32> to vector<16xf32>
      %swap3A_169 = arith.index_cast %add3A_157 : i32 to index
      %swap3A_170 = arith.constant 16 : index
      %swap3A_171 = tpu.vector_load %arg9[%swap3A_169, %swap3A_170] {strides = array<i32>} : memref<80x128xf32, #tpu.memory_space<vmem>>, vector<1x16xf32>,
      %swap3A_172 = vector.shape_cast %swap3A_171 : vector<1x16xf32> to vector<16xf32>
      %swap3A_173 = vector.shape_cast %get3A_168 : vector<16xf32> to vector<1x16xf32>
      tpu.vector_store %arg9[%swap3A_169, %swap3A_170], %swap3A_173 {add = true, strides = array<i32>} : memref<80x128xf32, #tpu.memory_space<vmem>>, vector<1x16xf32>,
      %get3A_174 = arith.index_cast %add3A_157 : i32 to index
      %get3A_175 = arith.constant 32 : index
      %get3A_176 = tpu.vector_load %arg10[%get3A_174, %get3A_175] {strides = array<i32>} : memref<80x128xf32, #tpu.memory_space<vmem>>, vector<1x16xf32>,
      %get3A_177 = vector.shape_cast %get3A_176 : vector<1x16xf32> to vector<16xf32>
      %swap3A_178 = arith.index_cast %add3A_157 : i32 to index
      %swap3A_179 = arith.constant 32 : index
      %swap3A_180 = tpu.vector_load %arg9[%swap3A_178, %swap3A_179] {strides = array<i32>} : memref<80x128xf32, #tpu.memory_space<vmem>>, vector<1x16xf32>,
      %swap3A_181 = vector.shape_cast %swap3A_180 : vector<1x16xf32> to vector<16xf32>
      %swap3A_182 = vector.shape_cast %get3A_177 : vector<16xf32> to vector<1x16xf32>
      tpu.vector_store %arg9[%swap3A_178, %swap3A_179], %swap3A_182 {add = true, strides = array<i32>} : memref<80x128xf32, #tpu.memory_space<vmem>>, vector<1x16xf32>,
      %get3A_183 = arith.index_cast %add3A_157 : i32 to index
      %get3A_184 = arith.constant 48 : index
      %get3A_185 = tpu.vector_load %arg10[%get3A_183, %get3A_184] {strides = array<i32>} : memref<80x128xf32, #tpu.memory_space<vmem>>, vector<1x16xf32>,
      %get3A_186 = vector.shape_cast %get3A_185 : vector<1x16xf32> to vector<16xf32>
      %swap3A_187 = arith.index_cast %add3A_157 : i32 to index
      %swap3A_188 = arith.constant 48 : index
      %swap3A_189 = tpu.vector_load %arg9[%swap3A_187, %swap3A_188] {strides = array<i32>} : memref<80x128xf32, #tpu.memory_space<vmem>>, vector<1x16xf32>,
      %swap3A_190 = vector.shape_cast %swap3A_189 : vector<1x16xf32> to vector<16xf32>
      %swap3A_191 = vector.shape_cast %get3A_186 : vector<16xf32> to vector<1x16xf32>
      tpu.vector_store %arg9[%swap3A_187, %swap3A_188], %swap3A_191 {add = true, strides = array<i32>} : memref<80x128xf32, #tpu.memory_space<vmem>>, vector<1x16xf32>,
      %get3A_192 = arith.index_cast %add3A_157 : i32 to index
      %get3A_193 = arith.constant 64 : index
      %get3A_194 = tpu.vector_load %arg10[%get3A_192, %get3A_193] {strides = array<i32>} : memref<80x128xf32, #tpu.memory_space<vmem>>, vector<1x16xf32>,
      %get3A_195 = vector.shape_cast %get3A_194 : vector<1x16xf32> to vector<16xf32>
      %swap3A_196 = arith.index_cast %add3A_157 : i32 to index
      %swap3A_197 = arith.constant 64 : index
      %swap3A_198 = tpu.vector_load %arg9[%swap3A_196, %swap3A_197] {strides = array<i32>} : memref<80x128xf32, #tpu.memory_space<vmem>>, vector<1x16xf32>,
      %swap3A_199 = vector.shape_cast %swap3A_198 : vector<1x16xf32> to vector<16xf32>
      %swap3A_200 = vector.shape_cast %get3A_195 : vector<16xf32> to vector<1x16xf32>
      tpu.vector_store %arg9[%swap3A_196, %swap3A_197], %swap3A_200 {add = true, strides = array<i32>} : memref<80x128xf32, #tpu.memory_space<vmem>>, vector<1x16xf32>,
      %get3A_201 = arith.index_cast %add3A_157 : i32 to index
      %get3A_202 = arith.constant 80 : index
      %get3A_203 = tpu.vector_load %arg10[%get3A_201, %get3A_202] {strides = array<i32>} : memref<80x128xf32, #tpu.memory_space<vmem>>, vector<1x16xf32>,
      %get3A_204 = vector.shape_cast %get3A_203 : vector<1x16xf32> to vector<16xf32>
      %swap3A_205 = arith.index_cast %add3A_157 : i32 to index
      %swap3A_206 = arith.constant 80 : index
      %swap3A_207 = tpu.vector_load %arg9[%swap3A_205, %swap3A_206] {strides = array<i32>} : memref<80x128xf32, #tpu.memory_space<vmem>>, vector<1x16xf32>,
      %swap3A_208 = vector.shape_cast %swap3A_207 : vector<1x16xf32> to vector<16xf32>
      %swap3A_209 = vector.shape_cast %get3A_204 : vector<16xf32> to vector<1x16xf32>
      tpu.vector_store %arg9[%swap3A_205, %swap3A_206], %swap3A_209 {add = true, strides = array<i32>} : memref<80x128xf32, #tpu.memory_space<vmem>>, vector<1x16xf32>,
      %get3A_210 = arith.index_cast %add3A_157 : i32 to index
      %get3A_211 = arith.constant 96 : index
      %get3A_212 = tpu.vector_load %arg10[%get3A_210, %get3A_211] {strides = array<i32>} : memref<80x128xf32, #tpu.memory_space<vmem>>, vector<1x16xf32>,
      %get3A_213 = vector.shape_cast %get3A_212 : vector<1x16xf32> to vector<16xf32>
      %swap3A_214 = arith.index_cast %add3A_157 : i32 to index
      %swap3A_215 = arith.constant 96 : index
      %swap3A_216 = tpu.vector_load %arg9[%swap3A_214, %swap3A_215] {strides = array<i32>} : memref<80x128xf32, #tpu.memory_space<vmem>>, vector<1x16xf32>,
      %swap3A_217 = vector.shape_cast %swap3A_216 : vector<1x16xf32> to vector<16xf32>
      %swap3A_218 = vector.shape_cast %get3A_213 : vector<16xf32> to vector<1x16xf32>
      tpu.vector_store %arg9[%swap3A_214, %swap3A_215], %swap3A_218 {add = true, strides = array<i32>} : memref<80x128xf32, #tpu.memory_space<vmem>>, vector<1x16xf32>,
      %get3A_219 = arith.index_cast %add3A_157 : i32 to index
      %get3A_220 = arith.constant 112 : index
      %get3A_221 = tpu.vector_load %arg10[%get3A_219, %get3A_220] {strides = array<i32>} : memref<80x128xf32, #tpu.memory_space<vmem>>, vector<1x16xf32>,
      %get3A_222 = vector.shape_cast %get3A_221 : vector<1x16xf32> to vector<16xf32>
      %swap3A_223 = arith.index_cast %add3A_157 : i32 to index
      %swap3A_224 = arith.constant 112 : index
      %swap3A_225 = tpu.vector_load %arg9[%swap3A_223, %swap3A_224] {strides = array<i32>} : memref<80x128xf32, #tpu.memory_space<vmem>>, vector<1x16xf32>,
      %swap3A_226 = vector.shape_cast %swap3A_225 : vector<1x16xf32> to vector<16xf32>
      %swap3A_227 = vector.shape_cast %get3A_222 : vector<16xf32> to vector<1x16xf32>
      tpu.vector_store %arg9[%swap3A_223, %swap3A_224], %swap3A_227 {add = true, strides = array<i32>} : memref<80x128xf32, #tpu.memory_space<vmem>>, vector<1x16xf32>,
    }
    %scan3A_34 = arith.constant 80 : i32
    %add3A_35 = arith.constant 0 : i32
    %add3A_36 = arith.addi %mul3A_2, %add3A_35 : i32
    %dma_start3A_37 = arith.constant 0 : i32
    %dma_start3A_38 = tpu.memref_slice %arg6[%add3A_36, %dma_start3A_37] : memref<156160x128xf32, #tpu.memory_space<hbm>> -> memref<80x128xf32, #tpu.memory_space<hbm>>
    %dma_start3A_39 = arith.constant 0 : i32
    %dma_start3A_40 = tpu.memref_slice %arg6[%add3A_36, %dma_start3A_39] : memref<156160x128xf32, #tpu.memory_space<hbm>> -> memref<80x128xf32, #tpu.memory_space<hbm>>
    tpu.enqueue_dma source(%arg9 : memref<80x128xf32, #tpu.memory_space<vmem>>) target(%dma_start3A_40 : memref<80x128xf32, #tpu.memory_space<hbm>>) target_semaphore(%arg21 : memref<!tpu.dma_semaphore, #tpu.memory_space<semaphore_mem>>)
    %dma_wait3A_41 = arith.constant 80 : i32
    %dma_wait3A_42 = tpu.memref_slice %arg7[%dma_wait3A_41] : memref<4880xi32, #tpu.memory_space<vmem>> -> memref<80xi32, #tpu.memory_space<vmem>>
    %dma_wait3A_43 = arith.constant 0 : i32
    %dma_wait3A_44 = arith.constant 0 : i32
    %dma_wait3A_45 = tpu.memref_slice %arg2[%dma_wait3A_43, %dma_wait3A_44] : memref<10000x128xf32, #tpu.memory_space<hbm>> -> memref<10000x128xf32, #tpu.memory_space<hbm>>
    tpu.wait_indirect_dma semaphore(%arg17 : memref<!tpu.dma_semaphore, #tpu.memory_space<semaphore_mem>>) src(%dma_wait3A_45 : memref<10000x128xf32, #tpu.memory_space<hbm>>) dst(%arg11 : memref<80x128xf32, #tpu.memory_space<vmem>>)
    %dma_wait3A_46 = arith.constant 80 : i32
    %dma_wait3A_47 = tpu.memref_slice %arg8[%dma_wait3A_46] : memref<4880xi32, #tpu.memory_space<vmem>> -> memref<80xi32, #tpu.memory_space<vmem>>
    %dma_wait3A_48 = arith.constant 0 : i32
    %dma_wait3A_49 = arith.constant 0 : i32
    %dma_wait3A_50 = tpu.memref_slice %arg3[%dma_wait3A_48, %dma_wait3A_49] : memref<10000x128xf32, #tpu.memory_space<hbm>> -> memref<10000x128xf32, #tpu.memory_space<hbm>>
    tpu.wait_indirect_dma semaphore(%arg18 : memref<!tpu.dma_semaphore, #tpu.memory_space<semaphore_mem>>) src(%dma_wait3A_50 : memref<10000x128xf32, #tpu.memory_space<hbm>>) dst(%arg12 : memref<80x128xf32, #tpu.memory_space<vmem>>)
    %dma_start3A_51 = arith.constant 160 : i32
    %dma_start3A_52 = tpu.memref_slice %arg7[%dma_start3A_51] : memref<4880xi32, #tpu.memory_space<vmem>> -> memref<80xi32, #tpu.memory_space<vmem>>
    %dma_start3A_53 = arith.constant 0 : i32
    %dma_start3A_54 = arith.constant 0 : i32
    %dma_start3A_55 = tpu.memref_slice %arg2[%dma_start3A_53, %dma_start3A_54] : memref<10000x128xf32, #tpu.memory_space<hbm>> -> memref<10000x128xf32, #tpu.memory_space<hbm>>
    tpu.enqueue_indirect_dma source(%dma_start3A_55 : memref<10000x128xf32, #tpu.memory_space<hbm>>) target(%arg13 : memref<80x128xf32, #tpu.memory_space<vmem>>) offsets(%dma_start3A_52 : memref<80xi32, #tpu.memory_space<vmem>>) semaphore(%arg19 : memref<!tpu.dma_semaphore, #tpu.memory_space<semaphore_mem>>)
    %dma_start3A_56 = arith.constant 160 : i32
    %dma_start3A_57 = tpu.memref_slice %arg8[%dma_start3A_56] : memref<4880xi32, #tpu.memory_space<vmem>> -> memref<80xi32, #tpu.memory_space<vmem>>
    %dma_start3A_58 = arith.constant 0 : i32
    %dma_start3A_59 = arith.constant 0 : i32
    %dma_start3A_60 = tpu.memref_slice %arg3[%dma_start3A_58, %dma_start3A_59] : memref<10000x128xf32, #tpu.memory_space<hbm>> -> memref<10000x128xf32, #tpu.memory_space<hbm>>
    tpu.enqueue_indirect_dma source(%dma_start3A_60 : memref<10000x128xf32, #tpu.memory_space<hbm>>) target(%arg14 : memref<80x128xf32, #tpu.memory_space<vmem>>) offsets(%dma_start3A_57 : memref<80xi32, #tpu.memory_space<vmem>>) semaphore(%arg20 : memref<!tpu.dma_semaphore, #tpu.memory_space<semaphore_mem>>)
    %scan3A_61 = arith.constant 0 : i32
    %scan3A_62 = arith.constant 80 : i32
    %scan3A_63 = arith.addi %scan3A_61, %scan3A_62 : i32
    %scan3A_64 = arith.constant 1 : i32
    scf.for %scan3A_153 = %scan3A_61 to %scan3A_63 step %scan3A_64  : i32 {
      %mul3A_154 = arith.constant 1 : i32
      %mul3A_155 = arith.muli %scan3A_153, %mul3A_154 : i32
      %add3A_156 = arith.constant 0 : i32
      %add3A_157 = arith.addi %add3A_156, %mul3A_155 : i32
      %get3A = arith.index_cast %add3A_157 : i32 to index
      %get3A_158 = arith.constant 0 : index
      %get3A_159 = tpu.vector_load %arg12[%get3A, %get3A_158] {strides = array<i32>} : memref<80x128xf32, #tpu.memory_space<vmem>>, vector<1x16xf32>,
      %get3A_160 = vector.shape_cast %get3A_159 : vector<1x16xf32> to vector<16xf32>
      %swap3A = arith.index_cast %add3A_157 : i32 to index
      %swap3A_161 = arith.constant 0 : index
      %swap3A_162 = tpu.vector_load %arg11[%swap3A, %swap3A_161] {strides = array<i32>} : memref<80x128xf32, #tpu.memory_space<vmem>>, vector<1x16xf32>,
      %swap3A_163 = vector.shape_cast %swap3A_162 : vector<1x16xf32> to vector<16xf32>
      %swap3A_164 = vector.shape_cast %get3A_160 : vector<16xf32> to vector<1x16xf32>
      tpu.vector_store %arg11[%swap3A, %swap3A_161], %swap3A_164 {add = true, strides = array<i32>} : memref<80x128xf32, #tpu.memory_space<vmem>>, vector<1x16xf32>,
      %get3A_165 = arith.index_cast %add3A_157 : i32 to index
      %get3A_166 = arith.constant 16 : index
      %get3A_167 = tpu.vector_load %arg12[%get3A_165, %get3A_166] {strides = array<i32>} : memref<80x128xf32, #tpu.memory_space<vmem>>, vector<1x16xf32>,
      %get3A_168 = vector.shape_cast %get3A_167 : vector<1x16xf32> to vector<16xf32>
      %swap3A_169 = arith.index_cast %add3A_157 : i32 to index
      %swap3A_170 = arith.constant 16 : index
      %swap3A_171 = tpu.vector_load %arg11[%swap3A_169, %swap3A_170] {strides = array<i32>} : memref<80x128xf32, #tpu.memory_space<vmem>>, vector<1x16xf32>,
      %swap3A_172 = vector.shape_cast %swap3A_171 : vector<1x16xf32> to vector<16xf32>
      %swap3A_173 = vector.shape_cast %get3A_168 : vector<16xf32> to vector<1x16xf32>
      tpu.vector_store %arg11[%swap3A_169, %swap3A_170], %swap3A_173 {add = true, strides = array<i32>} : memref<80x128xf32, #tpu.memory_space<vmem>>, vector<1x16xf32>,
      %get3A_174 = arith.index_cast %add3A_157 : i32 to index
      %get3A_175 = arith.constant 32 : index
      %get3A_176 = tpu.vector_load %arg12[%get3A_174, %get3A_175] {strides = array<i32>} : memref<80x128xf32, #tpu.memory_space<vmem>>, vector<1x16xf32>,
      %get3A_177 = vector.shape_cast %get3A_176 : vector<1x16xf32> to vector<16xf32>
      %swap3A_178 = arith.index_cast %add3A_157 : i32 to index
      %swap3A_179 = arith.constant 32 : index
      %swap3A_180 = tpu.vector_load %arg11[%swap3A_178, %swap3A_179] {strides = array<i32>} : memref<80x128xf32, #tpu.memory_space<vmem>>, vector<1x16xf32>,
      %swap3A_181 = vector.shape_cast %swap3A_180 : vector<1x16xf32> to vector<16xf32>
      %swap3A_182 = vector.shape_cast %get3A_177 : vector<16xf32> to vector<1x16xf32>
      tpu.vector_store %arg11[%swap3A_178, %swap3A_179], %swap3A_182 {add = true, strides = array<i32>} : memref<80x128xf32, #tpu.memory_space<vmem>>, vector<1x16xf32>,
      %get3A_183 = arith.index_cast %add3A_157 : i32 to index
      %get3A_184 = arith.constant 48 : index
      %get3A_185 = tpu.vector_load %arg12[%get3A_183, %get3A_184] {strides = array<i32>} : memref<80x128xf32, #tpu.memory_space<vmem>>, vector<1x16xf32>,
      %get3A_186 = vector.shape_cast %get3A_185 : vector<1x16xf32> to vector<16xf32>
      %swap3A_187 = arith.index_cast %add3A_157 : i32 to index
      %swap3A_188 = arith.constant 48 : index
      %swap3A_189 = tpu.vector_load %arg11[%swap3A_187, %swap3A_188] {strides = array<i32>} : memref<80x128xf32, #tpu.memory_space<vmem>>, vector<1x16xf32>,
      %swap3A_190 = vector.shape_cast %swap3A_189 : vector<1x16xf32> to vector<16xf32>
      %swap3A_191 = vector.shape_cast %get3A_186 : vector<16xf32> to vector<1x16xf32>
      tpu.vector_store %arg11[%swap3A_187, %swap3A_188], %swap3A_191 {add = true, strides = array<i32>} : memref<80x128xf32, #tpu.memory_space<vmem>>, vector<1x16xf32>,
      %get3A_192 = arith.index_cast %add3A_157 : i32 to index
      %get3A_193 = arith.constant 64 : index
      %get3A_194 = tpu.vector_load %arg12[%get3A_192, %get3A_193] {strides = array<i32>} : memref<80x128xf32, #tpu.memory_space<vmem>>, vector<1x16xf32>,
      %get3A_195 = vector.shape_cast %get3A_194 : vector<1x16xf32> to vector<16xf32>
      %swap3A_196 = arith.index_cast %add3A_157 : i32 to index
      %swap3A_197 = arith.constant 64 : index
      %swap3A_198 = tpu.vector_load %arg11[%swap3A_196, %swap3A_197] {strides = array<i32>} : memref<80x128xf32, #tpu.memory_space<vmem>>, vector<1x16xf32>,
      %swap3A_199 = vector.shape_cast %swap3A_198 : vector<1x16xf32> to vector<16xf32>
      %swap3A_200 = vector.shape_cast %get3A_195 : vector<16xf32> to vector<1x16xf32>
      tpu.vector_store %arg11[%swap3A_196, %swap3A_197], %swap3A_200 {add = true, strides = array<i32>} : memref<80x128xf32, #tpu.memory_space<vmem>>, vector<1x16xf32>,
      %get3A_201 = arith.index_cast %add3A_157 : i32 to index
      %get3A_202 = arith.constant 80 : index
      %get3A_203 = tpu.vector_load %arg12[%get3A_201, %get3A_202] {strides = array<i32>} : memref<80x128xf32, #tpu.memory_space<vmem>>, vector<1x16xf32>,
      %get3A_204 = vector.shape_cast %get3A_203 : vector<1x16xf32> to vector<16xf32>
      %swap3A_205 = arith.index_cast %add3A_157 : i32 to index
      %swap3A_206 = arith.constant 80 : index
      %swap3A_207 = tpu.vector_load %arg11[%swap3A_205, %swap3A_206] {strides = array<i32>} : memref<80x128xf32, #tpu.memory_space<vmem>>, vector<1x16xf32>,
      %swap3A_208 = vector.shape_cast %swap3A_207 : vector<1x16xf32> to vector<16xf32>
      %swap3A_209 = vector.shape_cast %get3A_204 : vector<16xf32> to vector<1x16xf32>
      tpu.vector_store %arg11[%swap3A_205, %swap3A_206], %swap3A_209 {add = true, strides = array<i32>} : memref<80x128xf32, #tpu.memory_space<vmem>>, vector<1x16xf32>,
      %get3A_210 = arith.index_cast %add3A_157 : i32 to index
      %get3A_211 = arith.constant 96 : index
      %get3A_212 = tpu.vector_load %arg12[%get3A_210, %get3A_211] {strides = array<i32>} : memref<80x128xf32, #tpu.memory_space<vmem>>, vector<1x16xf32>,
      %get3A_213 = vector.shape_cast %get3A_212 : vector<1x16xf32> to vector<16xf32>
      %swap3A_214 = arith.index_cast %add3A_157 : i32 to index
      %swap3A_215 = arith.constant 96 : index
      %swap3A_216 = tpu.vector_load %arg11[%swap3A_214, %swap3A_215] {strides = array<i32>} : memref<80x128xf32, #tpu.memory_space<vmem>>, vector<1x16xf32>,
      %swap3A_217 = vector.shape_cast %swap3A_216 : vector<1x16xf32> to vector<16xf32>
      %swap3A_218 = vector.shape_cast %get3A_213 : vector<16xf32> to vector<1x16xf32>
      tpu.vector_store %arg11[%swap3A_214, %swap3A_215], %swap3A_218 {add = true, strides = array<i32>} : memref<80x128xf32, #tpu.memory_space<vmem>>, vector<1x16xf32>,
      %get3A_219 = arith.index_cast %add3A_157 : i32 to index
      %get3A_220 = arith.constant 112 : index
      %get3A_221 = tpu.vector_load %arg12[%get3A_219, %get3A_220] {strides = array<i32>} : memref<80x128xf32, #tpu.memory_space<vmem>>, vector<1x16xf32>,
      %get3A_222 = vector.shape_cast %get3A_221 : vector<1x16xf32> to vector<16xf32>
      %swap3A_223 = arith.index_cast %add3A_157 : i32 to index
      %swap3A_224 = arith.constant 112 : index
      %swap3A_225 = tpu.vector_load %arg11[%swap3A_223, %swap3A_224] {strides = array<i32>} : memref<80x128xf32, #tpu.memory_space<vmem>>, vector<1x16xf32>,
      %swap3A_226 = vector.shape_cast %swap3A_225 : vector<1x16xf32> to vector<16xf32>
      %swap3A_227 = vector.shape_cast %get3A_222 : vector<16xf32> to vector<1x16xf32>
      tpu.vector_store %arg11[%swap3A_223, %swap3A_224], %swap3A_227 {add = true, strides = array<i32>} : memref<80x128xf32, #tpu.memory_space<vmem>>, vector<1x16xf32>,
    }
    %scan3A_65 = arith.constant 80 : i32
    %add3A_66 = arith.constant 80 : i32
    %add3A_67 = arith.addi %mul3A_2, %add3A_66 : i32
    %dma_start3A_68 = arith.constant 0 : i32
    %dma_start3A_69 = tpu.memref_slice %arg6[%add3A_67, %dma_start3A_68] : memref<156160x128xf32, #tpu.memory_space<hbm>> -> memref<80x128xf32, #tpu.memory_space<hbm>>
    %dma_start3A_70 = arith.constant 0 : i32
    %dma_start3A_71 = tpu.memref_slice %arg6[%add3A_67, %dma_start3A_70] : memref<156160x128xf32, #tpu.memory_space<hbm>> -> memref<80x128xf32, #tpu.memory_space<hbm>>
    tpu.enqueue_dma source(%arg11 : memref<80x128xf32, #tpu.memory_space<vmem>>) target(%dma_start3A_71 : memref<80x128xf32, #tpu.memory_space<hbm>>) target_semaphore(%arg22 : memref<!tpu.dma_semaphore, #tpu.memory_space<semaphore_mem>>)
    %scan3A_72 = arith.constant 0 : i32
    %scan3A_73 = arith.constant 19 : i32
    %scan3A_74 = arith.addi %scan3A_72, %scan3A_73 : i32
    %scan3A_75 = arith.constant 1 : i32
    scf.for %scan3A_153 = %scan3A_72 to %scan3A_74 step %scan3A_75  : i32 {
      %mul3A_154 = arith.constant 3 : i32
      %mul3A_155 = arith.muli %scan3A_153, %mul3A_154 : i32
      %add3A_156 = arith.constant 2 : i32
      %add3A_157 = arith.addi %add3A_156, %mul3A_155 : i32
      %mul3A_158 = arith.constant 80 : i32
      %mul3A_159 = arith.muli %add3A_157, %mul3A_158 : i32
      %mul3A_160 = arith.constant 80 : i32
      %mul3A_161 = arith.muli %add3A_157, %mul3A_160 : i32
      %dma_wait3A_162 = tpu.memref_slice %arg7[%mul3A_159] : memref<4880xi32, #tpu.memory_space<vmem>> -> memref<80xi32, #tpu.memory_space<vmem>>
      %dma_wait3A_163 = arith.constant 0 : i32
      %dma_wait3A_164 = arith.constant 0 : i32
      %dma_wait3A_165 = tpu.memref_slice %arg2[%dma_wait3A_163, %dma_wait3A_164] : memref<10000x128xf32, #tpu.memory_space<hbm>> -> memref<10000x128xf32, #tpu.memory_space<hbm>>
      tpu.wait_indirect_dma semaphore(%arg19 : memref<!tpu.dma_semaphore, #tpu.memory_space<semaphore_mem>>) src(%dma_wait3A_165 : memref<10000x128xf32, #tpu.memory_space<hbm>>) dst(%arg13 : memref<80x128xf32, #tpu.memory_space<vmem>>)
      %dma_wait3A_166 = tpu.memref_slice %arg8[%mul3A_161] : memref<4880xi32, #tpu.memory_space<vmem>> -> memref<80xi32, #tpu.memory_space<vmem>>
      %dma_wait3A_167 = arith.constant 0 : i32
      %dma_wait3A_168 = arith.constant 0 : i32
      %dma_wait3A_169 = tpu.memref_slice %arg3[%dma_wait3A_167, %dma_wait3A_168] : memref<10000x128xf32, #tpu.memory_space<hbm>> -> memref<10000x128xf32, #tpu.memory_space<hbm>>
      tpu.wait_indirect_dma semaphore(%arg20 : memref<!tpu.dma_semaphore, #tpu.memory_space<semaphore_mem>>) src(%dma_wait3A_169 : memref<10000x128xf32, #tpu.memory_space<hbm>>) dst(%arg14 : memref<80x128xf32, #tpu.memory_space<vmem>>)
      %sub3A = arith.constant 2 : i32
      %sub3A_170 = arith.subi %add3A_157, %sub3A : i32
      %mul3A_171 = arith.constant 80 : i32
      %mul3A_172 = arith.muli %sub3A_170, %mul3A_171 : i32
      %add3A_173 = arith.addi %mul3A_2, %mul3A_172 : i32
      %dma_wait3A_174 = arith.constant 0 : i32
      %dma_wait3A_175 = tpu.memref_slice %arg6[%add3A_173, %dma_wait3A_174] : memref<156160x128xf32, #tpu.memory_space<hbm>> -> memref<80x128xf32, #tpu.memory_space<hbm>>
      %dma_wait3A_176 = arith.constant 0 : i32
      %dma_wait3A_177 = tpu.memref_slice %arg6[%add3A_173, %dma_wait3A_176] : memref<156160x128xf32, #tpu.memory_space<hbm>> -> memref<80x128xf32, #tpu.memory_space<hbm>>
      tpu.wait_dma2 semaphore(%arg21 : memref<!tpu.dma_semaphore, #tpu.memory_space<semaphore_mem>>) src(%arg9 : memref<80x128xf32, #tpu.memory_space<vmem>>) dst(%dma_wait3A_177 : memref<80x128xf32, #tpu.memory_space<hbm>>)
      %add3A_178 = arith.constant 1 : i32
      %add3A_179 = arith.addi %add3A_157, %add3A_178 : i32
      %mul3A_180 = arith.constant 80 : i32
      %mul3A_181 = arith.muli %add3A_179, %mul3A_180 : i32
      %mul3A_182 = arith.constant 80 : i32
      %mul3A_183 = arith.muli %add3A_179, %mul3A_182 : i32
      %dma_start3A_184 = tpu.memref_slice %arg7[%mul3A_181] : memref<4880xi32, #tpu.memory_space<vmem>> -> memref<80xi32, #tpu.memory_space<vmem>>
      %dma_start3A_185 = arith.constant 0 : i32
      %dma_start3A_186 = arith.constant 0 : i32
      %dma_start3A_187 = tpu.memref_slice %arg2[%dma_start3A_185, %dma_start3A_186] : memref<10000x128xf32, #tpu.memory_space<hbm>> -> memref<10000x128xf32, #tpu.memory_space<hbm>>
      tpu.enqueue_indirect_dma source(%dma_start3A_187 : memref<10000x128xf32, #tpu.memory_space<hbm>>) target(%arg9 : memref<80x128xf32, #tpu.memory_space<vmem>>) offsets(%dma_start3A_184 : memref<80xi32, #tpu.memory_space<vmem>>) semaphore(%arg15 : memref<!tpu.dma_semaphore, #tpu.memory_space<semaphore_mem>>)
      %dma_start3A_188 = tpu.memref_slice %arg8[%mul3A_183] : memref<4880xi32, #tpu.memory_space<vmem>> -> memref<80xi32, #tpu.memory_space<vmem>>
      %dma_start3A_189 = arith.constant 0 : i32
      %dma_start3A_190 = arith.constant 0 : i32
      %dma_start3A_191 = tpu.memref_slice %arg3[%dma_start3A_189, %dma_start3A_190] : memref<10000x128xf32, #tpu.memory_space<hbm>> -> memref<10000x128xf32, #tpu.memory_space<hbm>>
      tpu.enqueue_indirect_dma source(%dma_start3A_191 : memref<10000x128xf32, #tpu.memory_space<hbm>>) target(%arg10 : memref<80x128xf32, #tpu.memory_space<vmem>>) offsets(%dma_start3A_188 : memref<80xi32, #tpu.memory_space<vmem>>) semaphore(%arg16 : memref<!tpu.dma_semaphore, #tpu.memory_space<semaphore_mem>>)
      %scan3A_192 = arith.constant 0 : i32
      %scan3A_193 = arith.constant 80 : i32
      %scan3A_194 = arith.addi %scan3A_192, %scan3A_193 : i32
      %scan3A_195 = arith.constant 1 : i32
      scf.for %scan3A_302 = %scan3A_192 to %scan3A_194 step %scan3A_195  : i32 {
        %mul3A_303 = arith.constant 1 : i32
        %mul3A_304 = arith.muli %scan3A_302, %mul3A_303 : i32
        %add3A_305 = arith.constant 0 : i32
        %add3A_306 = arith.addi %add3A_305, %mul3A_304 : i32
        %get3A = arith.index_cast %add3A_306 : i32 to index
        %get3A_307 = arith.constant 0 : index
        %get3A_308 = tpu.vector_load %arg14[%get3A, %get3A_307] {strides = array<i32>} : memref<80x128xf32, #tpu.memory_space<vmem>>, vector<1x16xf32>,
        %get3A_309 = vector.shape_cast %get3A_308 : vector<1x16xf32> to vector<16xf32>
        %swap3A = arith.index_cast %add3A_306 : i32 to index
        %swap3A_310 = arith.constant 0 : index
        %swap3A_311 = tpu.vector_load %arg13[%swap3A, %swap3A_310] {strides = array<i32>} : memref<80x128xf32, #tpu.memory_space<vmem>>, vector<1x16xf32>,
        %swap3A_312 = vector.shape_cast %swap3A_311 : vector<1x16xf32> to vector<16xf32>
        %swap3A_313 = vector.shape_cast %get3A_309 : vector<16xf32> to vector<1x16xf32>
        tpu.vector_store %arg13[%swap3A, %swap3A_310], %swap3A_313 {add = true, strides = array<i32>} : memref<80x128xf32, #tpu.memory_space<vmem>>, vector<1x16xf32>,
        %get3A_314 = arith.index_cast %add3A_306 : i32 to index
        %get3A_315 = arith.constant 16 : index
        %get3A_316 = tpu.vector_load %arg14[%get3A_314, %get3A_315] {strides = array<i32>} : memref<80x128xf32, #tpu.memory_space<vmem>>, vector<1x16xf32>,
        %get3A_317 = vector.shape_cast %get3A_316 : vector<1x16xf32> to vector<16xf32>
        %swap3A_318 = arith.index_cast %add3A_306 : i32 to index
        %swap3A_319 = arith.constant 16 : index
        %swap3A_320 = tpu.vector_load %arg13[%swap3A_318, %swap3A_319] {strides = array<i32>} : memref<80x128xf32, #tpu.memory_space<vmem>>, vector<1x16xf32>,
        %swap3A_321 = vector.shape_cast %swap3A_320 : vector<1x16xf32> to vector<16xf32>
        %swap3A_322 = vector.shape_cast %get3A_317 : vector<16xf32> to vector<1x16xf32>
        tpu.vector_store %arg13[%swap3A_318, %swap3A_319], %swap3A_322 {add = true, strides = array<i32>} : memref<80x128xf32, #tpu.memory_space<vmem>>, vector<1x16xf32>,
        %get3A_323 = arith.index_cast %add3A_306 : i32 to index
        %get3A_324 = arith.constant 32 : index
        %get3A_325 = tpu.vector_load %arg14[%get3A_323, %get3A_324] {strides = array<i32>} : memref<80x128xf32, #tpu.memory_space<vmem>>, vector<1x16xf32>,
        %get3A_326 = vector.shape_cast %get3A_325 : vector<1x16xf32> to vector<16xf32>
        %swap3A_327 = arith.index_cast %add3A_306 : i32 to index
        %swap3A_328 = arith.constant 32 : index
        %swap3A_329 = tpu.vector_load %arg13[%swap3A_327, %swap3A_328] {strides = array<i32>} : memref<80x128xf32, #tpu.memory_space<vmem>>, vector<1x16xf32>,
        %swap3A_330 = vector.shape_cast %swap3A_329 : vector<1x16xf32> to vector<16xf32>
        %swap3A_331 = vector.shape_cast %get3A_326 : vector<16xf32> to vector<1x16xf32>
        tpu.vector_store %arg13[%swap3A_327, %swap3A_328], %swap3A_331 {add = true, strides = array<i32>} : memref<80x128xf32, #tpu.memory_space<vmem>>, vector<1x16xf32>,
        %get3A_332 = arith.index_cast %add3A_306 : i32 to index
        %get3A_333 = arith.constant 48 : index
        %get3A_334 = tpu.vector_load %arg14[%get3A_332, %get3A_333] {strides = array<i32>} : memref<80x128xf32, #tpu.memory_space<vmem>>, vector<1x16xf32>,
        %get3A_335 = vector.shape_cast %get3A_334 : vector<1x16xf32> to vector<16xf32>
        %swap3A_336 = arith.index_cast %add3A_306 : i32 to index
        %swap3A_337 = arith.constant 48 : index
        %swap3A_338 = tpu.vector_load %arg13[%swap3A_336, %swap3A_337] {strides = array<i32>} : memref<80x128xf32, #tpu.memory_space<vmem>>, vector<1x16xf32>,
        %swap3A_339 = vector.shape_cast %swap3A_338 : vector<1x16xf32> to vector<16xf32>
        %swap3A_340 = vector.shape_cast %get3A_335 : vector<16xf32> to vector<1x16xf32>
        tpu.vector_store %arg13[%swap3A_336, %swap3A_337], %swap3A_340 {add = true, strides = array<i32>} : memref<80x128xf32, #tpu.memory_space<vmem>>, vector<1x16xf32>,
        %get3A_341 = arith.index_cast %add3A_306 : i32 to index
        %get3A_342 = arith.constant 64 : index
        %get3A_343 = tpu.vector_load %arg14[%get3A_341, %get3A_342] {strides = array<i32>} : memref<80x128xf32, #tpu.memory_space<vmem>>, vector<1x16xf32>,
        %get3A_344 = vector.shape_cast %get3A_343 : vector<1x16xf32> to vector<16xf32>
        %swap3A_345 = arith.index_cast %add3A_306 : i32 to index
        %swap3A_346 = arith.constant 64 : index
        %swap3A_347 = tpu.vector_load %arg13[%swap3A_345, %swap3A_346] {strides = array<i32>} : memref<80x128xf32, #tpu.memory_space<vmem>>, vector<1x16xf32>,
        %swap3A_348 = vector.shape_cast %swap3A_347 : vector<1x16xf32> to vector<16xf32>
        %swap3A_349 = vector.shape_cast %get3A_344 : vector<16xf32> to vector<1x16xf32>
        tpu.vector_store %arg13[%swap3A_345, %swap3A_346], %swap3A_349 {add = true, strides = array<i32>} : memref<80x128xf32, #tpu.memory_space<vmem>>, vector<1x16xf32>,
        %get3A_350 = arith.index_cast %add3A_306 : i32 to index
        %get3A_351 = arith.constant 80 : index
        %get3A_352 = tpu.vector_load %arg14[%get3A_350, %get3A_351] {strides = array<i32>} : memref<80x128xf32, #tpu.memory_space<vmem>>, vector<1x16xf32>,
        %get3A_353 = vector.shape_cast %get3A_352 : vector<1x16xf32> to vector<16xf32>
        %swap3A_354 = arith.index_cast %add3A_306 : i32 to index
        %swap3A_355 = arith.constant 80 : index
        %swap3A_356 = tpu.vector_load %arg13[%swap3A_354, %swap3A_355] {strides = array<i32>} : memref<80x128xf32, #tpu.memory_space<vmem>>, vector<1x16xf32>,
        %swap3A_357 = vector.shape_cast %swap3A_356 : vector<1x16xf32> to vector<16xf32>
        %swap3A_358 = vector.shape_cast %get3A_353 : vector<16xf32> to vector<1x16xf32>
        tpu.vector_store %arg13[%swap3A_354, %swap3A_355], %swap3A_358 {add = true, strides = array<i32>} : memref<80x128xf32, #tpu.memory_space<vmem>>, vector<1x16xf32>,
        %get3A_359 = arith.index_cast %add3A_306 : i32 to index
        %get3A_360 = arith.constant 96 : index
        %get3A_361 = tpu.vector_load %arg14[%get3A_359, %get3A_360] {strides = array<i32>} : memref<80x128xf32, #tpu.memory_space<vmem>>, vector<1x16xf32>,
        %get3A_362 = vector.shape_cast %get3A_361 : vector<1x16xf32> to vector<16xf32>
        %swap3A_363 = arith.index_cast %add3A_306 : i32 to index
        %swap3A_364 = arith.constant 96 : index
        %swap3A_365 = tpu.vector_load %arg13[%swap3A_363, %swap3A_364] {strides = array<i32>} : memref<80x128xf32, #tpu.memory_space<vmem>>, vector<1x16xf32>,
        %swap3A_366 = vector.shape_cast %swap3A_365 : vector<1x16xf32> to vector<16xf32>
        %swap3A_367 = vector.shape_cast %get3A_362 : vector<16xf32> to vector<1x16xf32>
        tpu.vector_store %arg13[%swap3A_363, %swap3A_364], %swap3A_367 {add = true, strides = array<i32>} : memref<80x128xf32, #tpu.memory_space<vmem>>, vector<1x16xf32>,
        %get3A_368 = arith.index_cast %add3A_306 : i32 to index
        %get3A_369 = arith.constant 112 : index
        %get3A_370 = tpu.vector_load %arg14[%get3A_368, %get3A_369] {strides = array<i32>} : memref<80x128xf32, #tpu.memory_space<vmem>>, vector<1x16xf32>,
        %get3A_371 = vector.shape_cast %get3A_370 : vector<1x16xf32> to vector<16xf32>
        %swap3A_372 = arith.index_cast %add3A_306 : i32 to index
        %swap3A_373 = arith.constant 112 : index
        %swap3A_374 = tpu.vector_load %arg13[%swap3A_372, %swap3A_373] {strides = array<i32>} : memref<80x128xf32, #tpu.memory_space<vmem>>, vector<1x16xf32>,
        %swap3A_375 = vector.shape_cast %swap3A_374 : vector<1x16xf32> to vector<16xf32>
        %swap3A_376 = vector.shape_cast %get3A_371 : vector<16xf32> to vector<1x16xf32>
        tpu.vector_store %arg13[%swap3A_372, %swap3A_373], %swap3A_376 {add = true, strides = array<i32>} : memref<80x128xf32, #tpu.memory_space<vmem>>, vector<1x16xf32>,
      }
      %scan3A_196 = arith.constant 80 : i32
      %mul3A_197 = arith.constant 80 : i32
      %mul3A_198 = arith.muli %add3A_157, %mul3A_197 : i32
      %add3A_199 = arith.addi %mul3A_2, %mul3A_198 : i32
      %dma_start3A_200 = arith.constant 0 : i32
      %dma_start3A_201 = tpu.memref_slice %arg6[%add3A_199, %dma_start3A_200] : memref<156160x128xf32, #tpu.memory_space<hbm>> -> memref<80x128xf32, #tpu.memory_space<hbm>>
      %dma_start3A_202 = arith.constant 0 : i32
      %dma_start3A_203 = tpu.memref_slice %arg6[%add3A_199, %dma_start3A_202] : memref<156160x128xf32, #tpu.memory_space<hbm>> -> memref<80x128xf32, #tpu.memory_space<hbm>>
      tpu.enqueue_dma source(%arg13 : memref<80x128xf32, #tpu.memory_space<vmem>>) target(%dma_start3A_203 : memref<80x128xf32, #tpu.memory_space<hbm>>) target_semaphore(%arg23 : memref<!tpu.dma_semaphore, #tpu.memory_space<semaphore_mem>>)
      %add3A_204 = arith.constant 1 : i32
      %add3A_205 = arith.addi %add3A_157, %add3A_204 : i32
      %mul3A_206 = arith.constant 80 : i32
      %mul3A_207 = arith.muli %add3A_205, %mul3A_206 : i32
      %mul3A_208 = arith.constant 80 : i32
      %mul3A_209 = arith.muli %add3A_205, %mul3A_208 : i32
      %dma_wait3A_210 = tpu.memref_slice %arg7[%mul3A_207] : memref<4880xi32, #tpu.memory_space<vmem>> -> memref<80xi32, #tpu.memory_space<vmem>>
      %dma_wait3A_211 = arith.constant 0 : i32
      %dma_wait3A_212 = arith.constant 0 : i32
      %dma_wait3A_213 = tpu.memref_slice %arg2[%dma_wait3A_211, %dma_wait3A_212] : memref<10000x128xf32, #tpu.memory_space<hbm>> -> memref<10000x128xf32, #tpu.memory_space<hbm>>
      tpu.wait_indirect_dma semaphore(%arg15 : memref<!tpu.dma_semaphore, #tpu.memory_space<semaphore_mem>>) src(%dma_wait3A_213 : memref<10000x128xf32, #tpu.memory_space<hbm>>) dst(%arg9 : memref<80x128xf32, #tpu.memory_space<vmem>>)
      %dma_wait3A_214 = tpu.memref_slice %arg8[%mul3A_209] : memref<4880xi32, #tpu.memory_space<vmem>> -> memref<80xi32, #tpu.memory_space<vmem>>
      %dma_wait3A_215 = arith.constant 0 : i32
      %dma_wait3A_216 = arith.constant 0 : i32
      %dma_wait3A_217 = tpu.memref_slice %arg3[%dma_wait3A_215, %dma_wait3A_216] : memref<10000x128xf32, #tpu.memory_space<hbm>> -> memref<10000x128xf32, #tpu.memory_space<hbm>>
      tpu.wait_indirect_dma semaphore(%arg16 : memref<!tpu.dma_semaphore, #tpu.memory_space<semaphore_mem>>) src(%dma_wait3A_217 : memref<10000x128xf32, #tpu.memory_space<hbm>>) dst(%arg10 : memref<80x128xf32, #tpu.memory_space<vmem>>)
      %sub3A_218 = arith.constant 2 : i32
      %sub3A_219 = arith.subi %add3A_205, %sub3A_218 : i32
      %mul3A_220 = arith.constant 80 : i32
      %mul3A_221 = arith.muli %sub3A_219, %mul3A_220 : i32
      %add3A_222 = arith.addi %mul3A_2, %mul3A_221 : i32
      %dma_wait3A_223 = arith.constant 0 : i32
      %dma_wait3A_224 = tpu.memref_slice %arg6[%add3A_222, %dma_wait3A_223] : memref<156160x128xf32, #tpu.memory_space<hbm>> -> memref<80x128xf32, #tpu.memory_space<hbm>>
      %dma_wait3A_225 = arith.constant 0 : i32
      %dma_wait3A_226 = tpu.memref_slice %arg6[%add3A_222, %dma_wait3A_225] : memref<156160x128xf32, #tpu.memory_space<hbm>> -> memref<80x128xf32, #tpu.memory_space<hbm>>
      tpu.wait_dma2 semaphore(%arg22 : memref<!tpu.dma_semaphore, #tpu.memory_space<semaphore_mem>>) src(%arg11 : memref<80x128xf32, #tpu.memory_space<vmem>>) dst(%dma_wait3A_226 : memref<80x128xf32, #tpu.memory_space<hbm>>)
      %add3A_227 = arith.constant 1 : i32
      %add3A_228 = arith.addi %add3A_205, %add3A_227 : i32
      %mul3A_229 = arith.constant 80 : i32
      %mul3A_230 = arith.muli %add3A_228, %mul3A_229 : i32
      %mul3A_231 = arith.constant 80 : i32
      %mul3A_232 = arith.muli %add3A_228, %mul3A_231 : i32
      %dma_start3A_233 = tpu.memref_slice %arg7[%mul3A_230] : memref<4880xi32, #tpu.memory_space<vmem>> -> memref<80xi32, #tpu.memory_space<vmem>>
      %dma_start3A_234 = arith.constant 0 : i32
      %dma_start3A_235 = arith.constant 0 : i32
      %dma_start3A_236 = tpu.memref_slice %arg2[%dma_start3A_234, %dma_start3A_235] : memref<10000x128xf32, #tpu.memory_space<hbm>> -> memref<10000x128xf32, #tpu.memory_space<hbm>>
      tpu.enqueue_indirect_dma source(%dma_start3A_236 : memref<10000x128xf32, #tpu.memory_space<hbm>>) target(%arg11 : memref<80x128xf32, #tpu.memory_space<vmem>>) offsets(%dma_start3A_233 : memref<80xi32, #tpu.memory_space<vmem>>) semaphore(%arg17 : memref<!tpu.dma_semaphore, #tpu.memory_space<semaphore_mem>>)
      %dma_start3A_237 = tpu.memref_slice %arg8[%mul3A_232] : memref<4880xi32, #tpu.memory_space<vmem>> -> memref<80xi32, #tpu.memory_space<vmem>>
      %dma_start3A_238 = arith.constant 0 : i32
      %dma_start3A_239 = arith.constant 0 : i32
      %dma_start3A_240 = tpu.memref_slice %arg3[%dma_start3A_238, %dma_start3A_239] : memref<10000x128xf32, #tpu.memory_space<hbm>> -> memref<10000x128xf32, #tpu.memory_space<hbm>>
      tpu.enqueue_indirect_dma source(%dma_start3A_240 : memref<10000x128xf32, #tpu.memory_space<hbm>>) target(%arg12 : memref<80x128xf32, #tpu.memory_space<vmem>>) offsets(%dma_start3A_237 : memref<80xi32, #tpu.memory_space<vmem>>) semaphore(%arg18 : memref<!tpu.dma_semaphore, #tpu.memory_space<semaphore_mem>>)
      %scan3A_241 = arith.constant 0 : i32
      %scan3A_242 = arith.constant 80 : i32
      %scan3A_243 = arith.addi %scan3A_241, %scan3A_242 : i32
      %scan3A_244 = arith.constant 1 : i32
      scf.for %scan3A_302 = %scan3A_241 to %scan3A_243 step %scan3A_244  : i32 {
        %mul3A_303 = arith.constant 1 : i32
        %mul3A_304 = arith.muli %scan3A_302, %mul3A_303 : i32
        %add3A_305 = arith.constant 0 : i32
        %add3A_306 = arith.addi %add3A_305, %mul3A_304 : i32
        %get3A = arith.index_cast %add3A_306 : i32 to index
        %get3A_307 = arith.constant 0 : index
        %get3A_308 = tpu.vector_load %arg10[%get3A, %get3A_307] {strides = array<i32>} : memref<80x128xf32, #tpu.memory_space<vmem>>, vector<1x16xf32>,
        %get3A_309 = vector.shape_cast %get3A_308 : vector<1x16xf32> to vector<16xf32>
        %swap3A = arith.index_cast %add3A_306 : i32 to index
        %swap3A_310 = arith.constant 0 : index
        %swap3A_311 = tpu.vector_load %arg9[%swap3A, %swap3A_310] {strides = array<i32>} : memref<80x128xf32, #tpu.memory_space<vmem>>, vector<1x16xf32>,
        %swap3A_312 = vector.shape_cast %swap3A_311 : vector<1x16xf32> to vector<16xf32>
        %swap3A_313 = vector.shape_cast %get3A_309 : vector<16xf32> to vector<1x16xf32>
        tpu.vector_store %arg9[%swap3A, %swap3A_310], %swap3A_313 {add = true, strides = array<i32>} : memref<80x128xf32, #tpu.memory_space<vmem>>, vector<1x16xf32>,
        %get3A_314 = arith.index_cast %add3A_306 : i32 to index
        %get3A_315 = arith.constant 16 : index
        %get3A_316 = tpu.vector_load %arg10[%get3A_314, %get3A_315] {strides = array<i32>} : memref<80x128xf32, #tpu.memory_space<vmem>>, vector<1x16xf32>,
        %get3A_317 = vector.shape_cast %get3A_316 : vector<1x16xf32> to vector<16xf32>
        %swap3A_318 = arith.index_cast %add3A_306 : i32 to index
        %swap3A_319 = arith.constant 16 : index
        %swap3A_320 = tpu.vector_load %arg9[%swap3A_318, %swap3A_319] {strides = array<i32>} : memref<80x128xf32, #tpu.memory_space<vmem>>, vector<1x16xf32>,
        %swap3A_321 = vector.shape_cast %swap3A_320 : vector<1x16xf32> to vector<16xf32>
        %swap3A_322 = vector.shape_cast %get3A_317 : vector<16xf32> to vector<1x16xf32>
        tpu.vector_store %arg9[%swap3A_318, %swap3A_319], %swap3A_322 {add = true, strides = array<i32>} : memref<80x128xf32, #tpu.memory_space<vmem>>, vector<1x16xf32>,
        %get3A_323 = arith.index_cast %add3A_306 : i32 to index
        %get3A_324 = arith.constant 32 : index
        %get3A_325 = tpu.vector_load %arg10[%get3A_323, %get3A_324] {strides = array<i32>} : memref<80x128xf32, #tpu.memory_space<vmem>>, vector<1x16xf32>,
        %get3A_326 = vector.shape_cast %get3A_325 : vector<1x16xf32> to vector<16xf32>
        %swap3A_327 = arith.index_cast %add3A_306 : i32 to index
        %swap3A_328 = arith.constant 32 : index
        %swap3A_329 = tpu.vector_load %arg9[%swap3A_327, %swap3A_328] {strides = array<i32>} : memref<80x128xf32, #tpu.memory_space<vmem>>, vector<1x16xf32>,
        %swap3A_330 = vector.shape_cast %swap3A_329 : vector<1x16xf32> to vector<16xf32>
        %swap3A_331 = vector.shape_cast %get3A_326 : vector<16xf32> to vector<1x16xf32>
        tpu.vector_store %arg9[%swap3A_327, %swap3A_328], %swap3A_331 {add = true, strides = array<i32>} : memref<80x128xf32, #tpu.memory_space<vmem>>, vector<1x16xf32>,
        %get3A_332 = arith.index_cast %add3A_306 : i32 to index
        %get3A_333 = arith.constant 48 : index
        %get3A_334 = tpu.vector_load %arg10[%get3A_332, %get3A_333] {strides = array<i32>} : memref<80x128xf32, #tpu.memory_space<vmem>>, vector<1x16xf32>,
        %get3A_335 = vector.shape_cast %get3A_334 : vector<1x16xf32> to vector<16xf32>
        %swap3A_336 = arith.index_cast %add3A_306 : i32 to index
        %swap3A_337 = arith.constant 48 : index
        %swap3A_338 = tpu.vector_load %arg9[%swap3A_336, %swap3A_337] {strides = array<i32>} : memref<80x128xf32, #tpu.memory_space<vmem>>, vector<1x16xf32>,
        %swap3A_339 = vector.shape_cast %swap3A_338 : vector<1x16xf32> to vector<16xf32>
        %swap3A_340 = vector.shape_cast %get3A_335 : vector<16xf32> to vector<1x16xf32>
        tpu.vector_store %arg9[%swap3A_336, %swap3A_337], %swap3A_340 {add = true, strides = array<i32>} : memref<80x128xf32, #tpu.memory_space<vmem>>, vector<1x16xf32>,
        %get3A_341 = arith.index_cast %add3A_306 : i32 to index
        %get3A_342 = arith.constant 64 : index
        %get3A_343 = tpu.vector_load %arg10[%get3A_341, %get3A_342] {strides = array<i32>} : memref<80x128xf32, #tpu.memory_space<vmem>>, vector<1x16xf32>,
        %get3A_344 = vector.shape_cast %get3A_343 : vector<1x16xf32> to vector<16xf32>
        %swap3A_345 = arith.index_cast %add3A_306 : i32 to index
        %swap3A_346 = arith.constant 64 : index
        %swap3A_347 = tpu.vector_load %arg9[%swap3A_345, %swap3A_346] {strides = array<i32>} : memref<80x128xf32, #tpu.memory_space<vmem>>, vector<1x16xf32>,
        %swap3A_348 = vector.shape_cast %swap3A_347 : vector<1x16xf32> to vector<16xf32>
        %swap3A_349 = vector.shape_cast %get3A_344 : vector<16xf32> to vector<1x16xf32>
        tpu.vector_store %arg9[%swap3A_345, %swap3A_346], %swap3A_349 {add = true, strides = array<i32>} : memref<80x128xf32, #tpu.memory_space<vmem>>, vector<1x16xf32>,
        %get3A_350 = arith.index_cast %add3A_306 : i32 to index
        %get3A_351 = arith.constant 80 : index
        %get3A_352 = tpu.vector_load %arg10[%get3A_350, %get3A_351] {strides = array<i32>} : memref<80x128xf32, #tpu.memory_space<vmem>>, vector<1x16xf32>,
        %get3A_353 = vector.shape_cast %get3A_352 : vector<1x16xf32> to vector<16xf32>
        %swap3A_354 = arith.index_cast %add3A_306 : i32 to index
        %swap3A_355 = arith.constant 80 : index
        %swap3A_356 = tpu.vector_load %arg9[%swap3A_354, %swap3A_355] {strides = array<i32>} : memref<80x128xf32, #tpu.memory_space<vmem>>, vector<1x16xf32>,
        %swap3A_357 = vector.shape_cast %swap3A_356 : vector<1x16xf32> to vector<16xf32>
        %swap3A_358 = vector.shape_cast %get3A_353 : vector<16xf32> to vector<1x16xf32>
        tpu.vector_store %arg9[%swap3A_354, %swap3A_355], %swap3A_358 {add = true, strides = array<i32>} : memref<80x128xf32, #tpu.memory_space<vmem>>, vector<1x16xf32>,
        %get3A_359 = arith.index_cast %add3A_306 : i32 to index
        %get3A_360 = arith.constant 96 : index
        %get3A_361 = tpu.vector_load %arg10[%get3A_359, %get3A_360] {strides = array<i32>} : memref<80x128xf32, #tpu.memory_space<vmem>>, vector<1x16xf32>,
        %get3A_362 = vector.shape_cast %get3A_361 : vector<1x16xf32> to vector<16xf32>
        %swap3A_363 = arith.index_cast %add3A_306 : i32 to index
        %swap3A_364 = arith.constant 96 : index
        %swap3A_365 = tpu.vector_load %arg9[%swap3A_363, %swap3A_364] {strides = array<i32>} : memref<80x128xf32, #tpu.memory_space<vmem>>, vector<1x16xf32>,
        %swap3A_366 = vector.shape_cast %swap3A_365 : vector<1x16xf32> to vector<16xf32>
        %swap3A_367 = vector.shape_cast %get3A_362 : vector<16xf32> to vector<1x16xf32>
        tpu.vector_store %arg9[%swap3A_363, %swap3A_364], %swap3A_367 {add = true, strides = array<i32>} : memref<80x128xf32, #tpu.memory_space<vmem>>, vector<1x16xf32>,
        %get3A_368 = arith.index_cast %add3A_306 : i32 to index
        %get3A_369 = arith.constant 112 : index
        %get3A_370 = tpu.vector_load %arg10[%get3A_368, %get3A_369] {strides = array<i32>} : memref<80x128xf32, #tpu.memory_space<vmem>>, vector<1x16xf32>,
        %get3A_371 = vector.shape_cast %get3A_370 : vector<1x16xf32> to vector<16xf32>
        %swap3A_372 = arith.index_cast %add3A_306 : i32 to index
        %swap3A_373 = arith.constant 112 : index
        %swap3A_374 = tpu.vector_load %arg9[%swap3A_372, %swap3A_373] {strides = array<i32>} : memref<80x128xf32, #tpu.memory_space<vmem>>, vector<1x16xf32>,
        %swap3A_375 = vector.shape_cast %swap3A_374 : vector<1x16xf32> to vector<16xf32>
        %swap3A_376 = vector.shape_cast %get3A_371 : vector<16xf32> to vector<1x16xf32>
        tpu.vector_store %arg9[%swap3A_372, %swap3A_373], %swap3A_376 {add = true, strides = array<i32>} : memref<80x128xf32, #tpu.memory_space<vmem>>, vector<1x16xf32>,
      }
      %scan3A_245 = arith.constant 80 : i32
      %mul3A_246 = arith.constant 80 : i32
      %mul3A_247 = arith.muli %add3A_205, %mul3A_246 : i32
      %add3A_248 = arith.addi %mul3A_2, %mul3A_247 : i32
      %dma_start3A_249 = arith.constant 0 : i32
      %dma_start3A_250 = tpu.memref_slice %arg6[%add3A_248, %dma_start3A_249] : memref<156160x128xf32, #tpu.memory_space<hbm>> -> memref<80x128xf32, #tpu.memory_space<hbm>>
      %dma_start3A_251 = arith.constant 0 : i32
      %dma_start3A_252 = tpu.memref_slice %arg6[%add3A_248, %dma_start3A_251] : memref<156160x128xf32, #tpu.memory_space<hbm>> -> memref<80x128xf32, #tpu.memory_space<hbm>>
      tpu.enqueue_dma source(%arg9 : memref<80x128xf32, #tpu.memory_space<vmem>>) target(%dma_start3A_252 : memref<80x128xf32, #tpu.memory_space<hbm>>) target_semaphore(%arg21 : memref<!tpu.dma_semaphore, #tpu.memory_space<semaphore_mem>>)
      %add3A_253 = arith.constant 2 : i32
      %add3A_254 = arith.addi %add3A_157, %add3A_253 : i32
      %mul3A_255 = arith.constant 80 : i32
      %mul3A_256 = arith.muli %add3A_254, %mul3A_255 : i32
      %mul3A_257 = arith.constant 80 : i32
      %mul3A_258 = arith.muli %add3A_254, %mul3A_257 : i32
      %dma_wait3A_259 = tpu.memref_slice %arg7[%mul3A_256] : memref<4880xi32, #tpu.memory_space<vmem>> -> memref<80xi32, #tpu.memory_space<vmem>>
      %dma_wait3A_260 = arith.constant 0 : i32
      %dma_wait3A_261 = arith.constant 0 : i32
      %dma_wait3A_262 = tpu.memref_slice %arg2[%dma_wait3A_260, %dma_wait3A_261] : memref<10000x128xf32, #tpu.memory_space<hbm>> -> memref<10000x128xf32, #tpu.memory_space<hbm>>
      tpu.wait_indirect_dma semaphore(%arg17 : memref<!tpu.dma_semaphore, #tpu.memory_space<semaphore_mem>>) src(%dma_wait3A_262 : memref<10000x128xf32, #tpu.memory_space<hbm>>) dst(%arg11 : memref<80x128xf32, #tpu.memory_space<vmem>>)
      %dma_wait3A_263 = tpu.memref_slice %arg8[%mul3A_258] : memref<4880xi32, #tpu.memory_space<vmem>> -> memref<80xi32, #tpu.memory_space<vmem>>
      %dma_wait3A_264 = arith.constant 0 : i32
      %dma_wait3A_265 = arith.constant 0 : i32
      %dma_wait3A_266 = tpu.memref_slice %arg3[%dma_wait3A_264, %dma_wait3A_265] : memref<10000x128xf32, #tpu.memory_space<hbm>> -> memref<10000x128xf32, #tpu.memory_space<hbm>>
      tpu.wait_indirect_dma semaphore(%arg18 : memref<!tpu.dma_semaphore, #tpu.memory_space<semaphore_mem>>) src(%dma_wait3A_266 : memref<10000x128xf32, #tpu.memory_space<hbm>>) dst(%arg12 : memref<80x128xf32, #tpu.memory_space<vmem>>)
      %sub3A_267 = arith.constant 2 : i32
      %sub3A_268 = arith.subi %add3A_254, %sub3A_267 : i32
      %mul3A_269 = arith.constant 80 : i32
      %mul3A_270 = arith.muli %sub3A_268, %mul3A_269 : i32
      %add3A_271 = arith.addi %mul3A_2, %mul3A_270 : i32
      %dma_wait3A_272 = arith.constant 0 : i32
      %dma_wait3A_273 = tpu.memref_slice %arg6[%add3A_271, %dma_wait3A_272] : memref<156160x128xf32, #tpu.memory_space<hbm>> -> memref<80x128xf32, #tpu.memory_space<hbm>>
      %dma_wait3A_274 = arith.constant 0 : i32
      %dma_wait3A_275 = tpu.memref_slice %arg6[%add3A_271, %dma_wait3A_274] : memref<156160x128xf32, #tpu.memory_space<hbm>> -> memref<80x128xf32, #tpu.memory_space<hbm>>
      tpu.wait_dma2 semaphore(%arg23 : memref<!tpu.dma_semaphore, #tpu.memory_space<semaphore_mem>>) src(%arg13 : memref<80x128xf32, #tpu.memory_space<vmem>>) dst(%dma_wait3A_275 : memref<80x128xf32, #tpu.memory_space<hbm>>)
      %add3A_276 = arith.constant 1 : i32
      %add3A_277 = arith.addi %add3A_254, %add3A_276 : i32
      %mul3A_278 = arith.constant 80 : i32
      %mul3A_279 = arith.muli %add3A_277, %mul3A_278 : i32
      %mul3A_280 = arith.constant 80 : i32
      %mul3A_281 = arith.muli %add3A_277, %mul3A_280 : i32
      %dma_start3A_282 = tpu.memref_slice %arg7[%mul3A_279] : memref<4880xi32, #tpu.memory_space<vmem>> -> memref<80xi32, #tpu.memory_space<vmem>>
      %dma_start3A_283 = arith.constant 0 : i32
      %dma_start3A_284 = arith.constant 0 : i32
      %dma_start3A_285 = tpu.memref_slice %arg2[%dma_start3A_283, %dma_start3A_284] : memref<10000x128xf32, #tpu.memory_space<hbm>> -> memref<10000x128xf32, #tpu.memory_space<hbm>>
      tpu.enqueue_indirect_dma source(%dma_start3A_285 : memref<10000x128xf32, #tpu.memory_space<hbm>>) target(%arg13 : memref<80x128xf32, #tpu.memory_space<vmem>>) offsets(%dma_start3A_282 : memref<80xi32, #tpu.memory_space<vmem>>) semaphore(%arg19 : memref<!tpu.dma_semaphore, #tpu.memory_space<semaphore_mem>>)
      %dma_start3A_286 = tpu.memref_slice %arg8[%mul3A_281] : memref<4880xi32, #tpu.memory_space<vmem>> -> memref<80xi32, #tpu.memory_space<vmem>>
      %dma_start3A_287 = arith.constant 0 : i32
      %dma_start3A_288 = arith.constant 0 : i32
      %dma_start3A_289 = tpu.memref_slice %arg3[%dma_start3A_287, %dma_start3A_288] : memref<10000x128xf32, #tpu.memory_space<hbm>> -> memref<10000x128xf32, #tpu.memory_space<hbm>>
      tpu.enqueue_indirect_dma source(%dma_start3A_289 : memref<10000x128xf32, #tpu.memory_space<hbm>>) target(%arg14 : memref<80x128xf32, #tpu.memory_space<vmem>>) offsets(%dma_start3A_286 : memref<80xi32, #tpu.memory_space<vmem>>) semaphore(%arg20 : memref<!tpu.dma_semaphore, #tpu.memory_space<semaphore_mem>>)
      %scan3A_290 = arith.constant 0 : i32
      %scan3A_291 = arith.constant 80 : i32
      %scan3A_292 = arith.addi %scan3A_290, %scan3A_291 : i32
      %scan3A_293 = arith.constant 1 : i32
      scf.for %scan3A_302 = %scan3A_290 to %scan3A_292 step %scan3A_293  : i32 {
        %mul3A_303 = arith.constant 1 : i32
        %mul3A_304 = arith.muli %scan3A_302, %mul3A_303 : i32
        %add3A_305 = arith.constant 0 : i32
        %add3A_306 = arith.addi %add3A_305, %mul3A_304 : i32
        %get3A = arith.index_cast %add3A_306 : i32 to index
        %get3A_307 = arith.constant 0 : index
        %get3A_308 = tpu.vector_load %arg12[%get3A, %get3A_307] {strides = array<i32>} : memref<80x128xf32, #tpu.memory_space<vmem>>, vector<1x16xf32>,
        %get3A_309 = vector.shape_cast %get3A_308 : vector<1x16xf32> to vector<16xf32>
        %swap3A = arith.index_cast %add3A_306 : i32 to index
        %swap3A_310 = arith.constant 0 : index
        %swap3A_311 = tpu.vector_load %arg11[%swap3A, %swap3A_310] {strides = array<i32>} : memref<80x128xf32, #tpu.memory_space<vmem>>, vector<1x16xf32>,
        %swap3A_312 = vector.shape_cast %swap3A_311 : vector<1x16xf32> to vector<16xf32>
        %swap3A_313 = vector.shape_cast %get3A_309 : vector<16xf32> to vector<1x16xf32>
        tpu.vector_store %arg11[%swap3A, %swap3A_310], %swap3A_313 {add = true, strides = array<i32>} : memref<80x128xf32, #tpu.memory_space<vmem>>, vector<1x16xf32>,
        %get3A_314 = arith.index_cast %add3A_306 : i32 to index
        %get3A_315 = arith.constant 16 : index
        %get3A_316 = tpu.vector_load %arg12[%get3A_314, %get3A_315] {strides = array<i32>} : memref<80x128xf32, #tpu.memory_space<vmem>>, vector<1x16xf32>,
        %get3A_317 = vector.shape_cast %get3A_316 : vector<1x16xf32> to vector<16xf32>
        %swap3A_318 = arith.index_cast %add3A_306 : i32 to index
        %swap3A_319 = arith.constant 16 : index
        %swap3A_320 = tpu.vector_load %arg11[%swap3A_318, %swap3A_319] {strides = array<i32>} : memref<80x128xf32, #tpu.memory_space<vmem>>, vector<1x16xf32>,
        %swap3A_321 = vector.shape_cast %swap3A_320 : vector<1x16xf32> to vector<16xf32>
        %swap3A_322 = vector.shape_cast %get3A_317 : vector<16xf32> to vector<1x16xf32>
        tpu.vector_store %arg11[%swap3A_318, %swap3A_319], %swap3A_322 {add = true, strides = array<i32>} : memref<80x128xf32, #tpu.memory_space<vmem>>, vector<1x16xf32>,
        %get3A_323 = arith.index_cast %add3A_306 : i32 to index
        %get3A_324 = arith.constant 32 : index
        %get3A_325 = tpu.vector_load %arg12[%get3A_323, %get3A_324] {strides = array<i32>} : memref<80x128xf32, #tpu.memory_space<vmem>>, vector<1x16xf32>,
        %get3A_326 = vector.shape_cast %get3A_325 : vector<1x16xf32> to vector<16xf32>
        %swap3A_327 = arith.index_cast %add3A_306 : i32 to index
        %swap3A_328 = arith.constant 32 : index
        %swap3A_329 = tpu.vector_load %arg11[%swap3A_327, %swap3A_328] {strides = array<i32>} : memref<80x128xf32, #tpu.memory_space<vmem>>, vector<1x16xf32>,
        %swap3A_330 = vector.shape_cast %swap3A_329 : vector<1x16xf32> to vector<16xf32>
        %swap3A_331 = vector.shape_cast %get3A_326 : vector<16xf32> to vector<1x16xf32>
        tpu.vector_store %arg11[%swap3A_327, %swap3A_328], %swap3A_331 {add = true, strides = array<i32>} : memref<80x128xf32, #tpu.memory_space<vmem>>, vector<1x16xf32>,
        %get3A_332 = arith.index_cast %add3A_306 : i32 to index
        %get3A_333 = arith.constant 48 : index
        %get3A_334 = tpu.vector_load %arg12[%get3A_332, %get3A_333] {strides = array<i32>} : memref<80x128xf32, #tpu.memory_space<vmem>>, vector<1x16xf32>,
        %get3A_335 = vector.shape_cast %get3A_334 : vector<1x16xf32> to vector<16xf32>
        %swap3A_336 = arith.index_cast %add3A_306 : i32 to index
        %swap3A_337 = arith.constant 48 : index
        %swap3A_338 = tpu.vector_load %arg11[%swap3A_336, %swap3A_337] {strides = array<i32>} : memref<80x128xf32, #tpu.memory_space<vmem>>, vector<1x16xf32>,
        %swap3A_339 = vector.shape_cast %swap3A_338 : vector<1x16xf32> to vector<16xf32>
        %swap3A_340 = vector.shape_cast %get3A_335 : vector<16xf32> to vector<1x16xf32>
        tpu.vector_store %arg11[%swap3A_336, %swap3A_337], %swap3A_340 {add = true, strides = array<i32>} : memref<80x128xf32, #tpu.memory_space<vmem>>, vector<1x16xf32>,
        %get3A_341 = arith.index_cast %add3A_306 : i32 to index
        %get3A_342 = arith.constant 64 : index
        %get3A_343 = tpu.vector_load %arg12[%get3A_341, %get3A_342] {strides = array<i32>} : memref<80x128xf32, #tpu.memory_space<vmem>>, vector<1x16xf32>,
        %get3A_344 = vector.shape_cast %get3A_343 : vector<1x16xf32> to vector<16xf32>
        %swap3A_345 = arith.index_cast %add3A_306 : i32 to index
        %swap3A_346 = arith.constant 64 : index
        %swap3A_347 = tpu.vector_load %arg11[%swap3A_345, %swap3A_346] {strides = array<i32>} : memref<80x128xf32, #tpu.memory_space<vmem>>, vector<1x16xf32>,
        %swap3A_348 = vector.shape_cast %swap3A_347 : vector<1x16xf32> to vector<16xf32>
        %swap3A_349 = vector.shape_cast %get3A_344 : vector<16xf32> to vector<1x16xf32>
        tpu.vector_store %arg11[%swap3A_345, %swap3A_346], %swap3A_349 {add = true, strides = array<i32>} : memref<80x128xf32, #tpu.memory_space<vmem>>, vector<1x16xf32>,
        %get3A_350 = arith.index_cast %add3A_306 : i32 to index
        %get3A_351 = arith.constant 80 : index
        %get3A_352 = tpu.vector_load %arg12[%get3A_350, %get3A_351] {strides = array<i32>} : memref<80x128xf32, #tpu.memory_space<vmem>>, vector<1x16xf32>,
        %get3A_353 = vector.shape_cast %get3A_352 : vector<1x16xf32> to vector<16xf32>
        %swap3A_354 = arith.index_cast %add3A_306 : i32 to index
        %swap3A_355 = arith.constant 80 : index
        %swap3A_356 = tpu.vector_load %arg11[%swap3A_354, %swap3A_355] {strides = array<i32>} : memref<80x128xf32, #tpu.memory_space<vmem>>, vector<1x16xf32>,
        %swap3A_357 = vector.shape_cast %swap3A_356 : vector<1x16xf32> to vector<16xf32>
        %swap3A_358 = vector.shape_cast %get3A_353 : vector<16xf32> to vector<1x16xf32>
        tpu.vector_store %arg11[%swap3A_354, %swap3A_355], %swap3A_358 {add = true, strides = array<i32>} : memref<80x128xf32, #tpu.memory_space<vmem>>, vector<1x16xf32>,
        %get3A_359 = arith.index_cast %add3A_306 : i32 to index
        %get3A_360 = arith.constant 96 : index
        %get3A_361 = tpu.vector_load %arg12[%get3A_359, %get3A_360] {strides = array<i32>} : memref<80x128xf32, #tpu.memory_space<vmem>>, vector<1x16xf32>,
        %get3A_362 = vector.shape_cast %get3A_361 : vector<1x16xf32> to vector<16xf32>
        %swap3A_363 = arith.index_cast %add3A_306 : i32 to index
        %swap3A_364 = arith.constant 96 : index
        %swap3A_365 = tpu.vector_load %arg11[%swap3A_363, %swap3A_364] {strides = array<i32>} : memref<80x128xf32, #tpu.memory_space<vmem>>, vector<1x16xf32>,
        %swap3A_366 = vector.shape_cast %swap3A_365 : vector<1x16xf32> to vector<16xf32>
        %swap3A_367 = vector.shape_cast %get3A_362 : vector<16xf32> to vector<1x16xf32>
        tpu.vector_store %arg11[%swap3A_363, %swap3A_364], %swap3A_367 {add = true, strides = array<i32>} : memref<80x128xf32, #tpu.memory_space<vmem>>, vector<1x16xf32>,
        %get3A_368 = arith.index_cast %add3A_306 : i32 to index
        %get3A_369 = arith.constant 112 : index
        %get3A_370 = tpu.vector_load %arg12[%get3A_368, %get3A_369] {strides = array<i32>} : memref<80x128xf32, #tpu.memory_space<vmem>>, vector<1x16xf32>,
        %get3A_371 = vector.shape_cast %get3A_370 : vector<1x16xf32> to vector<16xf32>
        %swap3A_372 = arith.index_cast %add3A_306 : i32 to index
        %swap3A_373 = arith.constant 112 : index
        %swap3A_374 = tpu.vector_load %arg11[%swap3A_372, %swap3A_373] {strides = array<i32>} : memref<80x128xf32, #tpu.memory_space<vmem>>, vector<1x16xf32>,
        %swap3A_375 = vector.shape_cast %swap3A_374 : vector<1x16xf32> to vector<16xf32>
        %swap3A_376 = vector.shape_cast %get3A_371 : vector<16xf32> to vector<1x16xf32>
        tpu.vector_store %arg11[%swap3A_372, %swap3A_373], %swap3A_376 {add = true, strides = array<i32>} : memref<80x128xf32, #tpu.memory_space<vmem>>, vector<1x16xf32>,
      }
      %scan3A_294 = arith.constant 80 : i32
      %mul3A_295 = arith.constant 80 : i32
      %mul3A_296 = arith.muli %add3A_254, %mul3A_295 : i32
      %add3A_297 = arith.addi %mul3A_2, %mul3A_296 : i32
      %dma_start3A_298 = arith.constant 0 : i32
      %dma_start3A_299 = tpu.memref_slice %arg6[%add3A_297, %dma_start3A_298] : memref<156160x128xf32, #tpu.memory_space<hbm>> -> memref<80x128xf32, #tpu.memory_space<hbm>>
      %dma_start3A_300 = arith.constant 0 : i32
      %dma_start3A_301 = tpu.memref_slice %arg6[%add3A_297, %dma_start3A_300] : memref<156160x128xf32, #tpu.memory_space<hbm>> -> memref<80x128xf32, #tpu.memory_space<hbm>>
      tpu.enqueue_dma source(%arg11 : memref<80x128xf32, #tpu.memory_space<vmem>>) target(%dma_start3A_301 : memref<80x128xf32, #tpu.memory_space<hbm>>) target_semaphore(%arg22 : memref<!tpu.dma_semaphore, #tpu.memory_space<semaphore_mem>>)
    }
    %scan3A_76 = arith.constant 19 : i32
    %dma_wait3A_77 = arith.constant 4720 : i32
    %dma_wait3A_78 = tpu.memref_slice %arg7[%dma_wait3A_77] : memref<4880xi32, #tpu.memory_space<vmem>> -> memref<80xi32, #tpu.memory_space<vmem>>
    %dma_wait3A_79 = arith.constant 0 : i32
    %dma_wait3A_80 = arith.constant 0 : i32
    %dma_wait3A_81 = tpu.memref_slice %arg2[%dma_wait3A_79, %dma_wait3A_80] : memref<10000x128xf32, #tpu.memory_space<hbm>> -> memref<10000x128xf32, #tpu.memory_space<hbm>>
    tpu.wait_indirect_dma semaphore(%arg19 : memref<!tpu.dma_semaphore, #tpu.memory_space<semaphore_mem>>) src(%dma_wait3A_81 : memref<10000x128xf32, #tpu.memory_space<hbm>>) dst(%arg13 : memref<80x128xf32, #tpu.memory_space<vmem>>)
    %dma_wait3A_82 = arith.constant 4720 : i32
    %dma_wait3A_83 = tpu.memref_slice %arg8[%dma_wait3A_82] : memref<4880xi32, #tpu.memory_space<vmem>> -> memref<80xi32, #tpu.memory_space<vmem>>
    %dma_wait3A_84 = arith.constant 0 : i32
    %dma_wait3A_85 = arith.constant 0 : i32
    %dma_wait3A_86 = tpu.memref_slice %arg3[%dma_wait3A_84, %dma_wait3A_85] : memref<10000x128xf32, #tpu.memory_space<hbm>> -> memref<10000x128xf32, #tpu.memory_space<hbm>>
    tpu.wait_indirect_dma semaphore(%arg20 : memref<!tpu.dma_semaphore, #tpu.memory_space<semaphore_mem>>) src(%dma_wait3A_86 : memref<10000x128xf32, #tpu.memory_space<hbm>>) dst(%arg14 : memref<80x128xf32, #tpu.memory_space<vmem>>)
    %add3A_87 = arith.constant 4560 : i32
    %add3A_88 = arith.addi %mul3A_2, %add3A_87 : i32
    %dma_wait3A_89 = arith.constant 0 : i32
    %dma_wait3A_90 = tpu.memref_slice %arg6[%add3A_88, %dma_wait3A_89] : memref<156160x128xf32, #tpu.memory_space<hbm>> -> memref<80x128xf32, #tpu.memory_space<hbm>>
    %dma_wait3A_91 = arith.constant 0 : i32
    %dma_wait3A_92 = tpu.memref_slice %arg6[%add3A_88, %dma_wait3A_91] : memref<156160x128xf32, #tpu.memory_space<hbm>> -> memref<80x128xf32, #tpu.memory_space<hbm>>
    tpu.wait_dma2 semaphore(%arg21 : memref<!tpu.dma_semaphore, #tpu.memory_space<semaphore_mem>>) src(%arg9 : memref<80x128xf32, #tpu.memory_space<vmem>>) dst(%dma_wait3A_92 : memref<80x128xf32, #tpu.memory_space<hbm>>)
    %dma_start3A_93 = arith.constant 4800 : i32
    %dma_start3A_94 = tpu.memref_slice %arg7[%dma_start3A_93] : memref<4880xi32, #tpu.memory_space<vmem>> -> memref<80xi32, #tpu.memory_space<vmem>>
    %dma_start3A_95 = arith.constant 0 : i32
    %dma_start3A_96 = arith.constant 0 : i32
    %dma_start3A_97 = tpu.memref_slice %arg2[%dma_start3A_95, %dma_start3A_96] : memref<10000x128xf32, #tpu.memory_space<hbm>> -> memref<10000x128xf32, #tpu.memory_space<hbm>>
    tpu.enqueue_indirect_dma source(%dma_start3A_97 : memref<10000x128xf32, #tpu.memory_space<hbm>>) target(%arg9 : memref<80x128xf32, #tpu.memory_space<vmem>>) offsets(%dma_start3A_94 : memref<80xi32, #tpu.memory_space<vmem>>) semaphore(%arg15 : memref<!tpu.dma_semaphore, #tpu.memory_space<semaphore_mem>>)
    %dma_start3A_98 = arith.constant 4800 : i32
    %dma_start3A_99 = tpu.memref_slice %arg8[%dma_start3A_98] : memref<4880xi32, #tpu.memory_space<vmem>> -> memref<80xi32, #tpu.memory_space<vmem>>
    %dma_start3A_100 = arith.constant 0 : i32
    %dma_start3A_101 = arith.constant 0 : i32
    %dma_start3A_102 = tpu.memref_slice %arg3[%dma_start3A_100, %dma_start3A_101] : memref<10000x128xf32, #tpu.memory_space<hbm>> -> memref<10000x128xf32, #tpu.memory_space<hbm>>
    tpu.enqueue_indirect_dma source(%dma_start3A_102 : memref<10000x128xf32, #tpu.memory_space<hbm>>) target(%arg10 : memref<80x128xf32, #tpu.memory_space<vmem>>) offsets(%dma_start3A_99 : memref<80xi32, #tpu.memory_space<vmem>>) semaphore(%arg16 : memref<!tpu.dma_semaphore, #tpu.memory_space<semaphore_mem>>)
    %scan3A_103 = arith.constant 0 : i32
    %scan3A_104 = arith.constant 80 : i32
    %scan3A_105 = arith.addi %scan3A_103, %scan3A_104 : i32
    %scan3A_106 = arith.constant 1 : i32
    scf.for %scan3A_153 = %scan3A_103 to %scan3A_105 step %scan3A_106  : i32 {
      %mul3A_154 = arith.constant 1 : i32
      %mul3A_155 = arith.muli %scan3A_153, %mul3A_154 : i32
      %add3A_156 = arith.constant 0 : i32
      %add3A_157 = arith.addi %add3A_156, %mul3A_155 : i32
      %get3A = arith.index_cast %add3A_157 : i32 to index
      %get3A_158 = arith.constant 0 : index
      %get3A_159 = tpu.vector_load %arg14[%get3A, %get3A_158] {strides = array<i32>} : memref<80x128xf32, #tpu.memory_space<vmem>>, vector<1x16xf32>,
      %get3A_160 = vector.shape_cast %get3A_159 : vector<1x16xf32> to vector<16xf32>
      %swap3A = arith.index_cast %add3A_157 : i32 to index
      %swap3A_161 = arith.constant 0 : index
      %swap3A_162 = tpu.vector_load %arg13[%swap3A, %swap3A_161] {strides = array<i32>} : memref<80x128xf32, #tpu.memory_space<vmem>>, vector<1x16xf32>,
      %swap3A_163 = vector.shape_cast %swap3A_162 : vector<1x16xf32> to vector<16xf32>
      %swap3A_164 = vector.shape_cast %get3A_160 : vector<16xf32> to vector<1x16xf32>
      tpu.vector_store %arg13[%swap3A, %swap3A_161], %swap3A_164 {add = true, strides = array<i32>} : memref<80x128xf32, #tpu.memory_space<vmem>>, vector<1x16xf32>,
      %get3A_165 = arith.index_cast %add3A_157 : i32 to index
      %get3A_166 = arith.constant 16 : index
      %get3A_167 = tpu.vector_load %arg14[%get3A_165, %get3A_166] {strides = array<i32>} : memref<80x128xf32, #tpu.memory_space<vmem>>, vector<1x16xf32>,
      %get3A_168 = vector.shape_cast %get3A_167 : vector<1x16xf32> to vector<16xf32>
      %swap3A_169 = arith.index_cast %add3A_157 : i32 to index
      %swap3A_170 = arith.constant 16 : index
      %swap3A_171 = tpu.vector_load %arg13[%swap3A_169, %swap3A_170] {strides = array<i32>} : memref<80x128xf32, #tpu.memory_space<vmem>>, vector<1x16xf32>,
      %swap3A_172 = vector.shape_cast %swap3A_171 : vector<1x16xf32> to vector<16xf32>
      %swap3A_173 = vector.shape_cast %get3A_168 : vector<16xf32> to vector<1x16xf32>
      tpu.vector_store %arg13[%swap3A_169, %swap3A_170], %swap3A_173 {add = true, strides = array<i32>} : memref<80x128xf32, #tpu.memory_space<vmem>>, vector<1x16xf32>,
      %get3A_174 = arith.index_cast %add3A_157 : i32 to index
      %get3A_175 = arith.constant 32 : index
      %get3A_176 = tpu.vector_load %arg14[%get3A_174, %get3A_175] {strides = array<i32>} : memref<80x128xf32, #tpu.memory_space<vmem>>, vector<1x16xf32>,
      %get3A_177 = vector.shape_cast %get3A_176 : vector<1x16xf32> to vector<16xf32>
      %swap3A_178 = arith.index_cast %add3A_157 : i32 to index
      %swap3A_179 = arith.constant 32 : index
      %swap3A_180 = tpu.vector_load %arg13[%swap3A_178, %swap3A_179] {strides = array<i32>} : memref<80x128xf32, #tpu.memory_space<vmem>>, vector<1x16xf32>,
      %swap3A_181 = vector.shape_cast %swap3A_180 : vector<1x16xf32> to vector<16xf32>
      %swap3A_182 = vector.shape_cast %get3A_177 : vector<16xf32> to vector<1x16xf32>
      tpu.vector_store %arg13[%swap3A_178, %swap3A_179], %swap3A_182 {add = true, strides = array<i32>} : memref<80x128xf32, #tpu.memory_space<vmem>>, vector<1x16xf32>,
      %get3A_183 = arith.index_cast %add3A_157 : i32 to index
      %get3A_184 = arith.constant 48 : index
      %get3A_185 = tpu.vector_load %arg14[%get3A_183, %get3A_184] {strides = array<i32>} : memref<80x128xf32, #tpu.memory_space<vmem>>, vector<1x16xf32>,
      %get3A_186 = vector.shape_cast %get3A_185 : vector<1x16xf32> to vector<16xf32>
      %swap3A_187 = arith.index_cast %add3A_157 : i32 to index
      %swap3A_188 = arith.constant 48 : index
      %swap3A_189 = tpu.vector_load %arg13[%swap3A_187, %swap3A_188] {strides = array<i32>} : memref<80x128xf32, #tpu.memory_space<vmem>>, vector<1x16xf32>,
      %swap3A_190 = vector.shape_cast %swap3A_189 : vector<1x16xf32> to vector<16xf32>
      %swap3A_191 = vector.shape_cast %get3A_186 : vector<16xf32> to vector<1x16xf32>
      tpu.vector_store %arg13[%swap3A_187, %swap3A_188], %swap3A_191 {add = true, strides = array<i32>} : memref<80x128xf32, #tpu.memory_space<vmem>>, vector<1x16xf32>,
      %get3A_192 = arith.index_cast %add3A_157 : i32 to index
      %get3A_193 = arith.constant 64 : index
      %get3A_194 = tpu.vector_load %arg14[%get3A_192, %get3A_193] {strides = array<i32>} : memref<80x128xf32, #tpu.memory_space<vmem>>, vector<1x16xf32>,
      %get3A_195 = vector.shape_cast %get3A_194 : vector<1x16xf32> to vector<16xf32>
      %swap3A_196 = arith.index_cast %add3A_157 : i32 to index
      %swap3A_197 = arith.constant 64 : index
      %swap3A_198 = tpu.vector_load %arg13[%swap3A_196, %swap3A_197] {strides = array<i32>} : memref<80x128xf32, #tpu.memory_space<vmem>>, vector<1x16xf32>,
      %swap3A_199 = vector.shape_cast %swap3A_198 : vector<1x16xf32> to vector<16xf32>
      %swap3A_200 = vector.shape_cast %get3A_195 : vector<16xf32> to vector<1x16xf32>
      tpu.vector_store %arg13[%swap3A_196, %swap3A_197], %swap3A_200 {add = true, strides = array<i32>} : memref<80x128xf32, #tpu.memory_space<vmem>>, vector<1x16xf32>,
      %get3A_201 = arith.index_cast %add3A_157 : i32 to index
      %get3A_202 = arith.constant 80 : index
      %get3A_203 = tpu.vector_load %arg14[%get3A_201, %get3A_202] {strides = array<i32>} : memref<80x128xf32, #tpu.memory_space<vmem>>, vector<1x16xf32>,
      %get3A_204 = vector.shape_cast %get3A_203 : vector<1x16xf32> to vector<16xf32>
      %swap3A_205 = arith.index_cast %add3A_157 : i32 to index
      %swap3A_206 = arith.constant 80 : index
      %swap3A_207 = tpu.vector_load %arg13[%swap3A_205, %swap3A_206] {strides = array<i32>} : memref<80x128xf32, #tpu.memory_space<vmem>>, vector<1x16xf32>,
      %swap3A_208 = vector.shape_cast %swap3A_207 : vector<1x16xf32> to vector<16xf32>
      %swap3A_209 = vector.shape_cast %get3A_204 : vector<16xf32> to vector<1x16xf32>
      tpu.vector_store %arg13[%swap3A_205, %swap3A_206], %swap3A_209 {add = true, strides = array<i32>} : memref<80x128xf32, #tpu.memory_space<vmem>>, vector<1x16xf32>,
      %get3A_210 = arith.index_cast %add3A_157 : i32 to index
      %get3A_211 = arith.constant 96 : index
      %get3A_212 = tpu.vector_load %arg14[%get3A_210, %get3A_211] {strides = array<i32>} : memref<80x128xf32, #tpu.memory_space<vmem>>, vector<1x16xf32>,
      %get3A_213 = vector.shape_cast %get3A_212 : vector<1x16xf32> to vector<16xf32>
      %swap3A_214 = arith.index_cast %add3A_157 : i32 to index
      %swap3A_215 = arith.constant 96 : index
      %swap3A_216 = tpu.vector_load %arg13[%swap3A_214, %swap3A_215] {strides = array<i32>} : memref<80x128xf32, #tpu.memory_space<vmem>>, vector<1x16xf32>,
      %swap3A_217 = vector.shape_cast %swap3A_216 : vector<1x16xf32> to vector<16xf32>
      %swap3A_218 = vector.shape_cast %get3A_213 : vector<16xf32> to vector<1x16xf32>
      tpu.vector_store %arg13[%swap3A_214, %swap3A_215], %swap3A_218 {add = true, strides = array<i32>} : memref<80x128xf32, #tpu.memory_space<vmem>>, vector<1x16xf32>,
      %get3A_219 = arith.index_cast %add3A_157 : i32 to index
      %get3A_220 = arith.constant 112 : index
      %get3A_221 = tpu.vector_load %arg14[%get3A_219, %get3A_220] {strides = array<i32>} : memref<80x128xf32, #tpu.memory_space<vmem>>, vector<1x16xf32>,
      %get3A_222 = vector.shape_cast %get3A_221 : vector<1x16xf32> to vector<16xf32>
      %swap3A_223 = arith.index_cast %add3A_157 : i32 to index
      %swap3A_224 = arith.constant 112 : index
      %swap3A_225 = tpu.vector_load %arg13[%swap3A_223, %swap3A_224] {strides = array<i32>} : memref<80x128xf32, #tpu.memory_space<vmem>>, vector<1x16xf32>,
      %swap3A_226 = vector.shape_cast %swap3A_225 : vector<1x16xf32> to vector<16xf32>
      %swap3A_227 = vector.shape_cast %get3A_222 : vector<16xf32> to vector<1x16xf32>
      tpu.vector_store %arg13[%swap3A_223, %swap3A_224], %swap3A_227 {add = true, strides = array<i32>} : memref<80x128xf32, #tpu.memory_space<vmem>>, vector<1x16xf32>,
    }
    %scan3A_107 = arith.constant 80 : i32
    %add3A_108 = arith.constant 4720 : i32
    %add3A_109 = arith.addi %mul3A_2, %add3A_108 : i32
    %dma_start3A_110 = arith.constant 0 : i32
    %dma_start3A_111 = tpu.memref_slice %arg6[%add3A_109, %dma_start3A_110] : memref<156160x128xf32, #tpu.memory_space<hbm>> -> memref<80x128xf32, #tpu.memory_space<hbm>>
    %dma_start3A_112 = arith.constant 0 : i32
    %dma_start3A_113 = tpu.memref_slice %arg6[%add3A_109, %dma_start3A_112] : memref<156160x128xf32, #tpu.memory_space<hbm>> -> memref<80x128xf32, #tpu.memory_space<hbm>>
    tpu.enqueue_dma source(%arg13 : memref<80x128xf32, #tpu.memory_space<vmem>>) target(%dma_start3A_113 : memref<80x128xf32, #tpu.memory_space<hbm>>) target_semaphore(%arg23 : memref<!tpu.dma_semaphore, #tpu.memory_space<semaphore_mem>>)
    %dma_wait3A_114 = arith.constant 4800 : i32
    %dma_wait3A_115 = tpu.memref_slice %arg7[%dma_wait3A_114] : memref<4880xi32, #tpu.memory_space<vmem>> -> memref<80xi32, #tpu.memory_space<vmem>>
    %dma_wait3A_116 = arith.constant 0 : i32
    %dma_wait3A_117 = arith.constant 0 : i32
    %dma_wait3A_118 = tpu.memref_slice %arg2[%dma_wait3A_116, %dma_wait3A_117] : memref<10000x128xf32, #tpu.memory_space<hbm>> -> memref<10000x128xf32, #tpu.memory_space<hbm>>
    tpu.wait_indirect_dma semaphore(%arg15 : memref<!tpu.dma_semaphore, #tpu.memory_space<semaphore_mem>>) src(%dma_wait3A_118 : memref<10000x128xf32, #tpu.memory_space<hbm>>) dst(%arg9 : memref<80x128xf32, #tpu.memory_space<vmem>>)
    %dma_wait3A_119 = arith.constant 4800 : i32
    %dma_wait3A_120 = tpu.memref_slice %arg8[%dma_wait3A_119] : memref<4880xi32, #tpu.memory_space<vmem>> -> memref<80xi32, #tpu.memory_space<vmem>>
    %dma_wait3A_121 = arith.constant 0 : i32
    %dma_wait3A_122 = arith.constant 0 : i32
    %dma_wait3A_123 = tpu.memref_slice %arg3[%dma_wait3A_121, %dma_wait3A_122] : memref<10000x128xf32, #tpu.memory_space<hbm>> -> memref<10000x128xf32, #tpu.memory_space<hbm>>
    tpu.wait_indirect_dma semaphore(%arg16 : memref<!tpu.dma_semaphore, #tpu.memory_space<semaphore_mem>>) src(%dma_wait3A_123 : memref<10000x128xf32, #tpu.memory_space<hbm>>) dst(%arg10 : memref<80x128xf32, #tpu.memory_space<vmem>>)
    %scan3A_124 = arith.constant 0 : i32
    %scan3A_125 = arith.constant 80 : i32
    %scan3A_126 = arith.addi %scan3A_124, %scan3A_125 : i32
    %scan3A_127 = arith.constant 1 : i32
    scf.for %scan3A_153 = %scan3A_124 to %scan3A_126 step %scan3A_127  : i32 {
      %mul3A_154 = arith.constant 1 : i32
      %mul3A_155 = arith.muli %scan3A_153, %mul3A_154 : i32
      %add3A_156 = arith.constant 0 : i32
      %add3A_157 = arith.addi %add3A_156, %mul3A_155 : i32
      %get3A = arith.index_cast %add3A_157 : i32 to index
      %get3A_158 = arith.constant 0 : index
      %get3A_159 = tpu.vector_load %arg10[%get3A, %get3A_158] {strides = array<i32>} : memref<80x128xf32, #tpu.memory_space<vmem>>, vector<1x16xf32>,
      %get3A_160 = vector.shape_cast %get3A_159 : vector<1x16xf32> to vector<16xf32>
      %swap3A = arith.index_cast %add3A_157 : i32 to index
      %swap3A_161 = arith.constant 0 : index
      %swap3A_162 = tpu.vector_load %arg9[%swap3A, %swap3A_161] {strides = array<i32>} : memref<80x128xf32, #tpu.memory_space<vmem>>, vector<1x16xf32>,
      %swap3A_163 = vector.shape_cast %swap3A_162 : vector<1x16xf32> to vector<16xf32>
      %swap3A_164 = vector.shape_cast %get3A_160 : vector<16xf32> to vector<1x16xf32>
      tpu.vector_store %arg9[%swap3A, %swap3A_161], %swap3A_164 {add = true, strides = array<i32>} : memref<80x128xf32, #tpu.memory_space<vmem>>, vector<1x16xf32>,
      %get3A_165 = arith.index_cast %add3A_157 : i32 to index
      %get3A_166 = arith.constant 16 : index
      %get3A_167 = tpu.vector_load %arg10[%get3A_165, %get3A_166] {strides = array<i32>} : memref<80x128xf32, #tpu.memory_space<vmem>>, vector<1x16xf32>,
      %get3A_168 = vector.shape_cast %get3A_167 : vector<1x16xf32> to vector<16xf32>
      %swap3A_169 = arith.index_cast %add3A_157 : i32 to index
      %swap3A_170 = arith.constant 16 : index
      %swap3A_171 = tpu.vector_load %arg9[%swap3A_169, %swap3A_170] {strides = array<i32>} : memref<80x128xf32, #tpu.memory_space<vmem>>, vector<1x16xf32>,
      %swap3A_172 = vector.shape_cast %swap3A_171 : vector<1x16xf32> to vector<16xf32>
      %swap3A_173 = vector.shape_cast %get3A_168 : vector<16xf32> to vector<1x16xf32>
      tpu.vector_store %arg9[%swap3A_169, %swap3A_170], %swap3A_173 {add = true, strides = array<i32>} : memref<80x128xf32, #tpu.memory_space<vmem>>, vector<1x16xf32>,
      %get3A_174 = arith.index_cast %add3A_157 : i32 to index
      %get3A_175 = arith.constant 32 : index
      %get3A_176 = tpu.vector_load %arg10[%get3A_174, %get3A_175] {strides = array<i32>} : memref<80x128xf32, #tpu.memory_space<vmem>>, vector<1x16xf32>,
      %get3A_177 = vector.shape_cast %get3A_176 : vector<1x16xf32> to vector<16xf32>
      %swap3A_178 = arith.index_cast %add3A_157 : i32 to index
      %swap3A_179 = arith.constant 32 : index
      %swap3A_180 = tpu.vector_load %arg9[%swap3A_178, %swap3A_179] {strides = array<i32>} : memref<80x128xf32, #tpu.memory_space<vmem>>, vector<1x16xf32>,
      %swap3A_181 = vector.shape_cast %swap3A_180 : vector<1x16xf32> to vector<16xf32>
      %swap3A_182 = vector.shape_cast %get3A_177 : vector<16xf32> to vector<1x16xf32>
      tpu.vector_store %arg9[%swap3A_178, %swap3A_179], %swap3A_182 {add = true, strides = array<i32>} : memref<80x128xf32, #tpu.memory_space<vmem>>, vector<1x16xf32>,
      %get3A_183 = arith.index_cast %add3A_157 : i32 to index
      %get3A_184 = arith.constant 48 : index
      %get3A_185 = tpu.vector_load %arg10[%get3A_183, %get3A_184] {strides = array<i32>} : memref<80x128xf32, #tpu.memory_space<vmem>>, vector<1x16xf32>,
      %get3A_186 = vector.shape_cast %get3A_185 : vector<1x16xf32> to vector<16xf32>
      %swap3A_187 = arith.index_cast %add3A_157 : i32 to index
      %swap3A_188 = arith.constant 48 : index
      %swap3A_189 = tpu.vector_load %arg9[%swap3A_187, %swap3A_188] {strides = array<i32>} : memref<80x128xf32, #tpu.memory_space<vmem>>, vector<1x16xf32>,
      %swap3A_190 = vector.shape_cast %swap3A_189 : vector<1x16xf32> to vector<16xf32>
      %swap3A_191 = vector.shape_cast %get3A_186 : vector<16xf32> to vector<1x16xf32>
      tpu.vector_store %arg9[%swap3A_187, %swap3A_188], %swap3A_191 {add = true, strides = array<i32>} : memref<80x128xf32, #tpu.memory_space<vmem>>, vector<1x16xf32>,
      %get3A_192 = arith.index_cast %add3A_157 : i32 to index
      %get3A_193 = arith.constant 64 : index
      %get3A_194 = tpu.vector_load %arg10[%get3A_192, %get3A_193] {strides = array<i32>} : memref<80x128xf32, #tpu.memory_space<vmem>>, vector<1x16xf32>,
      %get3A_195 = vector.shape_cast %get3A_194 : vector<1x16xf32> to vector<16xf32>
      %swap3A_196 = arith.index_cast %add3A_157 : i32 to index
      %swap3A_197 = arith.constant 64 : index
      %swap3A_198 = tpu.vector_load %arg9[%swap3A_196, %swap3A_197] {strides = array<i32>} : memref<80x128xf32, #tpu.memory_space<vmem>>, vector<1x16xf32>,
      %swap3A_199 = vector.shape_cast %swap3A_198 : vector<1x16xf32> to vector<16xf32>
      %swap3A_200 = vector.shape_cast %get3A_195 : vector<16xf32> to vector<1x16xf32>
      tpu.vector_store %arg9[%swap3A_196, %swap3A_197], %swap3A_200 {add = true, strides = array<i32>} : memref<80x128xf32, #tpu.memory_space<vmem>>, vector<1x16xf32>,
      %get3A_201 = arith.index_cast %add3A_157 : i32 to index
      %get3A_202 = arith.constant 80 : index
      %get3A_203 = tpu.vector_load %arg10[%get3A_201, %get3A_202] {strides = array<i32>} : memref<80x128xf32, #tpu.memory_space<vmem>>, vector<1x16xf32>,
      %get3A_204 = vector.shape_cast %get3A_203 : vector<1x16xf32> to vector<16xf32>
      %swap3A_205 = arith.index_cast %add3A_157 : i32 to index
      %swap3A_206 = arith.constant 80 : index
      %swap3A_207 = tpu.vector_load %arg9[%swap3A_205, %swap3A_206] {strides = array<i32>} : memref<80x128xf32, #tpu.memory_space<vmem>>, vector<1x16xf32>,
      %swap3A_208 = vector.shape_cast %swap3A_207 : vector<1x16xf32> to vector<16xf32>
      %swap3A_209 = vector.shape_cast %get3A_204 : vector<16xf32> to vector<1x16xf32>
      tpu.vector_store %arg9[%swap3A_205, %swap3A_206], %swap3A_209 {add = true, strides = array<i32>} : memref<80x128xf32, #tpu.memory_space<vmem>>, vector<1x16xf32>,
      %get3A_210 = arith.index_cast %add3A_157 : i32 to index
      %get3A_211 = arith.constant 96 : index
      %get3A_212 = tpu.vector_load %arg10[%get3A_210, %get3A_211] {strides = array<i32>} : memref<80x128xf32, #tpu.memory_space<vmem>>, vector<1x16xf32>,
      %get3A_213 = vector.shape_cast %get3A_212 : vector<1x16xf32> to vector<16xf32>
      %swap3A_214 = arith.index_cast %add3A_157 : i32 to index
      %swap3A_215 = arith.constant 96 : index
      %swap3A_216 = tpu.vector_load %arg9[%swap3A_214, %swap3A_215] {strides = array<i32>} : memref<80x128xf32, #tpu.memory_space<vmem>>, vector<1x16xf32>,
      %swap3A_217 = vector.shape_cast %swap3A_216 : vector<1x16xf32> to vector<16xf32>
      %swap3A_218 = vector.shape_cast %get3A_213 : vector<16xf32> to vector<1x16xf32>
      tpu.vector_store %arg9[%swap3A_214, %swap3A_215], %swap3A_218 {add = true, strides = array<i32>} : memref<80x128xf32, #tpu.memory_space<vmem>>, vector<1x16xf32>,
      %get3A_219 = arith.index_cast %add3A_157 : i32 to index
      %get3A_220 = arith.constant 112 : index
      %get3A_221 = tpu.vector_load %arg10[%get3A_219, %get3A_220] {strides = array<i32>} : memref<80x128xf32, #tpu.memory_space<vmem>>, vector<1x16xf32>,
      %get3A_222 = vector.shape_cast %get3A_221 : vector<1x16xf32> to vector<16xf32>
      %swap3A_223 = arith.index_cast %add3A_157 : i32 to index
      %swap3A_224 = arith.constant 112 : index
      %swap3A_225 = tpu.vector_load %arg9[%swap3A_223, %swap3A_224] {strides = array<i32>} : memref<80x128xf32, #tpu.memory_space<vmem>>, vector<1x16xf32>,
      %swap3A_226 = vector.shape_cast %swap3A_225 : vector<1x16xf32> to vector<16xf32>
      %swap3A_227 = vector.shape_cast %get3A_222 : vector<16xf32> to vector<1x16xf32>
      tpu.vector_store %arg9[%swap3A_223, %swap3A_224], %swap3A_227 {add = true, strides = array<i32>} : memref<80x128xf32, #tpu.memory_space<vmem>>, vector<1x16xf32>,
    }
    %scan3A_128 = arith.constant 80 : i32
    %add3A_129 = arith.constant 4800 : i32
    %add3A_130 = arith.addi %mul3A_2, %add3A_129 : i32
    %dma_start3A_131 = arith.constant 0 : i32
    %dma_start3A_132 = tpu.memref_slice %arg6[%add3A_130, %dma_start3A_131] : memref<156160x128xf32, #tpu.memory_space<hbm>> -> memref<80x128xf32, #tpu.memory_space<hbm>>
    %dma_start3A_133 = arith.constant 0 : i32
    %dma_start3A_134 = tpu.memref_slice %arg6[%add3A_130, %dma_start3A_133] : memref<156160x128xf32, #tpu.memory_space<hbm>> -> memref<80x128xf32, #tpu.memory_space<hbm>>
    tpu.enqueue_dma source(%arg9 : memref<80x128xf32, #tpu.memory_space<vmem>>) target(%dma_start3A_134 : memref<80x128xf32, #tpu.memory_space<hbm>>) target_semaphore(%arg21 : memref<!tpu.dma_semaphore, #tpu.memory_space<semaphore_mem>>)
    %add3A_135 = arith.constant 4640 : i32
    %add3A_136 = arith.addi %mul3A_2, %add3A_135 : i32
    %dma_wait3A_137 = arith.constant 0 : i32
    %dma_wait3A_138 = tpu.memref_slice %arg6[%add3A_136, %dma_wait3A_137] : memref<156160x128xf32, #tpu.memory_space<hbm>> -> memref<80x128xf32, #tpu.memory_space<hbm>>
    %dma_wait3A_139 = arith.constant 0 : i32
    %dma_wait3A_140 = tpu.memref_slice %arg6[%add3A_136, %dma_wait3A_139] : memref<156160x128xf32, #tpu.memory_space<hbm>> -> memref<80x128xf32, #tpu.memory_space<hbm>>
    tpu.wait_dma2 semaphore(%arg22 : memref<!tpu.dma_semaphore, #tpu.memory_space<semaphore_mem>>) src(%arg11 : memref<80x128xf32, #tpu.memory_space<vmem>>) dst(%dma_wait3A_140 : memref<80x128xf32, #tpu.memory_space<hbm>>)
    %add3A_141 = arith.constant 4720 : i32
    %add3A_142 = arith.addi %mul3A_2, %add3A_141 : i32
    %dma_wait3A_143 = arith.constant 0 : i32
    %dma_wait3A_144 = tpu.memref_slice %arg6[%add3A_142, %dma_wait3A_143] : memref<156160x128xf32, #tpu.memory_space<hbm>> -> memref<80x128xf32, #tpu.memory_space<hbm>>
    %dma_wait3A_145 = arith.constant 0 : i32
    %dma_wait3A_146 = tpu.memref_slice %arg6[%add3A_142, %dma_wait3A_145] : memref<156160x128xf32, #tpu.memory_space<hbm>> -> memref<80x128xf32, #tpu.memory_space<hbm>>
    tpu.wait_dma2 semaphore(%arg23 : memref<!tpu.dma_semaphore, #tpu.memory_space<semaphore_mem>>) src(%arg13 : memref<80x128xf32, #tpu.memory_space<vmem>>) dst(%dma_wait3A_146 : memref<80x128xf32, #tpu.memory_space<hbm>>)
    %add3A_147 = arith.constant 4800 : i32
    %add3A_148 = arith.addi %mul3A_2, %add3A_147 : i32
    %dma_wait3A_149 = arith.constant 0 : i32
    %dma_wait3A_150 = tpu.memref_slice %arg6[%add3A_148, %dma_wait3A_149] : memref<156160x128xf32, #tpu.memory_space<hbm>> -> memref<80x128xf32, #tpu.memory_space<hbm>>
    %dma_wait3A_151 = arith.constant 0 : i32
    %dma_wait3A_152 = tpu.memref_slice %arg6[%add3A_148, %dma_wait3A_151] : memref<156160x128xf32, #tpu.memory_space<hbm>> -> memref<80x128xf32, #tpu.memory_space<hbm>>
    tpu.wait_dma2 semaphore(%arg21 : memref<!tpu.dma_semaphore, #tpu.memory_space<semaphore_mem>>) src(%arg9 : memref<80x128xf32, #tpu.memory_space<vmem>>) dst(%dma_wait3A_152 : memref<80x128xf32, #tpu.memory_space<hbm>>)
    return
  }
}

module attributes {stable_mosaic.version = 14 : i64} {
  func.func @body(%arg0: i32, %arg1: memref<2000x128xf32, #tpu.memory_space<vmem>>, %arg2: memref<128x128xf32, #tpu.memory_space<vmem>>, %arg3: memref<128x128xf32, #tpu.memory_space<vmem>>, %arg4: memref<1x128xf32, #tpu.memory_space<vmem>>, %arg5: memref<2000x128xf32, #tpu.memory_space<vmem>>, %arg6: memref<2000x128xf32, #tpu.memory_space<vmem>>) attributes {dimension_semantics = [#tpu.dimension_semantics<arbitrary>], iteration_bounds = array<i64: 5>, scalar_prefetch = 0 : i64, scratch_operands = 0 : i64, tpu.core_type = #tpu.core_type<tc>, window_params = [{transform_indices = @transform_0, window_bounds = array<i64: 2000, 128>}, {pipeline_mode = #tpu.pipeline_mode<synchronous>, transform_indices = @transform_1, window_bounds = array<i64: 128, 128>}, {pipeline_mode = #tpu.pipeline_mode<synchronous>, transform_indices = @transform_2, window_bounds = array<i64: 128, 128>}, {pipeline_mode = #tpu.pipeline_mode<synchronous>, transform_indices = @transform_3, window_bounds = array<i64: 1, 128>}, {transform_indices = @transform_4, window_bounds = array<i64: 2000, 128>}, {transform_indices = @transform_5, window_bounds = array<i64: 2000, 128>}]} {
    %get3A = arith.constant 0 : index
    %get3A_0 = arith.constant 0 : index
    %get3A_1 = vector.load %arg1[%get3A, %get3A_0] : memref<2000x128xf32, #tpu.memory_space<vmem>>, vector<2000x128xf32>
    %get3A_2 = arith.constant 0 : index
    %get3A_3 = arith.constant 0 : index
    %get3A_4 = vector.load %arg2[%get3A_2, %get3A_3] : memref<128x128xf32, #tpu.memory_space<vmem>>, vector<128x128xf32>
    %convert_element_type3A = arith.truncf %get3A_1 : vector<2000x128xf32> to vector<2000x128xbf16>
    %convert_element_type3A_5 = arith.truncf %get3A_4 : vector<128x128xf32> to vector<128x128xbf16>
    %dot_general3A = arith.constant dense<0.000000e+00> : vector<2000x128xf32>
    %dot_general3A_6 = tpu.matmul %convert_element_type3A, %convert_element_type3A_5, %dot_general3A {dimension_numbers = #tpu.dot_dimension_numbers<[1], [0], [0], [1], [0, 0, 1, 1], [], []>, transpose_lhs_hint = false} : vector<2000x128xbf16>, vector<128x128xbf16>, vector<2000x128xf32> -> vector<2000x128xf32>
    %get3A_7 = arith.constant 0 : index
    %get3A_8 = arith.constant 0 : index
    %get3A_9 = vector.load %arg4[%get3A_7, %get3A_8] : memref<1x128xf32, #tpu.memory_space<vmem>>, vector<1x128xf32>
    %add3A = vector.broadcast %get3A_9 : vector<1x128xf32> to vector<2000x128xf32>
    %add3A_10 = arith.addf %dot_general3A_6, %add3A : vector<2000x128xf32>
    %swap3A = arith.constant 0 : index
    %swap3A_11 = arith.constant 0 : index
    %swap3A_12 = vector.load %arg5[%swap3A, %swap3A_11] : memref<2000x128xf32, #tpu.memory_space<vmem>>, vector<2000x128xf32>
    tpu.vector_store %arg5[%swap3A, %swap3A_11], %add3A_10 {strides = array<i32>} : memref<2000x128xf32, #tpu.memory_space<vmem>>, vector<2000x128xf32>,
    %get3A_13 = arith.constant 0 : index
    %get3A_14 = arith.constant 0 : index
    %get3A_15 = vector.load %arg3[%get3A_13, %get3A_14] : memref<128x128xf32, #tpu.memory_space<vmem>>, vector<128x128xf32>
    %convert_element_type3A_16 = arith.truncf %get3A_1 : vector<2000x128xf32> to vector<2000x128xbf16>
    %convert_element_type3A_17 = arith.truncf %get3A_15 : vector<128x128xf32> to vector<128x128xbf16>
    %dot_general3A_18 = arith.constant dense<0.000000e+00> : vector<2000x128xf32>
    %dot_general3A_19 = tpu.matmul %convert_element_type3A_16, %convert_element_type3A_17, %dot_general3A_18 {dimension_numbers = #tpu.dot_dimension_numbers<[1], [0], [0], [1], [0, 0, 1, 1], [], []>, transpose_lhs_hint = false} : vector<2000x128xbf16>, vector<128x128xbf16>, vector<2000x128xf32> -> vector<2000x128xf32>
    %swap3A_20 = arith.constant 0 : index
    %swap3A_21 = arith.constant 0 : index
    %swap3A_22 = vector.load %arg6[%swap3A_20, %swap3A_21] : memref<2000x128xf32, #tpu.memory_space<vmem>>, vector<2000x128xf32>
    tpu.vector_store %arg6[%swap3A_20, %swap3A_21], %dot_general3A_19 {strides = array<i32>} : memref<2000x128xf32, #tpu.memory_space<vmem>>, vector<2000x128xf32>,
    return
  }
  func.func @transform_0(%arg0: i32) -> (i32, i32) {
    %c0_i32 = arith.constant 0 : i32
    %c0_i32_0 = arith.constant 0 : i32
    return %arg0, %c0_i32 : i32, i32
  }
  func.func @transform_1(%arg0: i32) -> (i32, i32) {
    %c0_i32 = arith.constant 0 : i32
    %c0_i32_0 = arith.constant 0 : i32
    %c0_i32_1 = arith.constant 0 : i32
    return %c0_i32, %c0_i32_0 : i32, i32
  }
  func.func @transform_2(%arg0: i32) -> (i32, i32) {
    %c0_i32 = arith.constant 0 : i32
    %c0_i32_0 = arith.constant 0 : i32
    %c0_i32_1 = arith.constant 0 : i32
    return %c0_i32, %c0_i32_0 : i32, i32
  }
  func.func @transform_3(%arg0: i32) -> (i32, i32) {
    %c0_i32 = arith.constant 0 : i32
    %c0_i32_0 = arith.constant 0 : i32
    %c0_i32_1 = arith.constant 0 : i32
    return %c0_i32, %c0_i32_0 : i32, i32
  }
  func.func @transform_4(%arg0: i32) -> (i32, i32) {
    %c0_i32 = arith.constant 0 : i32
    %c0_i32_0 = arith.constant 0 : i32
    return %arg0, %c0_i32 : i32, i32
  }
  func.func @transform_5(%arg0: i32) -> (i32, i32) {
    %c0_i32 = arith.constant 0 : i32
    %c0_i32_0 = arith.constant 0 : i32
    return %arg0, %c0_i32 : i32, i32
  }
}

module attributes {stable_mosaic.version = 14 : i64} {
  func.func @body(%arg0: i32, %arg1: memref<2560x128xf32, #tpu.memory_space<vmem>>, %arg2: memref<2560x1xf32, #tpu.memory_space<vmem>>, %arg3: memref<1x128xf32, #tpu.memory_space<vmem>>, %arg4: memref<128x128xf32, #tpu.memory_space<vmem>>, %arg5: memref<1x128xf32, #tpu.memory_space<vmem>>, %arg6: memref<2560x128xf32, #tpu.memory_space<vmem>>) attributes {dimension_semantics = [#tpu.dimension_semantics<arbitrary>], iteration_bounds = array<i64: 64>, scalar_prefetch = 0 : i64, scratch_operands = 0 : i64, tpu.core_type = #tpu.core_type<tc>, window_params = [{transform_indices = @transform_0, window_bounds = array<i64: 2560, 128>}, {transform_indices = @transform_1, window_bounds = array<i64: 2560, 1>}, {pipeline_mode = #tpu.pipeline_mode<synchronous>, transform_indices = @transform_2, window_bounds = array<i64: 1, 128>}, {pipeline_mode = #tpu.pipeline_mode<synchronous>, transform_indices = @transform_3, window_bounds = array<i64: 128, 128>}, {pipeline_mode = #tpu.pipeline_mode<synchronous>, transform_indices = @transform_4, window_bounds = array<i64: 1, 128>}, {transform_indices = @transform_5, window_bounds = array<i64: 2560, 128>}]} {
    %get3A = arith.constant 0 : index
    %get3A_0 = arith.constant 0 : index
    %get3A_1 = vector.load %arg1[%get3A, %get3A_0] : memref<2560x128xf32, #tpu.memory_space<vmem>>, vector<2560x128xf32>
    %get3A_2 = arith.constant 0 : index
    %get3A_3 = arith.constant 0 : index
    %get3A_4 = vector.load %arg2[%get3A_2, %get3A_3] : memref<2560x1xf32, #tpu.memory_space<vmem>>, vector<2560x1xf32>
    %get3A_5 = arith.constant 0 : index
    %get3A_6 = arith.constant 0 : index
    %get3A_7 = vector.load %arg3[%get3A_5, %get3A_6] : memref<1x128xf32, #tpu.memory_space<vmem>>, vector<1x128xf32>
    %mul3A = vector.broadcast %get3A_4 : vector<2560x1xf32> to vector<2560x128xf32>
    %mul3A_8 = vector.broadcast %get3A_7 : vector<1x128xf32> to vector<2560x128xf32>
    %mul3A_9 = arith.mulf %mul3A, %mul3A_8 : vector<2560x128xf32>
    %add3A = arith.addf %get3A_1, %mul3A_9 : vector<2560x128xf32>
    %logistic3A = arith.negf %add3A : vector<2560x128xf32>
    %logistic3A_10 = math.exp %logistic3A : vector<2560x128xf32>
    %logistic3A_11 = arith.constant 1.000000e+00 : f32
    %logistic3A_12 = vector.broadcast %logistic3A_11 : f32 to vector<2560x128xf32>
    %logistic3A_13 = arith.addf %logistic3A_12, %logistic3A_10 : vector<2560x128xf32>
    %logistic3A_14 = arith.divf %logistic3A_12, %logistic3A_13 : vector<2560x128xf32>
    %mul3A_15 = arith.mulf %add3A, %logistic3A_14 : vector<2560x128xf32>
    %get3A_16 = arith.constant 0 : index
    %get3A_17 = arith.constant 0 : index
    %get3A_18 = vector.load %arg4[%get3A_16, %get3A_17] : memref<128x128xf32, #tpu.memory_space<vmem>>, vector<128x128xf32>
    %convert_element_type3A = arith.truncf %mul3A_15 : vector<2560x128xf32> to vector<2560x128xbf16>
    %convert_element_type3A_19 = arith.truncf %get3A_18 : vector<128x128xf32> to vector<128x128xbf16>
    %dot_general3A = arith.constant dense<0.000000e+00> : vector<2560x128xf32>
    %dot_general3A_20 = tpu.matmul %convert_element_type3A, %convert_element_type3A_19, %dot_general3A {dimension_numbers = #tpu.dot_dimension_numbers<[1], [0], [0], [1], [0, 0, 1, 1], [], []>, transpose_lhs_hint = false} : vector<2560x128xbf16>, vector<128x128xbf16>, vector<2560x128xf32> -> vector<2560x128xf32>
    %get3A_21 = arith.constant 0 : index
    %get3A_22 = arith.constant 0 : index
    %get3A_23 = vector.load %arg5[%get3A_21, %get3A_22] : memref<1x128xf32, #tpu.memory_space<vmem>>, vector<1x128xf32>
    %add3A_24 = vector.broadcast %get3A_23 : vector<1x128xf32> to vector<2560x128xf32>
    %add3A_25 = arith.addf %dot_general3A_20, %add3A_24 : vector<2560x128xf32>
    %logistic3A_26 = arith.negf %add3A_25 : vector<2560x128xf32>
    %logistic3A_27 = math.exp %logistic3A_26 : vector<2560x128xf32>
    %logistic3A_28 = arith.constant 1.000000e+00 : f32
    %logistic3A_29 = vector.broadcast %logistic3A_28 : f32 to vector<2560x128xf32>
    %logistic3A_30 = arith.addf %logistic3A_29, %logistic3A_27 : vector<2560x128xf32>
    %logistic3A_31 = arith.divf %logistic3A_29, %logistic3A_30 : vector<2560x128xf32>
    %mul3A_32 = arith.mulf %add3A_25, %logistic3A_31 : vector<2560x128xf32>
    %swap3A = arith.constant 0 : index
    %swap3A_33 = arith.constant 0 : index
    %swap3A_34 = vector.load %arg6[%swap3A, %swap3A_33] : memref<2560x128xf32, #tpu.memory_space<vmem>>, vector<2560x128xf32>
    tpu.vector_store %arg6[%swap3A, %swap3A_33], %mul3A_32 {strides = array<i32>} : memref<2560x128xf32, #tpu.memory_space<vmem>>, vector<2560x128xf32>,
    return
  }
  func.func @transform_0(%arg0: i32) -> (i32, i32) {
    %c0_i32 = arith.constant 0 : i32
    %c0_i32_0 = arith.constant 0 : i32
    return %arg0, %c0_i32 : i32, i32
  }
  func.func @transform_1(%arg0: i32) -> (i32, i32) {
    %c0_i32 = arith.constant 0 : i32
    %c0_i32_0 = arith.constant 0 : i32
    return %arg0, %c0_i32 : i32, i32
  }
  func.func @transform_2(%arg0: i32) -> (i32, i32) {
    %c0_i32 = arith.constant 0 : i32
    %c0_i32_0 = arith.constant 0 : i32
    %c0_i32_1 = arith.constant 0 : i32
    return %c0_i32, %c0_i32_0 : i32, i32
  }
  func.func @transform_3(%arg0: i32) -> (i32, i32) {
    %c0_i32 = arith.constant 0 : i32
    %c0_i32_0 = arith.constant 0 : i32
    %c0_i32_1 = arith.constant 0 : i32
    return %c0_i32, %c0_i32_0 : i32, i32
  }
  func.func @transform_4(%arg0: i32) -> (i32, i32) {
    %c0_i32 = arith.constant 0 : i32
    %c0_i32_0 = arith.constant 0 : i32
    %c0_i32_1 = arith.constant 0 : i32
    return %c0_i32, %c0_i32_0 : i32, i32
  }
  func.func @transform_5(%arg0: i32) -> (i32, i32) {
    %c0_i32 = arith.constant 0 : i32
    %c0_i32_0 = arith.constant 0 : i32
    return %arg0, %c0_i32 : i32, i32
  }
}

module attributes {stable_mosaic.version = 14 : i64} {
  func.func @body(%arg0: i32, %arg1: memref<2560x128xf32, #tpu.memory_space<vmem>>, %arg2: memref<2560x1xf32, #tpu.memory_space<vmem>>, %arg3: memref<1x128xf32, #tpu.memory_space<vmem>>, %arg4: memref<128x128xf32, #tpu.memory_space<vmem>>, %arg5: memref<1x128xf32, #tpu.memory_space<vmem>>, %arg6: memref<2560x128xf32, #tpu.memory_space<vmem>>) attributes {dimension_semantics = [#tpu.dimension_semantics<arbitrary>], iteration_bounds = array<i64: 61>, scalar_prefetch = 0 : i64, scratch_operands = 0 : i64, tpu.core_type = #tpu.core_type<tc>, window_params = [{transform_indices = @transform_0, window_bounds = array<i64: 2560, 128>}, {transform_indices = @transform_1, window_bounds = array<i64: 2560, 1>}, {pipeline_mode = #tpu.pipeline_mode<synchronous>, transform_indices = @transform_2, window_bounds = array<i64: 1, 128>}, {pipeline_mode = #tpu.pipeline_mode<synchronous>, transform_indices = @transform_3, window_bounds = array<i64: 128, 128>}, {pipeline_mode = #tpu.pipeline_mode<synchronous>, transform_indices = @transform_4, window_bounds = array<i64: 1, 128>}, {transform_indices = @transform_5, window_bounds = array<i64: 2560, 128>}]} {
    %get3A = arith.constant 0 : index
    %get3A_0 = arith.constant 0 : index
    %get3A_1 = vector.load %arg1[%get3A, %get3A_0] : memref<2560x128xf32, #tpu.memory_space<vmem>>, vector<2560x128xf32>
    %get3A_2 = arith.constant 0 : index
    %get3A_3 = arith.constant 0 : index
    %get3A_4 = vector.load %arg2[%get3A_2, %get3A_3] : memref<2560x1xf32, #tpu.memory_space<vmem>>, vector<2560x1xf32>
    %get3A_5 = arith.constant 0 : index
    %get3A_6 = arith.constant 0 : index
    %get3A_7 = vector.load %arg3[%get3A_5, %get3A_6] : memref<1x128xf32, #tpu.memory_space<vmem>>, vector<1x128xf32>
    %mul3A = vector.broadcast %get3A_4 : vector<2560x1xf32> to vector<2560x128xf32>
    %mul3A_8 = vector.broadcast %get3A_7 : vector<1x128xf32> to vector<2560x128xf32>
    %mul3A_9 = arith.mulf %mul3A, %mul3A_8 : vector<2560x128xf32>
    %add3A = arith.addf %get3A_1, %mul3A_9 : vector<2560x128xf32>
    %logistic3A = arith.negf %add3A : vector<2560x128xf32>
    %logistic3A_10 = math.exp %logistic3A : vector<2560x128xf32>
    %logistic3A_11 = arith.constant 1.000000e+00 : f32
    %logistic3A_12 = vector.broadcast %logistic3A_11 : f32 to vector<2560x128xf32>
    %logistic3A_13 = arith.addf %logistic3A_12, %logistic3A_10 : vector<2560x128xf32>
    %logistic3A_14 = arith.divf %logistic3A_12, %logistic3A_13 : vector<2560x128xf32>
    %mul3A_15 = arith.mulf %add3A, %logistic3A_14 : vector<2560x128xf32>
    %get3A_16 = arith.constant 0 : index
    %get3A_17 = arith.constant 0 : index
    %get3A_18 = vector.load %arg4[%get3A_16, %get3A_17] : memref<128x128xf32, #tpu.memory_space<vmem>>, vector<128x128xf32>
    %convert_element_type3A = arith.truncf %mul3A_15 : vector<2560x128xf32> to vector<2560x128xbf16>
    %convert_element_type3A_19 = arith.truncf %get3A_18 : vector<128x128xf32> to vector<128x128xbf16>
    %dot_general3A = arith.constant dense<0.000000e+00> : vector<2560x128xf32>
    %dot_general3A_20 = tpu.matmul %convert_element_type3A, %convert_element_type3A_19, %dot_general3A {dimension_numbers = #tpu.dot_dimension_numbers<[1], [0], [0], [1], [0, 0, 1, 1], [], []>, transpose_lhs_hint = false} : vector<2560x128xbf16>, vector<128x128xbf16>, vector<2560x128xf32> -> vector<2560x128xf32>
    %get3A_21 = arith.constant 0 : index
    %get3A_22 = arith.constant 0 : index
    %get3A_23 = vector.load %arg5[%get3A_21, %get3A_22] : memref<1x128xf32, #tpu.memory_space<vmem>>, vector<1x128xf32>
    %add3A_24 = vector.broadcast %get3A_23 : vector<1x128xf32> to vector<2560x128xf32>
    %add3A_25 = arith.addf %dot_general3A_20, %add3A_24 : vector<2560x128xf32>
    %logistic3A_26 = arith.negf %add3A_25 : vector<2560x128xf32>
    %logistic3A_27 = math.exp %logistic3A_26 : vector<2560x128xf32>
    %logistic3A_28 = arith.constant 1.000000e+00 : f32
    %logistic3A_29 = vector.broadcast %logistic3A_28 : f32 to vector<2560x128xf32>
    %logistic3A_30 = arith.addf %logistic3A_29, %logistic3A_27 : vector<2560x128xf32>
    %logistic3A_31 = arith.divf %logistic3A_29, %logistic3A_30 : vector<2560x128xf32>
    %mul3A_32 = arith.mulf %add3A_25, %logistic3A_31 : vector<2560x128xf32>
    %swap3A = arith.constant 0 : index
    %swap3A_33 = arith.constant 0 : index
    %swap3A_34 = vector.load %arg6[%swap3A, %swap3A_33] : memref<2560x128xf32, #tpu.memory_space<vmem>>, vector<2560x128xf32>
    tpu.vector_store %arg6[%swap3A, %swap3A_33], %mul3A_32 {strides = array<i32>} : memref<2560x128xf32, #tpu.memory_space<vmem>>, vector<2560x128xf32>,
    return
  }
  func.func @transform_0(%arg0: i32) -> (i32, i32) {
    %c0_i32 = arith.constant 0 : i32
    %c0_i32_0 = arith.constant 0 : i32
    return %arg0, %c0_i32 : i32, i32
  }
  func.func @transform_1(%arg0: i32) -> (i32, i32) {
    %c0_i32 = arith.constant 0 : i32
    %c0_i32_0 = arith.constant 0 : i32
    return %arg0, %c0_i32 : i32, i32
  }
  func.func @transform_2(%arg0: i32) -> (i32, i32) {
    %c0_i32 = arith.constant 0 : i32
    %c0_i32_0 = arith.constant 0 : i32
    %c0_i32_1 = arith.constant 0 : i32
    return %c0_i32, %c0_i32_0 : i32, i32
  }
  func.func @transform_3(%arg0: i32) -> (i32, i32) {
    %c0_i32 = arith.constant 0 : i32
    %c0_i32_0 = arith.constant 0 : i32
    %c0_i32_1 = arith.constant 0 : i32
    return %c0_i32, %c0_i32_0 : i32, i32
  }
  func.func @transform_4(%arg0: i32) -> (i32, i32) {
    %c0_i32 = arith.constant 0 : i32
    %c0_i32_0 = arith.constant 0 : i32
    %c0_i32_1 = arith.constant 0 : i32
    return %c0_i32, %c0_i32_0 : i32, i32
  }
  func.func @transform_5(%arg0: i32) -> (i32, i32) {
    %c0_i32 = arith.constant 0 : i32
    %c0_i32_0 = arith.constant 0 : i32
    return %arg0, %c0_i32 : i32, i32
  }
}

module attributes {stable_mosaic.version = 14 : i64} {
  func.func @body(%arg0: i32, %arg1: memref<2000x128xf32, #tpu.memory_space<vmem>>, %arg2: memref<2000x128xf32, #tpu.memory_space<vmem>>, %arg3: memref<2000x128xf32, #tpu.memory_space<vmem>>, %arg4: memref<2000x128xf32, #tpu.memory_space<vmem>>, %arg5: memref<2000x128xf32, #tpu.memory_space<vmem>>, %arg6: memref<128x128xf32, #tpu.memory_space<vmem>>, %arg7: memref<128x128xf32, #tpu.memory_space<vmem>>, %arg8: memref<1x128xf32, #tpu.memory_space<vmem>>, %arg9: memref<128x128xf32, #tpu.memory_space<vmem>>, %arg10: memref<1x128xf32, #tpu.memory_space<vmem>>, %arg11: memref<2000x128xf32, #tpu.memory_space<vmem>>) attributes {dimension_semantics = [#tpu.dimension_semantics<arbitrary>], iteration_bounds = array<i64: 5>, scalar_prefetch = 0 : i64, scratch_operands = 0 : i64, tpu.core_type = #tpu.core_type<tc>, window_params = [{transform_indices = @transform_0, window_bounds = array<i64: 2000, 128>}, {transform_indices = @transform_1, window_bounds = array<i64: 2000, 128>}, {transform_indices = @transform_2, window_bounds = array<i64: 2000, 128>}, {transform_indices = @transform_3, window_bounds = array<i64: 2000, 128>}, {transform_indices = @transform_4, window_bounds = array<i64: 2000, 128>}, {pipeline_mode = #tpu.pipeline_mode<synchronous>, transform_indices = @transform_5, window_bounds = array<i64: 128, 128>}, {pipeline_mode = #tpu.pipeline_mode<synchronous>, transform_indices = @transform_6, window_bounds = array<i64: 128, 128>}, {pipeline_mode = #tpu.pipeline_mode<synchronous>, transform_indices = @transform_7, window_bounds = array<i64: 1, 128>}, {pipeline_mode = #tpu.pipeline_mode<synchronous>, transform_indices = @transform_8, window_bounds = array<i64: 128, 128>}, {pipeline_mode = #tpu.pipeline_mode<synchronous>, transform_indices = @transform_9, window_bounds = array<i64: 1, 128>}, {transform_indices = @transform_10, window_bounds = array<i64: 2000, 128>}]} {
    %get3A = arith.constant 0 : index
    %get3A_0 = arith.constant 0 : index
    %get3A_1 = vector.load %arg2[%get3A, %get3A_0] : memref<2000x128xf32, #tpu.memory_space<vmem>>, vector<2000x128xf32>
    %get3A_2 = arith.constant 0 : index
    %get3A_3 = arith.constant 0 : index
    %get3A_4 = vector.load %arg3[%get3A_2, %get3A_3] : memref<2000x128xf32, #tpu.memory_space<vmem>>, vector<2000x128xf32>
    %add3A = arith.addf %get3A_1, %get3A_4 : vector<2000x128xf32>
    %get3A_5 = arith.constant 0 : index
    %get3A_6 = arith.constant 0 : index
    %get3A_7 = vector.load %arg4[%get3A_5, %get3A_6] : memref<2000x128xf32, #tpu.memory_space<vmem>>, vector<2000x128xf32>
    %get3A_8 = arith.constant 0 : index
    %get3A_9 = arith.constant 0 : index
    %get3A_10 = vector.load %arg5[%get3A_8, %get3A_9] : memref<2000x128xf32, #tpu.memory_space<vmem>>, vector<2000x128xf32>
    %add3A_11 = arith.addf %get3A_7, %get3A_10 : vector<2000x128xf32>
    %add3A_12 = arith.addf %add3A, %add3A_11 : vector<2000x128xf32>
    %get3A_13 = arith.constant 0 : index
    %get3A_14 = arith.constant 0 : index
    %get3A_15 = vector.load %arg1[%get3A_13, %get3A_14] : memref<2000x128xf32, #tpu.memory_space<vmem>>, vector<2000x128xf32>
    %get3A_16 = arith.constant 0 : index
    %get3A_17 = arith.constant 0 : index
    %get3A_18 = vector.load %arg6[%get3A_16, %get3A_17] : memref<128x128xf32, #tpu.memory_space<vmem>>, vector<128x128xf32>
    %convert_element_type3A = arith.truncf %get3A_15 : vector<2000x128xf32> to vector<2000x128xbf16>
    %convert_element_type3A_19 = arith.truncf %get3A_18 : vector<128x128xf32> to vector<128x128xbf16>
    %dot_general3A = arith.constant dense<0.000000e+00> : vector<2000x128xf32>
    %dot_general3A_20 = tpu.matmul %convert_element_type3A, %convert_element_type3A_19, %dot_general3A {dimension_numbers = #tpu.dot_dimension_numbers<[1], [0], [0], [1], [0, 0, 1, 1], [], []>, transpose_lhs_hint = false} : vector<2000x128xbf16>, vector<128x128xbf16>, vector<2000x128xf32> -> vector<2000x128xf32>
    %get3A_21 = arith.constant 0 : index
    %get3A_22 = arith.constant 0 : index
    %get3A_23 = vector.load %arg7[%get3A_21, %get3A_22] : memref<128x128xf32, #tpu.memory_space<vmem>>, vector<128x128xf32>
    %convert_element_type3A_24 = arith.truncf %add3A_12 : vector<2000x128xf32> to vector<2000x128xbf16>
    %convert_element_type3A_25 = arith.truncf %get3A_23 : vector<128x128xf32> to vector<128x128xbf16>
    %dot_general3A_26 = arith.constant dense<0.000000e+00> : vector<2000x128xf32>
    %dot_general3A_27 = tpu.matmul %convert_element_type3A_24, %convert_element_type3A_25, %dot_general3A_26 {dimension_numbers = #tpu.dot_dimension_numbers<[1], [0], [0], [1], [0, 0, 1, 1], [], []>, transpose_lhs_hint = false} : vector<2000x128xbf16>, vector<128x128xbf16>, vector<2000x128xf32> -> vector<2000x128xf32>
    %add3A_28 = arith.addf %dot_general3A_20, %dot_general3A_27 : vector<2000x128xf32>
    %get3A_29 = arith.constant 0 : index
    %get3A_30 = arith.constant 0 : index
    %get3A_31 = vector.load %arg8[%get3A_29, %get3A_30] : memref<1x128xf32, #tpu.memory_space<vmem>>, vector<1x128xf32>
    %add3A_32 = vector.broadcast %get3A_31 : vector<1x128xf32> to vector<2000x128xf32>
    %add3A_33 = arith.addf %add3A_28, %add3A_32 : vector<2000x128xf32>
    %logistic3A = arith.negf %add3A_33 : vector<2000x128xf32>
    %logistic3A_34 = math.exp %logistic3A : vector<2000x128xf32>
    %logistic3A_35 = arith.constant 1.000000e+00 : f32
    %logistic3A_36 = vector.broadcast %logistic3A_35 : f32 to vector<2000x128xf32>
    %logistic3A_37 = arith.addf %logistic3A_36, %logistic3A_34 : vector<2000x128xf32>
    %logistic3A_38 = arith.divf %logistic3A_36, %logistic3A_37 : vector<2000x128xf32>
    %mul3A = arith.mulf %add3A_33, %logistic3A_38 : vector<2000x128xf32>
    %get3A_39 = arith.constant 0 : index
    %get3A_40 = arith.constant 0 : index
    %get3A_41 = vector.load %arg9[%get3A_39, %get3A_40] : memref<128x128xf32, #tpu.memory_space<vmem>>, vector<128x128xf32>
    %convert_element_type3A_42 = arith.truncf %mul3A : vector<2000x128xf32> to vector<2000x128xbf16>
    %convert_element_type3A_43 = arith.truncf %get3A_41 : vector<128x128xf32> to vector<128x128xbf16>
    %dot_general3A_44 = arith.constant dense<0.000000e+00> : vector<2000x128xf32>
    %dot_general3A_45 = tpu.matmul %convert_element_type3A_42, %convert_element_type3A_43, %dot_general3A_44 {dimension_numbers = #tpu.dot_dimension_numbers<[1], [0], [0], [1], [0, 0, 1, 1], [], []>, transpose_lhs_hint = false} : vector<2000x128xbf16>, vector<128x128xbf16>, vector<2000x128xf32> -> vector<2000x128xf32>
    %get3A_46 = arith.constant 0 : index
    %get3A_47 = arith.constant 0 : index
    %get3A_48 = vector.load %arg10[%get3A_46, %get3A_47] : memref<1x128xf32, #tpu.memory_space<vmem>>, vector<1x128xf32>
    %add3A_49 = vector.broadcast %get3A_48 : vector<1x128xf32> to vector<2000x128xf32>
    %add3A_50 = arith.addf %dot_general3A_45, %add3A_49 : vector<2000x128xf32>
    %swap3A = arith.constant 0 : index
    %swap3A_51 = arith.constant 0 : index
    %swap3A_52 = vector.load %arg11[%swap3A, %swap3A_51] : memref<2000x128xf32, #tpu.memory_space<vmem>>, vector<2000x128xf32>
    tpu.vector_store %arg11[%swap3A, %swap3A_51], %add3A_50 {strides = array<i32>} : memref<2000x128xf32, #tpu.memory_space<vmem>>, vector<2000x128xf32>,
    return
  }
  func.func @transform_0(%arg0: i32) -> (i32, i32) {
    %c0_i32 = arith.constant 0 : i32
    %c0_i32_0 = arith.constant 0 : i32
    return %arg0, %c0_i32 : i32, i32
  }
  func.func @transform_1(%arg0: i32) -> (i32, i32) {
    %c0_i32 = arith.constant 0 : i32
    %c0_i32_0 = arith.constant 0 : i32
    return %arg0, %c0_i32 : i32, i32
  }
  func.func @transform_2(%arg0: i32) -> (i32, i32) {
    %add3A = arith.constant 5 : i32
    %add3A_0 = arith.addi %arg0, %add3A : i32
    %c0_i32 = arith.constant 0 : i32
    %c0_i32_1 = arith.constant 0 : i32
    return %add3A_0, %c0_i32 : i32, i32
  }
  func.func @transform_3(%arg0: i32) -> (i32, i32) {
    %c0_i32 = arith.constant 0 : i32
    %c0_i32_0 = arith.constant 0 : i32
    return %arg0, %c0_i32 : i32, i32
  }
  func.func @transform_4(%arg0: i32) -> (i32, i32) {
    %add3A = arith.constant 5 : i32
    %add3A_0 = arith.addi %arg0, %add3A : i32
    %c0_i32 = arith.constant 0 : i32
    %c0_i32_1 = arith.constant 0 : i32
    return %add3A_0, %c0_i32 : i32, i32
  }
  func.func @transform_5(%arg0: i32) -> (i32, i32) {
    %c0_i32 = arith.constant 0 : i32
    %c0_i32_0 = arith.constant 0 : i32
    %c0_i32_1 = arith.constant 0 : i32
    return %c0_i32, %c0_i32_0 : i32, i32
  }
  func.func @transform_6(%arg0: i32) -> (i32, i32) {
    %c0_i32 = arith.constant 0 : i32
    %c0_i32_0 = arith.constant 0 : i32
    %c0_i32_1 = arith.constant 0 : i32
    return %c0_i32, %c0_i32_0 : i32, i32
  }
  func.func @transform_7(%arg0: i32) -> (i32, i32) {
    %c0_i32 = arith.constant 0 : i32
    %c0_i32_0 = arith.constant 0 : i32
    %c0_i32_1 = arith.constant 0 : i32
    return %c0_i32, %c0_i32_0 : i32, i32
  }
  func.func @transform_8(%arg0: i32) -> (i32, i32) {
    %c0_i32 = arith.constant 0 : i32
    %c0_i32_0 = arith.constant 0 : i32
    %c0_i32_1 = arith.constant 0 : i32
    return %c0_i32, %c0_i32_0 : i32, i32
  }
  func.func @transform_9(%arg0: i32) -> (i32, i32) {
    %c0_i32 = arith.constant 0 : i32
    %c0_i32_0 = arith.constant 0 : i32
    %c0_i32_1 = arith.constant 0 : i32
    return %c0_i32, %c0_i32_0 : i32, i32
  }
  func.func @transform_10(%arg0: i32) -> (i32, i32) {
    %c0_i32 = arith.constant 0 : i32
    %c0_i32_0 = arith.constant 0 : i32
    return %arg0, %c0_i32 : i32, i32
  }
}

</mosaic_0001>

<sc_bundles>
// kernel: kernel.10.cloned.1.call-start
scs
__scs_entry_jumppad:
0x0: {  	(pc) =	sbr.rel $0x88, $3  }
0x1: {  	(tag) =	ssettag $0x0;
	lr =	simm.s32 $0x1  }
0x2: {  	[smem:$0x3F95] =	sst lr;
	_ =	strace $0xD0000000  }
0x3: {  	_ = 	snop  }
0x4: {  	_ = 	snop  }
0x5: {  	_ = 	snop  }
0x6: {  	_ = 	snop  }
0x7: {  	_ = 	snop  }
__scs_overlays_trampoline_lowered:
0x8: {  	[smem:$0x3FA4] =	sst s0  }
0x9: {  	[smem:$0x3FA5] =	sst s1  }
0xa: {  	[smem:$0x3FA6] =	sst s2  }
0xb: {  	[smem:$0x3FA7] =	sst s3  }
0xc: {  	[smem:$0x3FA8] =	sst s4  }
0xd: {  	[smem:$0x3FA9] =	sst s5  }
0xe: {  	[smem:$0x3FAA] =	sst s6  }
0xf: {  	[smem:$0x3FAB] =	sst s7  }
0x10: {  	[smem:$0x3FAC] =	sst s8  }
0x11: {  	[smem:$0x3FAD] =	sst s9;
	s0 =	simm.s32 @!p0 $0x0  }
0x12: {  	s1 =	sld [smem:$0x3F93];
	s0 =	simm.s32 @p0 $0x1  }
0x13: {  	[smem:$0x3FAE] =	sst s0;
	s0 =	simm.s32 @!p1 $0x0  }
0x14: {  	s2 =	sld [smem:$0x3F92];
	s0 =	simm.s32 @p1 $0x1  }
0x15: {  	[smem:$0x3FAF] =	sst s0;
	s0 =	simm.s32 @!p2 $0x0  }
0x16: {  	s3 =	sld [smem:$0x3FDB];
	s0 =	simm.s32 @p2 $0x1  }
0x17: {  	s4 =	simm.s32 $0x1BF5;
	[smem:$0x3FB1] =	sst s0  }
0x18: {  	s0 =	sld [smem:$0x3F94];
	_ =	swait.ge [sflag:s4], $0x0  }
0x19: {  	s7 =	sld [smem:$0x3F95]  }
0x1a: {  	s8 =	sadd.s32 $0xFFFFE003, lr  }
0x1b: {  	s9 =	sadd.s32 $0xFFFFFEF7, lr;
	s5 =	simm.s32 $0xFFFFFFFF;
	p2 =	slt.u32 s8, $0xFFFFF086  }
0x1c: {  	p1 =	slt.u32 s9, $0xF7A;
	s5 =	simm.s32 @!p2 $0x0  }
0x1d: {  	s5 =	simm.s32 @p1 $0x1;
	p0 =	seq.s32 s7, s2  }
0x1e: {  	s7 =	smul.u32 @!p0 $0xF7A, s2;
	p2 =	seq.s32 @!p0 s5, $0x0  }
0x1f: {  	s9 =	smul.u32 $0xF7A, s1;
	s8 =	simm.s32 @!p0 $0x1BF5;
	p2 =	por !p2, p0  }
0x20: {  	[sflag:s8] =	ssyncset.s32 @!p0 $0xFFFFF086;
	s6 =	sadd.s32 @!p0 s3, s7;
	s7 =	simm.s32 @!p0 $0x108  }
0x21: {  	s3 =	sadd.s32 s3, s9;
	s6 =	sadd.s32 @!p0 $0x88, s6;
	s7 =	simm.s32 @p2 $0x1082  }
0x22: {  	[simem:s7], [sflag:s8] =	dma.local @!p0 [hbm:s6], $0xF7A  }
0x23: {  	s9 =	sor.u32 $0xD0000000, s2;
	s6 =	simm.s32 $0x108;
	_ =	swait.ge @!p0 [sflag:s8], $0x0  }
0x24: {  	s3 =	sadd.s32 $0x88, s3;
	s6 =	simm.s32 @!p1 $0x1082;
	[sflag:s4] =	ssyncset.s32 $0xFFFFF086  }
0x25: {  	[simem:s6], [sflag:s4] =	dma.local [hbm:s3], $0xF7A  }
0x26: {  	[smem:$0x3F95] =	sst s1;
	(tag) =	ssettag s2;
	_ =	strace s9  }
0x27: {  	s1 =	sld [smem:$0x3FA5]  }
0x28: {  	s2 =	sld [smem:$0x3FA6]  }
0x29: {  	s4 =	sld [smem:$0x3FA8]  }
0x2a: {  	p0 =	seq.s32 s5, $0x0;
	s5 =	sld [smem:$0x3FA9]  }
0x2b: {  	s6 =	sld [smem:$0x3FAA]  }
0x2c: {  	s7 =	sld [smem:$0x3FAB]  }
0x2d: {  	s3 =	simm.s32 $0x108;
	s8 =	sld [smem:$0x3FAC]  }
0x2e: {  	s3 =	simm.s32 @!p0 $0x1082;
	s9 =	sld [smem:$0x3FAD]  }
0x2f: {  	lr =	sadd.s32 s0, s3;
	s0 =	sld [smem:$0x3FA4]  }
0x30: {  	s3 =	sld [smem:$0x3FA7]  }
0x31: {  	[smem:$0x3FB0] =	sst s10  }
0x32: {  	s10 =	sld [smem:$0x3FAE];
	_ =	sdelay $0x3  }
0x33: {  	p0 =	seq.s32 s10, $0x1;
	s10 =	sld [smem:$0x3FB0];
	_ =	sdelay $0x3  }
0x34: {  	[smem:$0x3FB0] =	sst s10  }
0x35: {  	s10 =	sld [smem:$0x3FAF];
	_ =	sdelay $0x3  }
0x36: {  	p1 =	seq.s32 s10, $0x1;
	s10 =	sld [smem:$0x3FB0];
	_ =	sdelay $0x3  }
0x37: {  	[smem:$0x3FB0] =	sst s10  }
0x38: {  	s10 =	sld [smem:$0x3FB1]  }
0x39: {  	_ = 	snop;
	(pc) =	sbr.ind lr, $3  }
0x3a: {  	_ = 	snop  }
0x3b: {  	_ = 	snop  }
0x3c: {  	p2 =	seq.s32 s10, $0x1;
	s10 =	sld [smem:$0x3FB0]  }
0x3d: {  	_ =	shalt  }
0x3e: {  	_ =	shalt  }
0x3f: {  	_ =	shalt  }
0x40: {  	_ =	shalt  }
0x41: {  	_ =	shalt  }
0x42: {  	_ =	shalt  }
0x43: {  	_ =	shalt  }
0x44: {  	_ =	shalt  }
0x45: {  	_ =	shalt  }
0x46: {  	_ =	shalt  }
0x47: {  	_ =	shalt  }
0x48: {  	_ =	shalt  }
0x49: {  	_ =	shalt  }
0x4a: {  	_ =	shalt  }
0x4b: {  	_ =	shalt  }
0x4c: {  	_ =	shalt  }
0x4d: {  	_ =	shalt  }
0x4e: {  	_ =	shalt  }
0x4f: {  	_ =	shalt  }
0x50: {  	_ =	shalt  }
0x51: {  	_ =	shalt  }
0x52: {  	_ =	shalt  }
0x53: {  	_ =	shalt  }
0x54: {  	_ =	shalt  }
0x55: {  	_ =	shalt  }
0x56: {  	_ =	shalt  }
0x57: {  	_ =	shalt  }
0x58: {  	_ =	shalt  }
0x59: {  	_ =	shalt  }
0x5a: {  	_ =	shalt  }
0x5b: {  	_ =	shalt  }
0x5c: {  	_ =	shalt  }
0x5d: {  	_ =	shalt  }
0x5e: {  	_ =	shalt  }
0x5f: {  	_ =	shalt  }
0x60: {  	_ =	shalt  }
0x61: {  	_ =	shalt  }
0x62: {  	_ =	shalt  }
0x63: {  	_ =	shalt  }
0x64: {  	_ =	shalt  }
0x65: {  	_ =	shalt  }
0x66: {  	_ =	shalt  }
0x67: {  	_ =	shalt  }
0x68: {  	_ =	shalt  }
0x69: {  	_ =	shalt  }
0x6a: {  	_ =	shalt  }
0x6b: {  	_ =	shalt  }
0x6c: {  	_ =	shalt  }
0x6d: {  	_ =	shalt  }
0x6e: {  	_ =	shalt  }
0x6f: {  	_ =	shalt  }
0x70: {  	_ =	shalt  }
0x71: {  	_ =	shalt  }
0x72: {  	_ =	shalt  }
0x73: {  	_ =	shalt  }
0x74: {  	_ =	shalt  }
0x75: {  	_ =	shalt  }
0x76: {  	_ =	shalt  }
0x77: {  	_ =	shalt  }
0x78: {  	_ =	shalt  }
0x79: {  	_ =	shalt  }
0x7a: {  	_ =	shalt  }
0x7b: {  	_ =	shalt  }
0x7c: {  	_ =	shalt  }
0x7d: {  	_ =	shalt  }
0x7e: {  	_ =	shalt  }
0x7f: {  	_ =	shalt  }
0x80: {  	_ =	shalt  }
0x81: {  	_ =	shalt  }
0x82: {  	_ =	shalt  }
0x83: {  	_ =	shalt  }
0x84: {  	_ =	shalt  }
0x85: {  	_ =	shalt  }
0x86: {  	_ =	shalt  }
0x87: {  	_ =	shalt  }
.Lfunc_end0:
.L_simem_size_0:
called_computation_lowered:
.L_overlay_start_0:
0x88: {  	s2 =	sld [smem:$0x3FD9]  }
0x89: {  	s3 =	sld [smem:$0x3FFE];
	_ =	sdelay $0x1  }
0x8a: {  	s1 =	srdreg.scid  }
0x8b: {  	s0 =	sand.u32 $0x1, s1  }
0x8c: {  	s17 =	sshll.u32 s0, $0xA;
	s2 =	sadd.s32 s3, s2  }
0x8d: {  	s2 =	sadd.s32 s2, s17  }
0x8e: {  	[smem:$0x3FBC] =	sst s2  }
0x8f: {  	_ = 	snop  }
0x90: {  	s2 =	sld [smem:$0x3FD0];
	(tm) =	ssettm $0x1  }
0x91: {  	s18 =	sld [smem:$0x3FFB];
	_ =	sdelay $0x3  }
0x92: {  	_ =	strace s18  }
0x93: {  	s3 =	sld [smem:$0x3FFC];
	_ =	sdelay $0x3  }
0x94: {  	_ =	strace s3  }
0x95: {  	s3 =	sld [smem:$0x3FFD];
	_ =	sdelay $0x3  }
0x96: {  	_ =	strace s3  }
0x97: {  	_ =	strace $0x8FFFFFFF  }
0x98: {  	s19 =	sld [smem:$0x3FDB];
	_ =	sdelay $0x1  }
0x99: {  	s4 =	simm.s32 $_scs_section_size  }
0x9a: {  	s5 =	simm.s32 $_size__tile_overlayer_lowered;
	s6 =	simm.s32 $_tile_overlayer_lowered  }
0x9b: {  	s22 =	simm.s32 $0x1BFF;
	s21 =	sshll.u32 s6, $0x1;
	s3 =	sadd.s32 s4, s19  }
0x9c: {  	s7 =	simm.s32 $0x0;
	s20 =	sshll.u32 s5, $0x1;
	s5 =	sadd.s32 s21, s3  }
0x9d: {  	[timem:s7], [sflag:s22] =	dma.local [hbm:s5], s20  }
0x9e: {  	_ =	swait.ge [sflag:s22], s20  }
0x9f: {  	s4 =	ssub.s32 $0x0, s20;
	[sflag:s22] =	ssyncset.done $0x0  }
0xa0: {  	[sflag:s22] =	ssyncadd.s32 s4;
	_ =	sdelay $0x1  }
0xa1: {  	s23 =	simm.s32 $0x1B8B  }
0xa2: {  	_ =	swait.ge [sflag:s23], $0x1  }
0xa3: {  	[sflag:s23] =	ssyncset.done $0x0  }
0xa4: {  	s25 =	simm.s32 $0x1B8E;
	s24 =	sld [smem:$0x3FFE];
	[sflag:s23] =	ssyncadd.s32 $0xFFFFFFFF  }
0xa5: {  	s26 =	simm.s32 $execute0_lowered;
	[smem:$0x3FD2] =	sst s25  }
0xa6: {  	s5 =	sshll.u32 s26, $0x1;
	_ =	strace $0x80000046;
	[dreg:$0x1] =	wrdreg $0xFFFFFFFF  }
0xa7: {  	s28 =	simm.s32 $_size_execute0_lowered;
	s3 =	sadd.s32 s3, s5;
	[dreg:$0x0] =	wrdreg $0x0  }
0xa8: {  	s5 =	sshll.u32 s28, $0x1;
	[dreg:$0x2] =	wrdreg s3  }
0xa9: {  	[dreg:$0x3] =	wrdreg s5  }
0xaa: {  	[dreg:$0x4] =	wrdreg $0xC0  }
0xab: {  	_ =	task [dreg:s7], $0x5FFFF  }
0xac: {  	[dreg:$0x1] =	wrdreg $0xFFFFFFFF  }
0xad: {  	[dreg:$0x0] =	wrdreg $0x60  }
0xae: {  	[dreg:$0x2] =	wrdreg s2  }
0xaf: {  	[dreg:$0x3] =	wrdreg s24  }
0xb0: {  	[dreg:$0x4] =	wrdreg $0xA  }
0xb1: {  	_ =	task.clear_ibuf [dreg:s7], $0x5FFFF;
	_ =	strace $0x90000046  }
0xb2: {  	s29 =	simm.s32 $0xA;
	_ =	strace $0x80000048  }
0xb3: {  	_ =	swait.ge [sflag:s29], $0x1  }
0xb4: {  	[sflag:s29] =	ssyncadd.s32 $0xFFFFFFFF  }
0xb5: {  	_ =	strace $0x90000048  }
0xb6: {  	_ =	sfence  }
0xb7: {  	s30 =	sld [smem:$0x0];
	_ =	sdelay $0x2  }
0xb8: {  	s31 =	sshll.u32 s1, $0xD;
	s1 =	sshrl.u32 s1, $0x2  }
0xb9: {  	s3 =	sand.u32 $0x4000, s31;
	s1 =	sadd.s32 s1, s30  }
0xba: {  	s0 =	sor.u32 s3, s0;
	s1 =	sshll.u32 s1, $0x11  }
0xbb: {  	s0 =	sor.u32 s1, s0  }
0xbc: {  	s0 =	sadd.s32 $0x8F2B, s0  }
0xbd: {  	[sflag:s0] =	ssyncadd.remote.s32 $0x1  }
0xbe: {  	_ =	sfence.sel $0xFFFF  }
0xbf: {  	[dreg:$0x0] =	wrdreg $0xFFFFFFFF;
	(pc) =	sbr.abs _section_cstart, $3  }
0xc0: {  	[dreg:$0x1] =	wrdreg $0xFFFFFFFF  }
0xc1: {  	_ =	task.clear_ibuf [dreg:s7], $0x2FFFF;
	_ =	strace $0x9FFFFFFF  }
0xc2: {  	(tm) =	ssettm $0x7FFFFFFF  }
0xc3: {  	_ =	shalt  }
tec
execute0_lowered:
.L_overlay_start_1:
0x0: {  	(tag) =	ssettag $0x1  }
0x1: {  	s2 =	rddreg [dreg:$0x0]  }
0x2: {  	s0 =	srdreg.scid;
	s3 =	stileid.u32  }
0x3: {  	s1 =	rddreg [dreg:$0x1];
	s15 =	simm.s32 $0xA;
	s17 =	simm.s32 $0x80  }
0x4: {  	s18 =	simm.s32 $0x2800;
	s19 =	simm.s32 $0x6800;
	s20 =	simm.s32 $0x1  }
0x5: {  	s21 =	simm.s32 $0x2;
	s29 =	simm.s32 $0x12800;
	s31 =	simm.s32 $0x16800  }
0x6: {  	s28 =	simm.s32 $0x8;
	s0 =	sand.u32 $0x1, s0;
	s4 =	sshll.u32 s3, $0x1  }
0x7: {  	s30 =	simm.s32 $0x9;
	s3 =	simm.s32 $0x0;
	s6 =	sor.u32 s0, s4  }
0x8: {  	s5 =	sadd.s32 $0xDA00, s1;
	[smem:$0x7FF] =	sst s3;
	s4 =	smul.u32 $0x1400, s6  }
0x9: {  	s0 =	ssub.s32 $0x2, s0;
	_ =	strace $0x80000047;
	s8 =	smul.u32 $0x14000, s6  }
0xa: {  	s9 =	sshrl.u32 s0, $0x1;
	s10 =	smul.u32 $0xA0000, s6;
	s6 =	sadd.s32 $0x34C00, s1  }
0xb: {  	s0 =	ssub.s32 s0, s9;
	s7 =	sshrl.u32 s4, $0x3;
	s9 =	sadd.s32 s6, s8  }
0xc: {  	s24 =	sshrl.u32 s10, $0x3;
	s11 =	sor.u32 $0x100, s4;
	s0 =	smax.u32 s0, $0x1  }
0xd: {  	s7 =	sadd.s32 s7, s1;
	s25 =	sadd.s32 $0x800, s9;
	[dreg:$0x8] =	wrdreg s0  }
0xe: {  	s1 =	sadd.s32 s6, s24;
	s22 =	sadd.s32 $0x3A00, s7;
	[dreg:$0x5] =	wrdreg s25  }
0xf: {  	s24 =	simm.s32 $0xE800;
	s23 =	sadd.s32 $0x8A00, s7;
	[dreg:$0x3] =	wrdreg s22  }
0x10: {  	s0 =	simm.s32 $0x6;
	s26 =	sadd.s32 $0x13000, s1;
	[dreg:$0x4] =	wrdreg s23  }
0x11: {  	s1 =	sadd.s32 $0x13800, s1;
	s25 =	simm.s32 $0x3;
	[dreg:$0x6] =	wrdreg s26  }
0x12: {  	s7 =	simm.s32 $0x0;
	[dreg:$0x7] =	wrdreg s1;
	s22 =	simm.s32 $0xA800  }
0x13: {  	s26 =	simm.s32 $0x4;
	s1 =	simm.s32 $0x5;
	s23 =	simm.s32 $0x7  }
.LBB2_1:
0x14: {  	s8 =	rddreg [dreg:$0x3]  }
0x15: {  	[tilespmem:s3], [sflag:$0xA] =	stream.linear.gather [hbm4b:s8+s3], $0x1400, $0x38;
	[tilespmem:$0x1A800] =	vst v63  }
0x16: {  	_ =	swait.ge [sflag:s15], $0x1400  }
0x17: {  	[sflag:s15] =	ssyncset.done $0x0  }
0x18: {  	s10 =	simm.s32 $0x1400;
	s14 =	rddreg [dreg:$0x4];
	[sflag:s15] =	ssyncadd.s32 $0xFFFFEC00  }
0x19: {  	[tilespmem:s10], [sflag:$0xA] =	stream.linear.gather [hbm4b:s14+s3], $0x1400, $0x38;
	[tilespmem:$0x1A800] =	vst v63  }
0x1a: {  	_ =	swait.ge [sflag:s15], $0x1400  }
0x1b: {  	[sflag:s15] =	ssyncset.done $0x0  }
0x1c: {  	[sflag:s15] =	ssyncadd.s32 $0xFFFFEC00  }
0x1d: {  	[tilespmem:s18], [sflag:$0x1] =	stream.indirect.gather [hbm4b:s2+s17], $0x80, s3, s17, $0xb8;
	[tilespmem:$0x1A800] =	vst v63  }
0x1e: {  	_ = 	snop  }
0x1f: {  	[tilespmem:s19], [sflag:$0x2] =	stream.indirect.gather [hbm4b:s5+s17], $0x80, s10, s17, $0xb8;
	[tilespmem:$0x1A800] =	vst v63  }
0x20: {  	_ =	swait.ge [sflag:s20], $0x4000  }
0x21: {  	[sflag:s20] =	ssyncset.done $0x0  }
0x22: {  	[sflag:s20] =	ssyncadd.s32 $0xFFFFC000  }
0x23: {  	_ =	swait.ge [sflag:s21], $0x4000  }
0x24: {  	[sflag:s21] =	ssyncset.done $0x0  }
0x25: {  	[sflag:s21] =	ssyncadd.s32 $0xFFFFC000  }
0x26: {  	[tilespmem:s22], [sflag:$0x3] =	stream.indirect.gather [hbm4b:s2+s17], $0x80, s17, s17, $0xb8;
	[tilespmem:$0x1A800] =	vst v63  }
0x27: {  	s16 =	simm.s32 $0x1480;
	s8 =	simm.s32 $0x0;
	s10 =	simm.s32 $0x200  }
0x28: {  	[tilespmem:s24], [sflag:$0x4] =	stream.indirect.gather [hbm4b:s5+s17], $0x80, s16, s17, $0xb8;
	[tilespmem:$0x1A800] =	vst v63  }
.LBB2_2:
0x29: {  	p0 =	sne.s32 s10, $0xFE00;
	v0 =	vld [tilespmem:s8+$0x6870]  }
0x2a: {  	v1 =	vld [tilespmem:s8+$0x6800]  }
0x2b: {  	v2 =	vld [tilespmem:s8+$0x6810]  }
0x2c: {  	v3 =	vld [tilespmem:s8+$0x6820]  }
0x2d: {  	v4 =	vld [tilespmem:s8+$0x6830]  }
0x2e: {  	[tilespmem:s8+$0x2870] =	vst.add.f32.msk $0xffff, v0  }
0x2f: {  	v0 =	vld [tilespmem:s8+$0x6840]  }
0x30: {  	v5 =	vld [tilespmem:s8+$0x6850]  }
0x31: {  	v6 =	vld [tilespmem:s8+$0x6860]  }
0x32: {  	[tilespmem:s8+$0x2800] =	vst.add.f32.msk $0xffff, v1  }
0x33: {  	[tilespmem:s8+$0x2810] =	vst.add.f32.msk $0xffff, v2  }
.Ltmp0:
0x34: {  	[tilespmem:s8+$0x2820] =	vst.add.f32.msk $0xffff, v3;
	(pc) =	sbr.rel @p0 .LBB2_2-.Ltmp0, $4  }
0x35: {  	[tilespmem:s8+$0x2830] =	vst.add.f32.msk $0xffff, v4  }
0x36: {  	[tilespmem:s8+$0x2840] =	vst.add.f32.msk $0xffff, v0  }
0x37: {  	[tilespmem:s8+$0x2850] =	vst.add.f32.msk $0xffff, v5  }
0x38: {  	[tilespmem:s8+$0x2860] =	vst.add.f32.msk $0xffff, v6;
	s8 =	sshra.s32 s10, $0x2;
	s10 =	sadd.s32 $0x200, s10  }
0x39: {  	v0 =	vld [tilespmem:s8+$0x6870]  }
0x3a: {  	v1 =	vld [tilespmem:s8+$0x6800]  }
0x3b: {  	v2 =	vld [tilespmem:s8+$0x6810]  }
0x3c: {  	v3 =	vld [tilespmem:s8+$0x6820]  }
0x3d: {  	v4 =	vld [tilespmem:s8+$0x6830]  }
0x3e: {  	v63 =	vld [tilespmem:s8+$0x6840]  }
0x3f: {  	v5 =	vld [tilespmem:s8+$0x6850]  }
0x40: {  	v6 =	vld [tilespmem:s8+$0x6860]  }
0x41: {  	[tilespmem:s8+$0x2870] =	vst.add.f32.msk $0xffff, v0  }
0x42: {  	[tilespmem:s8+$0x2800] =	vst.add.f32.msk $0xffff, v1  }
0x43: {  	[tilespmem:s8+$0x2810] =	vst.add.f32.msk $0xffff, v2  }
0x44: {  	[tilespmem:s8+$0x2820] =	vst.add.f32.msk $0xffff, v3  }
0x45: {  	[tilespmem:s8+$0x2830] =	vst.add.f32.msk $0xffff, v4  }
0x46: {  	[tilespmem:s8+$0x2840] =	vst.add.f32.msk $0xffff, v63  }
0x47: {  	[tilespmem:s8+$0x2850] =	vst.add.f32.msk $0xffff, v5  }
0x48: {  	s13 =	simm.s32 $0x0;
	[tilespmem:s8+$0x2860] =	vst.add.f32.msk $0xffff, v6  }
0x49: {  	[hbm4b:s9+s13] =	stream.linear.scatter [tilespmem:s18], [sflag:$0x7], $0x4000, $0x38;
	[tilespmem:$0x1A800] =	vst v63  }
0x4a: {  	_ =	swait.ge [sflag:s25], $0x4000  }
0x4b: {  	[sflag:s25] =	ssyncset.done $0x0  }
0x4c: {  	[sflag:s25] =	ssyncadd.s32 $0xFFFFC000  }
0x4d: {  	_ =	swait.ge [sflag:s26], $0x4000  }
0x4e: {  	[sflag:s26] =	ssyncset.done $0x0  }
0x4f: {  	s14 =	simm.s32 $0x100;
	[sflag:s26] =	ssyncadd.s32 $0xFFFFC000  }
0x50: {  	[tilespmem:s29], [sflag:$0x5] =	stream.indirect.gather [hbm4b:s2+s17], $0x80, s14, s17, $0xb8;
	[tilespmem:$0x1A800] =	vst v63  }
0x51: {  	s16 =	simm.s32 $0x1500;
	s10 =	simm.s32 $0x200;
	s8 =	simm.s32 $0x0  }
0x52: {  	[tilespmem:s31], [sflag:$0x6] =	stream.indirect.gather [hbm4b:s5+s17], $0x80, s16, s17, $0xb8;
	[tilespmem:$0x1A800] =	vst v63  }
.LBB2_4:
0x53: {  	p0 =	sne.s32 s10, $0xFE00;
	v0 =	vld [tilespmem:s8+$0xE870]  }
0x54: {  	v1 =	vld [tilespmem:s8+$0xE800]  }
0x55: {  	v2 =	vld [tilespmem:s8+$0xE810]  }
0x56: {  	v3 =	vld [tilespmem:s8+$0xE820]  }
0x57: {  	v4 =	vld [tilespmem:s8+$0xE830]  }
0x58: {  	[tilespmem:s8+$0xA870] =	vst.add.f32.msk $0xffff, v0  }
0x59: {  	v0 =	vld [tilespmem:s8+$0xE840]  }
0x5a: {  	v5 =	vld [tilespmem:s8+$0xE850]  }
0x5b: {  	v6 =	vld [tilespmem:s8+$0xE860]  }
0x5c: {  	[tilespmem:s8+$0xA800] =	vst.add.f32.msk $0xffff, v1  }
0x5d: {  	[tilespmem:s8+$0xA810] =	vst.add.f32.msk $0xffff, v2  }
.Ltmp1:
0x5e: {  	[tilespmem:s8+$0xA820] =	vst.add.f32.msk $0xffff, v3;
	(pc) =	sbr.rel @p0 .LBB2_4-.Ltmp1, $4  }
0x5f: {  	[tilespmem:s8+$0xA830] =	vst.add.f32.msk $0xffff, v4  }
0x60: {  	[tilespmem:s8+$0xA840] =	vst.add.f32.msk $0xffff, v0  }
0x61: {  	[tilespmem:s8+$0xA850] =	vst.add.f32.msk $0xffff, v5  }
0x62: {  	[tilespmem:s8+$0xA860] =	vst.add.f32.msk $0xffff, v6;
	s8 =	sshra.s32 s10, $0x2;
	s10 =	sadd.s32 $0x200, s10  }
0x63: {  	v0 =	vld [tilespmem:s8+$0xE870]  }
0x64: {  	v1 =	vld [tilespmem:s8+$0xE800]  }
0x65: {  	v2 =	vld [tilespmem:s8+$0xE810]  }
0x66: {  	v3 =	vld [tilespmem:s8+$0xE820]  }
0x67: {  	v4 =	vld [tilespmem:s8+$0xE830]  }
0x68: {  	v63 =	vld [tilespmem:s8+$0xE840]  }
0x69: {  	v5 =	vld [tilespmem:s8+$0xE850]  }
0x6a: {  	v6 =	vld [tilespmem:s8+$0xE860]  }
0x6b: {  	[tilespmem:s8+$0xA870] =	vst.add.f32.msk $0xffff, v0  }
0x6c: {  	[tilespmem:s8+$0xA800] =	vst.add.f32.msk $0xffff, v1  }
0x6d: {  	[tilespmem:s8+$0xA810] =	vst.add.f32.msk $0xffff, v2  }
0x6e: {  	[tilespmem:s8+$0xA820] =	vst.add.f32.msk $0xffff, v3  }
0x6f: {  	[tilespmem:s8+$0xA830] =	vst.add.f32.msk $0xffff, v4  }
0x70: {  	[tilespmem:s8+$0xA840] =	vst.add.f32.msk $0xffff, v63  }
0x71: {  	[tilespmem:s8+$0xA850] =	vst.add.f32.msk $0xffff, v5  }
0x72: {  	s10 =	rddreg [dreg:$0x5];
	[tilespmem:s8+$0xA860] =	vst.add.f32.msk $0xffff, v6;
	s8 =	simm.s32 $0x0  }
0x73: {  	[hbm4b:s10+s8] =	stream.linear.scatter [tilespmem:s22], [sflag:$0x8], $0x4000, $0x38;
	[tilespmem:$0x1A800] =	vst v63  }
.LBB2_6:
0x74: {  	_ =	swait.ge [sflag:s1], $0x4000  }
0x75: {  	[sflag:s1] =	ssyncset.done $0x0  }
0x76: {  	[sflag:s1] =	ssyncadd.s32 $0xFFFFC000  }
0x77: {  	_ =	swait.ge [sflag:s0], $0x4000  }
0x78: {  	[sflag:s0] =	ssyncset.done $0x0  }
0x79: {  	[sflag:s0] =	ssyncadd.s32 $0xFFFFC000  }
0x7a: {  	s16 =	smul.u32 $0x180, s8;
	_ =	swait.ge [sflag:s23], $0x4000  }
0x7b: {  	[sflag:s23] =	ssyncset.done $0x0  }
0x7c: {  	s10 =	sadd.s32 $0x180, s16;
	[sflag:s23] =	ssyncadd.s32 $0xFFFFC000  }
0x7d: {  	[tilespmem:s18], [sflag:$0x1] =	stream.indirect.gather [hbm4b:s2+s17], $0x80, s10, s17, $0xb8;
	[tilespmem:$0x1A800] =	vst v63  }
0x7e: {  	s12 =	sadd.s32 $0x1580, s16  }
0x7f: {  	[tilespmem:s19], [sflag:$0x2] =	stream.indirect.gather [hbm4b:s5+s17], $0x80, s12, s17, $0xb8;
	[tilespmem:$0x1A800] =	vst v63  }
0x80: {  	s13 =	simm.s32 $0x200;
	s12 =	simm.s32 $0x0  }
.LBB2_7:
0x81: {  	p0 =	sne.s32 s13, $0xFE00;
	v0 =	vld [tilespmem:s12+$0x16870]  }
0x82: {  	v1 =	vld [tilespmem:s12+$0x16800]  }
0x83: {  	v2 =	vld [tilespmem:s12+$0x16810]  }
0x84: {  	v3 =	vld [tilespmem:s12+$0x16820]  }
0x85: {  	v4 =	vld [tilespmem:s12+$0x16830]  }
0x86: {  	[tilespmem:s12+$0x12870] =	vst.add.f32.msk $0xffff, v0  }
0x87: {  	v0 =	vld [tilespmem:s12+$0x16840]  }
0x88: {  	v5 =	vld [tilespmem:s12+$0x16850]  }
0x89: {  	v6 =	vld [tilespmem:s12+$0x16860]  }
0x8a: {  	[tilespmem:s12+$0x12800] =	vst.add.f32.msk $0xffff, v1  }
0x8b: {  	[tilespmem:s12+$0x12810] =	vst.add.f32.msk $0xffff, v2  }
.Ltmp2:
0x8c: {  	[tilespmem:s12+$0x12820] =	vst.add.f32.msk $0xffff, v3;
	(pc) =	sbr.rel @p0 .LBB2_7-.Ltmp2, $4  }
0x8d: {  	[tilespmem:s12+$0x12830] =	vst.add.f32.msk $0xffff, v4  }
0x8e: {  	[tilespmem:s12+$0x12840] =	vst.add.f32.msk $0xffff, v0  }
0x8f: {  	[tilespmem:s12+$0x12850] =	vst.add.f32.msk $0xffff, v5  }
0x90: {  	[tilespmem:s12+$0x12860] =	vst.add.f32.msk $0xffff, v6;
	s12 =	sshra.s32 s13, $0x2;
	s13 =	sadd.s32 $0x200, s13  }
0x91: {  	v0 =	vld [tilespmem:s12+$0x16870]  }
0x92: {  	v1 =	vld [tilespmem:s12+$0x16800]  }
0x93: {  	v2 =	vld [tilespmem:s12+$0x16810]  }
0x94: {  	v3 =	vld [tilespmem:s12+$0x16820]  }
0x95: {  	v4 =	vld [tilespmem:s12+$0x16830]  }
0x96: {  	v63 =	vld [tilespmem:s12+$0x16840]  }
0x97: {  	v5 =	vld [tilespmem:s12+$0x16850]  }
0x98: {  	v6 =	vld [tilespmem:s12+$0x16860]  }
0x99: {  	[tilespmem:s12+$0x12870] =	vst.add.f32.msk $0xffff, v0  }
0x9a: {  	[tilespmem:s12+$0x12800] =	vst.add.f32.msk $0xffff, v1  }
0x9b: {  	[tilespmem:s12+$0x12810] =	vst.add.f32.msk $0xffff, v2  }
0x9c: {  	[tilespmem:s12+$0x12820] =	vst.add.f32.msk $0xffff, v3  }
0x9d: {  	[tilespmem:s12+$0x12830] =	vst.add.f32.msk $0xffff, v4  }
0x9e: {  	s13 =	sadd.s32 s16, s11;
	[tilespmem:s12+$0x12840] =	vst.add.f32.msk $0xffff, v63  }
0x9f: {  	s13 =	sshll.u32 s13, $0x4;
	[tilespmem:s12+$0x12850] =	vst.add.f32.msk $0xffff, v5  }
0xa0: {  	s14 =	simm.s32 $0x0;
	s13 =	sadd.s32 s6, s13;
	[tilespmem:s12+$0x12860] =	vst.add.f32.msk $0xffff, v6  }
0xa1: {  	[hbm4b:s13+s14] =	stream.linear.scatter [tilespmem:s29], [sflag:$0x9], $0x4000, $0x38;
	[tilespmem:$0x1A800] =	vst v63  }
0xa2: {  	_ =	swait.ge [sflag:s20], $0x4000  }
0xa3: {  	[sflag:s20] =	ssyncset.done $0x0  }
0xa4: {  	[sflag:s20] =	ssyncadd.s32 $0xFFFFC000  }
0xa5: {  	_ =	swait.ge [sflag:s21], $0x4000  }
0xa6: {  	[sflag:s21] =	ssyncset.done $0x0  }
0xa7: {  	[sflag:s21] =	ssyncadd.s32 $0xFFFFC000  }
0xa8: {  	_ =	swait.ge [sflag:s28], $0x4000  }
0xa9: {  	[sflag:s28] =	ssyncset.done $0x0  }
0xaa: {  	s12 =	sadd.s32 $0x200, s16;
	[sflag:s28] =	ssyncadd.s32 $0xFFFFC000  }
0xab: {  	[tilespmem:s22], [sflag:$0x3] =	stream.indirect.gather [hbm4b:s2+s17], $0x80, s12, s17, $0xb8;
	[tilespmem:$0x1A800] =	vst v63  }
0xac: {  	s14 =	sadd.s32 $0x1600, s16  }
0xad: {  	[tilespmem:s24], [sflag:$0x4] =	stream.indirect.gather [hbm4b:s5+s17], $0x80, s14, s17, $0xb8;
	[tilespmem:$0x1A800] =	vst v63  }
0xae: {  	s13 =	simm.s32 $0x0;
	s14 =	simm.s32 $0x200  }
.LBB2_9:
0xaf: {  	p0 =	sne.s32 s14, $0xFE00;
	v0 =	vld [tilespmem:s13+$0x6870]  }
0xb0: {  	v1 =	vld [tilespmem:s13+$0x6800]  }
0xb1: {  	v2 =	vld [tilespmem:s13+$0x6810]  }
0xb2: {  	v3 =	vld [tilespmem:s13+$0x6820]  }
0xb3: {  	v4 =	vld [tilespmem:s13+$0x6830]  }
0xb4: {  	[tilespmem:s13+$0x2870] =	vst.add.f32.msk $0xffff, v0  }
0xb5: {  	v0 =	vld [tilespmem:s13+$0x6840]  }
0xb6: {  	v5 =	vld [tilespmem:s13+$0x6850]  }
0xb7: {  	v6 =	vld [tilespmem:s13+$0x6860]  }
0xb8: {  	[tilespmem:s13+$0x2800] =	vst.add.f32.msk $0xffff, v1  }
0xb9: {  	[tilespmem:s13+$0x2810] =	vst.add.f32.msk $0xffff, v2  }
.Ltmp3:
0xba: {  	[tilespmem:s13+$0x2820] =	vst.add.f32.msk $0xffff, v3;
	(pc) =	sbr.rel @p0 .LBB2_9-.Ltmp3, $4  }
0xbb: {  	[tilespmem:s13+$0x2830] =	vst.add.f32.msk $0xffff, v4  }
0xbc: {  	[tilespmem:s13+$0x2840] =	vst.add.f32.msk $0xffff, v0  }
0xbd: {  	[tilespmem:s13+$0x2850] =	vst.add.f32.msk $0xffff, v5  }
0xbe: {  	[tilespmem:s13+$0x2860] =	vst.add.f32.msk $0xffff, v6;
	s13 =	sshra.s32 s14, $0x2;
	s14 =	sadd.s32 $0x200, s14  }
0xbf: {  	v0 =	vld [tilespmem:s13+$0x6870]  }
0xc0: {  	v1 =	vld [tilespmem:s13+$0x6800]  }
0xc1: {  	v2 =	vld [tilespmem:s13+$0x6810]  }
0xc2: {  	v3 =	vld [tilespmem:s13+$0x6820]  }
0xc3: {  	v4 =	vld [tilespmem:s13+$0x6830]  }
0xc4: {  	v63 =	vld [tilespmem:s13+$0x6840]  }
0xc5: {  	v5 =	vld [tilespmem:s13+$0x6850]  }
0xc6: {  	v6 =	vld [tilespmem:s13+$0x6860]  }
0xc7: {  	[tilespmem:s13+$0x2870] =	vst.add.f32.msk $0xffff, v0  }
0xc8: {  	[tilespmem:s13+$0x2800] =	vst.add.f32.msk $0xffff, v1  }
0xc9: {  	[tilespmem:s13+$0x2810] =	vst.add.f32.msk $0xffff, v2  }
0xca: {  	[tilespmem:s13+$0x2820] =	vst.add.f32.msk $0xffff, v3  }
0xcb: {  	[tilespmem:s13+$0x2830] =	vst.add.f32.msk $0xffff, v4  }
0xcc: {  	s10 =	sadd.s32 s4, s10;
	[tilespmem:s13+$0x2840] =	vst.add.f32.msk $0xffff, v63  }
0xcd: {  	s10 =	sshll.u32 s10, $0x4;
	[tilespmem:s13+$0x2850] =	vst.add.f32.msk $0xffff, v5  }
0xce: {  	s14 =	simm.s32 $0x0;
	s10 =	sadd.s32 s6, s10;
	[tilespmem:s13+$0x2860] =	vst.add.f32.msk $0xffff, v6  }
0xcf: {  	[hbm4b:s10+s14] =	stream.linear.scatter [tilespmem:s18], [sflag:$0x7], $0x4000, $0x38;
	[tilespmem:$0x1A800] =	vst v63  }
0xd0: {  	_ =	swait.ge [sflag:s25], $0x4000  }
0xd1: {  	[sflag:s25] =	ssyncset.done $0x0  }
0xd2: {  	[sflag:s25] =	ssyncadd.s32 $0xFFFFC000  }
0xd3: {  	_ =	swait.ge [sflag:s26], $0x4000  }
0xd4: {  	[sflag:s26] =	ssyncset.done $0x0  }
0xd5: {  	[sflag:s26] =	ssyncadd.s32 $0xFFFFC000  }
0xd6: {  	_ =	swait.ge [sflag:s30], $0x4000  }
0xd7: {  	[sflag:s30] =	ssyncset.done $0x0  }
0xd8: {  	s14 =	sadd.s32 $0x280, s16;
	[sflag:s30] =	ssyncadd.s32 $0xFFFFC000  }
0xd9: {  	[tilespmem:s29], [sflag:$0x5] =	stream.indirect.gather [hbm4b:s2+s17], $0x80, s14, s17, $0xb8;
	[tilespmem:$0x1A800] =	vst v63  }
0xda: {  	s13 =	simm.s32 $0x200;
	s16 =	sadd.s32 $0x1680, s16;
	s10 =	simm.s32 $0x0  }
0xdb: {  	[tilespmem:s31], [sflag:$0x6] =	stream.indirect.gather [hbm4b:s5+s17], $0x80, s16, s17, $0xb8;
	[tilespmem:$0x1A800] =	vst v63  }
.LBB2_11:
0xdc: {  	p0 =	sne.s32 s13, $0xFE00;
	v0 =	vld [tilespmem:s10+$0xE870]  }
0xdd: {  	v1 =	vld [tilespmem:s10+$0xE800]  }
0xde: {  	v2 =	vld [tilespmem:s10+$0xE810]  }
0xdf: {  	v3 =	vld [tilespmem:s10+$0xE820]  }
0xe0: {  	v4 =	vld [tilespmem:s10+$0xE830]  }
0xe1: {  	[tilespmem:s10+$0xA870] =	vst.add.f32.msk $0xffff, v0  }
0xe2: {  	v0 =	vld [tilespmem:s10+$0xE840]  }
0xe3: {  	v5 =	vld [tilespmem:s10+$0xE850]  }
0xe4: {  	v6 =	vld [tilespmem:s10+$0xE860]  }
0xe5: {  	[tilespmem:s10+$0xA800] =	vst.add.f32.msk $0xffff, v1  }
0xe6: {  	[tilespmem:s10+$0xA810] =	vst.add.f32.msk $0xffff, v2  }
.Ltmp4:
0xe7: {  	[tilespmem:s10+$0xA820] =	vst.add.f32.msk $0xffff, v3;
	(pc) =	sbr.rel @p0 .LBB2_11-.Ltmp4, $4  }
0xe8: {  	[tilespmem:s10+$0xA830] =	vst.add.f32.msk $0xffff, v4  }
0xe9: {  	[tilespmem:s10+$0xA840] =	vst.add.f32.msk $0xffff, v0  }
0xea: {  	[tilespmem:s10+$0xA850] =	vst.add.f32.msk $0xffff, v5  }
0xeb: {  	[tilespmem:s10+$0xA860] =	vst.add.f32.msk $0xffff, v6;
	s10 =	sshra.s32 s13, $0x2;
	s13 =	sadd.s32 $0x200, s13  }
0xec: {  	v0 =	vld [tilespmem:s10+$0xE870]  }
0xed: {  	v1 =	vld [tilespmem:s10+$0xE800]  }
0xee: {  	v2 =	vld [tilespmem:s10+$0xE810]  }
0xef: {  	v3 =	vld [tilespmem:s10+$0xE820]  }
0xf0: {  	v4 =	vld [tilespmem:s10+$0xE830]  }
0xf1: {  	v63 =	vld [tilespmem:s10+$0xE840]  }
0xf2: {  	v5 =	vld [tilespmem:s10+$0xE850]  }
0xf3: {  	v6 =	vld [tilespmem:s10+$0xE860]  }
0xf4: {  	[tilespmem:s10+$0xA870] =	vst.add.f32.msk $0xffff, v0  }
0xf5: {  	[tilespmem:s10+$0xA800] =	vst.add.f32.msk $0xffff, v1  }
0xf6: {  	s8 =	sadd.s32 $0x1, s8;
	[tilespmem:s10+$0xA810] =	vst.add.f32.msk $0xffff, v2  }
0xf7: {  	p0 =	sne.s32 s8, $0xC;
	[tilespmem:s10+$0xA820] =	vst.add.f32.msk $0xffff, v3  }
.Ltmp5:
0xf8: {  	[tilespmem:s10+$0xA830] =	vst.add.f32.msk $0xffff, v4;
	(pc) =	sbr.rel @p0 .LBB2_6-.Ltmp5, $4  }
0xf9: {  	s12 =	sadd.s32 s4, s12;
	[tilespmem:s10+$0xA840] =	vst.add.f32.msk $0xffff, v63  }
0xfa: {  	s12 =	sshll.u32 s12, $0x4;
	[tilespmem:s10+$0xA850] =	vst.add.f32.msk $0xffff, v5  }
0xfb: {  	s16 =	sadd.s32 s6, s12;
	[tilespmem:s10+$0xA860] =	vst.add.f32.msk $0xffff, v6  }
0xfc: {  	[hbm4b:s16+s3] =	stream.linear.scatter [tilespmem:s22], [sflag:$0x8], $0x4000, $0x38;
	[tilespmem:$0x1A800] =	vst v63  }
0xfd: {  	_ =	swait.ge [sflag:s1], $0x4000  }
0xfe: {  	[sflag:s1] =	ssyncset.done $0x0  }
0xff: {  	[sflag:s1] =	ssyncadd.s32 $0xFFFFC000  }
0x100: {  	_ =	swait.ge [sflag:s0], $0x4000  }
0x101: {  	[sflag:s0] =	ssyncset.done $0x0  }
0x102: {  	[sflag:s0] =	ssyncadd.s32 $0xFFFFC000  }
0x103: {  	_ =	swait.ge [sflag:s23], $0x4000  }
0x104: {  	[sflag:s23] =	ssyncset.done $0x0  }
0x105: {  	s8 =	simm.s32 $0x1380;
	[sflag:s23] =	ssyncadd.s32 $0xFFFFC000  }
0x106: {  	[tilespmem:s18], [sflag:$0x1] =	stream.indirect.gather [hbm4b:s2+s17], $0x80, s8, s17, $0xb8;
	[tilespmem:$0x1A800] =	vst v63  }
0x107: {  	s16 =	simm.s32 $0x2780;
	s10 =	simm.s32 $0x200;
	s8 =	simm.s32 $0x0  }
0x108: {  	[tilespmem:s19], [sflag:$0x2] =	stream.indirect.gather [hbm4b:s5+s17], $0x80, s16, s17, $0xb8;
	[tilespmem:$0x1A800] =	vst v63  }
.LBB2_14:
0x109: {  	p0 =	sne.s32 s10, $0xFE00;
	v0 =	vld [tilespmem:s8+$0x16870]  }
0x10a: {  	v1 =	vld [tilespmem:s8+$0x16800]  }
0x10b: {  	v2 =	vld [tilespmem:s8+$0x16810]  }
0x10c: {  	v3 =	vld [tilespmem:s8+$0x16820]  }
0x10d: {  	v4 =	vld [tilespmem:s8+$0x16830]  }
0x10e: {  	[tilespmem:s8+$0x12870] =	vst.add.f32.msk $0xffff, v0  }
0x10f: {  	v0 =	vld [tilespmem:s8+$0x16840]  }
0x110: {  	v5 =	vld [tilespmem:s8+$0x16850]  }
0x111: {  	v6 =	vld [tilespmem:s8+$0x16860]  }
0x112: {  	[tilespmem:s8+$0x12800] =	vst.add.f32.msk $0xffff, v1  }
0x113: {  	[tilespmem:s8+$0x12810] =	vst.add.f32.msk $0xffff, v2  }
.Ltmp6:
0x114: {  	[tilespmem:s8+$0x12820] =	vst.add.f32.msk $0xffff, v3;
	(pc) =	sbr.rel @p0 .LBB2_14-.Ltmp6, $4  }
0x115: {  	[tilespmem:s8+$0x12830] =	vst.add.f32.msk $0xffff, v4  }
0x116: {  	[tilespmem:s8+$0x12840] =	vst.add.f32.msk $0xffff, v0  }
0x117: {  	[tilespmem:s8+$0x12850] =	vst.add.f32.msk $0xffff, v5  }
0x118: {  	[tilespmem:s8+$0x12860] =	vst.add.f32.msk $0xffff, v6;
	s8 =	sshra.s32 s10, $0x2;
	s10 =	sadd.s32 $0x200, s10  }
0x119: {  	v0 =	vld [tilespmem:s8+$0x16870]  }
0x11a: {  	v1 =	vld [tilespmem:s8+$0x16800]  }
0x11b: {  	v2 =	vld [tilespmem:s8+$0x16810]  }
0x11c: {  	v3 =	vld [tilespmem:s8+$0x16820]  }
0x11d: {  	v4 =	vld [tilespmem:s8+$0x16830]  }
0x11e: {  	v63 =	vld [tilespmem:s8+$0x16840]  }
0x11f: {  	v5 =	vld [tilespmem:s8+$0x16850]  }
0x120: {  	v6 =	vld [tilespmem:s8+$0x16860]  }
0x121: {  	[tilespmem:s8+$0x12870] =	vst.add.f32.msk $0xffff, v0  }
0x122: {  	[tilespmem:s8+$0x12800] =	vst.add.f32.msk $0xffff, v1  }
0x123: {  	[tilespmem:s8+$0x12810] =	vst.add.f32.msk $0xffff, v2  }
0x124: {  	[tilespmem:s8+$0x12820] =	vst.add.f32.msk $0xffff, v3  }
0x125: {  	[tilespmem:s8+$0x12830] =	vst.add.f32.msk $0xffff, v4  }
0x126: {  	[tilespmem:s8+$0x12840] =	vst.add.f32.msk $0xffff, v63  }
0x127: {  	[tilespmem:s8+$0x12850] =	vst.add.f32.msk $0xffff, v5  }
0x128: {  	s16 =	simm.s32 $0x0;
	s10 =	rddreg [dreg:$0x6];
	[tilespmem:s8+$0x12860] =	vst.add.f32.msk $0xffff, v6  }
0x129: {  	[hbm4b:s10+s16] =	stream.linear.scatter [tilespmem:s29], [sflag:$0x9], $0x4000, $0x38;
	[tilespmem:$0x1A800] =	vst v63  }
0x12a: {  	_ =	swait.ge [sflag:s20], $0x4000  }
0x12b: {  	[sflag:s20] =	ssyncset.done $0x0  }
0x12c: {  	[sflag:s20] =	ssyncadd.s32 $0xFFFFC000  }
0x12d: {  	_ =	swait.ge [sflag:s21], $0x4000  }
0x12e: {  	[sflag:s21] =	ssyncset.done $0x0  }
0x12f: {  	s8 =	simm.s32 $0x0;
	s10 =	simm.s32 $0x200;
	[sflag:s21] =	ssyncadd.s32 $0xFFFFC000  }
.LBB2_16:
0x130: {  	p0 =	sne.s32 s10, $0xFE00;
	v0 =	vld [tilespmem:s8+$0x6870]  }
0x131: {  	v1 =	vld [tilespmem:s8+$0x6800]  }
0x132: {  	v2 =	vld [tilespmem:s8+$0x6810]  }
0x133: {  	v3 =	vld [tilespmem:s8+$0x6820]  }
0x134: {  	v4 =	vld [tilespmem:s8+$0x6830]  }
0x135: {  	[tilespmem:s8+$0x2870] =	vst.add.f32.msk $0xffff, v0  }
0x136: {  	v0 =	vld [tilespmem:s8+$0x6840]  }
0x137: {  	v5 =	vld [tilespmem:s8+$0x6850]  }
0x138: {  	v6 =	vld [tilespmem:s8+$0x6860]  }
0x139: {  	[tilespmem:s8+$0x2800] =	vst.add.f32.msk $0xffff, v1  }
0x13a: {  	[tilespmem:s8+$0x2810] =	vst.add.f32.msk $0xffff, v2  }
.Ltmp7:
0x13b: {  	[tilespmem:s8+$0x2820] =	vst.add.f32.msk $0xffff, v3;
	(pc) =	sbr.rel @p0 .LBB2_16-.Ltmp7, $4  }
0x13c: {  	[tilespmem:s8+$0x2830] =	vst.add.f32.msk $0xffff, v4  }
0x13d: {  	[tilespmem:s8+$0x2840] =	vst.add.f32.msk $0xffff, v0  }
0x13e: {  	[tilespmem:s8+$0x2850] =	vst.add.f32.msk $0xffff, v5  }
0x13f: {  	[tilespmem:s8+$0x2860] =	vst.add.f32.msk $0xffff, v6;
	s8 =	sshra.s32 s10, $0x2;
	s10 =	sadd.s32 $0x200, s10  }
0x140: {  	v0 =	vld [tilespmem:s8+$0x6870]  }
0x141: {  	v1 =	vld [tilespmem:s8+$0x6800]  }
0x142: {  	v2 =	vld [tilespmem:s8+$0x6810]  }
0x143: {  	v3 =	vld [tilespmem:s8+$0x6820]  }
0x144: {  	v4 =	vld [tilespmem:s8+$0x6830]  }
0x145: {  	v63 =	vld [tilespmem:s8+$0x6840]  }
0x146: {  	v5 =	vld [tilespmem:s8+$0x6850]  }
0x147: {  	v6 =	vld [tilespmem:s8+$0x6860]  }
0x148: {  	[tilespmem:s8+$0x2870] =	vst.add.f32.msk $0xffff, v0  }
0x149: {  	[tilespmem:s8+$0x2800] =	vst.add.f32.msk $0xffff, v1  }
0x14a: {  	[tilespmem:s8+$0x2810] =	vst.add.f32.msk $0xffff, v2  }
0x14b: {  	[tilespmem:s8+$0x2820] =	vst.add.f32.msk $0xffff, v3  }
0x14c: {  	[tilespmem:s8+$0x2830] =	vst.add.f32.msk $0xffff, v4  }
0x14d: {  	[tilespmem:s8+$0x2840] =	vst.add.f32.msk $0xffff, v63  }
0x14e: {  	[tilespmem:s8+$0x2850] =	vst.add.f32.msk $0xffff, v5  }
0x14f: {  	s14 =	rddreg [dreg:$0x7];
	[tilespmem:s8+$0x2860] =	vst.add.f32.msk $0xffff, v6  }
0x150: {  	[hbm4b:s14+s3] =	stream.linear.scatter [tilespmem:s18], [sflag:$0x7], $0x4000, $0x38;
	[tilespmem:$0x1A800] =	vst v63  }
0x151: {  	_ =	swait.ge [sflag:s28], $0x4000  }
0x152: {  	[sflag:s28] =	ssyncset.done $0x0  }
0x153: {  	[sflag:s28] =	ssyncadd.s32 $0xFFFFC000  }
0x154: {  	_ =	swait.ge [sflag:s30], $0x4000  }
0x155: {  	[sflag:s30] =	ssyncset.done $0x0  }
0x156: {  	[sflag:s30] =	ssyncadd.s32 $0xFFFFC000  }
0x157: {  	_ =	swait.ge [sflag:s23], $0x4000  }
0x158: {  	s7 =	sadd.s32 $0x1, s7;
	s16 =	rddreg [dreg:$0x8]  }
0x159: {  	p0 =	sne.s32 s7, s16  }
.Ltmp8:
0x15a: {  	_ = 	snop;
	(pc) =	sbr.rel @p0 .LBB2_1-.Ltmp8, $3  }
0x15b: {  	_ =	sdelay $0x1  }
0x15c: {  	[sflag:s23] =	ssyncset.done $0x0  }
0x15d: {  	[sflag:s23] =	ssyncadd.s32 $0xFFFFC000  }
0x15e: {  	_ =	sfence.sel $0x180000  }
0x15f: {  	[bflag:$0x0] =	sbarrier.arrive $0xFFFF  }
0x160: {  	_ =	strace $0x90000047  }
0x161: {  	s0 =	stileid.u32;
	[bflag:$0x2] =	sbarrier.arrive $0xFFFF  }
0x162: {  	p0 =	sne.s32 s0, $0x0;
	s0 =	rddreg [dreg:$0x2]  }
0x163: {  	s0 =	sadd.s32 @!p0 $0x100000, s0  }
0x164: {  	[sflag:s0] =	ssyncadd.tile.s32 @!p0 $0x1;
	_ =	shalt  }
.Lfunc_end2:
_tile_overlayer_lowered:
.L_overlay_start_2:
0x165: {  	(tag) =	ssettag $0x2  }
0x166: {  	s0 =	rddreg [dreg:$0x0];
	s2 =	stileid.u32  }
0x167: {  	s1 =	rddreg [dreg:$0x1];
	p0 =	sne.s32 s2, $0x0  }
0x168: {  	s3 =	rddreg [dreg:$0x2];
	[bflag:$0x3] =	sbarrier.arrive $0xFFFF;
	s2 =	simm.s32 @!p0 $0x1C0A  }
0x169: {  	[timem:s3], [sflag:s2] =	dma.local @!p0 [hbm:s0], s1  }
0x16a: {  	s0 =	simm.s32 @!p0 $0xA  }
0x16b: {  	_ =	swait.ge @!p0 [sflag:s0], s1  }
0x16c: {  	s1 =	ssub.s32 @!p0 $0x0, s1;
	[sflag:s0] =	ssyncset.done @!p0 $0x0  }
0x16d: {  	[sflag:s0] =	ssyncadd.s32 @!p0 s1  }
0x16e: {  	[bflag:$0x3] =	sbarrier.arrive $0xFFFF  }
0x16f: {  	_ =	shalt  }

// kernel: kernel.13.cloned.1.call-start
scs
__scs_entry_jumppad:
0x0: {  	(pc) =	sbr.rel $0x88, $3  }
0x1: {  	(tag) =	ssettag $0x0;
	lr =	simm.s32 $0x1  }
0x2: {  	[smem:$0x3F95] =	sst lr;
	_ =	strace $0xD0000000  }
0x3: {  	_ = 	snop  }
0x4: {  	_ = 	snop  }
0x5: {  	_ = 	snop  }
0x6: {  	_ = 	snop  }
0x7: {  	_ = 	snop  }
__scs_overlays_trampoline_lowered:
0x8: {  	[smem:$0x3FA4] =	sst s0  }
0x9: {  	[smem:$0x3FA5] =	sst s1  }
0xa: {  	[smem:$0x3FA6] =	sst s2  }
0xb: {  	[smem:$0x3FA7] =	sst s3  }
0xc: {  	[smem:$0x3FA8] =	sst s4  }
0xd: {  	[smem:$0x3FA9] =	sst s5  }
0xe: {  	[smem:$0x3FAA] =	sst s6  }
0xf: {  	[smem:$0x3FAB] =	sst s7  }
0x10: {  	[smem:$0x3FAC] =	sst s8  }
0x11: {  	[smem:$0x3FAD] =	sst s9;
	s0 =	simm.s32 @!p0 $0x0  }
0x12: {  	s1 =	sld [smem:$0x3F93];
	s0 =	simm.s32 @p0 $0x1  }
0x13: {  	[smem:$0x3FAE] =	sst s0;
	s0 =	simm.s32 @!p1 $0x0  }
0x14: {  	s2 =	sld [smem:$0x3F92];
	s0 =	simm.s32 @p1 $0x1  }
0x15: {  	[smem:$0x3FAF] =	sst s0;
	s0 =	simm.s32 @!p2 $0x0  }
0x16: {  	s3 =	sld [smem:$0x3FDB];
	s0 =	simm.s32 @p2 $0x1  }
0x17: {  	s4 =	simm.s32 $0x1BF5;
	[smem:$0x3FB1] =	sst s0  }
0x18: {  	s0 =	sld [smem:$0x3F94];
	_ =	swait.ge [sflag:s4], $0x0  }
0x19: {  	s7 =	sld [smem:$0x3F95]  }
0x1a: {  	s8 =	sadd.s32 $0xFFFFE003, lr  }
0x1b: {  	s9 =	sadd.s32 $0xFFFFFEF7, lr;
	s5 =	simm.s32 $0xFFFFFFFF;
	p2 =	slt.u32 s8, $0xFFFFF086  }
0x1c: {  	p1 =	slt.u32 s9, $0xF7A;
	s5 =	simm.s32 @!p2 $0x0  }
0x1d: {  	s5 =	simm.s32 @p1 $0x1;
	p0 =	seq.s32 s7, s2  }
0x1e: {  	s7 =	smul.u32 @!p0 $0xF7A, s2;
	p2 =	seq.s32 @!p0 s5, $0x0  }
0x1f: {  	s9 =	smul.u32 $0xF7A, s1;
	s8 =	simm.s32 @!p0 $0x1BF5;
	p2 =	por !p2, p0  }
0x20: {  	[sflag:s8] =	ssyncset.s32 @!p0 $0xFFFFF086;
	s6 =	sadd.s32 @!p0 s3, s7;
	s7 =	simm.s32 @!p0 $0x108  }
0x21: {  	s3 =	sadd.s32 s3, s9;
	s6 =	sadd.s32 @!p0 $0x88, s6;
	s7 =	simm.s32 @p2 $0x1082  }
0x22: {  	[simem:s7], [sflag:s8] =	dma.local @!p0 [hbm:s6], $0xF7A  }
0x23: {  	s9 =	sor.u32 $0xD0000000, s2;
	s6 =	simm.s32 $0x108;
	_ =	swait.ge @!p0 [sflag:s8], $0x0  }
0x24: {  	s3 =	sadd.s32 $0x88, s3;
	s6 =	simm.s32 @!p1 $0x1082;
	[sflag:s4] =	ssyncset.s32 $0xFFFFF086  }
0x25: {  	[simem:s6], [sflag:s4] =	dma.local [hbm:s3], $0xF7A  }
0x26: {  	[smem:$0x3F95] =	sst s1;
	(tag) =	ssettag s2;
	_ =	strace s9  }
0x27: {  	s1 =	sld [smem:$0x3FA5]  }
0x28: {  	s2 =	sld [smem:$0x3FA6]  }
0x29: {  	s4 =	sld [smem:$0x3FA8]  }
0x2a: {  	p0 =	seq.s32 s5, $0x0;
	s5 =	sld [smem:$0x3FA9]  }
0x2b: {  	s6 =	sld [smem:$0x3FAA]  }
0x2c: {  	s7 =	sld [smem:$0x3FAB]  }
0x2d: {  	s3 =	simm.s32 $0x108;
	s8 =	sld [smem:$0x3FAC]  }
0x2e: {  	s3 =	simm.s32 @!p0 $0x1082;
	s9 =	sld [smem:$0x3FAD]  }
0x2f: {  	lr =	sadd.s32 s0, s3;
	s0 =	sld [smem:$0x3FA4]  }
0x30: {  	s3 =	sld [smem:$0x3FA7]  }
0x31: {  	[smem:$0x3FB0] =	sst s10  }
0x32: {  	s10 =	sld [smem:$0x3FAE];
	_ =	sdelay $0x3  }
0x33: {  	p0 =	seq.s32 s10, $0x1;
	s10 =	sld [smem:$0x3FB0];
	_ =	sdelay $0x3  }
0x34: {  	[smem:$0x3FB0] =	sst s10  }
0x35: {  	s10 =	sld [smem:$0x3FAF];
	_ =	sdelay $0x3  }
0x36: {  	p1 =	seq.s32 s10, $0x1;
	s10 =	sld [smem:$0x3FB0];
	_ =	sdelay $0x3  }
0x37: {  	[smem:$0x3FB0] =	sst s10  }
0x38: {  	s10 =	sld [smem:$0x3FB1]  }
0x39: {  	_ = 	snop;
	(pc) =	sbr.ind lr, $3  }
0x3a: {  	_ = 	snop  }
0x3b: {  	_ = 	snop  }
0x3c: {  	p2 =	seq.s32 s10, $0x1;
	s10 =	sld [smem:$0x3FB0]  }
0x3d: {  	_ =	shalt  }
0x3e: {  	_ =	shalt  }
0x3f: {  	_ =	shalt  }
0x40: {  	_ =	shalt  }
0x41: {  	_ =	shalt  }
0x42: {  	_ =	shalt  }
0x43: {  	_ =	shalt  }
0x44: {  	_ =	shalt  }
0x45: {  	_ =	shalt  }
0x46: {  	_ =	shalt  }
0x47: {  	_ =	shalt  }
0x48: {  	_ =	shalt  }
0x49: {  	_ =	shalt  }
0x4a: {  	_ =	shalt  }
0x4b: {  	_ =	shalt  }
0x4c: {  	_ =	shalt  }
0x4d: {  	_ =	shalt  }
0x4e: {  	_ =	shalt  }
0x4f: {  	_ =	shalt  }
0x50: {  	_ =	shalt  }
0x51: {  	_ =	shalt  }
0x52: {  	_ =	shalt  }
0x53: {  	_ =	shalt  }
0x54: {  	_ =	shalt  }
0x55: {  	_ =	shalt  }
0x56: {  	_ =	shalt  }
0x57: {  	_ =	shalt  }
0x58: {  	_ =	shalt  }
0x59: {  	_ =	shalt  }
0x5a: {  	_ =	shalt  }
0x5b: {  	_ =	shalt  }
0x5c: {  	_ =	shalt  }
0x5d: {  	_ =	shalt  }
0x5e: {  	_ =	shalt  }
0x5f: {  	_ =	shalt  }
0x60: {  	_ =	shalt  }
0x61: {  	_ =	shalt  }
0x62: {  	_ =	shalt  }
0x63: {  	_ =	shalt  }
0x64: {  	_ =	shalt  }
0x65: {  	_ =	shalt  }
0x66: {  	_ =	shalt  }
0x67: {  	_ =	shalt  }
0x68: {  	_ =	shalt  }
0x69: {  	_ =	shalt  }
0x6a: {  	_ =	shalt  }
0x6b: {  	_ =	shalt  }
0x6c: {  	_ =	shalt  }
0x6d: {  	_ =	shalt  }
0x6e: {  	_ =	shalt  }
0x6f: {  	_ =	shalt  }
0x70: {  	_ =	shalt  }
0x71: {  	_ =	shalt  }
0x72: {  	_ =	shalt  }
0x73: {  	_ =	shalt  }
0x74: {  	_ =	shalt  }
0x75: {  	_ =	shalt  }
0x76: {  	_ =	shalt  }
0x77: {  	_ =	shalt  }
0x78: {  	_ =	shalt  }
0x79: {  	_ =	shalt  }
0x7a: {  	_ =	shalt  }
0x7b: {  	_ =	shalt  }
0x7c: {  	_ =	shalt  }
0x7d: {  	_ =	shalt  }
0x7e: {  	_ =	shalt  }
0x7f: {  	_ =	shalt  }
0x80: {  	_ =	shalt  }
0x81: {  	_ =	shalt  }
0x82: {  	_ =	shalt  }
0x83: {  	_ =	shalt  }
0x84: {  	_ =	shalt  }
0x85: {  	_ =	shalt  }
0x86: {  	_ =	shalt  }
0x87: {  	_ =	shalt  }
.Lfunc_end0:
.L_simem_size_0:
called_computation.1_lowered:
.L_overlay_start_0:
0x88: {  	s2 =	sld [smem:$0x3FD9]  }
0x89: {  	s3 =	sld [smem:$0x3FFE];
	_ =	sdelay $0x1  }
0x8a: {  	s1 =	srdreg.scid  }
0x8b: {  	s0 =	sand.u32 $0x1, s1  }
0x8c: {  	s17 =	sshll.u32 s0, $0xA;
	s2 =	sadd.s32 s3, s2  }
0x8d: {  	s2 =	sadd.s32 s2, s17  }
0x8e: {  	[smem:$0x3FBC] =	sst s2  }
0x8f: {  	_ = 	snop  }
0x90: {  	s18 =	sld [smem:$0x3FD0];
	(tm) =	ssettm $0x1  }
0x91: {  	s19 =	sld [smem:$0x3FFB];
	_ =	sdelay $0x3  }
0x92: {  	_ =	strace s19  }
0x93: {  	s2 =	sld [smem:$0x3FFC];
	_ =	sdelay $0x3  }
0x94: {  	_ =	strace s2  }
0x95: {  	s2 =	sld [smem:$0x3FFD];
	_ =	sdelay $0x3  }
0x96: {  	_ =	strace s2  }
0x97: {  	_ =	strace $0x8FFFFFFF  }
0x98: {  	s20 =	sld [smem:$0x3FDB];
	_ =	sdelay $0x1  }
0x99: {  	s4 =	simm.s32 $_scs_section_size  }
0x9a: {  	s5 =	simm.s32 $_size__tile_overlayer_lowered;
	s6 =	simm.s32 $_tile_overlayer_lowered  }
0x9b: {  	s7 =	simm.s32 $0x1BFF;
	s21 =	sshll.u32 s6, $0x1;
	s4 =	sadd.s32 s4, s20  }
0x9c: {  	s22 =	simm.s32 $0x0;
	s5 =	sshll.u32 s5, $0x1;
	s6 =	sadd.s32 s21, s4  }
0x9d: {  	[timem:s22], [sflag:s7] =	dma.local [hbm:s6], s5  }
0x9e: {  	_ =	swait.ge [sflag:s7], s5  }
0x9f: {  	s5 =	ssub.s32 $0x0, s5;
	[sflag:s7] =	ssyncset.done $0x0  }
0xa0: {  	[sflag:s7] =	ssyncadd.s32 s5;
	_ =	sdelay $0x1  }
0xa1: {  	s23 =	simm.s32 $0x1B8B  }
0xa2: {  	_ =	swait.ge [sflag:s23], $0x1  }
0xa3: {  	[sflag:s23] =	ssyncset.done $0x0  }
0xa4: {  	[sflag:s23] =	ssyncadd.s32 $0xFFFFFFFF  }
0xa5: {  	s5 =	sld [smem:$0x0]  }
0xa6: {  	s6 =	sand.u32 $0xFFFFFFFE, s1  }
0xa7: {  	p0 =	sne.s32 s1, s6  }
0xa8: {  	s6 =	sshll.u32 @p0 s6, $0xE  }
0xa9: {  	s6 =	sadd.s32 @p0 $0x11B8D, s6;
	s7 =	sshll.u32 @p0 s5, $0x11  }
0xaa: {  	s6 =	sor.u32 @p0 s7, s6  }
0xab: {  	[sflag:s6] =	ssyncadd.remote.s32 @p0 $0x1;
	_ =	sdelay $0x1  }
0xac: {  	s6 =	simm.s32 @p0 $0x1B8D  }
0xad: {  	_ =	swait.eq @p0 [sflag:s6], $0x1  }
0xae: {  	[sflag:s6] =	ssyncadd.s32 @p0 $0xFFFFFFFF  }
0xaf: {  	s7 =	sshll.u32 @!p0 s1, $0xE  }
0xb0: {  	s7 =	sor.u32 @!p0 $0x4000, s7;
	s6 =	simm.s32 @!p0 $0x1B8D  }
0xb1: {  	s5 =	sshll.u32 @!p0 s5, $0x11;
	s7 =	sadd.s32 @!p0 $0x11B8D, s7;
	_ =	swait.eq @!p0 [sflag:s6], $0x1  }
0xb2: {  	s5 =	sor.u32 @!p0 s5, s7;
	[sflag:s6] =	ssyncadd.s32 @!p0 $0xFFFFFFFF  }
0xb3: {  	s25 =	simm.s32 $0x1B8E;
	s24 =	sld [smem:$0x3FFE];
	[sflag:s5] =	ssyncadd.remote.s32 @!p0 $0x1  }
0xb4: {  	s26 =	simm.s32 $execute0_lowered;
	[smem:$0x3FD2] =	sst s25  }
0xb5: {  	s6 =	sshll.u32 s26, $0x1;
	_ =	strace $0x80000049;
	[dreg:$0x1] =	wrdreg $0xFFFFFFFF  }
0xb6: {  	s28 =	simm.s32 $_size_execute0_lowered;
	s4 =	sadd.s32 s4, s6;
	[dreg:$0x0] =	wrdreg $0x0  }
0xb7: {  	s6 =	sshll.u32 s28, $0x1;
	[dreg:$0x2] =	wrdreg s4  }
0xb8: {  	[dreg:$0x3] =	wrdreg s6  }
0xb9: {  	[dreg:$0x4] =	wrdreg $0xC0  }
0xba: {  	_ =	task [dreg:s22], $0x5FFFF  }
0xbb: {  	[dreg:$0x1] =	wrdreg $0xFFFFFFFF  }
0xbc: {  	[dreg:$0x0] =	wrdreg $0x60  }
0xbd: {  	[dreg:$0x2] =	wrdreg s18  }
0xbe: {  	[dreg:$0x3] =	wrdreg s24  }
0xbf: {  	[dreg:$0x4] =	wrdreg $0x9  }
0xc0: {  	_ =	task.clear_ibuf [dreg:s22], $0x5FFFF;
	_ =	strace $0x90000049  }
0xc1: {  	s29 =	simm.s32 $0x9;
	_ =	strace $0x8000004B  }
0xc2: {  	_ =	swait.ge [sflag:s29], $0x1  }
0xc3: {  	[sflag:s29] =	ssyncadd.s32 $0xFFFFFFFF  }
0xc4: {  	_ =	strace $0x9000004B  }
0xc5: {  	_ =	sfence  }
0xc6: {  	s30 =	sld [smem:$0x0];
	_ =	sdelay $0x2  }
0xc7: {  	s31 =	sshll.u32 s1, $0xD;
	s1 =	sshrl.u32 s1, $0x2  }
0xc8: {  	s4 =	sand.u32 $0x4000, s31;
	s1 =	sadd.s32 s1, s30  }
0xc9: {  	s0 =	sor.u32 s4, s0;
	s1 =	sshll.u32 s1, $0x11  }
0xca: {  	s0 =	sor.u32 s1, s0  }
0xcb: {  	s0 =	sadd.s32 $0x8F2B, s0  }
0xcc: {  	[sflag:s0] =	ssyncadd.remote.s32 $0x1  }
0xcd: {  	_ =	sfence.sel $0xFFFF  }
0xce: {  	[dreg:$0x0] =	wrdreg $0xFFFFFFFF;
	(pc) =	sbr.abs _section_cstart, $3  }
0xcf: {  	[dreg:$0x1] =	wrdreg $0xFFFFFFFF  }
0xd0: {  	_ =	task.clear_ibuf [dreg:s22], $0x2FFFF;
	_ =	strace $0x9FFFFFFF  }
0xd1: {  	(tm) =	ssettm $0x7FFFFFFF  }
tec
execute0_lowered:
.L_overlay_start_1:
0x0: {  	(tag) =	ssettag $0x1  }
0x1: {  	s2 =	rddreg [dreg:$0x0]  }
0x2: {  	s0 =	srdreg.scid;
	s3 =	stileid.u32  }
0x3: {  	s1 =	rddreg [dreg:$0x1];
	s15 =	simm.s32 $0xA;
	s17 =	simm.s32 $0x50  }
0x4: {  	s18 =	simm.s32 $0x2700;
	s29 =	simm.s32 $0xC700;
	s31 =	simm.s32 $0xEF00  }
0x5: {  	s28 =	simm.s32 $0x8;
	s0 =	sand.u32 $0x1, s0;
	s4 =	sshll.u32 s3, $0x1  }
0x6: {  	s30 =	simm.s32 $0x9;
	s3 =	simm.s32 $0x0;
	s7 =	sor.u32 s0, s4  }
0x7: {  	s5 =	sadd.s32 $0xDA00, s1;
	s0 =	ssub.s32 $0x2, s0;
	s4 =	smul.u32 $0x1310, s7  }
0x8: {  	[smem:$0x7FF] =	sst s3;
	s8 =	smul.u32 $0x98800, s7;
	s19 =	sshrl.u32 s0, $0x1  }
0x9: {  	_ =	strace $0x8000004A;
	s20 =	smul.u32 $0x13100, s7;
	s0 =	ssub.s32 s0, s19  }
0xa: {  	s19 =	simm.s32 $0x4F00;
	s6 =	sshrl.u32 s4, $0x3;
	s21 =	sshrl.u32 s8, $0x3  }
0xb: {  	s11 =	sadd.s32 $0xA0, s4;
	s14 =	smax.u32 s0, $0x1;
	s9 =	sadd.s32 s6, s1  }
0xc: {  	s0 =	simm.s32 $0x6;
	s6 =	sadd.s32 $0x2BE800, s1;
	s22 =	sadd.s32 $0x2B4C00, s9  }
0xd: {  	s23 =	sadd.s32 $0x2B9A00, s9;
	s7 =	sadd.s32 s6, s21;
	[dreg:$0x3] =	wrdreg s22  }
0xe: {  	s1 =	sadd.s32 s6, s20;
	s20 =	simm.s32 $0x1;
	[dreg:$0x4] =	wrdreg s23  }
0xf: {  	s21 =	simm.s32 $0x2;
	[dreg:$0x5] =	wrdreg s1;
	s24 =	sadd.s32 $0x500, s7  }
0x10: {  	s25 =	sadd.s32 $0x12700, s7;
	s26 =	sadd.s32 $0x12C00, s7;
	[dreg:$0x6] =	wrdreg s24  }
0x11: {  	s22 =	simm.s32 $0x7700;
	s1 =	simm.s32 $0x5;
	[dreg:$0x7] =	wrdreg s25  }
0x12: {  	s23 =	simm.s32 $0x7;
	s7 =	simm.s32 $0x0;
	[dreg:$0x8] =	wrdreg s26  }
0x13: {  	s24 =	simm.s32 $0x9F00;
	s25 =	simm.s32 $0x3;
	s26 =	simm.s32 $0x4  }
.LBB2_1:
0x14: {  	s8 =	rddreg [dreg:$0x3]  }
0x15: {  	[tilespmem:s3], [sflag:$0xA] =	stream.linear.gather [hbm4b:s8+s3], $0x1310, $0x38;
	[tilespmem:$0x11700] =	vst v63  }
0x16: {  	_ =	swait.ge [sflag:s15], $0x1310  }
0x17: {  	[sflag:s15] =	ssyncset.done $0x0  }
0x18: {  	s9 =	simm.s32 $0x1380;
	s13 =	rddreg [dreg:$0x4];
	[sflag:s15] =	ssyncadd.s32 $0xFFFFECF0  }
0x19: {  	[tilespmem:s9], [sflag:$0xA] =	stream.linear.gather [hbm4b:s13+s3], $0x1310, $0x38;
	[tilespmem:$0x11700] =	vst v63  }
0x1a: {  	_ =	swait.ge [sflag:s15], $0x1310  }
0x1b: {  	[sflag:s15] =	ssyncset.done $0x0  }
0x1c: {  	[sflag:s15] =	ssyncadd.s32 $0xFFFFECF0  }
0x1d: {  	[tilespmem:s18], [sflag:$0x1] =	stream.indirect.gather [hbm4b:s2+s17], $0x80, s3, s17, $0xb8;
	[tilespmem:$0x11700] =	vst v63  }
0x1e: {  	_ = 	snop  }
0x1f: {  	[tilespmem:s19], [sflag:$0x2] =	stream.indirect.gather [hbm4b:s5+s17], $0x80, s9, s17, $0xb8;
	[tilespmem:$0x11700] =	vst v63  }
0x20: {  	_ =	swait.ge [sflag:s20], $0x2800  }
0x21: {  	[sflag:s20] =	ssyncset.done $0x0  }
0x22: {  	[sflag:s20] =	ssyncadd.s32 $0xFFFFD800  }
0x23: {  	_ =	swait.ge [sflag:s21], $0x2800  }
0x24: {  	[sflag:s21] =	ssyncset.done $0x0  }
0x25: {  	[sflag:s21] =	ssyncadd.s32 $0xFFFFD800  }
0x26: {  	[tilespmem:s22], [sflag:$0x3] =	stream.indirect.gather [hbm4b:s2+s17], $0x80, s17, s17, $0xb8;
	[tilespmem:$0x11700] =	vst v63  }
0x27: {  	s16 =	simm.s32 $0x13D0;
	s8 =	simm.s32 $0x0;
	s9 =	simm.s32 $0x200  }
0x28: {  	[tilespmem:s24], [sflag:$0x4] =	stream.indirect.gather [hbm4b:s5+s17], $0x80, s16, s17, $0xb8;
	[tilespmem:$0x11700] =	vst v63  }
.LBB2_2:
0x29: {  	p0 =	sne.s32 s9, $0x9E00;
	v0 =	vld [tilespmem:s8+$0x4F70]  }
0x2a: {  	v1 =	vld [tilespmem:s8+$0x4F00]  }
0x2b: {  	v2 =	vld [tilespmem:s8+$0x4F10]  }
0x2c: {  	v3 =	vld [tilespmem:s8+$0x4F20]  }
0x2d: {  	v4 =	vld [tilespmem:s8+$0x4F30]  }
0x2e: {  	[tilespmem:s8+$0x2770] =	vst.add.f32.msk $0xffff, v0  }
0x2f: {  	v0 =	vld [tilespmem:s8+$0x4F40]  }
0x30: {  	v5 =	vld [tilespmem:s8+$0x4F50]  }
0x31: {  	v6 =	vld [tilespmem:s8+$0x4F60]  }
0x32: {  	[tilespmem:s8+$0x2700] =	vst.add.f32.msk $0xffff, v1  }
0x33: {  	[tilespmem:s8+$0x2710] =	vst.add.f32.msk $0xffff, v2  }
.Ltmp0:
0x34: {  	[tilespmem:s8+$0x2720] =	vst.add.f32.msk $0xffff, v3;
	(pc) =	sbr.rel @p0 .LBB2_2-.Ltmp0, $4  }
0x35: {  	[tilespmem:s8+$0x2730] =	vst.add.f32.msk $0xffff, v4  }
0x36: {  	[tilespmem:s8+$0x2740] =	vst.add.f32.msk $0xffff, v0  }
0x37: {  	[tilespmem:s8+$0x2750] =	vst.add.f32.msk $0xffff, v5  }
0x38: {  	[tilespmem:s8+$0x2760] =	vst.add.f32.msk $0xffff, v6;
	s8 =	sshra.s32 s9, $0x2;
	s9 =	sadd.s32 $0x200, s9  }
0x39: {  	v0 =	vld [tilespmem:s8+$0x4F70]  }
0x3a: {  	v1 =	vld [tilespmem:s8+$0x4F00]  }
0x3b: {  	v2 =	vld [tilespmem:s8+$0x4F10]  }
0x3c: {  	v3 =	vld [tilespmem:s8+$0x4F20]  }
0x3d: {  	v4 =	vld [tilespmem:s8+$0x4F30]  }
0x3e: {  	v63 =	vld [tilespmem:s8+$0x4F40]  }
0x3f: {  	v5 =	vld [tilespmem:s8+$0x4F50]  }
0x40: {  	v6 =	vld [tilespmem:s8+$0x4F60]  }
0x41: {  	[tilespmem:s8+$0x2770] =	vst.add.f32.msk $0xffff, v0  }
0x42: {  	[tilespmem:s8+$0x2700] =	vst.add.f32.msk $0xffff, v1  }
0x43: {  	[tilespmem:s8+$0x2710] =	vst.add.f32.msk $0xffff, v2  }
0x44: {  	[tilespmem:s8+$0x2720] =	vst.add.f32.msk $0xffff, v3  }
0x45: {  	[tilespmem:s8+$0x2730] =	vst.add.f32.msk $0xffff, v4  }
0x46: {  	[tilespmem:s8+$0x2740] =	vst.add.f32.msk $0xffff, v63  }
0x47: {  	[tilespmem:s8+$0x2750] =	vst.add.f32.msk $0xffff, v5  }
0x48: {  	s12 =	simm.s32 $0x0;
	s9 =	rddreg [dreg:$0x5];
	[tilespmem:s8+$0x2760] =	vst.add.f32.msk $0xffff, v6  }
0x49: {  	[hbm4b:s9+s12] =	stream.linear.scatter [tilespmem:s18], [sflag:$0x7], $0x2800, $0x38;
	[tilespmem:$0x11700] =	vst v63  }
0x4a: {  	_ =	swait.ge [sflag:s25], $0x2800  }
0x4b: {  	[sflag:s25] =	ssyncset.done $0x0  }
0x4c: {  	[sflag:s25] =	ssyncadd.s32 $0xFFFFD800  }
0x4d: {  	_ =	swait.ge [sflag:s26], $0x2800  }
0x4e: {  	[sflag:s26] =	ssyncset.done $0x0  }
0x4f: {  	s13 =	simm.s32 $0xA0;
	[sflag:s26] =	ssyncadd.s32 $0xFFFFD800  }
0x50: {  	[tilespmem:s29], [sflag:$0x5] =	stream.indirect.gather [hbm4b:s2+s17], $0x80, s13, s17, $0xb8;
	[tilespmem:$0x11700] =	vst v63  }
0x51: {  	s16 =	simm.s32 $0x1420;
	s8 =	simm.s32 $0x0;
	s9 =	simm.s32 $0x200  }
0x52: {  	[tilespmem:s31], [sflag:$0x6] =	stream.indirect.gather [hbm4b:s5+s17], $0x80, s16, s17, $0xb8;
	[tilespmem:$0x11700] =	vst v63  }
.LBB2_4:
0x53: {  	p0 =	sne.s32 s9, $0x9E00;
	v0 =	vld [tilespmem:s8+$0x9F70]  }
0x54: {  	v1 =	vld [tilespmem:s8+$0x9F00]  }
0x55: {  	v2 =	vld [tilespmem:s8+$0x9F10]  }
0x56: {  	v3 =	vld [tilespmem:s8+$0x9F20]  }
0x57: {  	v4 =	vld [tilespmem:s8+$0x9F30]  }
0x58: {  	[tilespmem:s8+$0x7770] =	vst.add.f32.msk $0xffff, v0  }
0x59: {  	v0 =	vld [tilespmem:s8+$0x9F40]  }
0x5a: {  	v5 =	vld [tilespmem:s8+$0x9F50]  }
0x5b: {  	v6 =	vld [tilespmem:s8+$0x9F60]  }
0x5c: {  	[tilespmem:s8+$0x7700] =	vst.add.f32.msk $0xffff, v1  }
0x5d: {  	[tilespmem:s8+$0x7710] =	vst.add.f32.msk $0xffff, v2  }
.Ltmp1:
0x5e: {  	[tilespmem:s8+$0x7720] =	vst.add.f32.msk $0xffff, v3;
	(pc) =	sbr.rel @p0 .LBB2_4-.Ltmp1, $4  }
0x5f: {  	[tilespmem:s8+$0x7730] =	vst.add.f32.msk $0xffff, v4  }
0x60: {  	[tilespmem:s8+$0x7740] =	vst.add.f32.msk $0xffff, v0  }
0x61: {  	[tilespmem:s8+$0x7750] =	vst.add.f32.msk $0xffff, v5  }
0x62: {  	[tilespmem:s8+$0x7760] =	vst.add.f32.msk $0xffff, v6;
	s8 =	sshra.s32 s9, $0x2;
	s9 =	sadd.s32 $0x200, s9  }
0x63: {  	v0 =	vld [tilespmem:s8+$0x9F70]  }
0x64: {  	v1 =	vld [tilespmem:s8+$0x9F00]  }
0x65: {  	v2 =	vld [tilespmem:s8+$0x9F10]  }
0x66: {  	v3 =	vld [tilespmem:s8+$0x9F20]  }
0x67: {  	v4 =	vld [tilespmem:s8+$0x9F30]  }
0x68: {  	v63 =	vld [tilespmem:s8+$0x9F40]  }
0x69: {  	v5 =	vld [tilespmem:s8+$0x9F50]  }
0x6a: {  	v6 =	vld [tilespmem:s8+$0x9F60]  }
0x6b: {  	[tilespmem:s8+$0x7770] =	vst.add.f32.msk $0xffff, v0  }
0x6c: {  	[tilespmem:s8+$0x7700] =	vst.add.f32.msk $0xffff, v1  }
0x6d: {  	[tilespmem:s8+$0x7710] =	vst.add.f32.msk $0xffff, v2  }
0x6e: {  	[tilespmem:s8+$0x7720] =	vst.add.f32.msk $0xffff, v3  }
0x6f: {  	[tilespmem:s8+$0x7730] =	vst.add.f32.msk $0xffff, v4  }
0x70: {  	[tilespmem:s8+$0x7740] =	vst.add.f32.msk $0xffff, v63  }
0x71: {  	[tilespmem:s8+$0x7750] =	vst.add.f32.msk $0xffff, v5  }
0x72: {  	s9 =	rddreg [dreg:$0x6];
	[tilespmem:s8+$0x7760] =	vst.add.f32.msk $0xffff, v6;
	s8 =	simm.s32 $0x0  }
0x73: {  	[hbm4b:s9+s8] =	stream.linear.scatter [tilespmem:s22], [sflag:$0x8], $0x2800, $0x38;
	[tilespmem:$0x11700] =	vst v63  }
.LBB2_6:
0x74: {  	_ =	swait.ge [sflag:s1], $0x2800  }
0x75: {  	[sflag:s1] =	ssyncset.done $0x0  }
0x76: {  	[sflag:s1] =	ssyncadd.s32 $0xFFFFD800  }
0x77: {  	_ =	swait.ge [sflag:s0], $0x2800  }
0x78: {  	[sflag:s0] =	ssyncset.done $0x0  }
0x79: {  	[sflag:s0] =	ssyncadd.s32 $0xFFFFD800  }
0x7a: {  	s16 =	smul.u32 $0xF0, s8;
	_ =	swait.ge [sflag:s23], $0x2800  }
0x7b: {  	[sflag:s23] =	ssyncset.done $0x0  }
0x7c: {  	s9 =	sadd.s32 $0xF0, s16;
	[sflag:s23] =	ssyncadd.s32 $0xFFFFD800  }
0x7d: {  	[tilespmem:s18], [sflag:$0x1] =	stream.indirect.gather [hbm4b:s2+s17], $0x80, s9, s17, $0xb8;
	[tilespmem:$0x11700] =	vst v63  }
0x7e: {  	s10 =	sadd.s32 $0x1470, s16  }
0x7f: {  	[tilespmem:s19], [sflag:$0x2] =	stream.indirect.gather [hbm4b:s5+s17], $0x80, s10, s17, $0xb8;
	[tilespmem:$0x11700] =	vst v63  }
0x80: {  	s12 =	simm.s32 $0x200;
	s10 =	simm.s32 $0x0  }
.LBB2_7:
0x81: {  	p0 =	sne.s32 s12, $0x9E00;
	v0 =	vld [tilespmem:s10+$0xEF70]  }
0x82: {  	v1 =	vld [tilespmem:s10+$0xEF00]  }
0x83: {  	v2 =	vld [tilespmem:s10+$0xEF10]  }
0x84: {  	v3 =	vld [tilespmem:s10+$0xEF20]  }
0x85: {  	v4 =	vld [tilespmem:s10+$0xEF30]  }
0x86: {  	[tilespmem:s10+$0xC770] =	vst.add.f32.msk $0xffff, v0  }
0x87: {  	v0 =	vld [tilespmem:s10+$0xEF40]  }
0x88: {  	v5 =	vld [tilespmem:s10+$0xEF50]  }
0x89: {  	v6 =	vld [tilespmem:s10+$0xEF60]  }
0x8a: {  	[tilespmem:s10+$0xC700] =	vst.add.f32.msk $0xffff, v1  }
0x8b: {  	[tilespmem:s10+$0xC710] =	vst.add.f32.msk $0xffff, v2  }
.Ltmp2:
0x8c: {  	[tilespmem:s10+$0xC720] =	vst.add.f32.msk $0xffff, v3;
	(pc) =	sbr.rel @p0 .LBB2_7-.Ltmp2, $4  }
0x8d: {  	[tilespmem:s10+$0xC730] =	vst.add.f32.msk $0xffff, v4  }
0x8e: {  	[tilespmem:s10+$0xC740] =	vst.add.f32.msk $0xffff, v0  }
0x8f: {  	[tilespmem:s10+$0xC750] =	vst.add.f32.msk $0xffff, v5  }
0x90: {  	[tilespmem:s10+$0xC760] =	vst.add.f32.msk $0xffff, v6;
	s10 =	sshra.s32 s12, $0x2;
	s12 =	sadd.s32 $0x200, s12  }
0x91: {  	v0 =	vld [tilespmem:s10+$0xEF70]  }
0x92: {  	v1 =	vld [tilespmem:s10+$0xEF00]  }
0x93: {  	v2 =	vld [tilespmem:s10+$0xEF10]  }
0x94: {  	v3 =	vld [tilespmem:s10+$0xEF20]  }
0x95: {  	v4 =	vld [tilespmem:s10+$0xEF30]  }
0x96: {  	v63 =	vld [tilespmem:s10+$0xEF40]  }
0x97: {  	v5 =	vld [tilespmem:s10+$0xEF50]  }
0x98: {  	v6 =	vld [tilespmem:s10+$0xEF60]  }
0x99: {  	[tilespmem:s10+$0xC770] =	vst.add.f32.msk $0xffff, v0  }
0x9a: {  	[tilespmem:s10+$0xC700] =	vst.add.f32.msk $0xffff, v1  }
0x9b: {  	[tilespmem:s10+$0xC710] =	vst.add.f32.msk $0xffff, v2  }
0x9c: {  	[tilespmem:s10+$0xC720] =	vst.add.f32.msk $0xffff, v3  }
0x9d: {  	[tilespmem:s10+$0xC730] =	vst.add.f32.msk $0xffff, v4  }
0x9e: {  	s12 =	sadd.s32 s16, s11;
	[tilespmem:s10+$0xC740] =	vst.add.f32.msk $0xffff, v63  }
0x9f: {  	s12 =	sshll.u32 s12, $0x4;
	[tilespmem:s10+$0xC750] =	vst.add.f32.msk $0xffff, v5  }
0xa0: {  	s13 =	simm.s32 $0x0;
	s12 =	sadd.s32 s6, s12;
	[tilespmem:s10+$0xC760] =	vst.add.f32.msk $0xffff, v6  }
0xa1: {  	[hbm4b:s12+s13] =	stream.linear.scatter [tilespmem:s29], [sflag:$0x9], $0x2800, $0x38;
	[tilespmem:$0x11700] =	vst v63  }
0xa2: {  	_ =	swait.ge [sflag:s20], $0x2800  }
0xa3: {  	[sflag:s20] =	ssyncset.done $0x0  }
0xa4: {  	[sflag:s20] =	ssyncadd.s32 $0xFFFFD800  }
0xa5: {  	_ =	swait.ge [sflag:s21], $0x2800  }
0xa6: {  	[sflag:s21] =	ssyncset.done $0x0  }
0xa7: {  	[sflag:s21] =	ssyncadd.s32 $0xFFFFD800  }
0xa8: {  	_ =	swait.ge [sflag:s28], $0x2800  }
0xa9: {  	[sflag:s28] =	ssyncset.done $0x0  }
0xaa: {  	s10 =	sadd.s32 $0x140, s16;
	[sflag:s28] =	ssyncadd.s32 $0xFFFFD800  }
0xab: {  	[tilespmem:s22], [sflag:$0x3] =	stream.indirect.gather [hbm4b:s2+s17], $0x80, s10, s17, $0xb8;
	[tilespmem:$0x11700] =	vst v63  }
0xac: {  	s13 =	sadd.s32 $0x14C0, s16  }
0xad: {  	[tilespmem:s24], [sflag:$0x4] =	stream.indirect.gather [hbm4b:s5+s17], $0x80, s13, s17, $0xb8;
	[tilespmem:$0x11700] =	vst v63  }
0xae: {  	s12 =	simm.s32 $0x0;
	s13 =	simm.s32 $0x200  }
.LBB2_9:
0xaf: {  	p0 =	sne.s32 s13, $0x9E00;
	v0 =	vld [tilespmem:s12+$0x4F70]  }
0xb0: {  	v1 =	vld [tilespmem:s12+$0x4F00]  }
0xb1: {  	v2 =	vld [tilespmem:s12+$0x4F10]  }
0xb2: {  	v3 =	vld [tilespmem:s12+$0x4F20]  }
0xb3: {  	v4 =	vld [tilespmem:s12+$0x4F30]  }
0xb4: {  	[tilespmem:s12+$0x2770] =	vst.add.f32.msk $0xffff, v0  }
0xb5: {  	v0 =	vld [tilespmem:s12+$0x4F40]  }
0xb6: {  	v5 =	vld [tilespmem:s12+$0x4F50]  }
0xb7: {  	v6 =	vld [tilespmem:s12+$0x4F60]  }
0xb8: {  	[tilespmem:s12+$0x2700] =	vst.add.f32.msk $0xffff, v1  }
0xb9: {  	[tilespmem:s12+$0x2710] =	vst.add.f32.msk $0xffff, v2  }
.Ltmp3:
0xba: {  	[tilespmem:s12+$0x2720] =	vst.add.f32.msk $0xffff, v3;
	(pc) =	sbr.rel @p0 .LBB2_9-.Ltmp3, $4  }
0xbb: {  	[tilespmem:s12+$0x2730] =	vst.add.f32.msk $0xffff, v4  }
0xbc: {  	[tilespmem:s12+$0x2740] =	vst.add.f32.msk $0xffff, v0  }
0xbd: {  	[tilespmem:s12+$0x2750] =	vst.add.f32.msk $0xffff, v5  }
0xbe: {  	[tilespmem:s12+$0x2760] =	vst.add.f32.msk $0xffff, v6;
	s12 =	sshra.s32 s13, $0x2;
	s13 =	sadd.s32 $0x200, s13  }
0xbf: {  	v0 =	vld [tilespmem:s12+$0x4F70]  }
0xc0: {  	v1 =	vld [tilespmem:s12+$0x4F00]  }
0xc1: {  	v2 =	vld [tilespmem:s12+$0x4F10]  }
0xc2: {  	v3 =	vld [tilespmem:s12+$0x4F20]  }
0xc3: {  	v4 =	vld [tilespmem:s12+$0x4F30]  }
0xc4: {  	v63 =	vld [tilespmem:s12+$0x4F40]  }
0xc5: {  	v5 =	vld [tilespmem:s12+$0x4F50]  }
0xc6: {  	v6 =	vld [tilespmem:s12+$0x4F60]  }
0xc7: {  	[tilespmem:s12+$0x2770] =	vst.add.f32.msk $0xffff, v0  }
0xc8: {  	[tilespmem:s12+$0x2700] =	vst.add.f32.msk $0xffff, v1  }
0xc9: {  	[tilespmem:s12+$0x2710] =	vst.add.f32.msk $0xffff, v2  }
0xca: {  	[tilespmem:s12+$0x2720] =	vst.add.f32.msk $0xffff, v3  }
0xcb: {  	[tilespmem:s12+$0x2730] =	vst.add.f32.msk $0xffff, v4  }
0xcc: {  	s9 =	sadd.s32 s4, s9;
	[tilespmem:s12+$0x2740] =	vst.add.f32.msk $0xffff, v63  }
0xcd: {  	s9 =	sshll.u32 s9, $0x4;
	[tilespmem:s12+$0x2750] =	vst.add.f32.msk $0xffff, v5  }
0xce: {  	s13 =	simm.s32 $0x0;
	s9 =	sadd.s32 s6, s9;
	[tilespmem:s12+$0x2760] =	vst.add.f32.msk $0xffff, v6  }
0xcf: {  	[hbm4b:s9+s13] =	stream.linear.scatter [tilespmem:s18], [sflag:$0x7], $0x2800, $0x38;
	[tilespmem:$0x11700] =	vst v63  }
0xd0: {  	_ =	swait.ge [sflag:s25], $0x2800  }
0xd1: {  	[sflag:s25] =	ssyncset.done $0x0  }
0xd2: {  	[sflag:s25] =	ssyncadd.s32 $0xFFFFD800  }
0xd3: {  	_ =	swait.ge [sflag:s26], $0x2800  }
0xd4: {  	[sflag:s26] =	ssyncset.done $0x0  }
0xd5: {  	[sflag:s26] =	ssyncadd.s32 $0xFFFFD800  }
0xd6: {  	_ =	swait.ge [sflag:s30], $0x2800  }
0xd7: {  	[sflag:s30] =	ssyncset.done $0x0  }
0xd8: {  	s13 =	sadd.s32 $0x190, s16;
	[sflag:s30] =	ssyncadd.s32 $0xFFFFD800  }
0xd9: {  	[tilespmem:s29], [sflag:$0x5] =	stream.indirect.gather [hbm4b:s2+s17], $0x80, s13, s17, $0xb8;
	[tilespmem:$0x11700] =	vst v63  }
0xda: {  	s12 =	simm.s32 $0x200;
	s16 =	sadd.s32 $0x1510, s16;
	s9 =	simm.s32 $0x0  }
0xdb: {  	[tilespmem:s31], [sflag:$0x6] =	stream.indirect.gather [hbm4b:s5+s17], $0x80, s16, s17, $0xb8;
	[tilespmem:$0x11700] =	vst v63  }
.LBB2_11:
0xdc: {  	p0 =	sne.s32 s12, $0x9E00;
	v0 =	vld [tilespmem:s9+$0x9F70]  }
0xdd: {  	v1 =	vld [tilespmem:s9+$0x9F00]  }
0xde: {  	v2 =	vld [tilespmem:s9+$0x9F10]  }
0xdf: {  	v3 =	vld [tilespmem:s9+$0x9F20]  }
0xe0: {  	v4 =	vld [tilespmem:s9+$0x9F30]  }
0xe1: {  	[tilespmem:s9+$0x7770] =	vst.add.f32.msk $0xffff, v0  }
0xe2: {  	v0 =	vld [tilespmem:s9+$0x9F40]  }
0xe3: {  	v5 =	vld [tilespmem:s9+$0x9F50]  }
0xe4: {  	v6 =	vld [tilespmem:s9+$0x9F60]  }
0xe5: {  	[tilespmem:s9+$0x7700] =	vst.add.f32.msk $0xffff, v1  }
0xe6: {  	[tilespmem:s9+$0x7710] =	vst.add.f32.msk $0xffff, v2  }
.Ltmp4:
0xe7: {  	[tilespmem:s9+$0x7720] =	vst.add.f32.msk $0xffff, v3;
	(pc) =	sbr.rel @p0 .LBB2_11-.Ltmp4, $4  }
0xe8: {  	[tilespmem:s9+$0x7730] =	vst.add.f32.msk $0xffff, v4  }
0xe9: {  	[tilespmem:s9+$0x7740] =	vst.add.f32.msk $0xffff, v0  }
0xea: {  	[tilespmem:s9+$0x7750] =	vst.add.f32.msk $0xffff, v5  }
0xeb: {  	[tilespmem:s9+$0x7760] =	vst.add.f32.msk $0xffff, v6;
	s9 =	sshra.s32 s12, $0x2;
	s12 =	sadd.s32 $0x200, s12  }
0xec: {  	v0 =	vld [tilespmem:s9+$0x9F70]  }
0xed: {  	v1 =	vld [tilespmem:s9+$0x9F00]  }
0xee: {  	v2 =	vld [tilespmem:s9+$0x9F10]  }
0xef: {  	v3 =	vld [tilespmem:s9+$0x9F20]  }
0xf0: {  	v4 =	vld [tilespmem:s9+$0x9F30]  }
0xf1: {  	v63 =	vld [tilespmem:s9+$0x9F40]  }
0xf2: {  	v5 =	vld [tilespmem:s9+$0x9F50]  }
0xf3: {  	v6 =	vld [tilespmem:s9+$0x9F60]  }
0xf4: {  	[tilespmem:s9+$0x7770] =	vst.add.f32.msk $0xffff, v0  }
0xf5: {  	[tilespmem:s9+$0x7700] =	vst.add.f32.msk $0xffff, v1  }
0xf6: {  	s8 =	sadd.s32 $0x1, s8;
	[tilespmem:s9+$0x7710] =	vst.add.f32.msk $0xffff, v2  }
0xf7: {  	p0 =	sne.s32 s8, $0x13;
	[tilespmem:s9+$0x7720] =	vst.add.f32.msk $0xffff, v3  }
.Ltmp5:
0xf8: {  	[tilespmem:s9+$0x7730] =	vst.add.f32.msk $0xffff, v4;
	(pc) =	sbr.rel @p0 .LBB2_6-.Ltmp5, $4  }
0xf9: {  	s10 =	sadd.s32 s4, s10;
	[tilespmem:s9+$0x7740] =	vst.add.f32.msk $0xffff, v63  }
0xfa: {  	s10 =	sshll.u32 s10, $0x4;
	[tilespmem:s9+$0x7750] =	vst.add.f32.msk $0xffff, v5  }
0xfb: {  	s16 =	sadd.s32 s6, s10;
	[tilespmem:s9+$0x7760] =	vst.add.f32.msk $0xffff, v6  }
0xfc: {  	[hbm4b:s16+s3] =	stream.linear.scatter [tilespmem:s22], [sflag:$0x8], $0x2800, $0x38;
	[tilespmem:$0x11700] =	vst v63  }
0xfd: {  	_ =	swait.ge [sflag:s1], $0x2800  }
0xfe: {  	[sflag:s1] =	ssyncset.done $0x0  }
0xff: {  	[sflag:s1] =	ssyncadd.s32 $0xFFFFD800  }
0x100: {  	_ =	swait.ge [sflag:s0], $0x2800  }
0x101: {  	[sflag:s0] =	ssyncset.done $0x0  }
0x102: {  	[sflag:s0] =	ssyncadd.s32 $0xFFFFD800  }
0x103: {  	_ =	swait.ge [sflag:s23], $0x2800  }
0x104: {  	[sflag:s23] =	ssyncset.done $0x0  }
0x105: {  	s8 =	simm.s32 $0x12C0;
	[sflag:s23] =	ssyncadd.s32 $0xFFFFD800  }
0x106: {  	[tilespmem:s18], [sflag:$0x1] =	stream.indirect.gather [hbm4b:s2+s17], $0x80, s8, s17, $0xb8;
	[tilespmem:$0x11700] =	vst v63  }
0x107: {  	s16 =	simm.s32 $0x2640;
	s9 =	simm.s32 $0x200;
	s8 =	simm.s32 $0x0  }
0x108: {  	[tilespmem:s19], [sflag:$0x2] =	stream.indirect.gather [hbm4b:s5+s17], $0x80, s16, s17, $0xb8;
	[tilespmem:$0x11700] =	vst v63  }
.LBB2_14:
0x109: {  	p0 =	sne.s32 s9, $0x9E00;
	v0 =	vld [tilespmem:s8+$0xEF70]  }
0x10a: {  	v1 =	vld [tilespmem:s8+$0xEF00]  }
0x10b: {  	v2 =	vld [tilespmem:s8+$0xEF10]  }
0x10c: {  	v3 =	vld [tilespmem:s8+$0xEF20]  }
0x10d: {  	v4 =	vld [tilespmem:s8+$0xEF30]  }
0x10e: {  	[tilespmem:s8+$0xC770] =	vst.add.f32.msk $0xffff, v0  }
0x10f: {  	v0 =	vld [tilespmem:s8+$0xEF40]  }
0x110: {  	v5 =	vld [tilespmem:s8+$0xEF50]  }
0x111: {  	v6 =	vld [tilespmem:s8+$0xEF60]  }
0x112: {  	[tilespmem:s8+$0xC700] =	vst.add.f32.msk $0xffff, v1  }
0x113: {  	[tilespmem:s8+$0xC710] =	vst.add.f32.msk $0xffff, v2  }
.Ltmp6:
0x114: {  	[tilespmem:s8+$0xC720] =	vst.add.f32.msk $0xffff, v3;
	(pc) =	sbr.rel @p0 .LBB2_14-.Ltmp6, $4  }
0x115: {  	[tilespmem:s8+$0xC730] =	vst.add.f32.msk $0xffff, v4  }
0x116: {  	[tilespmem:s8+$0xC740] =	vst.add.f32.msk $0xffff, v0  }
0x117: {  	[tilespmem:s8+$0xC750] =	vst.add.f32.msk $0xffff, v5  }
0x118: {  	[tilespmem:s8+$0xC760] =	vst.add.f32.msk $0xffff, v6;
	s8 =	sshra.s32 s9, $0x2;
	s9 =	sadd.s32 $0x200, s9  }
0x119: {  	v0 =	vld [tilespmem:s8+$0xEF70]  }
0x11a: {  	v1 =	vld [tilespmem:s8+$0xEF00]  }
0x11b: {  	v2 =	vld [tilespmem:s8+$0xEF10]  }
0x11c: {  	v3 =	vld [tilespmem:s8+$0xEF20]  }
0x11d: {  	v4 =	vld [tilespmem:s8+$0xEF30]  }
0x11e: {  	v63 =	vld [tilespmem:s8+$0xEF40]  }
0x11f: {  	v5 =	vld [tilespmem:s8+$0xEF50]  }
0x120: {  	v6 =	vld [tilespmem:s8+$0xEF60]  }
0x121: {  	[tilespmem:s8+$0xC770] =	vst.add.f32.msk $0xffff, v0  }
0x122: {  	[tilespmem:s8+$0xC700] =	vst.add.f32.msk $0xffff, v1  }
0x123: {  	[tilespmem:s8+$0xC710] =	vst.add.f32.msk $0xffff, v2  }
0x124: {  	[tilespmem:s8+$0xC720] =	vst.add.f32.msk $0xffff, v3  }
0x125: {  	[tilespmem:s8+$0xC730] =	vst.add.f32.msk $0xffff, v4  }
0x126: {  	[tilespmem:s8+$0xC740] =	vst.add.f32.msk $0xffff, v63  }
0x127: {  	[tilespmem:s8+$0xC750] =	vst.add.f32.msk $0xffff, v5  }
0x128: {  	s16 =	simm.s32 $0x0;
	s9 =	rddreg [dreg:$0x7];
	[tilespmem:s8+$0xC760] =	vst.add.f32.msk $0xffff, v6  }
0x129: {  	[hbm4b:s9+s16] =	stream.linear.scatter [tilespmem:s29], [sflag:$0x9], $0x2800, $0x38;
	[tilespmem:$0x11700] =	vst v63  }
0x12a: {  	_ =	swait.ge [sflag:s20], $0x2800  }
0x12b: {  	[sflag:s20] =	ssyncset.done $0x0  }
0x12c: {  	[sflag:s20] =	ssyncadd.s32 $0xFFFFD800  }
0x12d: {  	_ =	swait.ge [sflag:s21], $0x2800  }
0x12e: {  	[sflag:s21] =	ssyncset.done $0x0  }
0x12f: {  	s8 =	simm.s32 $0x0;
	s9 =	simm.s32 $0x200;
	[sflag:s21] =	ssyncadd.s32 $0xFFFFD800  }
.LBB2_16:
0x130: {  	p0 =	sne.s32 s9, $0x9E00;
	v0 =	vld [tilespmem:s8+$0x4F70]  }
0x131: {  	v1 =	vld [tilespmem:s8+$0x4F00]  }
0x132: {  	v2 =	vld [tilespmem:s8+$0x4F10]  }
0x133: {  	v3 =	vld [tilespmem:s8+$0x4F20]  }
0x134: {  	v4 =	vld [tilespmem:s8+$0x4F30]  }
0x135: {  	[tilespmem:s8+$0x2770] =	vst.add.f32.msk $0xffff, v0  }
0x136: {  	v0 =	vld [tilespmem:s8+$0x4F40]  }
0x137: {  	v5 =	vld [tilespmem:s8+$0x4F50]  }
0x138: {  	v6 =	vld [tilespmem:s8+$0x4F60]  }
0x139: {  	[tilespmem:s8+$0x2700] =	vst.add.f32.msk $0xffff, v1  }
0x13a: {  	[tilespmem:s8+$0x2710] =	vst.add.f32.msk $0xffff, v2  }
.Ltmp7:
0x13b: {  	[tilespmem:s8+$0x2720] =	vst.add.f32.msk $0xffff, v3;
	(pc) =	sbr.rel @p0 .LBB2_16-.Ltmp7, $4  }
0x13c: {  	[tilespmem:s8+$0x2730] =	vst.add.f32.msk $0xffff, v4  }
0x13d: {  	[tilespmem:s8+$0x2740] =	vst.add.f32.msk $0xffff, v0  }
0x13e: {  	[tilespmem:s8+$0x2750] =	vst.add.f32.msk $0xffff, v5  }
0x13f: {  	[tilespmem:s8+$0x2760] =	vst.add.f32.msk $0xffff, v6;
	s8 =	sshra.s32 s9, $0x2;
	s9 =	sadd.s32 $0x200, s9  }
0x140: {  	v0 =	vld [tilespmem:s8+$0x4F70]  }
0x141: {  	v1 =	vld [tilespmem:s8+$0x4F00]  }
0x142: {  	v2 =	vld [tilespmem:s8+$0x4F10]  }
0x143: {  	v3 =	vld [tilespmem:s8+$0x4F20]  }
0x144: {  	v4 =	vld [tilespmem:s8+$0x4F30]  }
0x145: {  	v63 =	vld [tilespmem:s8+$0x4F40]  }
0x146: {  	v5 =	vld [tilespmem:s8+$0x4F50]  }
0x147: {  	v6 =	vld [tilespmem:s8+$0x4F60]  }
0x148: {  	[tilespmem:s8+$0x2770] =	vst.add.f32.msk $0xffff, v0  }
0x149: {  	[tilespmem:s8+$0x2700] =	vst.add.f32.msk $0xffff, v1  }
0x14a: {  	[tilespmem:s8+$0x2710] =	vst.add.f32.msk $0xffff, v2  }
0x14b: {  	[tilespmem:s8+$0x2720] =	vst.add.f32.msk $0xffff, v3  }
0x14c: {  	[tilespmem:s8+$0x2730] =	vst.add.f32.msk $0xffff, v4  }
0x14d: {  	[tilespmem:s8+$0x2740] =	vst.add.f32.msk $0xffff, v63  }
0x14e: {  	[tilespmem:s8+$0x2750] =	vst.add.f32.msk $0xffff, v5  }
0x14f: {  	s16 =	rddreg [dreg:$0x8];
	[tilespmem:s8+$0x2760] =	vst.add.f32.msk $0xffff, v6  }
0x150: {  	[hbm4b:s16+s3] =	stream.linear.scatter [tilespmem:s18], [sflag:$0x7], $0x2800, $0x38;
	[tilespmem:$0x11700] =	vst v63  }
0x151: {  	_ =	swait.ge [sflag:s28], $0x2800  }
0x152: {  	[sflag:s28] =	ssyncset.done $0x0  }
0x153: {  	s7 =	sadd.s32 $0x1, s7;
	[sflag:s28] =	ssyncadd.s32 $0xFFFFD800  }
0x154: {  	p0 =	sne.s32 s7, s14;
	_ =	swait.ge [sflag:s30], $0x2800  }
.Ltmp8:
0x155: {  	[sflag:s30] =	ssyncset.done $0x0;
	(pc) =	sbr.rel @p0 .LBB2_1-.Ltmp8, $4  }
0x156: {  	[sflag:s30] =	ssyncadd.s32 $0xFFFFD800  }
0x157: {  	_ =	swait.ge [sflag:s23], $0x2800  }
0x158: {  	[sflag:s23] =	ssyncset.done $0x0  }
0x159: {  	[sflag:s23] =	ssyncadd.s32 $0xFFFFD800  }
0x15a: {  	_ =	sfence.sel $0x180000  }
0x15b: {  	[bflag:$0x0] =	sbarrier.arrive $0xFFFF  }
0x15c: {  	_ =	strace $0x9000004A  }
0x15d: {  	s0 =	stileid.u32;
	[bflag:$0x2] =	sbarrier.arrive $0xFFFF  }
0x15e: {  	p0 =	sne.s32 s0, $0x0;
	s0 =	rddreg [dreg:$0x2]  }
0x15f: {  	s0 =	sadd.s32 @!p0 $0x100000, s0  }
0x160: {  	[sflag:s0] =	ssyncadd.tile.s32 @!p0 $0x1;
	_ =	shalt  }
.Lfunc_end2:
_tile_overlayer_lowered:
.L_overlay_start_2:
0x161: {  	(tag) =	ssettag $0x2  }
0x162: {  	s0 =	rddreg [dreg:$0x0];
	s2 =	stileid.u32  }
0x163: {  	s1 =	rddreg [dreg:$0x1];
	p0 =	sne.s32 s2, $0x0  }
0x164: {  	s3 =	rddreg [dreg:$0x2];
	[bflag:$0x3] =	sbarrier.arrive $0xFFFF;
	s2 =	simm.s32 @!p0 $0x1C0A  }
0x165: {  	[timem:s3], [sflag:s2] =	dma.local @!p0 [hbm:s0], s1  }
0x166: {  	s0 =	simm.s32 @!p0 $0xA  }
0x167: {  	_ =	swait.ge @!p0 [sflag:s0], s1  }
0x168: {  	s1 =	ssub.s32 @!p0 $0x0, s1;
	[sflag:s0] =	ssyncset.done @!p0 $0x0  }
0x169: {  	[sflag:s0] =	ssyncadd.s32 @!p0 s1  }
0x16a: {  	[bflag:$0x3] =	sbarrier.arrive $0xFFFF  }
0x16b: {  	_ =	shalt  }

// kernel: kernel.16.cloned.1.call-start
scs
__scs_entry_jumppad:
0x0: {  	(pc) =	sbr.rel $0x88, $3  }
0x1: {  	(tag) =	ssettag $0x0;
	lr =	simm.s32 $0x1  }
0x2: {  	[smem:$0x3F95] =	sst lr;
	_ =	strace $0xD0000000  }
0x3: {  	_ = 	snop  }
0x4: {  	_ = 	snop  }
0x5: {  	_ = 	snop  }
0x6: {  	_ = 	snop  }
0x7: {  	_ = 	snop  }
__scs_overlays_trampoline_lowered:
0x8: {  	[smem:$0x3FA4] =	sst s0  }
0x9: {  	[smem:$0x3FA5] =	sst s1  }
0xa: {  	[smem:$0x3FA6] =	sst s2  }
0xb: {  	[smem:$0x3FA7] =	sst s3  }
0xc: {  	[smem:$0x3FA8] =	sst s4  }
0xd: {  	[smem:$0x3FA9] =	sst s5  }
0xe: {  	[smem:$0x3FAA] =	sst s6  }
0xf: {  	[smem:$0x3FAB] =	sst s7  }
0x10: {  	[smem:$0x3FAC] =	sst s8  }
0x11: {  	[smem:$0x3FAD] =	sst s9;
	s0 =	simm.s32 @!p0 $0x0  }
0x12: {  	s1 =	sld [smem:$0x3F93];
	s0 =	simm.s32 @p0 $0x1  }
0x13: {  	[smem:$0x3FAE] =	sst s0;
	s0 =	simm.s32 @!p1 $0x0  }
0x14: {  	s2 =	sld [smem:$0x3F92];
	s0 =	simm.s32 @p1 $0x1  }
0x15: {  	[smem:$0x3FAF] =	sst s0;
	s0 =	simm.s32 @!p2 $0x0  }
0x16: {  	s3 =	sld [smem:$0x3FDB];
	s0 =	simm.s32 @p2 $0x1  }
0x17: {  	s4 =	simm.s32 $0x1BF5;
	[smem:$0x3FB1] =	sst s0  }
0x18: {  	s0 =	sld [smem:$0x3F94];
	_ =	swait.ge [sflag:s4], $0x0  }
0x19: {  	s7 =	sld [smem:$0x3F95]  }
0x1a: {  	s8 =	sadd.s32 $0xFFFFE003, lr  }
0x1b: {  	s9 =	sadd.s32 $0xFFFFFEF7, lr;
	s5 =	simm.s32 $0xFFFFFFFF;
	p2 =	slt.u32 s8, $0xFFFFF086  }
0x1c: {  	p1 =	slt.u32 s9, $0xF7A;
	s5 =	simm.s32 @!p2 $0x0  }
0x1d: {  	s5 =	simm.s32 @p1 $0x1;
	p0 =	seq.s32 s7, s2  }
0x1e: {  	s7 =	smul.u32 @!p0 $0xF7A, s2;
	p2 =	seq.s32 @!p0 s5, $0x0  }
0x1f: {  	s9 =	smul.u32 $0xF7A, s1;
	s8 =	simm.s32 @!p0 $0x1BF5;
	p2 =	por !p2, p0  }
0x20: {  	[sflag:s8] =	ssyncset.s32 @!p0 $0xFFFFF086;
	s6 =	sadd.s32 @!p0 s3, s7;
	s7 =	simm.s32 @!p0 $0x108  }
0x21: {  	s3 =	sadd.s32 s3, s9;
	s6 =	sadd.s32 @!p0 $0x88, s6;
	s7 =	simm.s32 @p2 $0x1082  }
0x22: {  	[simem:s7], [sflag:s8] =	dma.local @!p0 [hbm:s6], $0xF7A  }
0x23: {  	s9 =	sor.u32 $0xD0000000, s2;
	s6 =	simm.s32 $0x108;
	_ =	swait.ge @!p0 [sflag:s8], $0x0  }
0x24: {  	s3 =	sadd.s32 $0x88, s3;
	s6 =	simm.s32 @!p1 $0x1082;
	[sflag:s4] =	ssyncset.s32 $0xFFFFF086  }
0x25: {  	[simem:s6], [sflag:s4] =	dma.local [hbm:s3], $0xF7A  }
0x26: {  	[smem:$0x3F95] =	sst s1;
	(tag) =	ssettag s2;
	_ =	strace s9  }
0x27: {  	s1 =	sld [smem:$0x3FA5]  }
0x28: {  	s2 =	sld [smem:$0x3FA6]  }
0x29: {  	s4 =	sld [smem:$0x3FA8]  }
0x2a: {  	p0 =	seq.s32 s5, $0x0;
	s5 =	sld [smem:$0x3FA9]  }
0x2b: {  	s6 =	sld [smem:$0x3FAA]  }
0x2c: {  	s7 =	sld [smem:$0x3FAB]  }
0x2d: {  	s3 =	simm.s32 $0x108;
	s8 =	sld [smem:$0x3FAC]  }
0x2e: {  	s3 =	simm.s32 @!p0 $0x1082;
	s9 =	sld [smem:$0x3FAD]  }
0x2f: {  	lr =	sadd.s32 s0, s3;
	s0 =	sld [smem:$0x3FA4]  }
0x30: {  	s3 =	sld [smem:$0x3FA7]  }
0x31: {  	[smem:$0x3FB0] =	sst s10  }
0x32: {  	s10 =	sld [smem:$0x3FAE];
	_ =	sdelay $0x3  }
0x33: {  	p0 =	seq.s32 s10, $0x1;
	s10 =	sld [smem:$0x3FB0];
	_ =	sdelay $0x3  }
0x34: {  	[smem:$0x3FB0] =	sst s10  }
0x35: {  	s10 =	sld [smem:$0x3FAF];
	_ =	sdelay $0x3  }
0x36: {  	p1 =	seq.s32 s10, $0x1;
	s10 =	sld [smem:$0x3FB0];
	_ =	sdelay $0x3  }
0x37: {  	[smem:$0x3FB0] =	sst s10  }
0x38: {  	s10 =	sld [smem:$0x3FB1]  }
0x39: {  	_ = 	snop;
	(pc) =	sbr.ind lr, $3  }
0x3a: {  	_ = 	snop  }
0x3b: {  	_ = 	snop  }
0x3c: {  	p2 =	seq.s32 s10, $0x1;
	s10 =	sld [smem:$0x3FB0]  }
0x3d: {  	_ =	shalt  }
0x3e: {  	_ =	shalt  }
0x3f: {  	_ =	shalt  }
0x40: {  	_ =	shalt  }
0x41: {  	_ =	shalt  }
0x42: {  	_ =	shalt  }
0x43: {  	_ =	shalt  }
0x44: {  	_ =	shalt  }
0x45: {  	_ =	shalt  }
0x46: {  	_ =	shalt  }
0x47: {  	_ =	shalt  }
0x48: {  	_ =	shalt  }
0x49: {  	_ =	shalt  }
0x4a: {  	_ =	shalt  }
0x4b: {  	_ =	shalt  }
0x4c: {  	_ =	shalt  }
0x4d: {  	_ =	shalt  }
0x4e: {  	_ =	shalt  }
0x4f: {  	_ =	shalt  }
0x50: {  	_ =	shalt  }
0x51: {  	_ =	shalt  }
0x52: {  	_ =	shalt  }
0x53: {  	_ =	shalt  }
0x54: {  	_ =	shalt  }
0x55: {  	_ =	shalt  }
0x56: {  	_ =	shalt  }
0x57: {  	_ =	shalt  }
0x58: {  	_ =	shalt  }
0x59: {  	_ =	shalt  }
0x5a: {  	_ =	shalt  }
0x5b: {  	_ =	shalt  }
0x5c: {  	_ =	shalt  }
0x5d: {  	_ =	shalt  }
0x5e: {  	_ =	shalt  }
0x5f: {  	_ =	shalt  }
0x60: {  	_ =	shalt  }
0x61: {  	_ =	shalt  }
0x62: {  	_ =	shalt  }
0x63: {  	_ =	shalt  }
0x64: {  	_ =	shalt  }
0x65: {  	_ =	shalt  }
0x66: {  	_ =	shalt  }
0x67: {  	_ =	shalt  }
0x68: {  	_ =	shalt  }
0x69: {  	_ =	shalt  }
0x6a: {  	_ =	shalt  }
0x6b: {  	_ =	shalt  }
0x6c: {  	_ =	shalt  }
0x6d: {  	_ =	shalt  }
0x6e: {  	_ =	shalt  }
0x6f: {  	_ =	shalt  }
0x70: {  	_ =	shalt  }
0x71: {  	_ =	shalt  }
0x72: {  	_ =	shalt  }
0x73: {  	_ =	shalt  }
0x74: {  	_ =	shalt  }
0x75: {  	_ =	shalt  }
0x76: {  	_ =	shalt  }
0x77: {  	_ =	shalt  }
0x78: {  	_ =	shalt  }
0x79: {  	_ =	shalt  }
0x7a: {  	_ =	shalt  }
0x7b: {  	_ =	shalt  }
0x7c: {  	_ =	shalt  }
0x7d: {  	_ =	shalt  }
0x7e: {  	_ =	shalt  }
0x7f: {  	_ =	shalt  }
0x80: {  	_ =	shalt  }
0x81: {  	_ =	shalt  }
0x82: {  	_ =	shalt  }
0x83: {  	_ =	shalt  }
0x84: {  	_ =	shalt  }
0x85: {  	_ =	shalt  }
0x86: {  	_ =	shalt  }
0x87: {  	_ =	shalt  }
.Lfunc_end0:
.L_simem_size_0:
called_computation.2_lowered:
.L_overlay_start_0:
0x88: {  	s2 =	sld [smem:$0x3FD9]  }
0x89: {  	s3 =	sld [smem:$0x3FFE];
	_ =	sdelay $0x1  }
0x8a: {  	s1 =	srdreg.scid  }
0x8b: {  	s0 =	sand.u32 $0x1, s1  }
0x8c: {  	s17 =	sshll.u32 s0, $0xA;
	s2 =	sadd.s32 s3, s2  }
0x8d: {  	s2 =	sadd.s32 s2, s17  }
0x8e: {  	[smem:$0x3FBC] =	sst s2  }
0x8f: {  	_ = 	snop  }
0x90: {  	(tm) =	ssettm $0x1  }
0x91: {  	s18 =	sld [smem:$0x3FFB];
	_ =	sdelay $0x3  }
0x92: {  	_ =	strace s18  }
0x93: {  	s2 =	sld [smem:$0x3FFC];
	_ =	sdelay $0x3  }
0x94: {  	_ =	strace s2  }
0x95: {  	s2 =	sld [smem:$0x3FFD];
	_ =	sdelay $0x3  }
0x96: {  	_ =	strace s2  }
0x97: {  	_ =	strace $0x8FFFFFFF  }
0x98: {  	s19 =	sld [smem:$0x3FDB];
	_ =	sdelay $0x1  }
0x99: {  	s20 =	simm.s32 $_scs_section_size  }
0x9a: {  	s4 =	simm.s32 $_size__tile_overlayer_lowered;
	s5 =	simm.s32 $_tile_overlayer_lowered  }
0x9b: {  	s6 =	simm.s32 $0x1BFF;
	s21 =	sshll.u32 s5, $0x1;
	s3 =	sadd.s32 s20, s19  }
0x9c: {  	s22 =	simm.s32 $0x0;
	s4 =	sshll.u32 s4, $0x1;
	s5 =	sadd.s32 s21, s3  }
0x9d: {  	[timem:s22], [sflag:s6] =	dma.local [hbm:s5], s4  }
0x9e: {  	_ =	swait.ge [sflag:s6], s4  }
0x9f: {  	s4 =	ssub.s32 $0x0, s4;
	[sflag:s6] =	ssyncset.done $0x0  }
0xa0: {  	[sflag:s6] =	ssyncadd.s32 s4;
	_ =	sdelay $0x1  }
0xa1: {  	s23 =	simm.s32 $0x1B8B  }
0xa2: {  	_ =	swait.ge [sflag:s23], $0x1  }
0xa3: {  	[sflag:s23] =	ssyncset.done $0x0  }
0xa4: {  	[sflag:s23] =	ssyncadd.s32 $0xFFFFFFFF  }
0xa5: {  	s4 =	sld [smem:$0x0]  }
0xa6: {  	s5 =	sand.u32 $0xFFFFFFFE, s1  }
0xa7: {  	p0 =	sne.s32 s1, s5  }
0xa8: {  	s5 =	sshll.u32 @p0 s5, $0xE  }
0xa9: {  	s5 =	sadd.s32 @p0 $0x11B8D, s5;
	s6 =	sshll.u32 @p0 s4, $0x11  }
0xaa: {  	s5 =	sor.u32 @p0 s6, s5  }
0xab: {  	[sflag:s5] =	ssyncadd.remote.s32 @p0 $0x1;
	_ =	sdelay $0x1  }
0xac: {  	s5 =	simm.s32 @p0 $0x1B8D  }
0xad: {  	_ =	swait.eq @p0 [sflag:s5], $0x1  }
0xae: {  	[sflag:s5] =	ssyncadd.s32 @p0 $0xFFFFFFFF  }
0xaf: {  	s6 =	sshll.u32 @!p0 s1, $0xE  }
0xb0: {  	s6 =	sor.u32 @!p0 $0x4000, s6;
	s5 =	simm.s32 @!p0 $0x1B8D  }
0xb1: {  	s4 =	sshll.u32 @!p0 s4, $0x11;
	s6 =	sadd.s32 @!p0 $0x11B8D, s6;
	_ =	swait.eq @!p0 [sflag:s5], $0x1  }
0xb2: {  	s4 =	sor.u32 @!p0 s4, s6;
	[sflag:s5] =	ssyncadd.s32 @!p0 $0xFFFFFFFF  }
0xb3: {  	s25 =	simm.s32 $0x1B8E;
	s24 =	sld [smem:$0x3FFE];
	[sflag:s4] =	ssyncadd.remote.s32 @!p0 $0x1  }
0xb4: {  	s26 =	simm.s32 $execute0_lowered;
	[smem:$0x3FD2] =	sst s25  }
0xb5: {  	s5 =	sshll.u32 s26, $0x1;
	_ =	strace $0x8000004C;
	[dreg:$0x1] =	wrdreg $0xFFFFFFFF  }
0xb6: {  	s28 =	simm.s32 $_size_execute0_lowered;
	s3 =	sadd.s32 s3, s5;
	[dreg:$0x0] =	wrdreg $0x0  }
0xb7: {  	s5 =	sshll.u32 s28, $0x1;
	[dreg:$0x2] =	wrdreg s3  }
0xb8: {  	[dreg:$0x3] =	wrdreg s5  }
0xb9: {  	[dreg:$0x4] =	wrdreg $0xC0  }
0xba: {  	_ =	task [dreg:s22], $0x5FFFF  }
0xbb: {  	[dreg:$0x1] =	wrdreg $0xFFFFFFFF  }
0xbc: {  	[dreg:$0x0] =	wrdreg $0x60  }
0xbd: {  	[dreg:$0x2] =	wrdreg s24  }
0xbe: {  	[dreg:$0x3] =	wrdreg $0x70000  }
0xbf: {  	[dreg:$0x4] =	wrdreg $0xA  }
0xc0: {  	_ =	task.clear_ibuf [dreg:s22], $0x5FFFF;
	_ =	strace $0x9000004C  }
0xc1: {  	s29 =	simm.s32 $0xA;
	_ =	strace $0x8000004E  }
0xc2: {  	_ =	swait.ge [sflag:s29], $0x1  }
0xc3: {  	[sflag:s29] =	ssyncadd.s32 $0xFFFFFFFF  }
0xc4: {  	_ =	strace $0x9000004E  }
0xc5: {  	_ =	sfence  }
0xc6: {  	s30 =	sld [smem:$0x0];
	_ =	sdelay $0x2  }
0xc7: {  	s31 =	sshll.u32 s1, $0xD;
	s1 =	sshrl.u32 s1, $0x2  }
0xc8: {  	s4 =	sand.u32 $0x4000, s31;
	s1 =	sadd.s32 s1, s30  }
0xc9: {  	s0 =	sor.u32 s4, s0;
	s1 =	sshll.u32 s1, $0x11  }
0xca: {  	s0 =	sor.u32 s1, s0  }
0xcb: {  	s0 =	sadd.s32 $0x8F2B, s0  }
0xcc: {  	[sflag:s0] =	ssyncadd.remote.s32 $0x1  }
0xcd: {  	_ =	sfence.sel $0xFFFF  }
0xce: {  	[dreg:$0x0] =	wrdreg $0xFFFFFFFF;
	(pc) =	sbr.abs _section_cstart, $3  }
0xcf: {  	[dreg:$0x1] =	wrdreg $0xFFFFFFFF  }
0xd0: {  	_ =	task.clear_ibuf [dreg:s22], $0x2FFFF;
	_ =	strace $0x9FFFFFFF  }
0xd1: {  	(tm) =	ssettm $0x7FFFFFFF  }
tec
execute0_lowered:
.L_overlay_start_1:
0x0: {  	(tag) =	ssettag $0x1  }
0x1: {  	s7 =	rddreg [dreg:$0x0]  }
0x2: {  	s2 =	rddreg [dreg:$0x1]  }
0x3: {  	s0 =	rddreg [dreg:$0x2]  }
0x4: {  	s3 =	simm.s32 $0x0;
	s4 =	srdreg.scid;
	s1 =	stileid.u32  }
0x5: {  	s19 =	simm.s32 $0x4800;
	s20 =	simm.s32 $0x50;
	[smem:$0x7FF] =	sst s3  }
0x6: {  	s9 =	sand.u32 $0x1, s4;
	s21 =	sshll.u32 s1, $0x1;
	s11 =	smul.u32 $0x2700, s1  }
0x7: {  	s10 =	sadd.s32 $0x7A8800, s7;
	s12 =	smul.u32 $0x4E000, s1;
	s14 =	sadd.s32 $0x5BE00, s7  }
0x8: {  	s17 =	sadd.s32 $0x138000, s2;
	s18 =	smul.u32 $0x28000, s1;
	p0 =	sne.s32 s1, $0xF  }
0x9: {  	s31 =	sshll.u32 s1, $0x6;
	_ =	strace $0x8000004D;
	s24 =	smul.u32 $0x27100, s9  }
0xa: {  	s5 =	sor.u32 s9, s21;
	s6 =	ssub.s32 $0x2, s9;
	s25 =	smul.u32 $0x138800, s9  }
0xb: {  	s28 =	smul.u32 $0x14000, s9;
	s21 =	simm.s32 $0x2;
	s4 =	sshll.u32 s5, $0xA  }
0xc: {  	s8 =	sshrl.u32 s6, $0x1;
	s13 =	sadd.s32 s11, s7;
	s22 =	sshrl.u32 s12, $0x2  }
0xd: {  	s23 =	smul.u32 $0x14000, s5;
	s30 =	sadd.s32 s18, s10;
	s18 =	simm.s32 $0x1  }
0xe: {  	s4 =	sadd.s32 s4, s7;
	s15 =	ssub.s32 s6, s8;
	s16 =	sadd.s32 s22, s2  }
0xf: {  	s5 =	sadd.s32 $0x34C00, s13;
	s7 =	sadd.s32 $0x5BC00, s7;
	s11 =	sadd.s32 s11, s24  }
0x10: {  	s26 =	sshrl.u32 s25, $0x3;
	s12 =	sadd.s32 s28, s30;
	s13 =	simm.s32 $0x5  }
0x11: {  	s22 =	simm.s32 $0x3;
	s24 =	simm.s32 $0x1F80;
	s25 =	simm.s32 $0x0  }
0x12: {  	s4 =	sadd.s32 $0x520800, s4;
	s6 =	sadd.s32 s10, s23;
	s9 =	sadd.s32 s14, s11  }
0x13: {  	s29 =	sadd.s32 s14, s26;
	s11 =	smax.u32 s15, $0x1;
	s14 =	sor.u32 $0x1C05, s31  }
0x14: {  	s15 =	sshrl.u32 s16, $0x3;
	s16 =	sshrl.u32 @!p0 s17, $0x3;
	s17 =	simm.s32 $0x2000  }
0x15: {  	s23 =	simm.s32 $0x4;
	s8 =	sadd.s32 $0x500, s6;
	s10 =	sadd.s32 $0x27000, s29  }
.LBB2_1:
0x16: {  	[tilespmem:s3], [sflag:$0x5] =	stream.linear.gather [hbm4b:s4+s3], $0x2000, $0x38;
	[tilespmem:$0x1A880] =	vst v63  }
0x17: {  	_ =	swait.ge [sflag:s13], $0x2000  }
0x18: {  	[sflag:s13] =	ssyncset.done $0x0  }
0x19: {  	[sflag:s13] =	ssyncadd.s32 $0xFFFFE000  }
0x1a: {  	[spmem:s15], [sflag:s14] =	dma.local [hbm:s5], $0x2700  }
0x1b: {  	_ =	swait.ge [sflag:s13], $0x2700  }
0x1c: {  	[sflag:s13] =	ssyncset.done $0x0  }
0x1d: {  	s26 =	simm.s32 @!p0 $0x5;
	[sflag:s13] =	ssyncadd.s32 $0xFFFFD900  }
0x1e: {  	[spmem:s16], [sflag:s14] =	dma.local @!p0 [hbm:s7], $0x100  }
0x1f: {  	_ =	swait.ge @!p0 [sflag:s26], $0x100  }
0x20: {  	[sflag:s26] =	ssyncset.done @!p0 $0x0  }
0x21: {  	[sflag:s26] =	ssyncadd.s32 @!p0 $0xFFFFFF00  }
0x22: {  	[bflag:$0x0] =	sbarrier.arrive $0xFFFF  }
0x23: {  	[tilespmem:s17], [sflag:$0x1] =	stream.linear.gather [hbm4b:s6+s3], $0x2800, $0x38;
	[tilespmem:$0x1A880] =	vst v63  }
0x24: {  	_ =	swait.ge [sflag:s18], $0x2800  }
0x25: {  	[sflag:s18] =	ssyncset.done $0x0  }
0x26: {  	[sflag:s18] =	ssyncadd.s32 $0xFFFFD800  }
0x27: {  	[tilespmem:s19], [sflag:$0x2] =	stream.linear.gather [hbm4b:s8+s3], $0x2800, $0x38;
	[tilespmem:$0x1A880] =	vst v63  }
0x28: {  	_ = 	snop  }
0x29: {  	[spmem:s2] =	stream.indirect.scatter.add.f32 [tilespmem:s17], [sflag:$0x3], $0x80, s3, s20, $0xb8;
	[tilespmem:$0x1A880] =	vst v63  }
0x2a: {  	_ =	swait.ge [sflag:s21], $0x2800  }
0x2b: {  	[sflag:s21] =	ssyncset.done $0x0  }
0x2c: {  	[sflag:s21] =	ssyncadd.s32 $0xFFFFD800  }
0x2d: {  	_ =	swait.ge [sflag:s22], $0x2800  }
0x2e: {  	s31 =	sadd.s32 $0x0, s12;
	[sflag:s22] =	ssyncset.done $0x0  }
0x2f: {  	s28 =	sadd.s32 $0xA00, s31;
	[sflag:s22] =	ssyncadd.s32 $0xFFFFD800  }
0x30: {  	[tilespmem:s17], [sflag:$0x1] =	stream.linear.gather [hbm4b:s28+s3], $0x2800, $0x38;
	[tilespmem:$0x1A880] =	vst v63  }
0x31: {  	s28 =	simm.s32 $0x80  }
0x32: {  	[spmem:s2] =	stream.indirect.scatter.add.f32 [tilespmem:s19], [sflag:$0x4], $0x80, s28, s20, $0xb8;
	[tilespmem:$0x1A880] =	vst v63  }
0x33: {  	_ =	swait.ge [sflag:s18], $0x2800  }
0x34: {  	[sflag:s18] =	ssyncset.done $0x0  }
0x35: {  	[sflag:s18] =	ssyncadd.s32 $0xFFFFD800  }
0x36: {  	_ =	swait.ge [sflag:s23], $0x2800  }
0x37: {  	[sflag:s23] =	ssyncset.done $0x0  }
0x38: {  	s26 =	sadd.s32 $0xF00, s31;
	[sflag:s23] =	ssyncadd.s32 $0xFFFFD800  }
0x39: {  	[tilespmem:s19], [sflag:$0x2] =	stream.linear.gather [hbm4b:s26+s3], $0x2800, $0x38;
	[tilespmem:$0x1A880] =	vst v63  }
0x3a: {  	s29 =	simm.s32 $0x100;
	s28 =	simm.s32 $0x180;
	s26 =	simm.s32 $0xA00  }
.LBB2_2:
0x3b: {  	[spmem:s2] =	stream.indirect.scatter.add.f32 [tilespmem:s17], [sflag:$0x3], $0x80, s29, s20, $0xb8;
	[tilespmem:$0x1A880] =	vst v63  }
0x3c: {  	s29 =	smov.u32 s26  }
0x3d: {  	p1 =	sne.s32 s26, $0x12C00;
	s26 =	sadd.s32 $0xA00, s26;
	_ =	swait.ge [sflag:s21], $0x2800  }
0x3e: {  	[sflag:s21] =	ssyncset.done $0x0  }
0x3f: {  	[sflag:s21] =	ssyncadd.s32 $0xFFFFD800  }
0x40: {  	_ =	swait.ge [sflag:s22], $0x2800  }
0x41: {  	s29 =	sadd.s32 s29, s12;
	[sflag:s22] =	ssyncset.done $0x0  }
0x42: {  	s30 =	sadd.s32 $0xA00, s29;
	[sflag:s22] =	ssyncadd.s32 $0xFFFFD800  }
0x43: {  	[tilespmem:s17], [sflag:$0x1] =	stream.linear.gather [hbm4b:s30+s3], $0x2800, $0x38;
	[tilespmem:$0x1A880] =	vst v63  }
0x44: {  	_ = 	snop  }
0x45: {  	[spmem:s2] =	stream.indirect.scatter.add.f32 [tilespmem:s19], [sflag:$0x4], $0x80, s28, s20, $0xb8;
	[tilespmem:$0x1A880] =	vst v63  }
0x46: {  	_ =	swait.ge [sflag:s18], $0x2800  }
0x47: {  	[sflag:s18] =	ssyncset.done $0x0  }
0x48: {  	[sflag:s18] =	ssyncadd.s32 $0xFFFFD800  }
.Ltmp0:
0x49: {  	_ =	swait.ge [sflag:s23], $0x2800;
	(pc) =	sbr.rel @p1 .LBB2_2-.Ltmp0, $4  }
0x4a: {  	[sflag:s23] =	ssyncset.done $0x0  }
0x4b: {  	s29 =	sadd.s32 $0xF00, s29;
	[sflag:s23] =	ssyncadd.s32 $0xFFFFD800  }
0x4c: {  	[tilespmem:s19], [sflag:$0x2] =	stream.linear.gather [hbm4b:s29+s3], $0x2800, $0x38;
	[tilespmem:$0x1A880] =	vst v63  }
0x4d: {  	s29 =	sadd.s32 $0x80, s28;
	s28 =	sadd.s32 $0x100, s28  }
0x4e: {  	[spmem:s2] =	stream.indirect.scatter.add.f32 [tilespmem:s17], [sflag:$0x3], $0x80, s29, s20, $0xb8;
	[tilespmem:$0x1A880] =	vst v63  }
0x4f: {  	_ =	swait.ge [sflag:s21], $0x2800  }
0x50: {  	[sflag:s21] =	ssyncset.done $0x0  }
0x51: {  	[sflag:s21] =	ssyncadd.s32 $0xFFFFD800  }
0x52: {  	_ =	swait.ge [sflag:s22], $0x2800  }
0x53: {  	[sflag:s22] =	ssyncset.done $0x0  }
0x54: {  	[sflag:s22] =	ssyncadd.s32 $0xFFFFD800  }
0x55: {  	[spmem:s2] =	stream.indirect.scatter.add.f32 [tilespmem:s19], [sflag:$0x4], $0x80, s24, s20, $0xb8;
	[tilespmem:$0x1A880] =	vst v63  }
0x56: {  	_ =	swait.ge [sflag:s23], $0x2800  }
0x57: {  	[sflag:s23] =	ssyncset.done $0x0  }
0x58: {  	[sflag:s23] =	ssyncadd.s32 $0xFFFFD800  }
0x59: {  	[bflag:$0x0] =	sbarrier.arrive $0xFFFF  }
0x5a: {  	[hbm:s9], [sflag:s14] =	dma.local [spmem:s15], $0x2700  }
0x5b: {  	s25 =	sadd.s32 $0x1, s25;
	_ =	swait.ge [sflag:s13], $0x2700  }
0x5c: {  	p1 =	sne.s32 s25, s11;
	[sflag:s13] =	ssyncset.done $0x0  }
.Ltmp1:
0x5d: {  	s26 =	simm.s32 @!p0 $0x5;
	[sflag:s13] =	ssyncadd.s32 $0xFFFFD900;
	(pc) =	sbr.rel @p1 .LBB2_1-.Ltmp1, $4  }
0x5e: {  	[hbm:s10], [sflag:s14] =	dma.local @!p0 [spmem:s16], $0x100  }
0x5f: {  	_ =	swait.ge @!p0 [sflag:s26], $0x100  }
0x60: {  	[sflag:s26] =	ssyncset.done @!p0 $0x0  }
0x61: {  	[sflag:s26] =	ssyncadd.s32 @!p0 $0xFFFFFF00  }
0x62: {  	_ =	sfence.sel $0x180000  }
0x63: {  	[bflag:$0x0] =	sbarrier.arrive $0xFFFF  }
0x64: {  	p0 =	sne.s32 s1, $0x0;
	_ =	strace $0x9000004D  }
0x65: {  	s0 =	sadd.s32 @!p0 $0x100000, s0;
	[bflag:$0x2] =	sbarrier.arrive $0xFFFF  }
0x66: {  	[sflag:s0] =	ssyncadd.tile.s32 @!p0 $0x1;
	_ =	shalt  }
.Lfunc_end2:
_tile_overlayer_lowered:
.L_overlay_start_2:
0x67: {  	(tag) =	ssettag $0x2  }
0x68: {  	s0 =	rddreg [dreg:$0x0];
	s2 =	stileid.u32  }
0x69: {  	s1 =	rddreg [dreg:$0x1];
	p0 =	sne.s32 s2, $0x0  }
0x6a: {  	s3 =	rddreg [dreg:$0x2];
	[bflag:$0x3] =	sbarrier.arrive $0xFFFF;
	s2 =	simm.s32 @!p0 $0x1C05  }
0x6b: {  	[timem:s3], [sflag:s2] =	dma.local @!p0 [hbm:s0], s1  }
0x6c: {  	s0 =	simm.s32 @!p0 $0x5  }
0x6d: {  	_ =	swait.ge @!p0 [sflag:s0], s1  }
0x6e: {  	s1 =	ssub.s32 @!p0 $0x0, s1;
	[sflag:s0] =	ssyncset.done @!p0 $0x0  }
0x6f: {  	[sflag:s0] =	ssyncadd.s32 @!p0 s1  }
0x70: {  	[bflag:$0x3] =	sbarrier.arrive $0xFFFF  }
0x71: {  	_ =	shalt  }

// kernel: kernel.19.cloned.1.call-start
scs
__scs_entry_jumppad:
0x0: {  	(pc) =	sbr.rel $0x88, $3  }
0x1: {  	(tag) =	ssettag $0x0;
	lr =	simm.s32 $0x1  }
0x2: {  	[smem:$0x3F95] =	sst lr;
	_ =	strace $0xD0000000  }
0x3: {  	_ = 	snop  }
0x4: {  	_ = 	snop  }
0x5: {  	_ = 	snop  }
0x6: {  	_ = 	snop  }
0x7: {  	_ = 	snop  }
__scs_overlays_trampoline_lowered:
0x8: {  	[smem:$0x3FA4] =	sst s0  }
0x9: {  	[smem:$0x3FA5] =	sst s1  }
0xa: {  	[smem:$0x3FA6] =	sst s2  }
0xb: {  	[smem:$0x3FA7] =	sst s3  }
0xc: {  	[smem:$0x3FA8] =	sst s4  }
0xd: {  	[smem:$0x3FA9] =	sst s5  }
0xe: {  	[smem:$0x3FAA] =	sst s6  }
0xf: {  	[smem:$0x3FAB] =	sst s7  }
0x10: {  	[smem:$0x3FAC] =	sst s8  }
0x11: {  	[smem:$0x3FAD] =	sst s9;
	s0 =	simm.s32 @!p0 $0x0  }
0x12: {  	s1 =	sld [smem:$0x3F93];
	s0 =	simm.s32 @p0 $0x1  }
0x13: {  	[smem:$0x3FAE] =	sst s0;
	s0 =	simm.s32 @!p1 $0x0  }
0x14: {  	s2 =	sld [smem:$0x3F92];
	s0 =	simm.s32 @p1 $0x1  }
0x15: {  	[smem:$0x3FAF] =	sst s0;
	s0 =	simm.s32 @!p2 $0x0  }
0x16: {  	s3 =	sld [smem:$0x3FDB];
	s0 =	simm.s32 @p2 $0x1  }
0x17: {  	s4 =	simm.s32 $0x1BF5;
	[smem:$0x3FB1] =	sst s0  }
0x18: {  	s0 =	sld [smem:$0x3F94];
	_ =	swait.ge [sflag:s4], $0x0  }
0x19: {  	s7 =	sld [smem:$0x3F95]  }
0x1a: {  	s8 =	sadd.s32 $0xFFFFE003, lr  }
0x1b: {  	s9 =	sadd.s32 $0xFFFFFEF7, lr;
	s5 =	simm.s32 $0xFFFFFFFF;
	p2 =	slt.u32 s8, $0xFFFFF086  }
0x1c: {  	p1 =	slt.u32 s9, $0xF7A;
	s5 =	simm.s32 @!p2 $0x0  }
0x1d: {  	s5 =	simm.s32 @p1 $0x1;
	p0 =	seq.s32 s7, s2  }
0x1e: {  	s7 =	smul.u32 @!p0 $0xF7A, s2;
	p2 =	seq.s32 @!p0 s5, $0x0  }
0x1f: {  	s9 =	smul.u32 $0xF7A, s1;
	s8 =	simm.s32 @!p0 $0x1BF5;
	p2 =	por !p2, p0  }
0x20: {  	[sflag:s8] =	ssyncset.s32 @!p0 $0xFFFFF086;
	s6 =	sadd.s32 @!p0 s3, s7;
	s7 =	simm.s32 @!p0 $0x108  }
0x21: {  	s3 =	sadd.s32 s3, s9;
	s6 =	sadd.s32 @!p0 $0x88, s6;
	s7 =	simm.s32 @p2 $0x1082  }
0x22: {  	[simem:s7], [sflag:s8] =	dma.local @!p0 [hbm:s6], $0xF7A  }
0x23: {  	s9 =	sor.u32 $0xD0000000, s2;
	s6 =	simm.s32 $0x108;
	_ =	swait.ge @!p0 [sflag:s8], $0x0  }
0x24: {  	s3 =	sadd.s32 $0x88, s3;
	s6 =	simm.s32 @!p1 $0x1082;
	[sflag:s4] =	ssyncset.s32 $0xFFFFF086  }
0x25: {  	[simem:s6], [sflag:s4] =	dma.local [hbm:s3], $0xF7A  }
0x26: {  	[smem:$0x3F95] =	sst s1;
	(tag) =	ssettag s2;
	_ =	strace s9  }
0x27: {  	s1 =	sld [smem:$0x3FA5]  }
0x28: {  	s2 =	sld [smem:$0x3FA6]  }
0x29: {  	s4 =	sld [smem:$0x3FA8]  }
0x2a: {  	p0 =	seq.s32 s5, $0x0;
	s5 =	sld [smem:$0x3FA9]  }
0x2b: {  	s6 =	sld [smem:$0x3FAA]  }
0x2c: {  	s7 =	sld [smem:$0x3FAB]  }
0x2d: {  	s3 =	simm.s32 $0x108;
	s8 =	sld [smem:$0x3FAC]  }
0x2e: {  	s3 =	simm.s32 @!p0 $0x1082;
	s9 =	sld [smem:$0x3FAD]  }
0x2f: {  	lr =	sadd.s32 s0, s3;
	s0 =	sld [smem:$0x3FA4]  }
0x30: {  	s3 =	sld [smem:$0x3FA7]  }
0x31: {  	[smem:$0x3FB0] =	sst s10  }
0x32: {  	s10 =	sld [smem:$0x3FAE];
	_ =	sdelay $0x3  }
0x33: {  	p0 =	seq.s32 s10, $0x1;
	s10 =	sld [smem:$0x3FB0];
	_ =	sdelay $0x3  }
0x34: {  	[smem:$0x3FB0] =	sst s10  }
0x35: {  	s10 =	sld [smem:$0x3FAF];
	_ =	sdelay $0x3  }
0x36: {  	p1 =	seq.s32 s10, $0x1;
	s10 =	sld [smem:$0x3FB0];
	_ =	sdelay $0x3  }
0x37: {  	[smem:$0x3FB0] =	sst s10  }
0x38: {  	s10 =	sld [smem:$0x3FB1]  }
0x39: {  	_ = 	snop;
	(pc) =	sbr.ind lr, $3  }
0x3a: {  	_ = 	snop  }
0x3b: {  	_ = 	snop  }
0x3c: {  	p2 =	seq.s32 s10, $0x1;
	s10 =	sld [smem:$0x3FB0]  }
0x3d: {  	_ =	shalt  }
0x3e: {  	_ =	shalt  }
0x3f: {  	_ =	shalt  }
0x40: {  	_ =	shalt  }
0x41: {  	_ =	shalt  }
0x42: {  	_ =	shalt  }
0x43: {  	_ =	shalt  }
0x44: {  	_ =	shalt  }
0x45: {  	_ =	shalt  }
0x46: {  	_ =	shalt  }
0x47: {  	_ =	shalt  }
0x48: {  	_ =	shalt  }
0x49: {  	_ =	shalt  }
0x4a: {  	_ =	shalt  }
0x4b: {  	_ =	shalt  }
0x4c: {  	_ =	shalt  }
0x4d: {  	_ =	shalt  }
0x4e: {  	_ =	shalt  }
0x4f: {  	_ =	shalt  }
0x50: {  	_ =	shalt  }
0x51: {  	_ =	shalt  }
0x52: {  	_ =	shalt  }
0x53: {  	_ =	shalt  }
0x54: {  	_ =	shalt  }
0x55: {  	_ =	shalt  }
0x56: {  	_ =	shalt  }
0x57: {  	_ =	shalt  }
0x58: {  	_ =	shalt  }
0x59: {  	_ =	shalt  }
0x5a: {  	_ =	shalt  }
0x5b: {  	_ =	shalt  }
0x5c: {  	_ =	shalt  }
0x5d: {  	_ =	shalt  }
0x5e: {  	_ =	shalt  }
0x5f: {  	_ =	shalt  }
0x60: {  	_ =	shalt  }
0x61: {  	_ =	shalt  }
0x62: {  	_ =	shalt  }
0x63: {  	_ =	shalt  }
0x64: {  	_ =	shalt  }
0x65: {  	_ =	shalt  }
0x66: {  	_ =	shalt  }
0x67: {  	_ =	shalt  }
0x68: {  	_ =	shalt  }
0x69: {  	_ =	shalt  }
0x6a: {  	_ =	shalt  }
0x6b: {  	_ =	shalt  }
0x6c: {  	_ =	shalt  }
0x6d: {  	_ =	shalt  }
0x6e: {  	_ =	shalt  }
0x6f: {  	_ =	shalt  }
0x70: {  	_ =	shalt  }
0x71: {  	_ =	shalt  }
0x72: {  	_ =	shalt  }
0x73: {  	_ =	shalt  }
0x74: {  	_ =	shalt  }
0x75: {  	_ =	shalt  }
0x76: {  	_ =	shalt  }
0x77: {  	_ =	shalt  }
0x78: {  	_ =	shalt  }
0x79: {  	_ =	shalt  }
0x7a: {  	_ =	shalt  }
0x7b: {  	_ =	shalt  }
0x7c: {  	_ =	shalt  }
0x7d: {  	_ =	shalt  }
0x7e: {  	_ =	shalt  }
0x7f: {  	_ =	shalt  }
0x80: {  	_ =	shalt  }
0x81: {  	_ =	shalt  }
0x82: {  	_ =	shalt  }
0x83: {  	_ =	shalt  }
0x84: {  	_ =	shalt  }
0x85: {  	_ =	shalt  }
0x86: {  	_ =	shalt  }
0x87: {  	_ =	shalt  }
.Lfunc_end0:
.L_simem_size_0:
called_computation.3_lowered:
.L_overlay_start_0:
0x88: {  	s2 =	sld [smem:$0x3FD9]  }
0x89: {  	s3 =	sld [smem:$0x3FFE];
	_ =	sdelay $0x1  }
0x8a: {  	s1 =	srdreg.scid  }
0x8b: {  	s0 =	sand.u32 $0x1, s1  }
0x8c: {  	s17 =	sshll.u32 s0, $0xA;
	s2 =	sadd.s32 s3, s2  }
0x8d: {  	s2 =	sadd.s32 s2, s17  }
0x8e: {  	[smem:$0x3FBC] =	sst s2  }
0x8f: {  	_ = 	snop  }
0x90: {  	(tm) =	ssettm $0x1  }
0x91: {  	s18 =	sld [smem:$0x3FFB];
	_ =	sdelay $0x3  }
0x92: {  	_ =	strace s18  }
0x93: {  	s2 =	sld [smem:$0x3FFC];
	_ =	sdelay $0x3  }
0x94: {  	_ =	strace s2  }
0x95: {  	s2 =	sld [smem:$0x3FFD];
	_ =	sdelay $0x3  }
0x96: {  	_ =	strace s2  }
0x97: {  	_ =	strace $0x8FFFFFFF  }
0x98: {  	s19 =	sld [smem:$0x3FDB];
	_ =	sdelay $0x1  }
0x99: {  	s20 =	simm.s32 $_scs_section_size  }
0x9a: {  	s4 =	simm.s32 $_size__tile_overlayer_lowered;
	s5 =	simm.s32 $_tile_overlayer_lowered  }
0x9b: {  	s6 =	simm.s32 $0x1BFF;
	s21 =	sshll.u32 s5, $0x1;
	s3 =	sadd.s32 s20, s19  }
0x9c: {  	s22 =	simm.s32 $0x0;
	s4 =	sshll.u32 s4, $0x1;
	s5 =	sadd.s32 s21, s3  }
0x9d: {  	[timem:s22], [sflag:s6] =	dma.local [hbm:s5], s4  }
0x9e: {  	_ =	swait.ge [sflag:s6], s4  }
0x9f: {  	s4 =	ssub.s32 $0x0, s4;
	[sflag:s6] =	ssyncset.done $0x0  }
0xa0: {  	[sflag:s6] =	ssyncadd.s32 s4;
	_ =	sdelay $0x1  }
0xa1: {  	s23 =	simm.s32 $0x1B8B  }
0xa2: {  	_ =	swait.ge [sflag:s23], $0x1  }
0xa3: {  	[sflag:s23] =	ssyncset.done $0x0  }
0xa4: {  	[sflag:s23] =	ssyncadd.s32 $0xFFFFFFFF  }
0xa5: {  	s4 =	sld [smem:$0x0]  }
0xa6: {  	s5 =	sand.u32 $0xFFFFFFFE, s1  }
0xa7: {  	p0 =	sne.s32 s1, s5  }
0xa8: {  	s5 =	sshll.u32 @p0 s5, $0xE  }
0xa9: {  	s5 =	sadd.s32 @p0 $0x11B8D, s5;
	s6 =	sshll.u32 @p0 s4, $0x11  }
0xaa: {  	s5 =	sor.u32 @p0 s6, s5  }
0xab: {  	[sflag:s5] =	ssyncadd.remote.s32 @p0 $0x1;
	_ =	sdelay $0x1  }
0xac: {  	s5 =	simm.s32 @p0 $0x1B8D  }
0xad: {  	_ =	swait.eq @p0 [sflag:s5], $0x1  }
0xae: {  	[sflag:s5] =	ssyncadd.s32 @p0 $0xFFFFFFFF  }
0xaf: {  	s6 =	sshll.u32 @!p0 s1, $0xE  }
0xb0: {  	s6 =	sor.u32 @!p0 $0x4000, s6;
	s5 =	simm.s32 @!p0 $0x1B8D  }
0xb1: {  	s4 =	sshll.u32 @!p0 s4, $0x11;
	s6 =	sadd.s32 @!p0 $0x11B8D, s6;
	_ =	swait.eq @!p0 [sflag:s5], $0x1  }
0xb2: {  	s4 =	sor.u32 @!p0 s4, s6;
	[sflag:s5] =	ssyncadd.s32 @!p0 $0xFFFFFFFF  }
0xb3: {  	s25 =	simm.s32 $0x1B8E;
	s24 =	sld [smem:$0x3FFE];
	[sflag:s4] =	ssyncadd.remote.s32 @!p0 $0x1  }
0xb4: {  	s26 =	simm.s32 $execute0_lowered;
	[smem:$0x3FD2] =	sst s25  }
0xb5: {  	s5 =	sshll.u32 s26, $0x1;
	_ =	strace $0x8000004F;
	[dreg:$0x1] =	wrdreg $0xFFFFFFFF  }
0xb6: {  	s28 =	simm.s32 $_size_execute0_lowered;
	s3 =	sadd.s32 s3, s5;
	[dreg:$0x0] =	wrdreg $0x0  }
0xb7: {  	s5 =	sshll.u32 s28, $0x1;
	[dreg:$0x2] =	wrdreg s3  }
0xb8: {  	[dreg:$0x3] =	wrdreg s5  }
0xb9: {  	[dreg:$0x4] =	wrdreg $0xC0  }
0xba: {  	_ =	task [dreg:s22], $0x5FFFF  }
0xbb: {  	[dreg:$0x1] =	wrdreg $0xFFFFFFFF  }
0xbc: {  	[dreg:$0x0] =	wrdreg $0x60  }
0xbd: {  	[dreg:$0x2] =	wrdreg s24  }
0xbe: {  	[dreg:$0x3] =	wrdreg $0x70000  }
0xbf: {  	[dreg:$0x4] =	wrdreg $0x9  }
0xc0: {  	_ =	task.clear_ibuf [dreg:s22], $0x5FFFF;
	_ =	strace $0x9000004F  }
0xc1: {  	s29 =	simm.s32 $0x9;
	_ =	strace $0x80000051  }
0xc2: {  	_ =	swait.ge [sflag:s29], $0x1  }
0xc3: {  	[sflag:s29] =	ssyncadd.s32 $0xFFFFFFFF  }
0xc4: {  	_ =	strace $0x90000051  }
0xc5: {  	_ =	sfence  }
0xc6: {  	s30 =	sld [smem:$0x0];
	_ =	sdelay $0x2  }
0xc7: {  	s31 =	sshll.u32 s1, $0xD;
	s1 =	sshrl.u32 s1, $0x2  }
0xc8: {  	s4 =	sand.u32 $0x4000, s31;
	s1 =	sadd.s32 s1, s30  }
0xc9: {  	s0 =	sor.u32 s4, s0;
	s1 =	sshll.u32 s1, $0x11  }
0xca: {  	s0 =	sor.u32 s1, s0  }
0xcb: {  	s0 =	sadd.s32 $0x8F2B, s0  }
0xcc: {  	[sflag:s0] =	ssyncadd.remote.s32 $0x1  }
0xcd: {  	_ =	sfence.sel $0xFFFF  }
0xce: {  	[dreg:$0x0] =	wrdreg $0xFFFFFFFF;
	(pc) =	sbr.abs _section_cstart, $3  }
0xcf: {  	[dreg:$0x1] =	wrdreg $0xFFFFFFFF  }
0xd0: {  	_ =	task.clear_ibuf [dreg:s22], $0x2FFFF;
	_ =	strace $0x9FFFFFFF  }
0xd1: {  	(tm) =	ssettm $0x7FFFFFFF  }
tec
execute0_lowered:
.L_overlay_start_1:
0x0: {  	(tag) =	ssettag $0x1  }
0x1: {  	s6 =	rddreg [dreg:$0x0]  }
0x2: {  	s2 =	rddreg [dreg:$0x1];
	s3 =	simm.s32 $0x0;
	s4 =	srdreg.scid  }
0x3: {  	s1 =	stileid.u32;
	s20 =	simm.s32 $0x4800;
	s21 =	simm.s32 $0x50  }
0x4: {  	s22 =	simm.s32 $0x2;
	s28 =	simm.s32 $0x0;
	[smem:$0x7FF] =	sst s3  }
0x5: {  	s10 =	sand.u32 $0x1, s4;
	s12 =	sadd.s32 $0xA28800, s6;
	s11 =	smul.u32 $0x2700, s1  }
0x6: {  	s23 =	sshll.u32 s1, $0x1;
	s8 =	smul.u32 $0x4E000, s1;
	s13 =	sadd.s32 $0x528800, s6  }
0x7: {  	s17 =	sadd.s32 $0x138000, s2;
	s19 =	smul.u32 $0x26200, s1;
	p0 =	sne.s32 s1, $0xF  }
0x8: {  	s31 =	sshll.u32 s1, $0x6;
	_ =	strace $0x80000050;
	s15 =	smul.u32 $0x138800, s10  }
0x9: {  	s7 =	sor.u32 s10, s23;
	s5 =	ssub.s32 $0x2, s10;
	s18 =	smul.u32 $0x27100, s10  }
0xa: {  	s29 =	smul.u32 $0x13100, s10;
	s17 =	sshrl.u32 @!p0 s17, $0x3;
	s23 =	simm.s32 $0x3  }
0xb: {  	s4 =	sshll.u32 s7, $0xA;
	s9 =	sadd.s32 s11, s6;
	s25 =	smul.u32 $0x98800, s7  }
0xc: {  	s14 =	sshrl.u32 s5, $0x1;
	s24 =	sshrl.u32 s8, $0x2;
	s7 =	smul.u32 $0x13100, s7  }
0xd: {  	s30 =	sadd.s32 s19, s12;
	s19 =	simm.s32 $0x1;
	s4 =	sadd.s32 s4, s6  }
0xe: {  	s14 =	ssub.s32 s5, s14;
	s16 =	sadd.s32 s24, s2;
	s5 =	sadd.s32 $0x34C00, s9  }
0xf: {  	s6 =	sadd.s32 $0x5BC00, s6;
	s15 =	sshrl.u32 s15, $0x3;
	s11 =	sadd.s32 s11, s18  }
0x10: {  	s18 =	simm.s32 $0x2000;
	s24 =	simm.s32 $0x4;
	s4 =	sadd.s32 $0x3A00, s4  }
0x11: {  	s8 =	sshrl.u32 s25, $0x3;
	s7 =	sadd.s32 s12, s7;
	s15 =	sadd.s32 s13, s15  }
0x12: {  	s10 =	sadd.s32 s13, s11;
	s13 =	sadd.s32 s29, s30;
	s16 =	sshrl.u32 s16, $0x3  }
0x13: {  	s25 =	simm.s32 $0x1D80;
	s26 =	sadd.s32 s12, s8;
	s11 =	sadd.s32 $0x27000, s15  }
0x14: {  	s12 =	smax.u32 s14, $0x1;
	s14 =	simm.s32 $0x5;
	s15 =	sor.u32 $0x1C05, s31  }
0x15: {  	s8 =	sadd.s32 $0x500, s26;
	s9 =	sadd.s32 $0x12C00, s26;
	s26 =	simm.s32 $0x1E00  }
.LBB2_1:
0x16: {  	[tilespmem:s3], [sflag:$0x5] =	stream.linear.gather [hbm4b:s4+s3], $0x1E80, $0x38;
	[tilespmem:$0x1A880] =	vst v63  }
0x17: {  	_ =	swait.ge [sflag:s14], $0x1E80  }
0x18: {  	[sflag:s14] =	ssyncset.done $0x0  }
0x19: {  	[sflag:s14] =	ssyncadd.s32 $0xFFFFE180  }
0x1a: {  	[spmem:s16], [sflag:s15] =	dma.local [hbm:s5], $0x2700  }
0x1b: {  	_ =	swait.ge [sflag:s14], $0x2700  }
0x1c: {  	[sflag:s14] =	ssyncset.done $0x0  }
0x1d: {  	s29 =	simm.s32 @!p0 $0x5;
	[sflag:s14] =	ssyncadd.s32 $0xFFFFD900  }
0x1e: {  	[spmem:s17], [sflag:s15] =	dma.local @!p0 [hbm:s6], $0x100  }
0x1f: {  	_ =	swait.ge @!p0 [sflag:s29], $0x100  }
0x20: {  	[sflag:s29] =	ssyncset.done @!p0 $0x0  }
0x21: {  	[sflag:s29] =	ssyncadd.s32 @!p0 $0xFFFFFF00  }
0x22: {  	[bflag:$0x0] =	sbarrier.arrive $0xFFFF  }
0x23: {  	[tilespmem:s18], [sflag:$0x1] =	stream.linear.gather [hbm4b:s7+s3], $0x2800, $0x38;
	[tilespmem:$0x1A880] =	vst v63  }
0x24: {  	_ =	swait.ge [sflag:s19], $0x2800  }
0x25: {  	[sflag:s19] =	ssyncset.done $0x0  }
0x26: {  	[sflag:s19] =	ssyncadd.s32 $0xFFFFD800  }
0x27: {  	[tilespmem:s20], [sflag:$0x2] =	stream.linear.gather [hbm4b:s8+s3], $0x2800, $0x38;
	[tilespmem:$0x1A880] =	vst v63  }
0x28: {  	_ = 	snop  }
0x29: {  	[spmem:s2] =	stream.indirect.scatter.add.f32 [tilespmem:s18], [sflag:$0x3], $0x80, s3, s21, $0xb8;
	[tilespmem:$0x1A880] =	vst v63  }
0x2a: {  	_ =	swait.ge [sflag:s22], $0x2800  }
0x2b: {  	[sflag:s22] =	ssyncset.done $0x0  }
0x2c: {  	[sflag:s22] =	ssyncadd.s32 $0xFFFFD800  }
0x2d: {  	_ =	swait.ge [sflag:s23], $0x2800  }
0x2e: {  	s29 =	sadd.s32 $0x0, s13;
	[sflag:s23] =	ssyncset.done $0x0  }
0x2f: {  	s30 =	sadd.s32 $0xA00, s29;
	[sflag:s23] =	ssyncadd.s32 $0xFFFFD800  }
0x30: {  	[tilespmem:s18], [sflag:$0x1] =	stream.linear.gather [hbm4b:s30+s3], $0x2800, $0x38;
	[tilespmem:$0x1A880] =	vst v63  }
0x31: {  	s30 =	simm.s32 $0x80  }
0x32: {  	[spmem:s2] =	stream.indirect.scatter.add.f32 [tilespmem:s20], [sflag:$0x4], $0x80, s30, s21, $0xb8;
	[tilespmem:$0x1A880] =	vst v63  }
0x33: {  	_ =	swait.ge [sflag:s19], $0x2800  }
0x34: {  	[sflag:s19] =	ssyncset.done $0x0  }
0x35: {  	[sflag:s19] =	ssyncadd.s32 $0xFFFFD800  }
0x36: {  	_ =	swait.ge [sflag:s24], $0x2800  }
0x37: {  	[sflag:s24] =	ssyncset.done $0x0  }
0x38: {  	s29 =	sadd.s32 $0xF00, s29;
	[sflag:s24] =	ssyncadd.s32 $0xFFFFD800  }
0x39: {  	[tilespmem:s20], [sflag:$0x2] =	stream.linear.gather [hbm4b:s29+s3], $0x2800, $0x38;
	[tilespmem:$0x1A880] =	vst v63  }
0x3a: {  	s31 =	simm.s32 $0x100;
	s30 =	simm.s32 $0x180;
	s29 =	simm.s32 $0xA00  }
.LBB2_2:
0x3b: {  	[spmem:s2] =	stream.indirect.scatter.add.f32 [tilespmem:s18], [sflag:$0x3], $0x80, s31, s21, $0xb8;
	[tilespmem:$0x1A880] =	vst v63  }
0x3c: {  	s31 =	smov.u32 s29  }
0x3d: {  	p1 =	sne.s32 s29, $0x11800;
	s29 =	sadd.s32 $0xA00, s29;
	_ =	swait.ge [sflag:s22], $0x2800  }
0x3e: {  	[sflag:s22] =	ssyncset.done $0x0  }
0x3f: {  	[sflag:s22] =	ssyncadd.s32 $0xFFFFD800  }
0x40: {  	_ =	swait.ge [sflag:s23], $0x2800  }
0x41: {  	s31 =	sadd.s32 s31, s13;
	[sflag:s23] =	ssyncset.done $0x0  }
0x42: {  	s0 =	sadd.s32 $0xA00, s31;
	[sflag:s23] =	ssyncadd.s32 $0xFFFFD800  }
0x43: {  	[tilespmem:s18], [sflag:$0x1] =	stream.linear.gather [hbm4b:s0+s3], $0x2800, $0x38;
	[tilespmem:$0x1A880] =	vst v63  }
0x44: {  	_ = 	snop  }
0x45: {  	[spmem:s2] =	stream.indirect.scatter.add.f32 [tilespmem:s20], [sflag:$0x4], $0x80, s30, s21, $0xb8;
	[tilespmem:$0x1A880] =	vst v63  }
0x46: {  	_ =	swait.ge [sflag:s19], $0x2800  }
0x47: {  	[sflag:s19] =	ssyncset.done $0x0  }
0x48: {  	[sflag:s19] =	ssyncadd.s32 $0xFFFFD800  }
.Ltmp0:
0x49: {  	_ =	swait.ge [sflag:s24], $0x2800;
	(pc) =	sbr.rel @p1 .LBB2_2-.Ltmp0, $4  }
0x4a: {  	[sflag:s24] =	ssyncset.done $0x0  }
0x4b: {  	s0 =	sadd.s32 $0xF00, s31;
	[sflag:s24] =	ssyncadd.s32 $0xFFFFD800  }
0x4c: {  	[tilespmem:s20], [sflag:$0x2] =	stream.linear.gather [hbm4b:s0+s3], $0x2800, $0x38;
	[tilespmem:$0x1A880] =	vst v63  }
0x4d: {  	s31 =	sadd.s32 $0x80, s30;
	s30 =	sadd.s32 $0x100, s30  }
0x4e: {  	[spmem:s2] =	stream.indirect.scatter.add.f32 [tilespmem:s18], [sflag:$0x3], $0x80, s31, s21, $0xb8;
	[tilespmem:$0x1A880] =	vst v63  }
0x4f: {  	_ =	swait.ge [sflag:s22], $0x2800  }
0x50: {  	[sflag:s22] =	ssyncset.done $0x0  }
0x51: {  	[sflag:s22] =	ssyncadd.s32 $0xFFFFD800  }
0x52: {  	_ =	swait.ge [sflag:s23], $0x2800  }
0x53: {  	[sflag:s23] =	ssyncset.done $0x0  }
0x54: {  	[sflag:s23] =	ssyncadd.s32 $0xFFFFD800  }
0x55: {  	[tilespmem:s18], [sflag:$0x1] =	stream.linear.gather [hbm4b:s9+s3], $0x2800, $0x38;
	[tilespmem:$0x1A880] =	vst v63  }
0x56: {  	_ = 	snop  }
0x57: {  	[spmem:s2] =	stream.indirect.scatter.add.f32 [tilespmem:s20], [sflag:$0x4], $0x80, s25, s21, $0xb8;
	[tilespmem:$0x1A880] =	vst v63  }
0x58: {  	_ =	swait.ge [sflag:s19], $0x2800  }
0x59: {  	[sflag:s19] =	ssyncset.done $0x0  }
0x5a: {  	[sflag:s19] =	ssyncadd.s32 $0xFFFFD800  }
0x5b: {  	_ =	swait.ge [sflag:s24], $0x2800  }
0x5c: {  	[sflag:s24] =	ssyncset.done $0x0  }
0x5d: {  	[sflag:s24] =	ssyncadd.s32 $0xFFFFD800  }
0x5e: {  	[spmem:s2] =	stream.indirect.scatter.add.f32 [tilespmem:s18], [sflag:$0x3], $0x80, s26, s21, $0xb8;
	[tilespmem:$0x1A880] =	vst v63  }
0x5f: {  	_ =	swait.ge [sflag:s23], $0x2800  }
0x60: {  	[sflag:s23] =	ssyncset.done $0x0  }
0x61: {  	[sflag:s23] =	ssyncadd.s32 $0xFFFFD800  }
0x62: {  	[bflag:$0x0] =	sbarrier.arrive $0xFFFF  }
0x63: {  	[hbm:s10], [sflag:s15] =	dma.local [spmem:s16], $0x2700  }
0x64: {  	s28 =	sadd.s32 $0x1, s28;
	_ =	swait.ge [sflag:s14], $0x2700  }
0x65: {  	p1 =	sne.s32 s28, s12;
	[sflag:s14] =	ssyncset.done $0x0  }
.Ltmp1:
0x66: {  	s0 =	simm.s32 @!p0 $0x5;
	[sflag:s14] =	ssyncadd.s32 $0xFFFFD900;
	(pc) =	sbr.rel @p1 .LBB2_1-.Ltmp1, $4  }
0x67: {  	[hbm:s11], [sflag:s15] =	dma.local @!p0 [spmem:s17], $0x100  }
0x68: {  	_ =	swait.ge @!p0 [sflag:s0], $0x100  }
0x69: {  	[sflag:s0] =	ssyncset.done @!p0 $0x0  }
0x6a: {  	[sflag:s0] =	ssyncadd.s32 @!p0 $0xFFFFFF00  }
0x6b: {  	_ =	sfence.sel $0x180000  }
0x6c: {  	[bflag:$0x0] =	sbarrier.arrive $0xFFFF  }
0x6d: {  	_ =	strace $0x90000050  }
0x6e: {  	[bflag:$0x2] =	sbarrier.arrive $0xFFFF  }
0x6f: {  	p0 =	sne.s32 s1, $0x0;
	s0 =	rddreg [dreg:$0x2]  }
0x70: {  	s0 =	sadd.s32 @!p0 $0x100000, s0  }
0x71: {  	[sflag:s0] =	ssyncadd.tile.s32 @!p0 $0x1;
	_ =	shalt  }
.Lfunc_end2:
_tile_overlayer_lowered:
.L_overlay_start_2:
0x72: {  	(tag) =	ssettag $0x2  }
0x73: {  	s0 =	rddreg [dreg:$0x0];
	s2 =	stileid.u32  }
0x74: {  	s1 =	rddreg [dreg:$0x1];
	p0 =	sne.s32 s2, $0x0  }
0x75: {  	s3 =	rddreg [dreg:$0x2];
	[bflag:$0x3] =	sbarrier.arrive $0xFFFF;
	s2 =	simm.s32 @!p0 $0x1C05  }
0x76: {  	[timem:s3], [sflag:s2] =	dma.local @!p0 [hbm:s0], s1  }
0x77: {  	s0 =	simm.s32 @!p0 $0x5  }
0x78: {  	_ =	swait.ge @!p0 [sflag:s0], s1  }
0x79: {  	s1 =	ssub.s32 @!p0 $0x0, s1;
	[sflag:s0] =	ssyncset.done @!p0 $0x0  }
0x7a: {  	[sflag:s0] =	ssyncadd.s32 @!p0 s1  }
0x7b: {  	[bflag:$0x3] =	sbarrier.arrive $0xFFFF  }
0x7c: {  	_ =	shalt  }

</sc_bundles>
